<compile_context>
chip_gen: v7x
topology: tpu7x:2x2x1
jax: 0.10.2.dev20260603
libtpu: 0.0.44.dev20260713+nightly
codegen_flags: <defaults>
</compile_context>

<pallas_src>
import functools
import jax
import jax.numpy as jnp
from jax import lax
from jax.experimental import pallas as pl
from jax.experimental.pallas import tpu as pltpu
from jax.experimental.pallas import tpu_sc as plsc

SDIM, VDIM, EDIM = 64, 16, 16
NLAYERS = 3
CUTOFF = 5.0
NGRAPH = 32
NN = 10000
NE = 320000
NPAD = 10240
CHUNK = 128
NWORK = 32
EPAD = 327680
EPW = EPAD // NWORK
NCH = EPW // CHUNK
NROWS_T = NPAD // 16
EBLK = 2048


def _silu(x):
    return x * (1.0 / (1.0 + jnp.exp(-x)))


BLKN = 2048
NBN = NPAD // BLKN


def _node_pass1(sv, vv, bohT, *, upd=None, degcs=None):
    has_upd = upd is not None
    mlp = has_upd and upd['mlp']
    comp_degcs = has_upd and upd['compute_degcs']

    ins = [sv, vv, bohT]
    specs = [pl.BlockSpec((BLKN, 64), lambda i: (i, 0)),
             pl.BlockSpec((BLKN, 48), lambda i: (i, 0)),
             pl.BlockSpec((NGRAPH, BLKN), lambda i: (0, i))]
    if has_upd:
        ins += [upd['agg'], upd['agg'], upd['We2s'], upd['be2s']]
        specs += [pl.BlockSpec((BLKN, 128), lambda i: (i, 0)),
                  pl.BlockSpec((BLKN, 128), lambda i: (i + NBN, 0)),
                  pl.BlockSpec((64, 64), lambda i: (0, 0)),
                  pl.BlockSpec((1, 64), lambda i: (0, 0))]
        if not comp_degcs:
            ins += [degcs]
            specs += [pl.BlockSpec((BLKN, 8), lambda i: (i, 0))]
        if mlp:
            ins += [upd['Wu03'], upd['Wu13'], upd['Wm1'], upd['bm1'],
                    upd['Wm2'], upd['bm2']]
            specs += [pl.BlockSpec((48, 48), lambda i: (0, 0)),
                      pl.BlockSpec((48, 48), lambda i: (0, 0)),
                      pl.BlockSpec((80, 64), lambda i: (0, 0)),
                      pl.BlockSpec((1, 64), lambda i: (0, 0)),
                      pl.BlockSpec((64, 80), lambda i: (0, 0)),
                      pl.BlockSpec((1, 80), lambda i: (0, 0))]
        else:
            ins += [upd['Ws'], upd['bs']]
            specs += [pl.BlockSpec((64, 64), lambda i: (0, 0)),
                      pl.BlockSpec((1, 64), lambda i: (0, 0))]

    outs = [jax.ShapeDtypeStruct((NPAD, 64), jnp.float32),
            jax.ShapeDtypeStruct((NPAD, 48), jnp.float32),
            jax.ShapeDtypeStruct((NGRAPH, 8), jnp.float32)]
    out_specs = [pl.BlockSpec((BLKN, 64), lambda i: (i, 0)),
                 pl.BlockSpec((BLKN, 48), lambda i: (i, 0)),
                 pl.BlockSpec((NGRAPH, 8), lambda i: (0, 0))]
    if comp_degcs:
        outs += [jax.ShapeDtypeStruct((NPAD, 8), jnp.float32)]
        out_specs += [pl.BlockSpec((BLKN, 8), lambda i: (i, 0))]

    def body(*refs):
        it = iter(refs)
        s_ref, v_ref, bohT_ref = (next(it) for _ in range(3))
        s = s_ref[...]
        v48 = v_ref[...]
        degcs_blk = None
        if has_upd:
            agg0_ref, agg1_ref, We2s_ref, be2s_ref = (next(it) for _ in range(4))
            agg = agg0_ref[...] + agg1_ref[...]
            if comp_degcs:
                deg = jnp.maximum(agg[:, 113:114], 1.0)
                Cs = agg[:, 112:113]
                degcs_blk = jnp.concatenate(
                    [deg, Cs, jnp.zeros((BLKN, 6), jnp.float32)], axis=1)
            else:
                dref = next(it)
                deg = dref[:, 0:1]
                Cs = dref[:, 1:2]
            s_agg = agg[:, :64] @ We2s_ref[...] + Cs * be2s_ref[...]
            v_agg = agg[:, 64:112] / deg
            if mlp:
                Wu03_ref, Wu13_ref, Wm1_ref, bm1_ref, Wm2_ref, bm2_ref = (
                    next(it) for _ in range(6))
                v0 = v_agg @ Wu03_ref[...]
                v1 = v_agg @ Wu13_ref[...]
                v1sq = v1 * v1
                vnorm = jnp.sqrt(v1sq[:, :16] + v1sq[:, 16:32] + v1sq[:, 32:48]
                                 + 1e-8)
                x = jnp.concatenate([s_agg, vnorm], axis=1)
                hh = _silu(x @ Wm1_ref[...] + bm1_ref[...])
                hh = hh @ Wm2_ref[...] + bm2_ref[...]
                s = s + hh[:, :64]
                gate = hh[:, 64:80]
                v48 = v48 + jnp.concatenate([gate, gate, gate], axis=1) * v0
            else:
                Ws_ref, bs_ref = next(it), next(it)
                s = s + s_agg @ Ws_ref[...] + bs_ref[...]
                v48 = v48 + v_agg
        nout = len(ins)
        s_out_ref = refs[nout]
        v_out_ref = refs[nout + 1]
        G_ref = refs[nout + 2]
        s_out_ref[...] = s
        v_out_ref[...] = v48
        u = jnp.sum(s, axis=1, keepdims=True)
        q = jnp.sum(s * s, axis=1, keepdims=True)
        vns = jnp.sum(v48 * v48, axis=1, keepdims=True)
        ones = jnp.ones_like(u)
        R8 = jnp.concatenate([u, q, vns, ones,
                              jnp.zeros((BLKN, 4), jnp.float32)], axis=1)
        Gpar = bohT_ref[...] @ R8
        i = pl.program_id(0)

        @pl.when(i == 0)
        def _():
            G_ref[...] = jnp.zeros((NGRAPH, 8), jnp.float32)

        G_ref[...] += Gpar
        if comp_degcs:
            refs[nout + 3][...] = degcs_blk

    return pl.pallas_call(body, grid=(NBN,), in_specs=specs,
                          out_specs=out_specs, out_shape=outs)(*ins)


def _node_pass2(su, vu, boh, Gacc, lnw, lnb, *, pre):
    has_pre = pre is not None
    has_vt = has_pre and pre['Wv3'] is not None
    ins = [su, vu, boh, Gacc, lnw, lnb]
    specs = [pl.BlockSpec((BLKN, 64), lambda i: (i, 0)),
             pl.BlockSpec((BLKN, 48), lambda i: (i, 0)),
             pl.BlockSpec((BLKN, NGRAPH), lambda i: (i, 0)),
             pl.BlockSpec((NGRAPH, 8), lambda i: (0, 0)),
             pl.BlockSpec((1, 64), lambda i: (0, 0)),
             pl.BlockSpec((1, 64), lambda i: (0, 0))]
    outs = [jax.ShapeDtypeStruct((NPAD, 64), jnp.float32),
            jax.ShapeDtypeStruct((NPAD, 48), jnp.float32)]
    out_specs = [pl.BlockSpec((BLKN, 64), lambda i: (i, 0)),
                 pl.BlockSpec((BLKN, 48), lambda i: (i, 0))]
    if has_pre:
        ins += [pre['We1a'], pre['We1b']]
        specs += [pl.BlockSpec((64, 64), lambda i: (0, 0)),
                  pl.BlockSpec((64, 64), lambda i: (0, 0))]
        if has_vt:
            ins += [pre['Wv3']]
            specs += [pl.BlockSpec((48, 48), lambda i: (0, 0))]
        outs += [jax.ShapeDtypeStruct((NPAD, 128), jnp.float32),
                 jax.ShapeDtypeStruct((NPAD, 128), jnp.float32)]
        out_specs += [pl.BlockSpec((BLKN, 128), lambda i: (i, 0)),
                      pl.BlockSpec((BLKN, 128), lambda i: (i, 0))]

    def body(*refs):
        it = iter(refs)
        s_ref, v_ref, boh_ref, G_ref, lnw_ref, lnb_ref = (
            next(it) for _ in range(6))
        G = G_ref[...]
        cnt = jnp.maximum(G[:, 3:4], 1.0)
        m = G[:, 0:1] / (64.0 * cnt)
        var = G[:, 1:2] / (64.0 * cnt) - m * m
        rs = lax.rsqrt(var + 1e-6)
        rv = lax.rsqrt(G[:, 2:3] / (16.0 * cnt) + 1e-6)
        stats = jnp.concatenate(
            [m, rs, rv, jnp.zeros((NGRAPH, 5), jnp.float32)], axis=1)
        S = boh_ref[...] @ stats
        sc = (s_ref[...] - S[:, 0:1]) * S[:, 1:2] * lnw_ref[...] + lnb_ref[...]
        vc = v_ref[...] * S[:, 2:3]
        out_it = iter(refs[len(ins):])
        next(out_it)[...] = sc
        next(out_it)[...] = vc
        if has_pre:
            We1a_ref = next(it)
            We1b_ref = next(it)
            zpad = jnp.zeros((BLKN, 64), jnp.float32)
            next(out_it)[...] = jnp.concatenate([sc @ We1a_ref[...], zpad],
                                                axis=1)
            Bm = sc @ We1b_ref[...]
            if has_vt:
                Wv3_ref = next(it)
                next(out_it)[...] = jnp.concatenate(
                    [Bm, vc @ Wv3_ref[...], zpad[:, :16]], axis=1)
            else:
                next(out_it)[...] = jnp.concatenate([Bm, zpad], axis=1)

    return pl.pallas_call(body, grid=(NBN,), in_specs=specs,
                          out_specs=out_specs, out_shape=outs)(*ins)


def _edge_call(G1, G2, e_pad, aux, We1e, wd, wa, be1, We2g, be2g, *, first):
    grid = (EPAD // EBLK,)

    def body(g1_ref, g2_ref, e_ref, aux_ref, we1e_ref, wd_ref, wa_ref,
             be1_ref, we2g_ref, be2g_ref, out_ref):
        dcol = aux_ref[:, 0:1]
        acol = aux_ref[:, 1:2]
        C = 0.5 * (jnp.cos(jnp.pi / CUTOFF * dcol) + 1.0)
        C = C * (dcol < CUTOFF).astype(jnp.float32)
        pre = (g1_ref[:, :64] + g2_ref[:, :64] + e_ref[...] @ we1e_ref[...]
               + dcol * wd_ref[...] + acol * wa_ref[...] + be1_ref[...])
        h = _silu(pre)
        g01 = h @ we2g_ref[...] + be2g_ref[...]
        g0 = g01[:, :16]
        g1v = g01[:, 16:32]
        rterm = jnp.concatenate([g1v * aux_ref[:, 2:3], g1v * aux_ref[:, 3:4],
                                 g1v * aux_ref[:, 4:5]], axis=1)
        if first:
            mv = rterm * C
            val = aux_ref[:, 5:6]
            out_ref[...] = jnp.concatenate(
                [C * h, mv, C * val, val, jnp.zeros((EBLK, 14), jnp.float32)],
                axis=1)
        else:
            vj = g2_ref[:, 64:112]
            mv = (jnp.concatenate([g0, g0, g0], axis=1) * vj + rterm) * C
            out_ref[...] = jnp.concatenate(
                [C * h, mv, jnp.zeros((EBLK, 16), jnp.float32)], axis=1)

    return pl.pallas_call(
        body,
        grid=grid,
        in_specs=[
            pl.BlockSpec((EBLK, 128), lambda i: (i, 0)),
            pl.BlockSpec((EBLK, 128), lambda i: (i, 0)),
            pl.BlockSpec((EBLK, EDIM), lambda i: (i, 0)),
            pl.BlockSpec((EBLK, 8), lambda i: (i, 0)),
            pl.BlockSpec((EDIM, 64), lambda i: (0, 0)),
            pl.BlockSpec((1, 64), lambda i: (0, 0)),
            pl.BlockSpec((1, 64), lambda i: (0, 0)),
            pl.BlockSpec((1, 64), lambda i: (0, 0)),
            pl.BlockSpec((64, 32), lambda i: (0, 0)),
            pl.BlockSpec((1, 32), lambda i: (0, 0)),
        ],
        out_specs=pl.BlockSpec((EBLK, 128), lambda i: (i, 0)),
        out_shape=jax.ShapeDtypeStruct((EPAD, 128), jnp.float32),
    )(G1, G2, e_pad, aux, We1e, wd, wa, be1, We2g, be2g)


KG = 4
NITG = NCH // KG


def _gather_one(table, idx):
    mesh = plsc.VectorSubcoreMesh(core_axis_name="c", subcore_axis_name="s")

    @functools.partial(
        pl.kernel, mesh=mesh,
        out_type=jax.ShapeDtypeStruct((EPAD, 128), jnp.float32),
        scratch_types=[pltpu.VMEM((EPW,), jnp.int32)]
        + [pltpu.VMEM((CHUNK, 128), jnp.float32) for _ in range(KG)]
        + [pltpu.SemaphoreType.DMA for _ in range(KG)]
        + [pltpu.SemaphoreType.DMA],
    )
    def gk(tab, di, out, idx_all, *rest):
        bufs = rest[:KG]
        sems = rest[KG:2 * KG]
        wsem = rest[2 * KG]
        wid = lax.axis_index("c") * 16 + lax.axis_index("s")
        base = wid * EPW
        pltpu.sync_copy(di.at[pl.ds(base, EPW)], idx_all)

        def step(g, carry):
            cps = [pltpu.async_copy(
                tab.at[idx_all.at[pl.ds((g * KG + k) * CHUNK, CHUNK)]],
                bufs[k], sems[k]) for k in range(KG)]
            for cp in cps:
                cp.wait()
            wr = [pltpu.async_copy(
                bufs[k], out.at[pl.ds(base + (g * KG + k) * CHUNK, CHUNK)],
                wsem) for k in range(KG)]
            for cp in wr:
                cp.wait()
            return carry

        lax.fori_loop(0, NITG, step, 0)

    return gk(table, idx)


def _gather_call(Tdst, Tsrc, dsti, srci):
    mesh = plsc.VectorSubcoreMesh(core_axis_name="c", subcore_axis_name="s")

    @functools.partial(
        pl.kernel, mesh=mesh,
        out_type=[jax.ShapeDtypeStruct((EPAD, 128), jnp.float32),
                  jax.ShapeDtypeStruct((EPAD, 128), jnp.float32)],
        scratch_types=[pltpu.VMEM((EPW,), jnp.int32),
                       pltpu.VMEM((EPW,), jnp.int32)]
        + [pltpu.VMEM((CHUNK, 128), jnp.float32) for _ in range(4)]
        + [pltpu.SemaphoreType.DMA for _ in range(4)]
        + [pltpu.SemaphoreType.DMA],
    )
    def gk(td, ts, di, si, out1, out2, idxd, idxs, *rest):
        bufs = rest[:4]
        sems = rest[4:8]
        wsem = rest[8]
        wid = lax.axis_index("c") * 16 + lax.axis_index("s")
        base = wid * EPW
        pltpu.sync_copy(di.at[pl.ds(base, EPW)], idxd)
        pltpu.sync_copy(si.at[pl.ds(base, EPW)], idxs)

        def step(g, carry):
            o0 = 2 * g * CHUNK
            o1 = (2 * g + 1) * CHUNK
            cps = [
                pltpu.async_copy(td.at[idxd.at[pl.ds(o0, CHUNK)]], bufs[0],
                                 sems[0]),
                pltpu.async_copy(td.at[idxd.at[pl.ds(o1, CHUNK)]], bufs[1],
                                 sems[1]),
                pltpu.async_copy(ts.at[idxs.at[pl.ds(o0, CHUNK)]], bufs[2],
                                 sems[2]),
                pltpu.async_copy(ts.at[idxs.at[pl.ds(o1, CHUNK)]], bufs[3],
                                 sems[3]),
            ]
            for cp in cps:
                cp.wait()
            wr = [
                pltpu.async_copy(bufs[0], out1.at[pl.ds(base + o0, CHUNK)],
                                 wsem),
                pltpu.async_copy(bufs[1], out1.at[pl.ds(base + o1, CHUNK)],
                                 wsem),
                pltpu.async_copy(bufs[2], out2.at[pl.ds(base + o0, CHUNK)],
                                 wsem),
                pltpu.async_copy(bufs[3], out2.at[pl.ds(base + o1, CHUNK)],
                                 wsem),
            ]
            for cp in wr:
                cp.wait()
            return carry

        lax.fori_loop(0, NCH // 2, step, 0)

    return gk(Tdst, Tsrc, dsti, srci)


def _scatter_call(P, dsti, zrows):
    w = P.shape[1]
    mesh = plsc.VectorSubcoreMesh(core_axis_name="c", subcore_axis_name="s")

    @functools.partial(
        pl.kernel, mesh=mesh,
        out_type=jax.ShapeDtypeStruct((2 * NPAD, w), jnp.float32),
        scratch_types=[pltpu.VMEM((CHUNK,), jnp.int32),
                       pltpu.VMEM((CHUNK, w), jnp.float32),
                       pltpu.VMEM_SHARED((NPAD, w), jnp.float32)],
    )
    def sk(pay, di, zr, out, idxv, payv, acc):
        cid = lax.axis_index("c")
        sid = lax.axis_index("s")
        base = (cid * 16 + sid) * EPW
        rbase = sid * NROWS_T
        pltpu.sync_copy(zr.at[pl.ds(rbase, NROWS_T)],
                        acc.at[pl.ds(rbase, NROWS_T)])
        plsc.subcore_barrier()

        def step(i, carry):
            off = base + i * CHUNK
            pltpu.sync_copy(di.at[pl.ds(off, CHUNK)], idxv)
            pltpu.sync_copy(pay.at[pl.ds(off, CHUNK)], payv)
            pltpu.sync_copy(payv, acc.at[idxv], add=True)
            return carry

        lax.fori_loop(0, NCH, step, 0)
        plsc.subcore_barrier()
        pltpu.sync_copy(acc.at[pl.ds(rbase, NROWS_T)],
                        out.at[pl.ds(cid * NPAD + rbase, NROWS_T)])

    return sk(P, dsti, zrows)


def kernel(s, v, p, d, a, r, e, params, edge_index, batch):
    npad = NPAD - NN
    sv = jnp.concatenate([s, jnp.zeros((npad, SDIM), jnp.float32)])
    vv = jnp.concatenate([v.reshape(NN, 48), jnp.zeros((npad, 48), jnp.float32)])
    batch_pad = jnp.concatenate([batch, jnp.full((npad,), -1, batch.dtype)])
    boh = (batch_pad[:, None] == jnp.arange(NGRAPH, dtype=batch.dtype)[None, :]
           ).astype(jnp.float32)
    bohT = boh.T
    src, dst = edge_index[0], edge_index[1]
    padn = EPAD - NE
    dsti = jnp.concatenate([dst, jnp.zeros((padn,), jnp.int32)])
    srci = jnp.concatenate([src, jnp.zeros((padn,), jnp.int32)])
    e_pad = jnp.concatenate([e, jnp.zeros((padn, EDIM), jnp.float32)])
    aux = jnp.stack([d, a, r[:, 0], r[:, 1], r[:, 2], jnp.ones_like(d),
                     jnp.zeros_like(d), jnp.zeros_like(d)], axis=1)
    aux_pad = jnp.zeros((padn, 8), jnp.float32).at[:, 0].set(2.0 * CUTOFF)
    aux = jnp.concatenate([aux, aux_pad])
    z128 = jnp.zeros((NPAD, 128), jnp.float32)
    eye3 = jnp.eye(3, dtype=jnp.float32)

    def row(x):
        return x.reshape(1, -1)

    sc, vc = sv, vv
    degcs = None
    upd = None
    for l in range(NLAYERS):
        We1 = params['We1_%d' % l]
        pre = {
            'We1a': We1[:SDIM],
            'We1b': We1[SDIM:2 * SDIM],
            'Wv3': (jnp.kron(eye3, params['Wv_%d' % l]) if l > 0 else None),
        }
        outs = _node_pass1(sc, vc, bohT, upd=upd, degcs=degcs)
        if upd is not None and upd['compute_degcs']:
            su, vu, Gacc, degcs = outs
        else:
            su, vu, Gacc = outs
        sc, vc, A, Tsrc = _node_pass2(su, vu, boh, Gacc,
                                      row(params['ln_w_%d' % l]),
                                      row(params['ln_b_%d' % l]), pre=pre)
        G1, G2 = _gather_call(A, Tsrc, dsti, srci)
        P = _edge_call(G1, G2, e_pad, aux,
                       We1[2 * SDIM:2 * SDIM + EDIM],
                       row(We1[2 * SDIM + EDIM]),
                       row(We1[2 * SDIM + EDIM + 1]),
                       row(params['be1_%d' % l]),
                       params['We2_%d' % l][:, SDIM:],
                       row(params['be2_%d' % l][SDIM:]),
                       first=(l == 0))
        agg = _scatter_call(P, dsti, z128)
        upd = {
            'agg': agg,
            'We2s': params['We2_%d' % l][:, :SDIM],
            'be2s': row(params['be2_%d' % l][:SDIM]),
            'mlp': l < NLAYERS - 1,
            'compute_degcs': l == 0,
        }
        if upd['mlp']:
            upd['Wu03'] = jnp.kron(eye3, params['Wu0_%d' % l])
            upd['Wu13'] = jnp.kron(eye3, params['Wu1_%d' % l])
            upd['Wm1'] = params['Wm1_%d' % l]
            upd['bm1'] = row(params['bm1_%d' % l])
            upd['Wm2'] = params['Wm2_%d' % l]
            upd['bm2'] = row(params['bm2_%d' % l])
        else:
            upd['Ws'] = params['Ws_%d' % l]
            upd['bs'] = row(params['bs_%d' % l])
    su, vu, Gacc = _node_pass1(sc, vc, bohT, upd=upd, degcs=degcs)
    s_out, v_out = _node_pass2(su, vu, boh, Gacc, row(params['ln_w_out']),
                               row(params['ln_b_out']), pre=None)
    return s_out[:NN], v_out[:NN].reshape(NN, 3, VDIM)

# --- scband reference (transcript-rebuilt; emitter-appended) ---
"""Pipeline reference for scband-eqgatlocal-gnn-55783035240748 (READ-ONLY COPY).

The authoritative reference and input builder live on the scoring server;
editing this copy changes nothing except your own understanding.
"""

import jax, jax.numpy as jnp
import numpy as np

SDIM, VDIM, EDIM = 64, 16, 16
NUM_LAYERS = 3
CUTOFF = 5.0
NUM_GRAPHS = 32
N_NODES, N_EDGES = 10000, 320000


def silu(x):
    return x * jax.nn.sigmoid(x)


def layer_norm_graph(s, v, batch, w, b, eps=1e-6):
    cnt = jax.ops.segment_sum(jnp.ones((s.shape[0],), s.dtype), batch, num_segments=NUM_GRAPHS)
    cnt = jnp.maximum(cnt, 1.0)
    smean = jax.ops.segment_sum(s, batch, num_segments=NUM_GRAPHS) / cnt[:, None]
    smean = smean.mean(-1, keepdims=True)
    sc = s - smean[batch]
    var = jax.ops.segment_sum((sc * sc).mean(-1), batch, num_segments=NUM_GRAPHS) / cnt
    sc = sc / jnp.sqrt(var + eps)[batch][:, None]
    sc = sc * w + b
    vn = (v * v).sum(axis=1).mean(-1)
    vmean = jax.ops.segment_sum(vn, batch, num_segments=NUM_GRAPHS) / cnt
    vc = v / jnp.sqrt(vmean + eps)[batch][:, None, None]
    return sc, vc


def conv(l, s, v, p, edge_index, d, a, r, e, params, has_v_in, use_mlp_update):
    src, dst = edge_index[0], edge_index[1]
    C = 0.5 * (jnp.cos(jnp.pi * d / CUTOFF) + 1.0) * (d < CUTOFF).astype(d.dtype)
    feat = jnp.concatenate([s[dst], s[src], e, d[:, None], a[:, None]], axis=-1)
    h = silu(feat @ params['We1_%d' % l] + params['be1_%d' % l])
    h = h @ params['We2_%d' % l] + params['be2_%d' % l]
    ms = h[:, :SDIM] * C[:, None]
    g0 = h[:, SDIM:SDIM + VDIM]
    g1 = h[:, SDIM + VDIM:]
    N = s.shape[0]
    s_agg = jax.ops.segment_sum(ms, dst, num_segments=N)
    if has_v_in:
        vj = jnp.einsum('ecv,vw->ecw', v[src], params['Wv_%d' % l])
        mv = g0[:, None, :] * vj + g1[:, None, :] * r[:, :, None]
    else:
        mv = g1[:, None, :] * r[:, :, None]
    mv = mv * C[:, None, None]
    v_sum = jax.ops.segment_sum(mv, dst, num_segments=N)
    deg = jnp.maximum(jax.ops.segment_sum(jnp.ones_like(d), dst, num_segments=N), 1.0)
    v_agg = v_sum / deg[:, None, None]
    if use_mlp_update:
        v0 = jnp.einsum('ncv,vw->ncw', v_agg, params['Wu0_%d' % l])
        v1 = jnp.einsum('ncv,vw->ncw', v_agg, params['Wu1_%d' % l])
        vnorm = jnp.sqrt((v1 * v1).sum(axis=1) + 1e-8)
        x = jnp.concatenate([s_agg, vnorm], axis=-1)
        hh = silu(x @ params['Wm1_%d' % l] + params['bm1_%d' % l])
        hh = hh @ params['Wm2_%d' % l] + params['bm2_%d' % l]
        s = s + hh[:, :SDIM]
        v = v + hh[:, SDIM:][:, None, :] * v0
    else:
        s = s + s_agg @ params['Ws_%d' % l] + params['bs_%d' % l]
        v = v + v_agg
    return s, v, p


def forward(s, v, p, d, a, r, e, params, edge_index, batch):
    for l in range(NUM_LAYERS):
        s, v = layer_norm_graph(s, v, batch, params['ln_w_%d' % l], params['ln_b_%d' % l])
        s, v, p = conv(l, s, v, p, edge_index, d, a, r, e, params, l > 0, l < NUM_LAYERS - 1)
    s, v = layer_norm_graph(s, v, batch, params['ln_w_out'], params['ln_b_out'])
    return s, v


def _make_params(key):
    params = {}

    def lin(k, fin, fout):
        return jax.random.normal(k, (fin, fout), jnp.float32) / np.sqrt(fin)

    ks = iter(jax.random.split(key, NUM_LAYERS * 10 + 2))
    fin_edge = 2 * SDIM + EDIM + 2
    for l in range(NUM_LAYERS):
        params['We1_%d' % l] = lin(next(ks), fin_edge, SDIM)
        params['be1_%d' % l] = jnp.zeros((SDIM,), jnp.float32)
        params['We2_%d' % l] = lin(next(ks), SDIM, SDIM + 2 * VDIM)
        params['be2_%d' % l] = jnp.zeros((SDIM + 2 * VDIM,), jnp.float32)
        if l > 0:
            params['Wv_%d' % l] = lin(next(ks), VDIM, VDIM)
        if l < NUM_LAYERS - 1:
            params['Wu0_%d' % l] = lin(next(ks), VDIM, VDIM)
            params['Wu1_%d' % l] = lin(next(ks), VDIM, VDIM)
            params['Wm1_%d' % l] = lin(next(ks), SDIM + VDIM, SDIM)
            params['bm1_%d' % l] = jnp.zeros((SDIM,), jnp.float32)
            params['Wm2_%d' % l] = lin(next(ks), SDIM, SDIM + VDIM)
            params['bm2_%d' % l] = jnp.zeros((SDIM + VDIM,), jnp.float32)
        else:
            params['Ws_%d' % l] = lin(next(ks), SDIM, SDIM)
            params['bs_%d' % l] = jnp.zeros((SDIM,), jnp.float32)
        params['ln_w_%d' % l] = jnp.ones((SDIM,), jnp.float32)
        params['ln_b_%d' % l] = jnp.zeros((SDIM,), jnp.float32)
    params['ln_w_out'] = jnp.ones((SDIM,), jnp.float32)
    params['ln_b_out'] = jnp.zeros((SDIM,), jnp.float32)
    return params


def setup_inputs(seed: int = 0):
    key = jax.random.key(seed)
    k = jax.random.split(key, 12)
    s = jax.random.normal(k[0], (N_NODES, SDIM), jnp.float32)
    v = jax.random.normal(k[1], (N_NODES, 3, VDIM), jnp.float32)
    p = jax.random.normal(k[2], (N_NODES, 3), jnp.float32)
    edge_index = jax.random.randint(k[3], (2, N_EDGES), 0, N_NODES, jnp.int32)
    d = jax.random.uniform(k[4], (N_EDGES,), jnp.float32) * CUTOFF
    a = jax.random.uniform(k[5], (N_EDGES,), jnp.float32)
    r = jax.random.normal(k[6], (N_EDGES, 3), jnp.float32)
    r = r / jnp.linalg.norm(r, axis=-1, keepdims=True)
    e = jax.random.normal(k[7], (N_EDGES, EDIM), jnp.float32)
    batch = jnp.sort(jax.random.randint(k[8], (N_NODES,), 0, NUM_GRAPHS, jnp.int32))
    params = _make_params(k[9])
    return {'s': s, 'v': v, 'p': p, 'd': d, 'a': a, 'r': r, 'e': e, 'params': params, 'edge_index': edge_index, 'batch': batch}


def reference(s, v, p, d, a, r, e, params, edge_index, batch):
    return forward(s, v, p, d, a, r, e, params, edge_index, batch)

if __name__ == "__main__":
    import jax
    _d = setup_inputs()
    print(jax.jit(kernel)(*tuple(_d.values())))

</pallas_src>

<mosaic_0001>
#map = affine_map<(d0, d1) -> (0, 0)>
#map1 = affine_map<(d0, d1) -> (0)>
module attributes {stable_mosaic.version = 14 : i64} {
  func.func @sk(%arg0: i32, %arg1: i32, %arg2: memref<327680x128xf32, #tpu.memory_space<hbm>>, %arg3: memref<327680xi32, #tpu.memory_space<hbm>>, %arg4: memref<10240x128xf32, #tpu.memory_space<hbm>>, %arg5: memref<20480x128xf32, #tpu.memory_space<hbm>>, %arg6: memref<128xi32, #tpu.memory_space<vmem>>, %arg7: memref<128x128xf32, #tpu.memory_space<vmem>>, %arg8: memref<10240x128xf32, #tpu.memory_space<vmem_shared>>) attributes {dimension_semantics = [#tpu.dimension_semantics<core_parallel>, #tpu.dimension_semantics<subcore_parallel>], iteration_bounds = array<i64: 2, 16>, scalar_prefetch = 0 : i64, scratch_operands = 3 : i64, tpu.core_type = #tpu.core_type<sc_vector_subcore>, window_params = [{transform_indices = #map}, {transform_indices = #map1}, {transform_indices = #map}, {transform_indices = #map}]} {
    %mul3A = arith.constant 16 : i32
    %mul3A_0 = arith.muli %arg0, %mul3A : i32
    %add3A = arith.addi %mul3A_0, %arg1 : i32
    %mul3A_1 = arith.constant 10240 : i32
    %mul3A_2 = arith.muli %add3A, %mul3A_1 : i32
    %mul3A_3 = arith.constant 640 : i32
    %mul3A_4 = arith.muli %arg1, %mul3A_3 : i32
    "tpu.region"() ({
      %run_scoped3A = tpu.sem_alloc : memref<!tpu.dma_semaphore, #tpu.memory_space<semaphore_mem>>
      %dma_start3A = arith.constant 0 : i32
      %dma_start3A_14 = tpu.memref_slice %arg8[%mul3A_4, %dma_start3A] : memref<10240x128xf32, #tpu.memory_space<vmem_shared>> -> memref<640x128xf32, #tpu.memory_space<vmem_shared>>
      %dma_start3A_15 = arith.constant 0 : i32
      %dma_start3A_16 = tpu.memref_slice %arg4[%mul3A_4, %dma_start3A_15] : memref<10240x128xf32, #tpu.memory_space<hbm>> -> memref<640x128xf32, #tpu.memory_space<hbm>>
      tpu.enqueue_dma source(%dma_start3A_16 : memref<640x128xf32, #tpu.memory_space<hbm>>) target(%dma_start3A_14 : memref<640x128xf32, #tpu.memory_space<vmem_shared>>) target_semaphore(%run_scoped3A : memref<!tpu.dma_semaphore, #tpu.memory_space<semaphore_mem>>)
      %dma_wait3A = arith.constant 0 : i32
      %dma_wait3A_17 = tpu.memref_slice %arg8[%mul3A_4, %dma_wait3A] : memref<10240x128xf32, #tpu.memory_space<vmem_shared>> -> memref<640x128xf32, #tpu.memory_space<vmem_shared>>
      %dma_wait3A_18 = arith.constant 0 : i32
      %dma_wait3A_19 = tpu.memref_slice %arg4[%mul3A_4, %dma_wait3A_18] : memref<10240x128xf32, #tpu.memory_space<hbm>> -> memref<640x128xf32, #tpu.memory_space<hbm>>
      tpu.wait_dma2 semaphore(%run_scoped3A : memref<!tpu.dma_semaphore, #tpu.memory_space<semaphore_mem>>) src(%dma_wait3A_19 : memref<640x128xf32, #tpu.memory_space<hbm>>) dst(%dma_wait3A_17 : memref<640x128xf32, #tpu.memory_space<vmem_shared>>)
      tpu.yield
    }) : () -> ()
    %barrier3A = arith.constant 0 : index
    tpu.barrier barrier_id(%barrier3A)
    %scan3A = arith.constant 0 : i32
    %scan3A_5 = arith.constant 0 : i32
    %scan3A_6 = arith.constant 80 : i32
    %scan3A_7 = arith.addi %scan3A_5, %scan3A_6 : i32
    %scan3A_8 = arith.constant 1 : i32
    scf.for %scan3A_14 = %scan3A_5 to %scan3A_7 step %scan3A_8  : i32 {
      %mul3A_15 = arith.constant 128 : i32
      %mul3A_16 = arith.muli %scan3A_14, %mul3A_15 : i32
      %add3A_17 = arith.addi %mul3A_2, %mul3A_16 : i32
      "tpu.region"() ({
        %run_scoped3A = tpu.sem_alloc : memref<!tpu.dma_semaphore, #tpu.memory_space<semaphore_mem>>
        %dma_start3A = tpu.memref_slice %arg3[%add3A_17] : memref<327680xi32, #tpu.memory_space<hbm>> -> memref<128xi32, #tpu.memory_space<hbm>>
        %dma_start3A_18 = tpu.memref_slice %arg3[%add3A_17] : memref<327680xi32, #tpu.memory_space<hbm>> -> memref<128xi32, #tpu.memory_space<hbm>>
        tpu.enqueue_dma source(%dma_start3A_18 : memref<128xi32, #tpu.memory_space<hbm>>) target(%arg6 : memref<128xi32, #tpu.memory_space<vmem>>) target_semaphore(%run_scoped3A : memref<!tpu.dma_semaphore, #tpu.memory_space<semaphore_mem>>)
        %dma_wait3A = tpu.memref_slice %arg3[%add3A_17] : memref<327680xi32, #tpu.memory_space<hbm>> -> memref<128xi32, #tpu.memory_space<hbm>>
        %dma_wait3A_19 = tpu.memref_slice %arg3[%add3A_17] : memref<327680xi32, #tpu.memory_space<hbm>> -> memref<128xi32, #tpu.memory_space<hbm>>
        tpu.wait_dma2 semaphore(%run_scoped3A : memref<!tpu.dma_semaphore, #tpu.memory_space<semaphore_mem>>) src(%dma_wait3A_19 : memref<128xi32, #tpu.memory_space<hbm>>) dst(%arg6 : memref<128xi32, #tpu.memory_space<vmem>>)
        tpu.yield
      }) : () -> ()
      "tpu.region"() ({
        %run_scoped3A = tpu.sem_alloc : memref<!tpu.dma_semaphore, #tpu.memory_space<semaphore_mem>>
        %dma_start3A = arith.constant 0 : i32
        %dma_start3A_18 = tpu.memref_slice %arg2[%add3A_17, %dma_start3A] : memref<327680x128xf32, #tpu.memory_space<hbm>> -> memref<128x128xf32, #tpu.memory_space<hbm>>
        %dma_start3A_19 = arith.constant 0 : i32
        %dma_start3A_20 = tpu.memref_slice %arg2[%add3A_17, %dma_start3A_19] : memref<327680x128xf32, #tpu.memory_space<hbm>> -> memref<128x128xf32, #tpu.memory_space<hbm>>
        tpu.enqueue_dma source(%dma_start3A_20 : memref<128x128xf32, #tpu.memory_space<hbm>>) target(%arg7 : memref<128x128xf32, #tpu.memory_space<vmem>>) target_semaphore(%run_scoped3A : memref<!tpu.dma_semaphore, #tpu.memory_space<semaphore_mem>>)
        %dma_wait3A = arith.constant 0 : i32
        %dma_wait3A_21 = tpu.memref_slice %arg2[%add3A_17, %dma_wait3A] : memref<327680x128xf32, #tpu.memory_space<hbm>> -> memref<128x128xf32, #tpu.memory_space<hbm>>
        %dma_wait3A_22 = arith.constant 0 : i32
        %dma_wait3A_23 = tpu.memref_slice %arg2[%add3A_17, %dma_wait3A_22] : memref<327680x128xf32, #tpu.memory_space<hbm>> -> memref<128x128xf32, #tpu.memory_space<hbm>>
        tpu.wait_dma2 semaphore(%run_scoped3A : memref<!tpu.dma_semaphore, #tpu.memory_space<semaphore_mem>>) src(%dma_wait3A_23 : memref<128x128xf32, #tpu.memory_space<hbm>>) dst(%arg7 : memref<128x128xf32, #tpu.memory_space<vmem>>)
        tpu.yield
      }) : () -> ()
      "tpu.region"() ({
        %run_scoped3A = tpu.sem_alloc : memref<!tpu.dma_semaphore, #tpu.memory_space<semaphore_mem>>
        %dma_start3A = arith.constant 0 : i32
        %dma_start3A_18 = arith.constant 0 : i32
        %dma_start3A_19 = tpu.memref_slice %arg8[%dma_start3A, %dma_start3A_18] : memref<10240x128xf32, #tpu.memory_space<vmem_shared>> -> memref<10240x128xf32, #tpu.memory_space<vmem_shared>>
        tpu.enqueue_indirect_dma source(%arg7 : memref<128x128xf32, #tpu.memory_space<vmem>>) target(%dma_start3A_19 : memref<10240x128xf32, #tpu.memory_space<vmem_shared>>) offsets(%arg6 : memref<128xi32, #tpu.memory_space<vmem>>) semaphore(%run_scoped3A : memref<!tpu.dma_semaphore, #tpu.memory_space<semaphore_mem>>) {add = true}
        %dma_wait3A = arith.constant 0 : i32
        %dma_wait3A_20 = arith.constant 0 : i32
        %dma_wait3A_21 = tpu.memref_slice %arg8[%dma_wait3A, %dma_wait3A_20] : memref<10240x128xf32, #tpu.memory_space<vmem_shared>> -> memref<10240x128xf32, #tpu.memory_space<vmem_shared>>
        tpu.wait_indirect_dma semaphore(%run_scoped3A : memref<!tpu.dma_semaphore, #tpu.memory_space<semaphore_mem>>) src(%arg7 : memref<128x128xf32, #tpu.memory_space<vmem>>) dst(%dma_wait3A_21 : memref<10240x128xf32, #tpu.memory_space<vmem_shared>>)
        tpu.yield
      }) : () -> ()
    }
    %scan3A_9 = arith.constant 80 : i32
    %barrier3A_10 = arith.constant 0 : index
    tpu.barrier barrier_id(%barrier3A_10)
    %mul3A_11 = arith.constant 10240 : i32
    %mul3A_12 = arith.muli %arg0, %mul3A_11 : i32
    %add3A_13 = arith.addi %mul3A_12, %mul3A_4 : i32
    "tpu.region"() ({
      %run_scoped3A = tpu.sem_alloc : memref<!tpu.dma_semaphore, #tpu.memory_space<semaphore_mem>>
      %dma_start3A = arith.constant 0 : i32
      %dma_start3A_14 = tpu.memref_slice %arg5[%add3A_13, %dma_start3A] : memref<20480x128xf32, #tpu.memory_space<hbm>> -> memref<640x128xf32, #tpu.memory_space<hbm>>
      %dma_start3A_15 = arith.constant 0 : i32
      %dma_start3A_16 = tpu.memref_slice %arg8[%mul3A_4, %dma_start3A_15] : memref<10240x128xf32, #tpu.memory_space<vmem_shared>> -> memref<640x128xf32, #tpu.memory_space<vmem_shared>>
      tpu.enqueue_dma source(%dma_start3A_16 : memref<640x128xf32, #tpu.memory_space<vmem_shared>>) target(%dma_start3A_14 : memref<640x128xf32, #tpu.memory_space<hbm>>) target_semaphore(%run_scoped3A : memref<!tpu.dma_semaphore, #tpu.memory_space<semaphore_mem>>)
      %dma_wait3A = arith.constant 0 : i32
      %dma_wait3A_17 = tpu.memref_slice %arg5[%add3A_13, %dma_wait3A] : memref<20480x128xf32, #tpu.memory_space<hbm>> -> memref<640x128xf32, #tpu.memory_space<hbm>>
      %dma_wait3A_18 = arith.constant 0 : i32
      %dma_wait3A_19 = tpu.memref_slice %arg8[%mul3A_4, %dma_wait3A_18] : memref<10240x128xf32, #tpu.memory_space<vmem_shared>> -> memref<640x128xf32, #tpu.memory_space<vmem_shared>>
      tpu.wait_dma2 semaphore(%run_scoped3A : memref<!tpu.dma_semaphore, #tpu.memory_space<semaphore_mem>>) src(%dma_wait3A_19 : memref<640x128xf32, #tpu.memory_space<vmem_shared>>) dst(%dma_wait3A_17 : memref<640x128xf32, #tpu.memory_space<hbm>>)
      tpu.yield
    }) : () -> ()
    return
  }
}

#map = affine_map<(d0, d1) -> (0, 0)>
#map1 = affine_map<(d0, d1) -> (0)>
module attributes {stable_mosaic.version = 14 : i64} {
  func.func @sk(%arg0: i32, %arg1: i32, %arg2: memref<327680x128xf32, #tpu.memory_space<hbm>>, %arg3: memref<327680xi32, #tpu.memory_space<hbm>>, %arg4: memref<10240x128xf32, #tpu.memory_space<hbm>>, %arg5: memref<20480x128xf32, #tpu.memory_space<hbm>>, %arg6: memref<128xi32, #tpu.memory_space<vmem>>, %arg7: memref<128x128xf32, #tpu.memory_space<vmem>>, %arg8: memref<10240x128xf32, #tpu.memory_space<vmem_shared>>) attributes {dimension_semantics = [#tpu.dimension_semantics<core_parallel>, #tpu.dimension_semantics<subcore_parallel>], iteration_bounds = array<i64: 2, 16>, scalar_prefetch = 0 : i64, scratch_operands = 3 : i64, tpu.core_type = #tpu.core_type<sc_vector_subcore>, window_params = [{transform_indices = #map}, {transform_indices = #map1}, {transform_indices = #map}, {transform_indices = #map}]} {
    %mul3A = arith.constant 16 : i32
    %mul3A_0 = arith.muli %arg0, %mul3A : i32
    %add3A = arith.addi %mul3A_0, %arg1 : i32
    %mul3A_1 = arith.constant 10240 : i32
    %mul3A_2 = arith.muli %add3A, %mul3A_1 : i32
    %mul3A_3 = arith.constant 640 : i32
    %mul3A_4 = arith.muli %arg1, %mul3A_3 : i32
    "tpu.region"() ({
      %run_scoped3A = tpu.sem_alloc : memref<!tpu.dma_semaphore, #tpu.memory_space<semaphore_mem>>
      %dma_start3A = arith.constant 0 : i32
      %dma_start3A_14 = tpu.memref_slice %arg8[%mul3A_4, %dma_start3A] : memref<10240x128xf32, #tpu.memory_space<vmem_shared>> -> memref<640x128xf32, #tpu.memory_space<vmem_shared>>
      %dma_start3A_15 = arith.constant 0 : i32
      %dma_start3A_16 = tpu.memref_slice %arg4[%mul3A_4, %dma_start3A_15] : memref<10240x128xf32, #tpu.memory_space<hbm>> -> memref<640x128xf32, #tpu.memory_space<hbm>>
      tpu.enqueue_dma source(%dma_start3A_16 : memref<640x128xf32, #tpu.memory_space<hbm>>) target(%dma_start3A_14 : memref<640x128xf32, #tpu.memory_space<vmem_shared>>) target_semaphore(%run_scoped3A : memref<!tpu.dma_semaphore, #tpu.memory_space<semaphore_mem>>)
      %dma_wait3A = arith.constant 0 : i32
      %dma_wait3A_17 = tpu.memref_slice %arg8[%mul3A_4, %dma_wait3A] : memref<10240x128xf32, #tpu.memory_space<vmem_shared>> -> memref<640x128xf32, #tpu.memory_space<vmem_shared>>
      %dma_wait3A_18 = arith.constant 0 : i32
      %dma_wait3A_19 = tpu.memref_slice %arg4[%mul3A_4, %dma_wait3A_18] : memref<10240x128xf32, #tpu.memory_space<hbm>> -> memref<640x128xf32, #tpu.memory_space<hbm>>
      tpu.wait_dma2 semaphore(%run_scoped3A : memref<!tpu.dma_semaphore, #tpu.memory_space<semaphore_mem>>) src(%dma_wait3A_19 : memref<640x128xf32, #tpu.memory_space<hbm>>) dst(%dma_wait3A_17 : memref<640x128xf32, #tpu.memory_space<vmem_shared>>)
      tpu.yield
    }) : () -> ()
    %barrier3A = arith.constant 0 : index
    tpu.barrier barrier_id(%barrier3A)
    %scan3A = arith.constant 0 : i32
    %scan3A_5 = arith.constant 0 : i32
    %scan3A_6 = arith.constant 80 : i32
    %scan3A_7 = arith.addi %scan3A_5, %scan3A_6 : i32
    %scan3A_8 = arith.constant 1 : i32
    scf.for %scan3A_14 = %scan3A_5 to %scan3A_7 step %scan3A_8  : i32 {
      %mul3A_15 = arith.constant 128 : i32
      %mul3A_16 = arith.muli %scan3A_14, %mul3A_15 : i32
      %add3A_17 = arith.addi %mul3A_2, %mul3A_16 : i32
      "tpu.region"() ({
        %run_scoped3A = tpu.sem_alloc : memref<!tpu.dma_semaphore, #tpu.memory_space<semaphore_mem>>
        %dma_start3A = tpu.memref_slice %arg3[%add3A_17] : memref<327680xi32, #tpu.memory_space<hbm>> -> memref<128xi32, #tpu.memory_space<hbm>>
        %dma_start3A_18 = tpu.memref_slice %arg3[%add3A_17] : memref<327680xi32, #tpu.memory_space<hbm>> -> memref<128xi32, #tpu.memory_space<hbm>>
        tpu.enqueue_dma source(%dma_start3A_18 : memref<128xi32, #tpu.memory_space<hbm>>) target(%arg6 : memref<128xi32, #tpu.memory_space<vmem>>) target_semaphore(%run_scoped3A : memref<!tpu.dma_semaphore, #tpu.memory_space<semaphore_mem>>)
        %dma_wait3A = tpu.memref_slice %arg3[%add3A_17] : memref<327680xi32, #tpu.memory_space<hbm>> -> memref<128xi32, #tpu.memory_space<hbm>>
        %dma_wait3A_19 = tpu.memref_slice %arg3[%add3A_17] : memref<327680xi32, #tpu.memory_space<hbm>> -> memref<128xi32, #tpu.memory_space<hbm>>
        tpu.wait_dma2 semaphore(%run_scoped3A : memref<!tpu.dma_semaphore, #tpu.memory_space<semaphore_mem>>) src(%dma_wait3A_19 : memref<128xi32, #tpu.memory_space<hbm>>) dst(%arg6 : memref<128xi32, #tpu.memory_space<vmem>>)
        tpu.yield
      }) : () -> ()
      "tpu.region"() ({
        %run_scoped3A = tpu.sem_alloc : memref<!tpu.dma_semaphore, #tpu.memory_space<semaphore_mem>>
        %dma_start3A = arith.constant 0 : i32
        %dma_start3A_18 = tpu.memref_slice %arg2[%add3A_17, %dma_start3A] : memref<327680x128xf32, #tpu.memory_space<hbm>> -> memref<128x128xf32, #tpu.memory_space<hbm>>
        %dma_start3A_19 = arith.constant 0 : i32
        %dma_start3A_20 = tpu.memref_slice %arg2[%add3A_17, %dma_start3A_19] : memref<327680x128xf32, #tpu.memory_space<hbm>> -> memref<128x128xf32, #tpu.memory_space<hbm>>
        tpu.enqueue_dma source(%dma_start3A_20 : memref<128x128xf32, #tpu.memory_space<hbm>>) target(%arg7 : memref<128x128xf32, #tpu.memory_space<vmem>>) target_semaphore(%run_scoped3A : memref<!tpu.dma_semaphore, #tpu.memory_space<semaphore_mem>>)
        %dma_wait3A = arith.constant 0 : i32
        %dma_wait3A_21 = tpu.memref_slice %arg2[%add3A_17, %dma_wait3A] : memref<327680x128xf32, #tpu.memory_space<hbm>> -> memref<128x128xf32, #tpu.memory_space<hbm>>
        %dma_wait3A_22 = arith.constant 0 : i32
        %dma_wait3A_23 = tpu.memref_slice %arg2[%add3A_17, %dma_wait3A_22] : memref<327680x128xf32, #tpu.memory_space<hbm>> -> memref<128x128xf32, #tpu.memory_space<hbm>>
        tpu.wait_dma2 semaphore(%run_scoped3A : memref<!tpu.dma_semaphore, #tpu.memory_space<semaphore_mem>>) src(%dma_wait3A_23 : memref<128x128xf32, #tpu.memory_space<hbm>>) dst(%arg7 : memref<128x128xf32, #tpu.memory_space<vmem>>)
        tpu.yield
      }) : () -> ()
      "tpu.region"() ({
        %run_scoped3A = tpu.sem_alloc : memref<!tpu.dma_semaphore, #tpu.memory_space<semaphore_mem>>
        %dma_start3A = arith.constant 0 : i32
        %dma_start3A_18 = arith.constant 0 : i32
        %dma_start3A_19 = tpu.memref_slice %arg8[%dma_start3A, %dma_start3A_18] : memref<10240x128xf32, #tpu.memory_space<vmem_shared>> -> memref<10240x128xf32, #tpu.memory_space<vmem_shared>>
        tpu.enqueue_indirect_dma source(%arg7 : memref<128x128xf32, #tpu.memory_space<vmem>>) target(%dma_start3A_19 : memref<10240x128xf32, #tpu.memory_space<vmem_shared>>) offsets(%arg6 : memref<128xi32, #tpu.memory_space<vmem>>) semaphore(%run_scoped3A : memref<!tpu.dma_semaphore, #tpu.memory_space<semaphore_mem>>) {add = true}
        %dma_wait3A = arith.constant 0 : i32
        %dma_wait3A_20 = arith.constant 0 : i32
        %dma_wait3A_21 = tpu.memref_slice %arg8[%dma_wait3A, %dma_wait3A_20] : memref<10240x128xf32, #tpu.memory_space<vmem_shared>> -> memref<10240x128xf32, #tpu.memory_space<vmem_shared>>
        tpu.wait_indirect_dma semaphore(%run_scoped3A : memref<!tpu.dma_semaphore, #tpu.memory_space<semaphore_mem>>) src(%arg7 : memref<128x128xf32, #tpu.memory_space<vmem>>) dst(%dma_wait3A_21 : memref<10240x128xf32, #tpu.memory_space<vmem_shared>>)
        tpu.yield
      }) : () -> ()
    }
    %scan3A_9 = arith.constant 80 : i32
    %barrier3A_10 = arith.constant 0 : index
    tpu.barrier barrier_id(%barrier3A_10)
    %mul3A_11 = arith.constant 10240 : i32
    %mul3A_12 = arith.muli %arg0, %mul3A_11 : i32
    %add3A_13 = arith.addi %mul3A_12, %mul3A_4 : i32
    "tpu.region"() ({
      %run_scoped3A = tpu.sem_alloc : memref<!tpu.dma_semaphore, #tpu.memory_space<semaphore_mem>>
      %dma_start3A = arith.constant 0 : i32
      %dma_start3A_14 = tpu.memref_slice %arg5[%add3A_13, %dma_start3A] : memref<20480x128xf32, #tpu.memory_space<hbm>> -> memref<640x128xf32, #tpu.memory_space<hbm>>
      %dma_start3A_15 = arith.constant 0 : i32
      %dma_start3A_16 = tpu.memref_slice %arg8[%mul3A_4, %dma_start3A_15] : memref<10240x128xf32, #tpu.memory_space<vmem_shared>> -> memref<640x128xf32, #tpu.memory_space<vmem_shared>>
      tpu.enqueue_dma source(%dma_start3A_16 : memref<640x128xf32, #tpu.memory_space<vmem_shared>>) target(%dma_start3A_14 : memref<640x128xf32, #tpu.memory_space<hbm>>) target_semaphore(%run_scoped3A : memref<!tpu.dma_semaphore, #tpu.memory_space<semaphore_mem>>)
      %dma_wait3A = arith.constant 0 : i32
      %dma_wait3A_17 = tpu.memref_slice %arg5[%add3A_13, %dma_wait3A] : memref<20480x128xf32, #tpu.memory_space<hbm>> -> memref<640x128xf32, #tpu.memory_space<hbm>>
      %dma_wait3A_18 = arith.constant 0 : i32
      %dma_wait3A_19 = tpu.memref_slice %arg8[%mul3A_4, %dma_wait3A_18] : memref<10240x128xf32, #tpu.memory_space<vmem_shared>> -> memref<640x128xf32, #tpu.memory_space<vmem_shared>>
      tpu.wait_dma2 semaphore(%run_scoped3A : memref<!tpu.dma_semaphore, #tpu.memory_space<semaphore_mem>>) src(%dma_wait3A_19 : memref<640x128xf32, #tpu.memory_space<vmem_shared>>) dst(%dma_wait3A_17 : memref<640x128xf32, #tpu.memory_space<hbm>>)
      tpu.yield
    }) : () -> ()
    return
  }
}

#map = affine_map<(d0, d1) -> (0, 0)>
#map1 = affine_map<(d0, d1) -> (0)>
module attributes {stable_mosaic.version = 14 : i64} {
  func.func @gk(%arg0: i32, %arg1: i32, %arg2: memref<10240x128xf32, #tpu.memory_space<hbm>>, %arg3: memref<10240x128xf32, #tpu.memory_space<hbm>>, %arg4: memref<327680xi32, #tpu.memory_space<hbm>>, %arg5: memref<327680xi32, #tpu.memory_space<hbm>>, %arg6: memref<327680x128xf32, #tpu.memory_space<hbm>>, %arg7: memref<327680x128xf32, #tpu.memory_space<hbm>>, %arg8: memref<10240xi32, #tpu.memory_space<vmem>>, %arg9: memref<10240xi32, #tpu.memory_space<vmem>>, %arg10: memref<128x128xf32, #tpu.memory_space<vmem>>, %arg11: memref<128x128xf32, #tpu.memory_space<vmem>>, %arg12: memref<128x128xf32, #tpu.memory_space<vmem>>, %arg13: memref<128x128xf32, #tpu.memory_space<vmem>>, %arg14: memref<!tpu.dma_semaphore, #tpu.memory_space<semaphore_mem>>, %arg15: memref<!tpu.dma_semaphore, #tpu.memory_space<semaphore_mem>>, %arg16: memref<!tpu.dma_semaphore, #tpu.memory_space<semaphore_mem>>, %arg17: memref<!tpu.dma_semaphore, #tpu.memory_space<semaphore_mem>>, %arg18: memref<!tpu.dma_semaphore, #tpu.memory_space<semaphore_mem>>) attributes {dimension_semantics = [#tpu.dimension_semantics<core_parallel>, #tpu.dimension_semantics<subcore_parallel>], iteration_bounds = array<i64: 2, 16>, scalar_prefetch = 0 : i64, scratch_operands = 11 : i64, tpu.core_type = #tpu.core_type<sc_vector_subcore>, window_params = [{transform_indices = #map}, {transform_indices = #map}, {transform_indices = #map1}, {transform_indices = #map1}, {transform_indices = #map}, {transform_indices = #map}]} {
    %mul3A = arith.constant 16 : i32
    %mul3A_0 = arith.muli %arg0, %mul3A : i32
    %add3A = arith.addi %mul3A_0, %arg1 : i32
    %mul3A_1 = arith.constant 10240 : i32
    %mul3A_2 = arith.muli %add3A, %mul3A_1 : i32
    "tpu.region"() ({
      %run_scoped3A = tpu.sem_alloc : memref<!tpu.dma_semaphore, #tpu.memory_space<semaphore_mem>>
      %dma_start3A = tpu.memref_slice %arg4[%mul3A_2] : memref<327680xi32, #tpu.memory_space<hbm>> -> memref<10240xi32, #tpu.memory_space<hbm>>
      %dma_start3A_8 = tpu.memref_slice %arg4[%mul3A_2] : memref<327680xi32, #tpu.memory_space<hbm>> -> memref<10240xi32, #tpu.memory_space<hbm>>
      tpu.enqueue_dma source(%dma_start3A_8 : memref<10240xi32, #tpu.memory_space<hbm>>) target(%arg8 : memref<10240xi32, #tpu.memory_space<vmem>>) target_semaphore(%run_scoped3A : memref<!tpu.dma_semaphore, #tpu.memory_space<semaphore_mem>>)
      %dma_wait3A = tpu.memref_slice %arg4[%mul3A_2] : memref<327680xi32, #tpu.memory_space<hbm>> -> memref<10240xi32, #tpu.memory_space<hbm>>
      %dma_wait3A_9 = tpu.memref_slice %arg4[%mul3A_2] : memref<327680xi32, #tpu.memory_space<hbm>> -> memref<10240xi32, #tpu.memory_space<hbm>>
      tpu.wait_dma2 semaphore(%run_scoped3A : memref<!tpu.dma_semaphore, #tpu.memory_space<semaphore_mem>>) src(%dma_wait3A_9 : memref<10240xi32, #tpu.memory_space<hbm>>) dst(%arg8 : memref<10240xi32, #tpu.memory_space<vmem>>)
      tpu.yield
    }) : () -> ()
    "tpu.region"() ({
      %run_scoped3A = tpu.sem_alloc : memref<!tpu.dma_semaphore, #tpu.memory_space<semaphore_mem>>
      %dma_start3A = tpu.memref_slice %arg5[%mul3A_2] : memref<327680xi32, #tpu.memory_space<hbm>> -> memref<10240xi32, #tpu.memory_space<hbm>>
      %dma_start3A_8 = tpu.memref_slice %arg5[%mul3A_2] : memref<327680xi32, #tpu.memory_space<hbm>> -> memref<10240xi32, #tpu.memory_space<hbm>>
      tpu.enqueue_dma source(%dma_start3A_8 : memref<10240xi32, #tpu.memory_space<hbm>>) target(%arg9 : memref<10240xi32, #tpu.memory_space<vmem>>) target_semaphore(%run_scoped3A : memref<!tpu.dma_semaphore, #tpu.memory_space<semaphore_mem>>)
      %dma_wait3A = tpu.memref_slice %arg5[%mul3A_2] : memref<327680xi32, #tpu.memory_space<hbm>> -> memref<10240xi32, #tpu.memory_space<hbm>>
      %dma_wait3A_9 = tpu.memref_slice %arg5[%mul3A_2] : memref<327680xi32, #tpu.memory_space<hbm>> -> memref<10240xi32, #tpu.memory_space<hbm>>
      tpu.wait_dma2 semaphore(%run_scoped3A : memref<!tpu.dma_semaphore, #tpu.memory_space<semaphore_mem>>) src(%dma_wait3A_9 : memref<10240xi32, #tpu.memory_space<hbm>>) dst(%arg9 : memref<10240xi32, #tpu.memory_space<vmem>>)
      tpu.yield
    }) : () -> ()
    %scan3A = arith.constant 0 : i32
    %scan3A_3 = arith.constant 0 : i32
    %scan3A_4 = arith.constant 40 : i32
    %scan3A_5 = arith.addi %scan3A_3, %scan3A_4 : i32
    %scan3A_6 = arith.constant 1 : i32
    scf.for %scan3A_8 = %scan3A_3 to %scan3A_5 step %scan3A_6  : i32 {
      %mul3A_9 = arith.constant 2 : i32
      %mul3A_10 = arith.muli %mul3A_9, %scan3A_8 : i32
      %mul3A_11 = arith.constant 128 : i32
      %mul3A_12 = arith.muli %mul3A_10, %mul3A_11 : i32
      %mul3A_13 = arith.constant 2 : i32
      %mul3A_14 = arith.muli %mul3A_13, %scan3A_8 : i32
      %add3A_15 = arith.constant 1 : i32
      %add3A_16 = arith.addi %mul3A_14, %add3A_15 : i32
      %mul3A_17 = arith.constant 128 : i32
      %mul3A_18 = arith.muli %add3A_16, %mul3A_17 : i32
      %dma_start3A = tpu.memref_slice %arg8[%mul3A_12] : memref<10240xi32, #tpu.memory_space<vmem>> -> memref<128xi32, #tpu.memory_space<vmem>>
      %dma_start3A_19 = arith.constant 0 : i32
      %dma_start3A_20 = arith.constant 0 : i32
      %dma_start3A_21 = tpu.memref_slice %arg2[%dma_start3A_19, %dma_start3A_20] : memref<10240x128xf32, #tpu.memory_space<hbm>> -> memref<10240x128xf32, #tpu.memory_space<hbm>>
      tpu.enqueue_indirect_dma source(%dma_start3A_21 : memref<10240x128xf32, #tpu.memory_space<hbm>>) target(%arg10 : memref<128x128xf32, #tpu.memory_space<vmem>>) offsets(%dma_start3A : memref<128xi32, #tpu.memory_space<vmem>>) semaphore(%arg14 : memref<!tpu.dma_semaphore, #tpu.memory_space<semaphore_mem>>)
      %dma_start3A_22 = tpu.memref_slice %arg8[%mul3A_18] : memref<10240xi32, #tpu.memory_space<vmem>> -> memref<128xi32, #tpu.memory_space<vmem>>
      %dma_start3A_23 = arith.constant 0 : i32
      %dma_start3A_24 = arith.constant 0 : i32
      %dma_start3A_25 = tpu.memref_slice %arg2[%dma_start3A_23, %dma_start3A_24] : memref<10240x128xf32, #tpu.memory_space<hbm>> -> memref<10240x128xf32, #tpu.memory_space<hbm>>
      tpu.enqueue_indirect_dma source(%dma_start3A_25 : memref<10240x128xf32, #tpu.memory_space<hbm>>) target(%arg11 : memref<128x128xf32, #tpu.memory_space<vmem>>) offsets(%dma_start3A_22 : memref<128xi32, #tpu.memory_space<vmem>>) semaphore(%arg15 : memref<!tpu.dma_semaphore, #tpu.memory_space<semaphore_mem>>)
      %dma_start3A_26 = tpu.memref_slice %arg9[%mul3A_12] : memref<10240xi32, #tpu.memory_space<vmem>> -> memref<128xi32, #tpu.memory_space<vmem>>
      %dma_start3A_27 = arith.constant 0 : i32
      %dma_start3A_28 = arith.constant 0 : i32
      %dma_start3A_29 = tpu.memref_slice %arg3[%dma_start3A_27, %dma_start3A_28] : memref<10240x128xf32, #tpu.memory_space<hbm>> -> memref<10240x128xf32, #tpu.memory_space<hbm>>
      tpu.enqueue_indirect_dma source(%dma_start3A_29 : memref<10240x128xf32, #tpu.memory_space<hbm>>) target(%arg12 : memref<128x128xf32, #tpu.memory_space<vmem>>) offsets(%dma_start3A_26 : memref<128xi32, #tpu.memory_space<vmem>>) semaphore(%arg16 : memref<!tpu.dma_semaphore, #tpu.memory_space<semaphore_mem>>)
      %dma_start3A_30 = tpu.memref_slice %arg9[%mul3A_18] : memref<10240xi32, #tpu.memory_space<vmem>> -> memref<128xi32, #tpu.memory_space<vmem>>
      %dma_start3A_31 = arith.constant 0 : i32
      %dma_start3A_32 = arith.constant 0 : i32
      %dma_start3A_33 = tpu.memref_slice %arg3[%dma_start3A_31, %dma_start3A_32] : memref<10240x128xf32, #tpu.memory_space<hbm>> -> memref<10240x128xf32, #tpu.memory_space<hbm>>
      tpu.enqueue_indirect_dma source(%dma_start3A_33 : memref<10240x128xf32, #tpu.memory_space<hbm>>) target(%arg13 : memref<128x128xf32, #tpu.memory_space<vmem>>) offsets(%dma_start3A_30 : memref<128xi32, #tpu.memory_space<vmem>>) semaphore(%arg17 : memref<!tpu.dma_semaphore, #tpu.memory_space<semaphore_mem>>)
      %dma_wait3A = tpu.memref_slice %arg8[%mul3A_12] : memref<10240xi32, #tpu.memory_space<vmem>> -> memref<128xi32, #tpu.memory_space<vmem>>
      %dma_wait3A_34 = arith.constant 0 : i32
      %dma_wait3A_35 = arith.constant 0 : i32
      %dma_wait3A_36 = tpu.memref_slice %arg2[%dma_wait3A_34, %dma_wait3A_35] : memref<10240x128xf32, #tpu.memory_space<hbm>> -> memref<10240x128xf32, #tpu.memory_space<hbm>>
      tpu.wait_indirect_dma semaphore(%arg14 : memref<!tpu.dma_semaphore, #tpu.memory_space<semaphore_mem>>) src(%dma_wait3A_36 : memref<10240x128xf32, #tpu.memory_space<hbm>>) dst(%arg10 : memref<128x128xf32, #tpu.memory_space<vmem>>)
      %dma_wait3A_37 = tpu.memref_slice %arg8[%mul3A_18] : memref<10240xi32, #tpu.memory_space<vmem>> -> memref<128xi32, #tpu.memory_space<vmem>>
      %dma_wait3A_38 = arith.constant 0 : i32
      %dma_wait3A_39 = arith.constant 0 : i32
      %dma_wait3A_40 = tpu.memref_slice %arg2[%dma_wait3A_38, %dma_wait3A_39] : memref<10240x128xf32, #tpu.memory_space<hbm>> -> memref<10240x128xf32, #tpu.memory_space<hbm>>
      tpu.wait_indirect_dma semaphore(%arg15 : memref<!tpu.dma_semaphore, #tpu.memory_space<semaphore_mem>>) src(%dma_wait3A_40 : memref<10240x128xf32, #tpu.memory_space<hbm>>) dst(%arg11 : memref<128x128xf32, #tpu.memory_space<vmem>>)
      %dma_wait3A_41 = tpu.memref_slice %arg9[%mul3A_12] : memref<10240xi32, #tpu.memory_space<vmem>> -> memref<128xi32, #tpu.memory_space<vmem>>
      %dma_wait3A_42 = arith.constant 0 : i32
      %dma_wait3A_43 = arith.constant 0 : i32
      %dma_wait3A_44 = tpu.memref_slice %arg3[%dma_wait3A_42, %dma_wait3A_43] : memref<10240x128xf32, #tpu.memory_space<hbm>> -> memref<10240x128xf32, #tpu.memory_space<hbm>>
      tpu.wait_indirect_dma semaphore(%arg16 : memref<!tpu.dma_semaphore, #tpu.memory_space<semaphore_mem>>) src(%dma_wait3A_44 : memref<10240x128xf32, #tpu.memory_space<hbm>>) dst(%arg12 : memref<128x128xf32, #tpu.memory_space<vmem>>)
      %dma_wait3A_45 = tpu.memref_slice %arg9[%mul3A_18] : memref<10240xi32, #tpu.memory_space<vmem>> -> memref<128xi32, #tpu.memory_space<vmem>>
      %dma_wait3A_46 = arith.constant 0 : i32
      %dma_wait3A_47 = arith.constant 0 : i32
      %dma_wait3A_48 = tpu.memref_slice %arg3[%dma_wait3A_46, %dma_wait3A_47] : memref<10240x128xf32, #tpu.memory_space<hbm>> -> memref<10240x128xf32, #tpu.memory_space<hbm>>
      tpu.wait_indirect_dma semaphore(%arg17 : memref<!tpu.dma_semaphore, #tpu.memory_space<semaphore_mem>>) src(%dma_wait3A_48 : memref<10240x128xf32, #tpu.memory_space<hbm>>) dst(%arg13 : memref<128x128xf32, #tpu.memory_space<vmem>>)
      %add3A_49 = arith.addi %mul3A_2, %mul3A_12 : i32
      %dma_start3A_50 = arith.constant 0 : i32
      %dma_start3A_51 = tpu.memref_slice %arg6[%add3A_49, %dma_start3A_50] : memref<327680x128xf32, #tpu.memory_space<hbm>> -> memref<128x128xf32, #tpu.memory_space<hbm>>
      %dma_start3A_52 = arith.constant 0 : i32
      %dma_start3A_53 = tpu.memref_slice %arg6[%add3A_49, %dma_start3A_52] : memref<327680x128xf32, #tpu.memory_space<hbm>> -> memref<128x128xf32, #tpu.memory_space<hbm>>
      tpu.enqueue_dma source(%arg10 : memref<128x128xf32, #tpu.memory_space<vmem>>) target(%dma_start3A_53 : memref<128x128xf32, #tpu.memory_space<hbm>>) target_semaphore(%arg18 : memref<!tpu.dma_semaphore, #tpu.memory_space<semaphore_mem>>)
      %add3A_54 = arith.addi %mul3A_2, %mul3A_18 : i32
      %dma_start3A_55 = arith.constant 0 : i32
      %dma_start3A_56 = tpu.memref_slice %arg6[%add3A_54, %dma_start3A_55] : memref<327680x128xf32, #tpu.memory_space<hbm>> -> memref<128x128xf32, #tpu.memory_space<hbm>>
      %dma_start3A_57 = arith.constant 0 : i32
      %dma_start3A_58 = tpu.memref_slice %arg6[%add3A_54, %dma_start3A_57] : memref<327680x128xf32, #tpu.memory_space<hbm>> -> memref<128x128xf32, #tpu.memory_space<hbm>>
      tpu.enqueue_dma source(%arg11 : memref<128x128xf32, #tpu.memory_space<vmem>>) target(%dma_start3A_58 : memref<128x128xf32, #tpu.memory_space<hbm>>) target_semaphore(%arg18 : memref<!tpu.dma_semaphore, #tpu.memory_space<semaphore_mem>>)
      %add3A_59 = arith.addi %mul3A_2, %mul3A_12 : i32
      %dma_start3A_60 = arith.constant 0 : i32
      %dma_start3A_61 = tpu.memref_slice %arg7[%add3A_59, %dma_start3A_60] : memref<327680x128xf32, #tpu.memory_space<hbm>> -> memref<128x128xf32, #tpu.memory_space<hbm>>
      %dma_start3A_62 = arith.constant 0 : i32
      %dma_start3A_63 = tpu.memref_slice %arg7[%add3A_59, %dma_start3A_62] : memref<327680x128xf32, #tpu.memory_space<hbm>> -> memref<128x128xf32, #tpu.memory_space<hbm>>
      tpu.enqueue_dma source(%arg12 : memref<128x128xf32, #tpu.memory_space<vmem>>) target(%dma_start3A_63 : memref<128x128xf32, #tpu.memory_space<hbm>>) target_semaphore(%arg18 : memref<!tpu.dma_semaphore, #tpu.memory_space<semaphore_mem>>)
      %add3A_64 = arith.addi %mul3A_2, %mul3A_18 : i32
      %dma_start3A_65 = arith.constant 0 : i32
      %dma_start3A_66 = tpu.memref_slice %arg7[%add3A_64, %dma_start3A_65] : memref<327680x128xf32, #tpu.memory_space<hbm>> -> memref<128x128xf32, #tpu.memory_space<hbm>>
      %dma_start3A_67 = arith.constant 0 : i32
      %dma_start3A_68 = tpu.memref_slice %arg7[%add3A_64, %dma_start3A_67] : memref<327680x128xf32, #tpu.memory_space<hbm>> -> memref<128x128xf32, #tpu.memory_space<hbm>>
      tpu.enqueue_dma source(%arg13 : memref<128x128xf32, #tpu.memory_space<vmem>>) target(%dma_start3A_68 : memref<128x128xf32, #tpu.memory_space<hbm>>) target_semaphore(%arg18 : memref<!tpu.dma_semaphore, #tpu.memory_space<semaphore_mem>>)
      %dma_wait3A_69 = arith.constant 0 : i32
      %dma_wait3A_70 = tpu.memref_slice %arg6[%add3A_49, %dma_wait3A_69] : memref<327680x128xf32, #tpu.memory_space<hbm>> -> memref<128x128xf32, #tpu.memory_space<hbm>>
      %dma_wait3A_71 = arith.constant 0 : i32
      %dma_wait3A_72 = tpu.memref_slice %arg6[%add3A_49, %dma_wait3A_71] : memref<327680x128xf32, #tpu.memory_space<hbm>> -> memref<128x128xf32, #tpu.memory_space<hbm>>
      tpu.wait_dma2 semaphore(%arg18 : memref<!tpu.dma_semaphore, #tpu.memory_space<semaphore_mem>>) src(%arg10 : memref<128x128xf32, #tpu.memory_space<vmem>>) dst(%dma_wait3A_72 : memref<128x128xf32, #tpu.memory_space<hbm>>)
      %dma_wait3A_73 = arith.constant 0 : i32
      %dma_wait3A_74 = tpu.memref_slice %arg6[%add3A_54, %dma_wait3A_73] : memref<327680x128xf32, #tpu.memory_space<hbm>> -> memref<128x128xf32, #tpu.memory_space<hbm>>
      %dma_wait3A_75 = arith.constant 0 : i32
      %dma_wait3A_76 = tpu.memref_slice %arg6[%add3A_54, %dma_wait3A_75] : memref<327680x128xf32, #tpu.memory_space<hbm>> -> memref<128x128xf32, #tpu.memory_space<hbm>>
      tpu.wait_dma2 semaphore(%arg18 : memref<!tpu.dma_semaphore, #tpu.memory_space<semaphore_mem>>) src(%arg11 : memref<128x128xf32, #tpu.memory_space<vmem>>) dst(%dma_wait3A_76 : memref<128x128xf32, #tpu.memory_space<hbm>>)
      %dma_wait3A_77 = arith.constant 0 : i32
      %dma_wait3A_78 = tpu.memref_slice %arg7[%add3A_59, %dma_wait3A_77] : memref<327680x128xf32, #tpu.memory_space<hbm>> -> memref<128x128xf32, #tpu.memory_space<hbm>>
      %dma_wait3A_79 = arith.constant 0 : i32
      %dma_wait3A_80 = tpu.memref_slice %arg7[%add3A_59, %dma_wait3A_79] : memref<327680x128xf32, #tpu.memory_space<hbm>> -> memref<128x128xf32, #tpu.memory_space<hbm>>
      tpu.wait_dma2 semaphore(%arg18 : memref<!tpu.dma_semaphore, #tpu.memory_space<semaphore_mem>>) src(%arg12 : memref<128x128xf32, #tpu.memory_space<vmem>>) dst(%dma_wait3A_80 : memref<128x128xf32, #tpu.memory_space<hbm>>)
      %dma_wait3A_81 = arith.constant 0 : i32
      %dma_wait3A_82 = tpu.memref_slice %arg7[%add3A_64, %dma_wait3A_81] : memref<327680x128xf32, #tpu.memory_space<hbm>> -> memref<128x128xf32, #tpu.memory_space<hbm>>
      %dma_wait3A_83 = arith.constant 0 : i32
      %dma_wait3A_84 = tpu.memref_slice %arg7[%add3A_64, %dma_wait3A_83] : memref<327680x128xf32, #tpu.memory_space<hbm>> -> memref<128x128xf32, #tpu.memory_space<hbm>>
      tpu.wait_dma2 semaphore(%arg18 : memref<!tpu.dma_semaphore, #tpu.memory_space<semaphore_mem>>) src(%arg13 : memref<128x128xf32, #tpu.memory_space<vmem>>) dst(%dma_wait3A_84 : memref<128x128xf32, #tpu.memory_space<hbm>>)
    }
    %scan3A_7 = arith.constant 40 : i32
    return
  }
}

#map = affine_map<(d0, d1) -> (0, 0)>
#map1 = affine_map<(d0, d1) -> (0)>
module attributes {stable_mosaic.version = 14 : i64} {
  func.func @gk(%arg0: i32, %arg1: i32, %arg2: memref<10240x128xf32, #tpu.memory_space<hbm>>, %arg3: memref<10240x128xf32, #tpu.memory_space<hbm>>, %arg4: memref<327680xi32, #tpu.memory_space<hbm>>, %arg5: memref<327680xi32, #tpu.memory_space<hbm>>, %arg6: memref<327680x128xf32, #tpu.memory_space<hbm>>, %arg7: memref<327680x128xf32, #tpu.memory_space<hbm>>, %arg8: memref<10240xi32, #tpu.memory_space<vmem>>, %arg9: memref<10240xi32, #tpu.memory_space<vmem>>, %arg10: memref<128x128xf32, #tpu.memory_space<vmem>>, %arg11: memref<128x128xf32, #tpu.memory_space<vmem>>, %arg12: memref<128x128xf32, #tpu.memory_space<vmem>>, %arg13: memref<128x128xf32, #tpu.memory_space<vmem>>, %arg14: memref<!tpu.dma_semaphore, #tpu.memory_space<semaphore_mem>>, %arg15: memref<!tpu.dma_semaphore, #tpu.memory_space<semaphore_mem>>, %arg16: memref<!tpu.dma_semaphore, #tpu.memory_space<semaphore_mem>>, %arg17: memref<!tpu.dma_semaphore, #tpu.memory_space<semaphore_mem>>, %arg18: memref<!tpu.dma_semaphore, #tpu.memory_space<semaphore_mem>>) attributes {dimension_semantics = [#tpu.dimension_semantics<core_parallel>, #tpu.dimension_semantics<subcore_parallel>], iteration_bounds = array<i64: 2, 16>, scalar_prefetch = 0 : i64, scratch_operands = 11 : i64, tpu.core_type = #tpu.core_type<sc_vector_subcore>, window_params = [{transform_indices = #map}, {transform_indices = #map}, {transform_indices = #map1}, {transform_indices = #map1}, {transform_indices = #map}, {transform_indices = #map}]} {
    %mul3A = arith.constant 16 : i32
    %mul3A_0 = arith.muli %arg0, %mul3A : i32
    %add3A = arith.addi %mul3A_0, %arg1 : i32
    %mul3A_1 = arith.constant 10240 : i32
    %mul3A_2 = arith.muli %add3A, %mul3A_1 : i32
    "tpu.region"() ({
      %run_scoped3A = tpu.sem_alloc : memref<!tpu.dma_semaphore, #tpu.memory_space<semaphore_mem>>
      %dma_start3A = tpu.memref_slice %arg4[%mul3A_2] : memref<327680xi32, #tpu.memory_space<hbm>> -> memref<10240xi32, #tpu.memory_space<hbm>>
      %dma_start3A_8 = tpu.memref_slice %arg4[%mul3A_2] : memref<327680xi32, #tpu.memory_space<hbm>> -> memref<10240xi32, #tpu.memory_space<hbm>>
      tpu.enqueue_dma source(%dma_start3A_8 : memref<10240xi32, #tpu.memory_space<hbm>>) target(%arg8 : memref<10240xi32, #tpu.memory_space<vmem>>) target_semaphore(%run_scoped3A : memref<!tpu.dma_semaphore, #tpu.memory_space<semaphore_mem>>)
      %dma_wait3A = tpu.memref_slice %arg4[%mul3A_2] : memref<327680xi32, #tpu.memory_space<hbm>> -> memref<10240xi32, #tpu.memory_space<hbm>>
      %dma_wait3A_9 = tpu.memref_slice %arg4[%mul3A_2] : memref<327680xi32, #tpu.memory_space<hbm>> -> memref<10240xi32, #tpu.memory_space<hbm>>
      tpu.wait_dma2 semaphore(%run_scoped3A : memref<!tpu.dma_semaphore, #tpu.memory_space<semaphore_mem>>) src(%dma_wait3A_9 : memref<10240xi32, #tpu.memory_space<hbm>>) dst(%arg8 : memref<10240xi32, #tpu.memory_space<vmem>>)
      tpu.yield
    }) : () -> ()
    "tpu.region"() ({
      %run_scoped3A = tpu.sem_alloc : memref<!tpu.dma_semaphore, #tpu.memory_space<semaphore_mem>>
      %dma_start3A = tpu.memref_slice %arg5[%mul3A_2] : memref<327680xi32, #tpu.memory_space<hbm>> -> memref<10240xi32, #tpu.memory_space<hbm>>
      %dma_start3A_8 = tpu.memref_slice %arg5[%mul3A_2] : memref<327680xi32, #tpu.memory_space<hbm>> -> memref<10240xi32, #tpu.memory_space<hbm>>
      tpu.enqueue_dma source(%dma_start3A_8 : memref<10240xi32, #tpu.memory_space<hbm>>) target(%arg9 : memref<10240xi32, #tpu.memory_space<vmem>>) target_semaphore(%run_scoped3A : memref<!tpu.dma_semaphore, #tpu.memory_space<semaphore_mem>>)
      %dma_wait3A = tpu.memref_slice %arg5[%mul3A_2] : memref<327680xi32, #tpu.memory_space<hbm>> -> memref<10240xi32, #tpu.memory_space<hbm>>
      %dma_wait3A_9 = tpu.memref_slice %arg5[%mul3A_2] : memref<327680xi32, #tpu.memory_space<hbm>> -> memref<10240xi32, #tpu.memory_space<hbm>>
      tpu.wait_dma2 semaphore(%run_scoped3A : memref<!tpu.dma_semaphore, #tpu.memory_space<semaphore_mem>>) src(%dma_wait3A_9 : memref<10240xi32, #tpu.memory_space<hbm>>) dst(%arg9 : memref<10240xi32, #tpu.memory_space<vmem>>)
      tpu.yield
    }) : () -> ()
    %scan3A = arith.constant 0 : i32
    %scan3A_3 = arith.constant 0 : i32
    %scan3A_4 = arith.constant 40 : i32
    %scan3A_5 = arith.addi %scan3A_3, %scan3A_4 : i32
    %scan3A_6 = arith.constant 1 : i32
    scf.for %scan3A_8 = %scan3A_3 to %scan3A_5 step %scan3A_6  : i32 {
      %mul3A_9 = arith.constant 2 : i32
      %mul3A_10 = arith.muli %mul3A_9, %scan3A_8 : i32
      %mul3A_11 = arith.constant 128 : i32
      %mul3A_12 = arith.muli %mul3A_10, %mul3A_11 : i32
      %mul3A_13 = arith.constant 2 : i32
      %mul3A_14 = arith.muli %mul3A_13, %scan3A_8 : i32
      %add3A_15 = arith.constant 1 : i32
      %add3A_16 = arith.addi %mul3A_14, %add3A_15 : i32
      %mul3A_17 = arith.constant 128 : i32
      %mul3A_18 = arith.muli %add3A_16, %mul3A_17 : i32
      %dma_start3A = tpu.memref_slice %arg8[%mul3A_12] : memref<10240xi32, #tpu.memory_space<vmem>> -> memref<128xi32, #tpu.memory_space<vmem>>
      %dma_start3A_19 = arith.constant 0 : i32
      %dma_start3A_20 = arith.constant 0 : i32
      %dma_start3A_21 = tpu.memref_slice %arg2[%dma_start3A_19, %dma_start3A_20] : memref<10240x128xf32, #tpu.memory_space<hbm>> -> memref<10240x128xf32, #tpu.memory_space<hbm>>
      tpu.enqueue_indirect_dma source(%dma_start3A_21 : memref<10240x128xf32, #tpu.memory_space<hbm>>) target(%arg10 : memref<128x128xf32, #tpu.memory_space<vmem>>) offsets(%dma_start3A : memref<128xi32, #tpu.memory_space<vmem>>) semaphore(%arg14 : memref<!tpu.dma_semaphore, #tpu.memory_space<semaphore_mem>>)
      %dma_start3A_22 = tpu.memref_slice %arg8[%mul3A_18] : memref<10240xi32, #tpu.memory_space<vmem>> -> memref<128xi32, #tpu.memory_space<vmem>>
      %dma_start3A_23 = arith.constant 0 : i32
      %dma_start3A_24 = arith.constant 0 : i32
      %dma_start3A_25 = tpu.memref_slice %arg2[%dma_start3A_23, %dma_start3A_24] : memref<10240x128xf32, #tpu.memory_space<hbm>> -> memref<10240x128xf32, #tpu.memory_space<hbm>>
      tpu.enqueue_indirect_dma source(%dma_start3A_25 : memref<10240x128xf32, #tpu.memory_space<hbm>>) target(%arg11 : memref<128x128xf32, #tpu.memory_space<vmem>>) offsets(%dma_start3A_22 : memref<128xi32, #tpu.memory_space<vmem>>) semaphore(%arg15 : memref<!tpu.dma_semaphore, #tpu.memory_space<semaphore_mem>>)
      %dma_start3A_26 = tpu.memref_slice %arg9[%mul3A_12] : memref<10240xi32, #tpu.memory_space<vmem>> -> memref<128xi32, #tpu.memory_space<vmem>>
      %dma_start3A_27 = arith.constant 0 : i32
      %dma_start3A_28 = arith.constant 0 : i32
      %dma_start3A_29 = tpu.memref_slice %arg3[%dma_start3A_27, %dma_start3A_28] : memref<10240x128xf32, #tpu.memory_space<hbm>> -> memref<10240x128xf32, #tpu.memory_space<hbm>>
      tpu.enqueue_indirect_dma source(%dma_start3A_29 : memref<10240x128xf32, #tpu.memory_space<hbm>>) target(%arg12 : memref<128x128xf32, #tpu.memory_space<vmem>>) offsets(%dma_start3A_26 : memref<128xi32, #tpu.memory_space<vmem>>) semaphore(%arg16 : memref<!tpu.dma_semaphore, #tpu.memory_space<semaphore_mem>>)
      %dma_start3A_30 = tpu.memref_slice %arg9[%mul3A_18] : memref<10240xi32, #tpu.memory_space<vmem>> -> memref<128xi32, #tpu.memory_space<vmem>>
      %dma_start3A_31 = arith.constant 0 : i32
      %dma_start3A_32 = arith.constant 0 : i32
      %dma_start3A_33 = tpu.memref_slice %arg3[%dma_start3A_31, %dma_start3A_32] : memref<10240x128xf32, #tpu.memory_space<hbm>> -> memref<10240x128xf32, #tpu.memory_space<hbm>>
      tpu.enqueue_indirect_dma source(%dma_start3A_33 : memref<10240x128xf32, #tpu.memory_space<hbm>>) target(%arg13 : memref<128x128xf32, #tpu.memory_space<vmem>>) offsets(%dma_start3A_30 : memref<128xi32, #tpu.memory_space<vmem>>) semaphore(%arg17 : memref<!tpu.dma_semaphore, #tpu.memory_space<semaphore_mem>>)
      %dma_wait3A = tpu.memref_slice %arg8[%mul3A_12] : memref<10240xi32, #tpu.memory_space<vmem>> -> memref<128xi32, #tpu.memory_space<vmem>>
      %dma_wait3A_34 = arith.constant 0 : i32
      %dma_wait3A_35 = arith.constant 0 : i32
      %dma_wait3A_36 = tpu.memref_slice %arg2[%dma_wait3A_34, %dma_wait3A_35] : memref<10240x128xf32, #tpu.memory_space<hbm>> -> memref<10240x128xf32, #tpu.memory_space<hbm>>
      tpu.wait_indirect_dma semaphore(%arg14 : memref<!tpu.dma_semaphore, #tpu.memory_space<semaphore_mem>>) src(%dma_wait3A_36 : memref<10240x128xf32, #tpu.memory_space<hbm>>) dst(%arg10 : memref<128x128xf32, #tpu.memory_space<vmem>>)
      %dma_wait3A_37 = tpu.memref_slice %arg8[%mul3A_18] : memref<10240xi32, #tpu.memory_space<vmem>> -> memref<128xi32, #tpu.memory_space<vmem>>
      %dma_wait3A_38 = arith.constant 0 : i32
      %dma_wait3A_39 = arith.constant 0 : i32
      %dma_wait3A_40 = tpu.memref_slice %arg2[%dma_wait3A_38, %dma_wait3A_39] : memref<10240x128xf32, #tpu.memory_space<hbm>> -> memref<10240x128xf32, #tpu.memory_space<hbm>>
      tpu.wait_indirect_dma semaphore(%arg15 : memref<!tpu.dma_semaphore, #tpu.memory_space<semaphore_mem>>) src(%dma_wait3A_40 : memref<10240x128xf32, #tpu.memory_space<hbm>>) dst(%arg11 : memref<128x128xf32, #tpu.memory_space<vmem>>)
      %dma_wait3A_41 = tpu.memref_slice %arg9[%mul3A_12] : memref<10240xi32, #tpu.memory_space<vmem>> -> memref<128xi32, #tpu.memory_space<vmem>>
      %dma_wait3A_42 = arith.constant 0 : i32
      %dma_wait3A_43 = arith.constant 0 : i32
      %dma_wait3A_44 = tpu.memref_slice %arg3[%dma_wait3A_42, %dma_wait3A_43] : memref<10240x128xf32, #tpu.memory_space<hbm>> -> memref<10240x128xf32, #tpu.memory_space<hbm>>
      tpu.wait_indirect_dma semaphore(%arg16 : memref<!tpu.dma_semaphore, #tpu.memory_space<semaphore_mem>>) src(%dma_wait3A_44 : memref<10240x128xf32, #tpu.memory_space<hbm>>) dst(%arg12 : memref<128x128xf32, #tpu.memory_space<vmem>>)
      %dma_wait3A_45 = tpu.memref_slice %arg9[%mul3A_18] : memref<10240xi32, #tpu.memory_space<vmem>> -> memref<128xi32, #tpu.memory_space<vmem>>
      %dma_wait3A_46 = arith.constant 0 : i32
      %dma_wait3A_47 = arith.constant 0 : i32
      %dma_wait3A_48 = tpu.memref_slice %arg3[%dma_wait3A_46, %dma_wait3A_47] : memref<10240x128xf32, #tpu.memory_space<hbm>> -> memref<10240x128xf32, #tpu.memory_space<hbm>>
      tpu.wait_indirect_dma semaphore(%arg17 : memref<!tpu.dma_semaphore, #tpu.memory_space<semaphore_mem>>) src(%dma_wait3A_48 : memref<10240x128xf32, #tpu.memory_space<hbm>>) dst(%arg13 : memref<128x128xf32, #tpu.memory_space<vmem>>)
      %add3A_49 = arith.addi %mul3A_2, %mul3A_12 : i32
      %dma_start3A_50 = arith.constant 0 : i32
      %dma_start3A_51 = tpu.memref_slice %arg6[%add3A_49, %dma_start3A_50] : memref<327680x128xf32, #tpu.memory_space<hbm>> -> memref<128x128xf32, #tpu.memory_space<hbm>>
      %dma_start3A_52 = arith.constant 0 : i32
      %dma_start3A_53 = tpu.memref_slice %arg6[%add3A_49, %dma_start3A_52] : memref<327680x128xf32, #tpu.memory_space<hbm>> -> memref<128x128xf32, #tpu.memory_space<hbm>>
      tpu.enqueue_dma source(%arg10 : memref<128x128xf32, #tpu.memory_space<vmem>>) target(%dma_start3A_53 : memref<128x128xf32, #tpu.memory_space<hbm>>) target_semaphore(%arg18 : memref<!tpu.dma_semaphore, #tpu.memory_space<semaphore_mem>>)
      %add3A_54 = arith.addi %mul3A_2, %mul3A_18 : i32
      %dma_start3A_55 = arith.constant 0 : i32
      %dma_start3A_56 = tpu.memref_slice %arg6[%add3A_54, %dma_start3A_55] : memref<327680x128xf32, #tpu.memory_space<hbm>> -> memref<128x128xf32, #tpu.memory_space<hbm>>
      %dma_start3A_57 = arith.constant 0 : i32
      %dma_start3A_58 = tpu.memref_slice %arg6[%add3A_54, %dma_start3A_57] : memref<327680x128xf32, #tpu.memory_space<hbm>> -> memref<128x128xf32, #tpu.memory_space<hbm>>
      tpu.enqueue_dma source(%arg11 : memref<128x128xf32, #tpu.memory_space<vmem>>) target(%dma_start3A_58 : memref<128x128xf32, #tpu.memory_space<hbm>>) target_semaphore(%arg18 : memref<!tpu.dma_semaphore, #tpu.memory_space<semaphore_mem>>)
      %add3A_59 = arith.addi %mul3A_2, %mul3A_12 : i32
      %dma_start3A_60 = arith.constant 0 : i32
      %dma_start3A_61 = tpu.memref_slice %arg7[%add3A_59, %dma_start3A_60] : memref<327680x128xf32, #tpu.memory_space<hbm>> -> memref<128x128xf32, #tpu.memory_space<hbm>>
      %dma_start3A_62 = arith.constant 0 : i32
      %dma_start3A_63 = tpu.memref_slice %arg7[%add3A_59, %dma_start3A_62] : memref<327680x128xf32, #tpu.memory_space<hbm>> -> memref<128x128xf32, #tpu.memory_space<hbm>>
      tpu.enqueue_dma source(%arg12 : memref<128x128xf32, #tpu.memory_space<vmem>>) target(%dma_start3A_63 : memref<128x128xf32, #tpu.memory_space<hbm>>) target_semaphore(%arg18 : memref<!tpu.dma_semaphore, #tpu.memory_space<semaphore_mem>>)
      %add3A_64 = arith.addi %mul3A_2, %mul3A_18 : i32
      %dma_start3A_65 = arith.constant 0 : i32
      %dma_start3A_66 = tpu.memref_slice %arg7[%add3A_64, %dma_start3A_65] : memref<327680x128xf32, #tpu.memory_space<hbm>> -> memref<128x128xf32, #tpu.memory_space<hbm>>
      %dma_start3A_67 = arith.constant 0 : i32
      %dma_start3A_68 = tpu.memref_slice %arg7[%add3A_64, %dma_start3A_67] : memref<327680x128xf32, #tpu.memory_space<hbm>> -> memref<128x128xf32, #tpu.memory_space<hbm>>
      tpu.enqueue_dma source(%arg13 : memref<128x128xf32, #tpu.memory_space<vmem>>) target(%dma_start3A_68 : memref<128x128xf32, #tpu.memory_space<hbm>>) target_semaphore(%arg18 : memref<!tpu.dma_semaphore, #tpu.memory_space<semaphore_mem>>)
      %dma_wait3A_69 = arith.constant 0 : i32
      %dma_wait3A_70 = tpu.memref_slice %arg6[%add3A_49, %dma_wait3A_69] : memref<327680x128xf32, #tpu.memory_space<hbm>> -> memref<128x128xf32, #tpu.memory_space<hbm>>
      %dma_wait3A_71 = arith.constant 0 : i32
      %dma_wait3A_72 = tpu.memref_slice %arg6[%add3A_49, %dma_wait3A_71] : memref<327680x128xf32, #tpu.memory_space<hbm>> -> memref<128x128xf32, #tpu.memory_space<hbm>>
      tpu.wait_dma2 semaphore(%arg18 : memref<!tpu.dma_semaphore, #tpu.memory_space<semaphore_mem>>) src(%arg10 : memref<128x128xf32, #tpu.memory_space<vmem>>) dst(%dma_wait3A_72 : memref<128x128xf32, #tpu.memory_space<hbm>>)
      %dma_wait3A_73 = arith.constant 0 : i32
      %dma_wait3A_74 = tpu.memref_slice %arg6[%add3A_54, %dma_wait3A_73] : memref<327680x128xf32, #tpu.memory_space<hbm>> -> memref<128x128xf32, #tpu.memory_space<hbm>>
      %dma_wait3A_75 = arith.constant 0 : i32
      %dma_wait3A_76 = tpu.memref_slice %arg6[%add3A_54, %dma_wait3A_75] : memref<327680x128xf32, #tpu.memory_space<hbm>> -> memref<128x128xf32, #tpu.memory_space<hbm>>
      tpu.wait_dma2 semaphore(%arg18 : memref<!tpu.dma_semaphore, #tpu.memory_space<semaphore_mem>>) src(%arg11 : memref<128x128xf32, #tpu.memory_space<vmem>>) dst(%dma_wait3A_76 : memref<128x128xf32, #tpu.memory_space<hbm>>)
      %dma_wait3A_77 = arith.constant 0 : i32
      %dma_wait3A_78 = tpu.memref_slice %arg7[%add3A_59, %dma_wait3A_77] : memref<327680x128xf32, #tpu.memory_space<hbm>> -> memref<128x128xf32, #tpu.memory_space<hbm>>
      %dma_wait3A_79 = arith.constant 0 : i32
      %dma_wait3A_80 = tpu.memref_slice %arg7[%add3A_59, %dma_wait3A_79] : memref<327680x128xf32, #tpu.memory_space<hbm>> -> memref<128x128xf32, #tpu.memory_space<hbm>>
      tpu.wait_dma2 semaphore(%arg18 : memref<!tpu.dma_semaphore, #tpu.memory_space<semaphore_mem>>) src(%arg12 : memref<128x128xf32, #tpu.memory_space<vmem>>) dst(%dma_wait3A_80 : memref<128x128xf32, #tpu.memory_space<hbm>>)
      %dma_wait3A_81 = arith.constant 0 : i32
      %dma_wait3A_82 = tpu.memref_slice %arg7[%add3A_64, %dma_wait3A_81] : memref<327680x128xf32, #tpu.memory_space<hbm>> -> memref<128x128xf32, #tpu.memory_space<hbm>>
      %dma_wait3A_83 = arith.constant 0 : i32
      %dma_wait3A_84 = tpu.memref_slice %arg7[%add3A_64, %dma_wait3A_83] : memref<327680x128xf32, #tpu.memory_space<hbm>> -> memref<128x128xf32, #tpu.memory_space<hbm>>
      tpu.wait_dma2 semaphore(%arg18 : memref<!tpu.dma_semaphore, #tpu.memory_space<semaphore_mem>>) src(%arg13 : memref<128x128xf32, #tpu.memory_space<vmem>>) dst(%dma_wait3A_84 : memref<128x128xf32, #tpu.memory_space<hbm>>)
    }
    %scan3A_7 = arith.constant 40 : i32
    return
  }
}

#map = affine_map<(d0, d1) -> (0, 0)>
#map1 = affine_map<(d0, d1) -> (0)>
module attributes {stable_mosaic.version = 14 : i64} {
  func.func @gk(%arg0: i32, %arg1: i32, %arg2: memref<10240x128xf32, #tpu.memory_space<hbm>>, %arg3: memref<10240x128xf32, #tpu.memory_space<hbm>>, %arg4: memref<327680xi32, #tpu.memory_space<hbm>>, %arg5: memref<327680xi32, #tpu.memory_space<hbm>>, %arg6: memref<327680x128xf32, #tpu.memory_space<hbm>>, %arg7: memref<327680x128xf32, #tpu.memory_space<hbm>>, %arg8: memref<10240xi32, #tpu.memory_space<vmem>>, %arg9: memref<10240xi32, #tpu.memory_space<vmem>>, %arg10: memref<128x128xf32, #tpu.memory_space<vmem>>, %arg11: memref<128x128xf32, #tpu.memory_space<vmem>>, %arg12: memref<128x128xf32, #tpu.memory_space<vmem>>, %arg13: memref<128x128xf32, #tpu.memory_space<vmem>>, %arg14: memref<!tpu.dma_semaphore, #tpu.memory_space<semaphore_mem>>, %arg15: memref<!tpu.dma_semaphore, #tpu.memory_space<semaphore_mem>>, %arg16: memref<!tpu.dma_semaphore, #tpu.memory_space<semaphore_mem>>, %arg17: memref<!tpu.dma_semaphore, #tpu.memory_space<semaphore_mem>>, %arg18: memref<!tpu.dma_semaphore, #tpu.memory_space<semaphore_mem>>) attributes {dimension_semantics = [#tpu.dimension_semantics<core_parallel>, #tpu.dimension_semantics<subcore_parallel>], iteration_bounds = array<i64: 2, 16>, scalar_prefetch = 0 : i64, scratch_operands = 11 : i64, tpu.core_type = #tpu.core_type<sc_vector_subcore>, window_params = [{transform_indices = #map}, {transform_indices = #map}, {transform_indices = #map1}, {transform_indices = #map1}, {transform_indices = #map}, {transform_indices = #map}]} {
    %mul3A = arith.constant 16 : i32
    %mul3A_0 = arith.muli %arg0, %mul3A : i32
    %add3A = arith.addi %mul3A_0, %arg1 : i32
    %mul3A_1 = arith.constant 10240 : i32
    %mul3A_2 = arith.muli %add3A, %mul3A_1 : i32
    "tpu.region"() ({
      %run_scoped3A = tpu.sem_alloc : memref<!tpu.dma_semaphore, #tpu.memory_space<semaphore_mem>>
      %dma_start3A = tpu.memref_slice %arg4[%mul3A_2] : memref<327680xi32, #tpu.memory_space<hbm>> -> memref<10240xi32, #tpu.memory_space<hbm>>
      %dma_start3A_8 = tpu.memref_slice %arg4[%mul3A_2] : memref<327680xi32, #tpu.memory_space<hbm>> -> memref<10240xi32, #tpu.memory_space<hbm>>
      tpu.enqueue_dma source(%dma_start3A_8 : memref<10240xi32, #tpu.memory_space<hbm>>) target(%arg8 : memref<10240xi32, #tpu.memory_space<vmem>>) target_semaphore(%run_scoped3A : memref<!tpu.dma_semaphore, #tpu.memory_space<semaphore_mem>>)
      %dma_wait3A = tpu.memref_slice %arg4[%mul3A_2] : memref<327680xi32, #tpu.memory_space<hbm>> -> memref<10240xi32, #tpu.memory_space<hbm>>
      %dma_wait3A_9 = tpu.memref_slice %arg4[%mul3A_2] : memref<327680xi32, #tpu.memory_space<hbm>> -> memref<10240xi32, #tpu.memory_space<hbm>>
      tpu.wait_dma2 semaphore(%run_scoped3A : memref<!tpu.dma_semaphore, #tpu.memory_space<semaphore_mem>>) src(%dma_wait3A_9 : memref<10240xi32, #tpu.memory_space<hbm>>) dst(%arg8 : memref<10240xi32, #tpu.memory_space<vmem>>)
      tpu.yield
    }) : () -> ()
    "tpu.region"() ({
      %run_scoped3A = tpu.sem_alloc : memref<!tpu.dma_semaphore, #tpu.memory_space<semaphore_mem>>
      %dma_start3A = tpu.memref_slice %arg5[%mul3A_2] : memref<327680xi32, #tpu.memory_space<hbm>> -> memref<10240xi32, #tpu.memory_space<hbm>>
      %dma_start3A_8 = tpu.memref_slice %arg5[%mul3A_2] : memref<327680xi32, #tpu.memory_space<hbm>> -> memref<10240xi32, #tpu.memory_space<hbm>>
      tpu.enqueue_dma source(%dma_start3A_8 : memref<10240xi32, #tpu.memory_space<hbm>>) target(%arg9 : memref<10240xi32, #tpu.memory_space<vmem>>) target_semaphore(%run_scoped3A : memref<!tpu.dma_semaphore, #tpu.memory_space<semaphore_mem>>)
      %dma_wait3A = tpu.memref_slice %arg5[%mul3A_2] : memref<327680xi32, #tpu.memory_space<hbm>> -> memref<10240xi32, #tpu.memory_space<hbm>>
      %dma_wait3A_9 = tpu.memref_slice %arg5[%mul3A_2] : memref<327680xi32, #tpu.memory_space<hbm>> -> memref<10240xi32, #tpu.memory_space<hbm>>
      tpu.wait_dma2 semaphore(%run_scoped3A : memref<!tpu.dma_semaphore, #tpu.memory_space<semaphore_mem>>) src(%dma_wait3A_9 : memref<10240xi32, #tpu.memory_space<hbm>>) dst(%arg9 : memref<10240xi32, #tpu.memory_space<vmem>>)
      tpu.yield
    }) : () -> ()
    %scan3A = arith.constant 0 : i32
    %scan3A_3 = arith.constant 0 : i32
    %scan3A_4 = arith.constant 40 : i32
    %scan3A_5 = arith.addi %scan3A_3, %scan3A_4 : i32
    %scan3A_6 = arith.constant 1 : i32
    scf.for %scan3A_8 = %scan3A_3 to %scan3A_5 step %scan3A_6  : i32 {
      %mul3A_9 = arith.constant 2 : i32
      %mul3A_10 = arith.muli %mul3A_9, %scan3A_8 : i32
      %mul3A_11 = arith.constant 128 : i32
      %mul3A_12 = arith.muli %mul3A_10, %mul3A_11 : i32
      %mul3A_13 = arith.constant 2 : i32
      %mul3A_14 = arith.muli %mul3A_13, %scan3A_8 : i32
      %add3A_15 = arith.constant 1 : i32
      %add3A_16 = arith.addi %mul3A_14, %add3A_15 : i32
      %mul3A_17 = arith.constant 128 : i32
      %mul3A_18 = arith.muli %add3A_16, %mul3A_17 : i32
      %dma_start3A = tpu.memref_slice %arg8[%mul3A_12] : memref<10240xi32, #tpu.memory_space<vmem>> -> memref<128xi32, #tpu.memory_space<vmem>>
      %dma_start3A_19 = arith.constant 0 : i32
      %dma_start3A_20 = arith.constant 0 : i32
      %dma_start3A_21 = tpu.memref_slice %arg2[%dma_start3A_19, %dma_start3A_20] : memref<10240x128xf32, #tpu.memory_space<hbm>> -> memref<10240x128xf32, #tpu.memory_space<hbm>>
      tpu.enqueue_indirect_dma source(%dma_start3A_21 : memref<10240x128xf32, #tpu.memory_space<hbm>>) target(%arg10 : memref<128x128xf32, #tpu.memory_space<vmem>>) offsets(%dma_start3A : memref<128xi32, #tpu.memory_space<vmem>>) semaphore(%arg14 : memref<!tpu.dma_semaphore, #tpu.memory_space<semaphore_mem>>)
      %dma_start3A_22 = tpu.memref_slice %arg8[%mul3A_18] : memref<10240xi32, #tpu.memory_space<vmem>> -> memref<128xi32, #tpu.memory_space<vmem>>
      %dma_start3A_23 = arith.constant 0 : i32
      %dma_start3A_24 = arith.constant 0 : i32
      %dma_start3A_25 = tpu.memref_slice %arg2[%dma_start3A_23, %dma_start3A_24] : memref<10240x128xf32, #tpu.memory_space<hbm>> -> memref<10240x128xf32, #tpu.memory_space<hbm>>
      tpu.enqueue_indirect_dma source(%dma_start3A_25 : memref<10240x128xf32, #tpu.memory_space<hbm>>) target(%arg11 : memref<128x128xf32, #tpu.memory_space<vmem>>) offsets(%dma_start3A_22 : memref<128xi32, #tpu.memory_space<vmem>>) semaphore(%arg15 : memref<!tpu.dma_semaphore, #tpu.memory_space<semaphore_mem>>)
      %dma_start3A_26 = tpu.memref_slice %arg9[%mul3A_12] : memref<10240xi32, #tpu.memory_space<vmem>> -> memref<128xi32, #tpu.memory_space<vmem>>
      %dma_start3A_27 = arith.constant 0 : i32
      %dma_start3A_28 = arith.constant 0 : i32
      %dma_start3A_29 = tpu.memref_slice %arg3[%dma_start3A_27, %dma_start3A_28] : memref<10240x128xf32, #tpu.memory_space<hbm>> -> memref<10240x128xf32, #tpu.memory_space<hbm>>
      tpu.enqueue_indirect_dma source(%dma_start3A_29 : memref<10240x128xf32, #tpu.memory_space<hbm>>) target(%arg12 : memref<128x128xf32, #tpu.memory_space<vmem>>) offsets(%dma_start3A_26 : memref<128xi32, #tpu.memory_space<vmem>>) semaphore(%arg16 : memref<!tpu.dma_semaphore, #tpu.memory_space<semaphore_mem>>)
      %dma_start3A_30 = tpu.memref_slice %arg9[%mul3A_18] : memref<10240xi32, #tpu.memory_space<vmem>> -> memref<128xi32, #tpu.memory_space<vmem>>
      %dma_start3A_31 = arith.constant 0 : i32
      %dma_start3A_32 = arith.constant 0 : i32
      %dma_start3A_33 = tpu.memref_slice %arg3[%dma_start3A_31, %dma_start3A_32] : memref<10240x128xf32, #tpu.memory_space<hbm>> -> memref<10240x128xf32, #tpu.memory_space<hbm>>
      tpu.enqueue_indirect_dma source(%dma_start3A_33 : memref<10240x128xf32, #tpu.memory_space<hbm>>) target(%arg13 : memref<128x128xf32, #tpu.memory_space<vmem>>) offsets(%dma_start3A_30 : memref<128xi32, #tpu.memory_space<vmem>>) semaphore(%arg17 : memref<!tpu.dma_semaphore, #tpu.memory_space<semaphore_mem>>)
      %dma_wait3A = tpu.memref_slice %arg8[%mul3A_12] : memref<10240xi32, #tpu.memory_space<vmem>> -> memref<128xi32, #tpu.memory_space<vmem>>
      %dma_wait3A_34 = arith.constant 0 : i32
      %dma_wait3A_35 = arith.constant 0 : i32
      %dma_wait3A_36 = tpu.memref_slice %arg2[%dma_wait3A_34, %dma_wait3A_35] : memref<10240x128xf32, #tpu.memory_space<hbm>> -> memref<10240x128xf32, #tpu.memory_space<hbm>>
      tpu.wait_indirect_dma semaphore(%arg14 : memref<!tpu.dma_semaphore, #tpu.memory_space<semaphore_mem>>) src(%dma_wait3A_36 : memref<10240x128xf32, #tpu.memory_space<hbm>>) dst(%arg10 : memref<128x128xf32, #tpu.memory_space<vmem>>)
      %dma_wait3A_37 = tpu.memref_slice %arg8[%mul3A_18] : memref<10240xi32, #tpu.memory_space<vmem>> -> memref<128xi32, #tpu.memory_space<vmem>>
      %dma_wait3A_38 = arith.constant 0 : i32
      %dma_wait3A_39 = arith.constant 0 : i32
      %dma_wait3A_40 = tpu.memref_slice %arg2[%dma_wait3A_38, %dma_wait3A_39] : memref<10240x128xf32, #tpu.memory_space<hbm>> -> memref<10240x128xf32, #tpu.memory_space<hbm>>
      tpu.wait_indirect_dma semaphore(%arg15 : memref<!tpu.dma_semaphore, #tpu.memory_space<semaphore_mem>>) src(%dma_wait3A_40 : memref<10240x128xf32, #tpu.memory_space<hbm>>) dst(%arg11 : memref<128x128xf32, #tpu.memory_space<vmem>>)
      %dma_wait3A_41 = tpu.memref_slice %arg9[%mul3A_12] : memref<10240xi32, #tpu.memory_space<vmem>> -> memref<128xi32, #tpu.memory_space<vmem>>
      %dma_wait3A_42 = arith.constant 0 : i32
      %dma_wait3A_43 = arith.constant 0 : i32
      %dma_wait3A_44 = tpu.memref_slice %arg3[%dma_wait3A_42, %dma_wait3A_43] : memref<10240x128xf32, #tpu.memory_space<hbm>> -> memref<10240x128xf32, #tpu.memory_space<hbm>>
      tpu.wait_indirect_dma semaphore(%arg16 : memref<!tpu.dma_semaphore, #tpu.memory_space<semaphore_mem>>) src(%dma_wait3A_44 : memref<10240x128xf32, #tpu.memory_space<hbm>>) dst(%arg12 : memref<128x128xf32, #tpu.memory_space<vmem>>)
      %dma_wait3A_45 = tpu.memref_slice %arg9[%mul3A_18] : memref<10240xi32, #tpu.memory_space<vmem>> -> memref<128xi32, #tpu.memory_space<vmem>>
      %dma_wait3A_46 = arith.constant 0 : i32
      %dma_wait3A_47 = arith.constant 0 : i32
      %dma_wait3A_48 = tpu.memref_slice %arg3[%dma_wait3A_46, %dma_wait3A_47] : memref<10240x128xf32, #tpu.memory_space<hbm>> -> memref<10240x128xf32, #tpu.memory_space<hbm>>
      tpu.wait_indirect_dma semaphore(%arg17 : memref<!tpu.dma_semaphore, #tpu.memory_space<semaphore_mem>>) src(%dma_wait3A_48 : memref<10240x128xf32, #tpu.memory_space<hbm>>) dst(%arg13 : memref<128x128xf32, #tpu.memory_space<vmem>>)
      %add3A_49 = arith.addi %mul3A_2, %mul3A_12 : i32
      %dma_start3A_50 = arith.constant 0 : i32
      %dma_start3A_51 = tpu.memref_slice %arg6[%add3A_49, %dma_start3A_50] : memref<327680x128xf32, #tpu.memory_space<hbm>> -> memref<128x128xf32, #tpu.memory_space<hbm>>
      %dma_start3A_52 = arith.constant 0 : i32
      %dma_start3A_53 = tpu.memref_slice %arg6[%add3A_49, %dma_start3A_52] : memref<327680x128xf32, #tpu.memory_space<hbm>> -> memref<128x128xf32, #tpu.memory_space<hbm>>
      tpu.enqueue_dma source(%arg10 : memref<128x128xf32, #tpu.memory_space<vmem>>) target(%dma_start3A_53 : memref<128x128xf32, #tpu.memory_space<hbm>>) target_semaphore(%arg18 : memref<!tpu.dma_semaphore, #tpu.memory_space<semaphore_mem>>)
      %add3A_54 = arith.addi %mul3A_2, %mul3A_18 : i32
      %dma_start3A_55 = arith.constant 0 : i32
      %dma_start3A_56 = tpu.memref_slice %arg6[%add3A_54, %dma_start3A_55] : memref<327680x128xf32, #tpu.memory_space<hbm>> -> memref<128x128xf32, #tpu.memory_space<hbm>>
      %dma_start3A_57 = arith.constant 0 : i32
      %dma_start3A_58 = tpu.memref_slice %arg6[%add3A_54, %dma_start3A_57] : memref<327680x128xf32, #tpu.memory_space<hbm>> -> memref<128x128xf32, #tpu.memory_space<hbm>>
      tpu.enqueue_dma source(%arg11 : memref<128x128xf32, #tpu.memory_space<vmem>>) target(%dma_start3A_58 : memref<128x128xf32, #tpu.memory_space<hbm>>) target_semaphore(%arg18 : memref<!tpu.dma_semaphore, #tpu.memory_space<semaphore_mem>>)
      %add3A_59 = arith.addi %mul3A_2, %mul3A_12 : i32
      %dma_start3A_60 = arith.constant 0 : i32
      %dma_start3A_61 = tpu.memref_slice %arg7[%add3A_59, %dma_start3A_60] : memref<327680x128xf32, #tpu.memory_space<hbm>> -> memref<128x128xf32, #tpu.memory_space<hbm>>
      %dma_start3A_62 = arith.constant 0 : i32
      %dma_start3A_63 = tpu.memref_slice %arg7[%add3A_59, %dma_start3A_62] : memref<327680x128xf32, #tpu.memory_space<hbm>> -> memref<128x128xf32, #tpu.memory_space<hbm>>
      tpu.enqueue_dma source(%arg12 : memref<128x128xf32, #tpu.memory_space<vmem>>) target(%dma_start3A_63 : memref<128x128xf32, #tpu.memory_space<hbm>>) target_semaphore(%arg18 : memref<!tpu.dma_semaphore, #tpu.memory_space<semaphore_mem>>)
      %add3A_64 = arith.addi %mul3A_2, %mul3A_18 : i32
      %dma_start3A_65 = arith.constant 0 : i32
      %dma_start3A_66 = tpu.memref_slice %arg7[%add3A_64, %dma_start3A_65] : memref<327680x128xf32, #tpu.memory_space<hbm>> -> memref<128x128xf32, #tpu.memory_space<hbm>>
      %dma_start3A_67 = arith.constant 0 : i32
      %dma_start3A_68 = tpu.memref_slice %arg7[%add3A_64, %dma_start3A_67] : memref<327680x128xf32, #tpu.memory_space<hbm>> -> memref<128x128xf32, #tpu.memory_space<hbm>>
      tpu.enqueue_dma source(%arg13 : memref<128x128xf32, #tpu.memory_space<vmem>>) target(%dma_start3A_68 : memref<128x128xf32, #tpu.memory_space<hbm>>) target_semaphore(%arg18 : memref<!tpu.dma_semaphore, #tpu.memory_space<semaphore_mem>>)
      %dma_wait3A_69 = arith.constant 0 : i32
      %dma_wait3A_70 = tpu.memref_slice %arg6[%add3A_49, %dma_wait3A_69] : memref<327680x128xf32, #tpu.memory_space<hbm>> -> memref<128x128xf32, #tpu.memory_space<hbm>>
      %dma_wait3A_71 = arith.constant 0 : i32
      %dma_wait3A_72 = tpu.memref_slice %arg6[%add3A_49, %dma_wait3A_71] : memref<327680x128xf32, #tpu.memory_space<hbm>> -> memref<128x128xf32, #tpu.memory_space<hbm>>
      tpu.wait_dma2 semaphore(%arg18 : memref<!tpu.dma_semaphore, #tpu.memory_space<semaphore_mem>>) src(%arg10 : memref<128x128xf32, #tpu.memory_space<vmem>>) dst(%dma_wait3A_72 : memref<128x128xf32, #tpu.memory_space<hbm>>)
      %dma_wait3A_73 = arith.constant 0 : i32
      %dma_wait3A_74 = tpu.memref_slice %arg6[%add3A_54, %dma_wait3A_73] : memref<327680x128xf32, #tpu.memory_space<hbm>> -> memref<128x128xf32, #tpu.memory_space<hbm>>
      %dma_wait3A_75 = arith.constant 0 : i32
      %dma_wait3A_76 = tpu.memref_slice %arg6[%add3A_54, %dma_wait3A_75] : memref<327680x128xf32, #tpu.memory_space<hbm>> -> memref<128x128xf32, #tpu.memory_space<hbm>>
      tpu.wait_dma2 semaphore(%arg18 : memref<!tpu.dma_semaphore, #tpu.memory_space<semaphore_mem>>) src(%arg11 : memref<128x128xf32, #tpu.memory_space<vmem>>) dst(%dma_wait3A_76 : memref<128x128xf32, #tpu.memory_space<hbm>>)
      %dma_wait3A_77 = arith.constant 0 : i32
      %dma_wait3A_78 = tpu.memref_slice %arg7[%add3A_59, %dma_wait3A_77] : memref<327680x128xf32, #tpu.memory_space<hbm>> -> memref<128x128xf32, #tpu.memory_space<hbm>>
      %dma_wait3A_79 = arith.constant 0 : i32
      %dma_wait3A_80 = tpu.memref_slice %arg7[%add3A_59, %dma_wait3A_79] : memref<327680x128xf32, #tpu.memory_space<hbm>> -> memref<128x128xf32, #tpu.memory_space<hbm>>
      tpu.wait_dma2 semaphore(%arg18 : memref<!tpu.dma_semaphore, #tpu.memory_space<semaphore_mem>>) src(%arg12 : memref<128x128xf32, #tpu.memory_space<vmem>>) dst(%dma_wait3A_80 : memref<128x128xf32, #tpu.memory_space<hbm>>)
      %dma_wait3A_81 = arith.constant 0 : i32
      %dma_wait3A_82 = tpu.memref_slice %arg7[%add3A_64, %dma_wait3A_81] : memref<327680x128xf32, #tpu.memory_space<hbm>> -> memref<128x128xf32, #tpu.memory_space<hbm>>
      %dma_wait3A_83 = arith.constant 0 : i32
      %dma_wait3A_84 = tpu.memref_slice %arg7[%add3A_64, %dma_wait3A_83] : memref<327680x128xf32, #tpu.memory_space<hbm>> -> memref<128x128xf32, #tpu.memory_space<hbm>>
      tpu.wait_dma2 semaphore(%arg18 : memref<!tpu.dma_semaphore, #tpu.memory_space<semaphore_mem>>) src(%arg13 : memref<128x128xf32, #tpu.memory_space<vmem>>) dst(%dma_wait3A_84 : memref<128x128xf32, #tpu.memory_space<hbm>>)
    }
    %scan3A_7 = arith.constant 40 : i32
    return
  }
}

#map = affine_map<(d0, d1) -> (0, 0)>
#map1 = affine_map<(d0, d1) -> (0)>
module attributes {stable_mosaic.version = 14 : i64} {
  func.func @sk(%arg0: i32, %arg1: i32, %arg2: memref<327680x128xf32, #tpu.memory_space<hbm>>, %arg3: memref<327680xi32, #tpu.memory_space<hbm>>, %arg4: memref<10240x128xf32, #tpu.memory_space<hbm>>, %arg5: memref<20480x128xf32, #tpu.memory_space<hbm>>, %arg6: memref<128xi32, #tpu.memory_space<vmem>>, %arg7: memref<128x128xf32, #tpu.memory_space<vmem>>, %arg8: memref<10240x128xf32, #tpu.memory_space<vmem_shared>>) attributes {dimension_semantics = [#tpu.dimension_semantics<core_parallel>, #tpu.dimension_semantics<subcore_parallel>], iteration_bounds = array<i64: 2, 16>, scalar_prefetch = 0 : i64, scratch_operands = 3 : i64, tpu.core_type = #tpu.core_type<sc_vector_subcore>, window_params = [{transform_indices = #map}, {transform_indices = #map1}, {transform_indices = #map}, {transform_indices = #map}]} {
    %mul3A = arith.constant 16 : i32
    %mul3A_0 = arith.muli %arg0, %mul3A : i32
    %add3A = arith.addi %mul3A_0, %arg1 : i32
    %mul3A_1 = arith.constant 10240 : i32
    %mul3A_2 = arith.muli %add3A, %mul3A_1 : i32
    %mul3A_3 = arith.constant 640 : i32
    %mul3A_4 = arith.muli %arg1, %mul3A_3 : i32
    "tpu.region"() ({
      %run_scoped3A = tpu.sem_alloc : memref<!tpu.dma_semaphore, #tpu.memory_space<semaphore_mem>>
      %dma_start3A = arith.constant 0 : i32
      %dma_start3A_14 = tpu.memref_slice %arg8[%mul3A_4, %dma_start3A] : memref<10240x128xf32, #tpu.memory_space<vmem_shared>> -> memref<640x128xf32, #tpu.memory_space<vmem_shared>>
      %dma_start3A_15 = arith.constant 0 : i32
      %dma_start3A_16 = tpu.memref_slice %arg4[%mul3A_4, %dma_start3A_15] : memref<10240x128xf32, #tpu.memory_space<hbm>> -> memref<640x128xf32, #tpu.memory_space<hbm>>
      tpu.enqueue_dma source(%dma_start3A_16 : memref<640x128xf32, #tpu.memory_space<hbm>>) target(%dma_start3A_14 : memref<640x128xf32, #tpu.memory_space<vmem_shared>>) target_semaphore(%run_scoped3A : memref<!tpu.dma_semaphore, #tpu.memory_space<semaphore_mem>>)
      %dma_wait3A = arith.constant 0 : i32
      %dma_wait3A_17 = tpu.memref_slice %arg8[%mul3A_4, %dma_wait3A] : memref<10240x128xf32, #tpu.memory_space<vmem_shared>> -> memref<640x128xf32, #tpu.memory_space<vmem_shared>>
      %dma_wait3A_18 = arith.constant 0 : i32
      %dma_wait3A_19 = tpu.memref_slice %arg4[%mul3A_4, %dma_wait3A_18] : memref<10240x128xf32, #tpu.memory_space<hbm>> -> memref<640x128xf32, #tpu.memory_space<hbm>>
      tpu.wait_dma2 semaphore(%run_scoped3A : memref<!tpu.dma_semaphore, #tpu.memory_space<semaphore_mem>>) src(%dma_wait3A_19 : memref<640x128xf32, #tpu.memory_space<hbm>>) dst(%dma_wait3A_17 : memref<640x128xf32, #tpu.memory_space<vmem_shared>>)
      tpu.yield
    }) : () -> ()
    %barrier3A = arith.constant 0 : index
    tpu.barrier barrier_id(%barrier3A)
    %scan3A = arith.constant 0 : i32
    %scan3A_5 = arith.constant 0 : i32
    %scan3A_6 = arith.constant 80 : i32
    %scan3A_7 = arith.addi %scan3A_5, %scan3A_6 : i32
    %scan3A_8 = arith.constant 1 : i32
    scf.for %scan3A_14 = %scan3A_5 to %scan3A_7 step %scan3A_8  : i32 {
      %mul3A_15 = arith.constant 128 : i32
      %mul3A_16 = arith.muli %scan3A_14, %mul3A_15 : i32
      %add3A_17 = arith.addi %mul3A_2, %mul3A_16 : i32
      "tpu.region"() ({
        %run_scoped3A = tpu.sem_alloc : memref<!tpu.dma_semaphore, #tpu.memory_space<semaphore_mem>>
        %dma_start3A = tpu.memref_slice %arg3[%add3A_17] : memref<327680xi32, #tpu.memory_space<hbm>> -> memref<128xi32, #tpu.memory_space<hbm>>
        %dma_start3A_18 = tpu.memref_slice %arg3[%add3A_17] : memref<327680xi32, #tpu.memory_space<hbm>> -> memref<128xi32, #tpu.memory_space<hbm>>
        tpu.enqueue_dma source(%dma_start3A_18 : memref<128xi32, #tpu.memory_space<hbm>>) target(%arg6 : memref<128xi32, #tpu.memory_space<vmem>>) target_semaphore(%run_scoped3A : memref<!tpu.dma_semaphore, #tpu.memory_space<semaphore_mem>>)
        %dma_wait3A = tpu.memref_slice %arg3[%add3A_17] : memref<327680xi32, #tpu.memory_space<hbm>> -> memref<128xi32, #tpu.memory_space<hbm>>
        %dma_wait3A_19 = tpu.memref_slice %arg3[%add3A_17] : memref<327680xi32, #tpu.memory_space<hbm>> -> memref<128xi32, #tpu.memory_space<hbm>>
        tpu.wait_dma2 semaphore(%run_scoped3A : memref<!tpu.dma_semaphore, #tpu.memory_space<semaphore_mem>>) src(%dma_wait3A_19 : memref<128xi32, #tpu.memory_space<hbm>>) dst(%arg6 : memref<128xi32, #tpu.memory_space<vmem>>)
        tpu.yield
      }) : () -> ()
      "tpu.region"() ({
        %run_scoped3A = tpu.sem_alloc : memref<!tpu.dma_semaphore, #tpu.memory_space<semaphore_mem>>
        %dma_start3A = arith.constant 0 : i32
        %dma_start3A_18 = tpu.memref_slice %arg2[%add3A_17, %dma_start3A] : memref<327680x128xf32, #tpu.memory_space<hbm>> -> memref<128x128xf32, #tpu.memory_space<hbm>>
        %dma_start3A_19 = arith.constant 0 : i32
        %dma_start3A_20 = tpu.memref_slice %arg2[%add3A_17, %dma_start3A_19] : memref<327680x128xf32, #tpu.memory_space<hbm>> -> memref<128x128xf32, #tpu.memory_space<hbm>>
        tpu.enqueue_dma source(%dma_start3A_20 : memref<128x128xf32, #tpu.memory_space<hbm>>) target(%arg7 : memref<128x128xf32, #tpu.memory_space<vmem>>) target_semaphore(%run_scoped3A : memref<!tpu.dma_semaphore, #tpu.memory_space<semaphore_mem>>)
        %dma_wait3A = arith.constant 0 : i32
        %dma_wait3A_21 = tpu.memref_slice %arg2[%add3A_17, %dma_wait3A] : memref<327680x128xf32, #tpu.memory_space<hbm>> -> memref<128x128xf32, #tpu.memory_space<hbm>>
        %dma_wait3A_22 = arith.constant 0 : i32
        %dma_wait3A_23 = tpu.memref_slice %arg2[%add3A_17, %dma_wait3A_22] : memref<327680x128xf32, #tpu.memory_space<hbm>> -> memref<128x128xf32, #tpu.memory_space<hbm>>
        tpu.wait_dma2 semaphore(%run_scoped3A : memref<!tpu.dma_semaphore, #tpu.memory_space<semaphore_mem>>) src(%dma_wait3A_23 : memref<128x128xf32, #tpu.memory_space<hbm>>) dst(%arg7 : memref<128x128xf32, #tpu.memory_space<vmem>>)
        tpu.yield
      }) : () -> ()
      "tpu.region"() ({
        %run_scoped3A = tpu.sem_alloc : memref<!tpu.dma_semaphore, #tpu.memory_space<semaphore_mem>>
        %dma_start3A = arith.constant 0 : i32
        %dma_start3A_18 = arith.constant 0 : i32
        %dma_start3A_19 = tpu.memref_slice %arg8[%dma_start3A, %dma_start3A_18] : memref<10240x128xf32, #tpu.memory_space<vmem_shared>> -> memref<10240x128xf32, #tpu.memory_space<vmem_shared>>
        tpu.enqueue_indirect_dma source(%arg7 : memref<128x128xf32, #tpu.memory_space<vmem>>) target(%dma_start3A_19 : memref<10240x128xf32, #tpu.memory_space<vmem_shared>>) offsets(%arg6 : memref<128xi32, #tpu.memory_space<vmem>>) semaphore(%run_scoped3A : memref<!tpu.dma_semaphore, #tpu.memory_space<semaphore_mem>>) {add = true}
        %dma_wait3A = arith.constant 0 : i32
        %dma_wait3A_20 = arith.constant 0 : i32
        %dma_wait3A_21 = tpu.memref_slice %arg8[%dma_wait3A, %dma_wait3A_20] : memref<10240x128xf32, #tpu.memory_space<vmem_shared>> -> memref<10240x128xf32, #tpu.memory_space<vmem_shared>>
        tpu.wait_indirect_dma semaphore(%run_scoped3A : memref<!tpu.dma_semaphore, #tpu.memory_space<semaphore_mem>>) src(%arg7 : memref<128x128xf32, #tpu.memory_space<vmem>>) dst(%dma_wait3A_21 : memref<10240x128xf32, #tpu.memory_space<vmem_shared>>)
        tpu.yield
      }) : () -> ()
    }
    %scan3A_9 = arith.constant 80 : i32
    %barrier3A_10 = arith.constant 0 : index
    tpu.barrier barrier_id(%barrier3A_10)
    %mul3A_11 = arith.constant 10240 : i32
    %mul3A_12 = arith.muli %arg0, %mul3A_11 : i32
    %add3A_13 = arith.addi %mul3A_12, %mul3A_4 : i32
    "tpu.region"() ({
      %run_scoped3A = tpu.sem_alloc : memref<!tpu.dma_semaphore, #tpu.memory_space<semaphore_mem>>
      %dma_start3A = arith.constant 0 : i32
      %dma_start3A_14 = tpu.memref_slice %arg5[%add3A_13, %dma_start3A] : memref<20480x128xf32, #tpu.memory_space<hbm>> -> memref<640x128xf32, #tpu.memory_space<hbm>>
      %dma_start3A_15 = arith.constant 0 : i32
      %dma_start3A_16 = tpu.memref_slice %arg8[%mul3A_4, %dma_start3A_15] : memref<10240x128xf32, #tpu.memory_space<vmem_shared>> -> memref<640x128xf32, #tpu.memory_space<vmem_shared>>
      tpu.enqueue_dma source(%dma_start3A_16 : memref<640x128xf32, #tpu.memory_space<vmem_shared>>) target(%dma_start3A_14 : memref<640x128xf32, #tpu.memory_space<hbm>>) target_semaphore(%run_scoped3A : memref<!tpu.dma_semaphore, #tpu.memory_space<semaphore_mem>>)
      %dma_wait3A = arith.constant 0 : i32
      %dma_wait3A_17 = tpu.memref_slice %arg5[%add3A_13, %dma_wait3A] : memref<20480x128xf32, #tpu.memory_space<hbm>> -> memref<640x128xf32, #tpu.memory_space<hbm>>
      %dma_wait3A_18 = arith.constant 0 : i32
      %dma_wait3A_19 = tpu.memref_slice %arg8[%mul3A_4, %dma_wait3A_18] : memref<10240x128xf32, #tpu.memory_space<vmem_shared>> -> memref<640x128xf32, #tpu.memory_space<vmem_shared>>
      tpu.wait_dma2 semaphore(%run_scoped3A : memref<!tpu.dma_semaphore, #tpu.memory_space<semaphore_mem>>) src(%dma_wait3A_19 : memref<640x128xf32, #tpu.memory_space<vmem_shared>>) dst(%dma_wait3A_17 : memref<640x128xf32, #tpu.memory_space<hbm>>)
      tpu.yield
    }) : () -> ()
    return
  }
}

module attributes {stable_mosaic.version = 14 : i64} {
  func.func @body(%arg0: i32, %arg1: memref<2048x64xf32, #tpu.memory_space<vmem>>, %arg2: memref<2048x48xf32, #tpu.memory_space<vmem>>, %arg3: memref<32x2048xf32, #tpu.memory_space<vmem>>, %arg4: memref<2048x64xf32, #tpu.memory_space<vmem>>, %arg5: memref<2048x48xf32, #tpu.memory_space<vmem>>, %arg6: memref<32x8xf32, #tpu.memory_space<vmem>>) attributes {dimension_semantics = [#tpu.dimension_semantics<arbitrary>], iteration_bounds = array<i64: 5>, scalar_prefetch = 0 : i64, scratch_operands = 0 : i64, tpu.core_type = #tpu.core_type<tc>, window_params = [{transform_indices = @transform_0, window_bounds = array<i64: 2048, 64>}, {transform_indices = @transform_1, window_bounds = array<i64: 2048, 48>}, {transform_indices = @transform_2, window_bounds = array<i64: 32, 2048>}, {transform_indices = @transform_3, window_bounds = array<i64: 2048, 64>}, {transform_indices = @transform_4, window_bounds = array<i64: 2048, 48>}, {pipeline_mode = #tpu.pipeline_mode<synchronous>, transform_indices = @transform_5, window_bounds = array<i64: 32, 8>}]} {
    %get3A = arith.constant 0 : index
    %get3A_0 = arith.constant 0 : index
    %get3A_1 = vector.load %arg1[%get3A, %get3A_0] : memref<2048x64xf32, #tpu.memory_space<vmem>>, vector<2048x64xf32>
    %get3A_2 = arith.constant 0 : index
    %get3A_3 = arith.constant 0 : index
    %get3A_4 = vector.load %arg2[%get3A_2, %get3A_3] : memref<2048x48xf32, #tpu.memory_space<vmem>>, vector<2048x48xf32>
    %swap3A = arith.constant 0 : index
    %swap3A_5 = arith.constant 0 : index
    %swap3A_6 = vector.load %arg4[%swap3A, %swap3A_5] : memref<2048x64xf32, #tpu.memory_space<vmem>>, vector<2048x64xf32>
    tpu.vector_store %arg4[%swap3A, %swap3A_5], %get3A_1 {strides = array<i32>} : memref<2048x64xf32, #tpu.memory_space<vmem>>, vector<2048x64xf32>,
    %swap3A_7 = arith.constant 0 : index
    %swap3A_8 = arith.constant 0 : index
    %swap3A_9 = vector.load %arg5[%swap3A_7, %swap3A_8] : memref<2048x48xf32, #tpu.memory_space<vmem>>, vector<2048x48xf32>
    tpu.vector_store %arg5[%swap3A_7, %swap3A_8], %get3A_4 {strides = array<i32>} : memref<2048x48xf32, #tpu.memory_space<vmem>>, vector<2048x48xf32>,
    %reduce_sum3A = arith.constant dense<0.000000e+00> : vector<2048xf32>
    %reduce_sum3A_10 = vector.multi_reduction <add>, %get3A_1, %reduce_sum3A [1] : vector<2048x64xf32> to vector<2048xf32>
    %broadcast_in_dim3A = vector.shape_cast %reduce_sum3A_10 : vector<2048xf32> to vector<2048x1xf32>
    %mul3A = arith.mulf %get3A_1, %get3A_1 : vector<2048x64xf32>
    %reduce_sum3A_11 = arith.constant dense<0.000000e+00> : vector<2048xf32>
    %reduce_sum3A_12 = vector.multi_reduction <add>, %mul3A, %reduce_sum3A_11 [1] : vector<2048x64xf32> to vector<2048xf32>
    %broadcast_in_dim3A_13 = vector.shape_cast %reduce_sum3A_12 : vector<2048xf32> to vector<2048x1xf32>
    %mul3A_14 = arith.mulf %get3A_4, %get3A_4 : vector<2048x48xf32>
    %reduce_sum3A_15 = arith.constant dense<0.000000e+00> : vector<2048xf32>
    %reduce_sum3A_16 = vector.multi_reduction <add>, %mul3A_14, %reduce_sum3A_15 [1] : vector<2048x48xf32> to vector<2048xf32>
    %broadcast_in_dim3A_17 = vector.shape_cast %reduce_sum3A_16 : vector<2048xf32> to vector<2048x1xf32>
    %broadcast_in_dim3A_18 = arith.constant 1.000000e+00 : f32
    %broadcast_in_dim3A_19 = vector.broadcast %broadcast_in_dim3A_18 : f32 to vector<2048x1xf32>
    %broadcast_in_dim3A_20 = arith.constant 0.000000e+00 : f32
    %broadcast_in_dim3A_21 = vector.broadcast %broadcast_in_dim3A_20 : f32 to vector<2048x4xf32>
    %concatenate3A = tpu.concatenate %broadcast_in_dim3A, %broadcast_in_dim3A_13, %broadcast_in_dim3A_17, %broadcast_in_dim3A_19, %broadcast_in_dim3A_21 in 1 : vector<2048x1xf32>, vector<2048x1xf32>, vector<2048x1xf32>, vector<2048x1xf32>, vector<2048x4xf32> -> vector<2048x8xf32>
    %get3A_22 = arith.constant 0 : index
    %get3A_23 = arith.constant 0 : index
    %get3A_24 = vector.load %arg3[%get3A_22, %get3A_23] : memref<32x2048xf32, #tpu.memory_space<vmem>>, vector<32x2048xf32>
    %dot_general3A = arith.constant dense<0.000000e+00> : vector<32x8xf32>
    %dot_general3A_25 = tpu.matmul %get3A_24, %concatenate3A, %dot_general3A {dimension_numbers = #tpu.dot_dimension_numbers<[1], [0], [0], [1], [0, 0, 1, 1], [], []>, transpose_lhs_hint = false} : vector<32x2048xf32>, vector<2048x8xf32>, vector<32x8xf32> -> vector<32x8xf32>
    %eq3A = arith.constant 0 : i32
    %eq3A_26 = arith.cmpi eq, %arg0, %eq3A : i32
    %convert_element_type3A = arith.extui %eq3A_26 : i1 to i32
    %cond3A = arith.constant 0 : i32
    %cond3A_27 = arith.cmpi ne, %convert_element_type3A, %cond3A : i32
    scf.if %cond3A_27 {
      %broadcast_in_dim3A_34 = arith.constant 0.000000e+00 : f32
      %broadcast_in_dim3A_35 = vector.broadcast %broadcast_in_dim3A_34 : f32 to vector<32x8xf32>
      %swap3A_36 = arith.constant 0 : index
      %swap3A_37 = arith.constant 0 : index
      %swap3A_38 = vector.load %arg6[%swap3A_36, %swap3A_37] : memref<32x8xf32, #tpu.memory_space<vmem>>, vector<32x8xf32>
      tpu.vector_store %arg6[%swap3A_36, %swap3A_37], %broadcast_in_dim3A_35 {strides = array<i32>} : memref<32x8xf32, #tpu.memory_space<vmem>>, vector<32x8xf32>,
    } else {
    }
    %get3A_28 = arith.constant 0 : index
    %get3A_29 = arith.constant 0 : index
    %get3A_30 = vector.load %arg6[%get3A_28, %get3A_29] : memref<32x8xf32, #tpu.memory_space<vmem>>, vector<32x8xf32>
    %add3A = arith.addf %get3A_30, %dot_general3A_25 : vector<32x8xf32>
    %swap3A_31 = arith.constant 0 : index
    %swap3A_32 = arith.constant 0 : index
    %swap3A_33 = vector.load %arg6[%swap3A_31, %swap3A_32] : memref<32x8xf32, #tpu.memory_space<vmem>>, vector<32x8xf32>
    tpu.vector_store %arg6[%swap3A_31, %swap3A_32], %add3A {strides = array<i32>} : memref<32x8xf32, #tpu.memory_space<vmem>>, vector<32x8xf32>,
    return
  }
  func.func @transform_0(%arg0: i32) -> (i32, i32) {
    %c0_i32 = arith.constant 0 : i32
    %c0_i32_0 = arith.constant 0 : i32
    return %arg0, %c0_i32 : i32, i32
  }
  func.func @transform_1(%arg0: i32) -> (i32, i32) {
    %c0_i32 = arith.constant 0 : i32
    %c0_i32_0 = arith.constant 0 : i32
    return %arg0, %c0_i32 : i32, i32
  }
  func.func @transform_2(%arg0: i32) -> (i32, i32) {
    %c0_i32 = arith.constant 0 : i32
    %c0_i32_0 = arith.constant 0 : i32
    return %c0_i32, %arg0 : i32, i32
  }
  func.func @transform_3(%arg0: i32) -> (i32, i32) {
    %c0_i32 = arith.constant 0 : i32
    %c0_i32_0 = arith.constant 0 : i32
    return %arg0, %c0_i32 : i32, i32
  }
  func.func @transform_4(%arg0: i32) -> (i32, i32) {
    %c0_i32 = arith.constant 0 : i32
    %c0_i32_0 = arith.constant 0 : i32
    return %arg0, %c0_i32 : i32, i32
  }
  func.func @transform_5(%arg0: i32) -> (i32, i32) {
    %c0_i32 = arith.constant 0 : i32
    %c0_i32_0 = arith.constant 0 : i32
    %c0_i32_1 = arith.constant 0 : i32
    return %c0_i32, %c0_i32_0 : i32, i32
  }
}

module attributes {stable_mosaic.version = 14 : i64} {
  func.func @body(%arg0: i32, %arg1: memref<2048x64xf32, #tpu.memory_space<vmem>>, %arg2: memref<2048x48xf32, #tpu.memory_space<vmem>>, %arg3: memref<2048x32xf32, #tpu.memory_space<vmem>>, %arg4: memref<32x8xf32, #tpu.memory_space<vmem>>, %arg5: memref<1x64xf32, #tpu.memory_space<vmem>>, %arg6: memref<1x64xf32, #tpu.memory_space<vmem>>, %arg7: memref<64x64xf32, #tpu.memory_space<vmem>>, %arg8: memref<64x64xf32, #tpu.memory_space<vmem>>, %arg9: memref<2048x64xf32, #tpu.memory_space<vmem>>, %arg10: memref<2048x48xf32, #tpu.memory_space<vmem>>, %arg11: memref<2048x128xf32, #tpu.memory_space<vmem>>, %arg12: memref<2048x128xf32, #tpu.memory_space<vmem>>) attributes {dimension_semantics = [#tpu.dimension_semantics<arbitrary>], iteration_bounds = array<i64: 5>, scalar_prefetch = 0 : i64, scratch_operands = 0 : i64, tpu.core_type = #tpu.core_type<tc>, window_params = [{transform_indices = @transform_0, window_bounds = array<i64: 2048, 64>}, {transform_indices = @transform_1, window_bounds = array<i64: 2048, 48>}, {transform_indices = @transform_2, window_bounds = array<i64: 2048, 32>}, {pipeline_mode = #tpu.pipeline_mode<synchronous>, transform_indices = @transform_3, window_bounds = array<i64: 32, 8>}, {pipeline_mode = #tpu.pipeline_mode<synchronous>, transform_indices = @transform_4, window_bounds = array<i64: 1, 64>}, {pipeline_mode = #tpu.pipeline_mode<synchronous>, transform_indices = @transform_5, window_bounds = array<i64: 1, 64>}, {pipeline_mode = #tpu.pipeline_mode<synchronous>, transform_indices = @transform_6, window_bounds = array<i64: 64, 64>}, {pipeline_mode = #tpu.pipeline_mode<synchronous>, transform_indices = @transform_7, window_bounds = array<i64: 64, 64>}, {transform_indices = @transform_8, window_bounds = array<i64: 2048, 64>}, {transform_indices = @transform_9, window_bounds = array<i64: 2048, 48>}, {transform_indices = @transform_10, window_bounds = array<i64: 2048, 128>}, {transform_indices = @transform_11, window_bounds = array<i64: 2048, 128>}]} {
    %get3A = arith.constant 0 : index
    %get3A_0 = arith.constant 0 : index
    %get3A_1 = vector.load %arg4[%get3A, %get3A_0] : memref<32x8xf32, #tpu.memory_space<vmem>>, vector<32x8xf32>
    %slice3A = vector.extract_strided_slice %get3A_1 {offsets = [0, 3], sizes = [32, 1], strides = [1, 1]} : vector<32x8xf32> to vector<32x1xf32>
    %max3A = arith.constant 1.000000e+00 : f32
    %max3A_2 = vector.broadcast %max3A : f32 to vector<32x1xf32>
    %max3A_3 = arith.maximumf %slice3A, %max3A_2 : vector<32x1xf32>
    %slice3A_4 = vector.extract_strided_slice %get3A_1 {offsets = [0, 0], sizes = [32, 1], strides = [1, 1]} : vector<32x8xf32> to vector<32x1xf32>
    %mul3A = arith.constant 6.400000e+01 : f32
    %mul3A_5 = vector.broadcast %mul3A : f32 to vector<32x1xf32>
    %mul3A_6 = arith.mulf %mul3A_5, %max3A_3 : vector<32x1xf32>
    %div3A = arith.divf %slice3A_4, %mul3A_6 : vector<32x1xf32>
    %slice3A_7 = vector.extract_strided_slice %get3A_1 {offsets = [0, 1], sizes = [32, 1], strides = [1, 1]} : vector<32x8xf32> to vector<32x1xf32>
    %mul3A_8 = arith.constant 6.400000e+01 : f32
    %mul3A_9 = vector.broadcast %mul3A_8 : f32 to vector<32x1xf32>
    %mul3A_10 = arith.mulf %mul3A_9, %max3A_3 : vector<32x1xf32>
    %div3A_11 = arith.divf %slice3A_7, %mul3A_10 : vector<32x1xf32>
    %mul3A_12 = arith.mulf %div3A, %div3A : vector<32x1xf32>
    %sub3A = arith.subf %div3A_11, %mul3A_12 : vector<32x1xf32>
    %add3A = arith.constant 9.99999997E-7 : f32
    %add3A_13 = vector.broadcast %add3A : f32 to vector<32x1xf32>
    %add3A_14 = arith.addf %sub3A, %add3A_13 : vector<32x1xf32>
    %rsqrt3A = math.rsqrt %add3A_14 : vector<32x1xf32>
    %slice3A_15 = vector.extract_strided_slice %get3A_1 {offsets = [0, 2], sizes = [32, 1], strides = [1, 1]} : vector<32x8xf32> to vector<32x1xf32>
    %mul3A_16 = arith.constant 1.600000e+01 : f32
    %mul3A_17 = vector.broadcast %mul3A_16 : f32 to vector<32x1xf32>
    %mul3A_18 = arith.mulf %mul3A_17, %max3A_3 : vector<32x1xf32>
    %div3A_19 = arith.divf %slice3A_15, %mul3A_18 : vector<32x1xf32>
    %add3A_20 = arith.constant 9.99999997E-7 : f32
    %add3A_21 = vector.broadcast %add3A_20 : f32 to vector<32x1xf32>
    %add3A_22 = arith.addf %div3A_19, %add3A_21 : vector<32x1xf32>
    %rsqrt3A_23 = math.rsqrt %add3A_22 : vector<32x1xf32>
    %broadcast_in_dim3A = arith.constant 0.000000e+00 : f32
    %broadcast_in_dim3A_24 = vector.broadcast %broadcast_in_dim3A : f32 to vector<32x5xf32>
    %concatenate3A = tpu.concatenate %div3A, %rsqrt3A, %rsqrt3A_23, %broadcast_in_dim3A_24 in 1 : vector<32x1xf32>, vector<32x1xf32>, vector<32x1xf32>, vector<32x5xf32> -> vector<32x8xf32>
    %get3A_25 = arith.constant 0 : index
    %get3A_26 = arith.constant 0 : index
    %get3A_27 = vector.load %arg3[%get3A_25, %get3A_26] : memref<2048x32xf32, #tpu.memory_space<vmem>>, vector<2048x32xf32>
    %dot_general3A = arith.constant dense<0.000000e+00> : vector<2048x8xf32>
    %dot_general3A_28 = tpu.matmul %get3A_27, %concatenate3A, %dot_general3A {dimension_numbers = #tpu.dot_dimension_numbers<[1], [0], [0], [1], [0, 0, 1, 1], [], []>, transpose_lhs_hint = false} : vector<2048x32xf32>, vector<32x8xf32>, vector<2048x8xf32> -> vector<2048x8xf32>
    %get3A_29 = arith.constant 0 : index
    %get3A_30 = arith.constant 0 : index
    %get3A_31 = vector.load %arg1[%get3A_29, %get3A_30] : memref<2048x64xf32, #tpu.memory_space<vmem>>, vector<2048x64xf32>
    %slice3A_32 = vector.extract_strided_slice %dot_general3A_28 {offsets = [0, 0], sizes = [2048, 1], strides = [1, 1]} : vector<2048x8xf32> to vector<2048x1xf32>
    %sub3A_33 = vector.broadcast %slice3A_32 : vector<2048x1xf32> to vector<2048x64xf32>
    %sub3A_34 = arith.subf %get3A_31, %sub3A_33 : vector<2048x64xf32>
    %slice3A_35 = vector.extract_strided_slice %dot_general3A_28 {offsets = [0, 1], sizes = [2048, 1], strides = [1, 1]} : vector<2048x8xf32> to vector<2048x1xf32>
    %mul3A_36 = vector.broadcast %slice3A_35 : vector<2048x1xf32> to vector<2048x64xf32>
    %mul3A_37 = arith.mulf %sub3A_34, %mul3A_36 : vector<2048x64xf32>
    %get3A_38 = arith.constant 0 : index
    %get3A_39 = arith.constant 0 : index
    %get3A_40 = vector.load %arg5[%get3A_38, %get3A_39] : memref<1x64xf32, #tpu.memory_space<vmem>>, vector<1x64xf32>
    %mul3A_41 = vector.broadcast %get3A_40 : vector<1x64xf32> to vector<2048x64xf32>
    %mul3A_42 = arith.mulf %mul3A_37, %mul3A_41 : vector<2048x64xf32>
    %get3A_43 = arith.constant 0 : index
    %get3A_44 = arith.constant 0 : index
    %get3A_45 = vector.load %arg6[%get3A_43, %get3A_44] : memref<1x64xf32, #tpu.memory_space<vmem>>, vector<1x64xf32>
    %add3A_46 = vector.broadcast %get3A_45 : vector<1x64xf32> to vector<2048x64xf32>
    %add3A_47 = arith.addf %mul3A_42, %add3A_46 : vector<2048x64xf32>
    %get3A_48 = arith.constant 0 : index
    %get3A_49 = arith.constant 0 : index
    %get3A_50 = vector.load %arg2[%get3A_48, %get3A_49] : memref<2048x48xf32, #tpu.memory_space<vmem>>, vector<2048x48xf32>
    %slice3A_51 = vector.extract_strided_slice %dot_general3A_28 {offsets = [0, 2], sizes = [2048, 1], strides = [1, 1]} : vector<2048x8xf32> to vector<2048x1xf32>
    %mul3A_52 = vector.broadcast %slice3A_51 : vector<2048x1xf32> to vector<2048x48xf32>
    %mul3A_53 = arith.mulf %get3A_50, %mul3A_52 : vector<2048x48xf32>
    %swap3A = arith.constant 0 : index
    %swap3A_54 = arith.constant 0 : index
    %swap3A_55 = vector.load %arg9[%swap3A, %swap3A_54] : memref<2048x64xf32, #tpu.memory_space<vmem>>, vector<2048x64xf32>
    tpu.vector_store %arg9[%swap3A, %swap3A_54], %add3A_47 {strides = array<i32>} : memref<2048x64xf32, #tpu.memory_space<vmem>>, vector<2048x64xf32>,
    %swap3A_56 = arith.constant 0 : index
    %swap3A_57 = arith.constant 0 : index
    %swap3A_58 = vector.load %arg10[%swap3A_56, %swap3A_57] : memref<2048x48xf32, #tpu.memory_space<vmem>>, vector<2048x48xf32>
    tpu.vector_store %arg10[%swap3A_56, %swap3A_57], %mul3A_53 {strides = array<i32>} : memref<2048x48xf32, #tpu.memory_space<vmem>>, vector<2048x48xf32>,
    %broadcast_in_dim3A_59 = arith.constant 0.000000e+00 : f32
    %broadcast_in_dim3A_60 = vector.broadcast %broadcast_in_dim3A_59 : f32 to vector<2048x64xf32>
    %get3A_61 = arith.constant 0 : index
    %get3A_62 = arith.constant 0 : index
    %get3A_63 = vector.load %arg7[%get3A_61, %get3A_62] : memref<64x64xf32, #tpu.memory_space<vmem>>, vector<64x64xf32>
    %dot_general3A_64 = arith.constant dense<0.000000e+00> : vector<2048x64xf32>
    %dot_general3A_65 = tpu.matmul %add3A_47, %get3A_63, %dot_general3A_64 {dimension_numbers = #tpu.dot_dimension_numbers<[1], [0], [0], [1], [0, 0, 1, 1], [], []>, transpose_lhs_hint = false} : vector<2048x64xf32>, vector<64x64xf32>, vector<2048x64xf32> -> vector<2048x64xf32>
    %concatenate3A_66 = tpu.concatenate %dot_general3A_65, %broadcast_in_dim3A_60 in 1 : vector<2048x64xf32>, vector<2048x64xf32> -> vector<2048x128xf32>
    %swap3A_67 = arith.constant 0 : index
    %swap3A_68 = arith.constant 0 : index
    %swap3A_69 = vector.load %arg11[%swap3A_67, %swap3A_68] : memref<2048x128xf32, #tpu.memory_space<vmem>>, vector<2048x128xf32>
    tpu.vector_store %arg11[%swap3A_67, %swap3A_68], %concatenate3A_66 {strides = array<i32>} : memref<2048x128xf32, #tpu.memory_space<vmem>>, vector<2048x128xf32>,
    %get3A_70 = arith.constant 0 : index
    %get3A_71 = arith.constant 0 : index
    %get3A_72 = vector.load %arg8[%get3A_70, %get3A_71] : memref<64x64xf32, #tpu.memory_space<vmem>>, vector<64x64xf32>
    %dot_general3A_73 = arith.constant dense<0.000000e+00> : vector<2048x64xf32>
    %dot_general3A_74 = tpu.matmul %add3A_47, %get3A_72, %dot_general3A_73 {dimension_numbers = #tpu.dot_dimension_numbers<[1], [0], [0], [1], [0, 0, 1, 1], [], []>, transpose_lhs_hint = false} : vector<2048x64xf32>, vector<64x64xf32>, vector<2048x64xf32> -> vector<2048x64xf32>
    %concatenate3A_75 = tpu.concatenate %dot_general3A_74, %broadcast_in_dim3A_60 in 1 : vector<2048x64xf32>, vector<2048x64xf32> -> vector<2048x128xf32>
    %swap3A_76 = arith.constant 0 : index
    %swap3A_77 = arith.constant 0 : index
    %swap3A_78 = vector.load %arg12[%swap3A_76, %swap3A_77] : memref<2048x128xf32, #tpu.memory_space<vmem>>, vector<2048x128xf32>
    tpu.vector_store %arg12[%swap3A_76, %swap3A_77], %concatenate3A_75 {strides = array<i32>} : memref<2048x128xf32, #tpu.memory_space<vmem>>, vector<2048x128xf32>,
    return
  }
  func.func @transform_0(%arg0: i32) -> (i32, i32) {
    %c0_i32 = arith.constant 0 : i32
    %c0_i32_0 = arith.constant 0 : i32
    return %arg0, %c0_i32 : i32, i32
  }
  func.func @transform_1(%arg0: i32) -> (i32, i32) {
    %c0_i32 = arith.constant 0 : i32
    %c0_i32_0 = arith.constant 0 : i32
    return %arg0, %c0_i32 : i32, i32
  }
  func.func @transform_2(%arg0: i32) -> (i32, i32) {
    %c0_i32 = arith.constant 0 : i32
    %c0_i32_0 = arith.constant 0 : i32
    return %arg0, %c0_i32 : i32, i32
  }
  func.func @transform_3(%arg0: i32) -> (i32, i32) {
    %c0_i32 = arith.constant 0 : i32
    %c0_i32_0 = arith.constant 0 : i32
    %c0_i32_1 = arith.constant 0 : i32
    return %c0_i32, %c0_i32_0 : i32, i32
  }
  func.func @transform_4(%arg0: i32) -> (i32, i32) {
    %c0_i32 = arith.constant 0 : i32
    %c0_i32_0 = arith.constant 0 : i32
    %c0_i32_1 = arith.constant 0 : i32
    return %c0_i32, %c0_i32_0 : i32, i32
  }
  func.func @transform_5(%arg0: i32) -> (i32, i32) {
    %c0_i32 = arith.constant 0 : i32
    %c0_i32_0 = arith.constant 0 : i32
    %c0_i32_1 = arith.constant 0 : i32
    return %c0_i32, %c0_i32_0 : i32, i32
  }
  func.func @transform_6(%arg0: i32) -> (i32, i32) {
    %c0_i32 = arith.constant 0 : i32
    %c0_i32_0 = arith.constant 0 : i32
    %c0_i32_1 = arith.constant 0 : i32
    return %c0_i32, %c0_i32_0 : i32, i32
  }
  func.func @transform_7(%arg0: i32) -> (i32, i32) {
    %c0_i32 = arith.constant 0 : i32
    %c0_i32_0 = arith.constant 0 : i32
    %c0_i32_1 = arith.constant 0 : i32
    return %c0_i32, %c0_i32_0 : i32, i32
  }
  func.func @transform_8(%arg0: i32) -> (i32, i32) {
    %c0_i32 = arith.constant 0 : i32
    %c0_i32_0 = arith.constant 0 : i32
    return %arg0, %c0_i32 : i32, i32
  }
  func.func @transform_9(%arg0: i32) -> (i32, i32) {
    %c0_i32 = arith.constant 0 : i32
    %c0_i32_0 = arith.constant 0 : i32
    return %arg0, %c0_i32 : i32, i32
  }
  func.func @transform_10(%arg0: i32) -> (i32, i32) {
    %c0_i32 = arith.constant 0 : i32
    %c0_i32_0 = arith.constant 0 : i32
    return %arg0, %c0_i32 : i32, i32
  }
  func.func @transform_11(%arg0: i32) -> (i32, i32) {
    %c0_i32 = arith.constant 0 : i32
    %c0_i32_0 = arith.constant 0 : i32
    return %arg0, %c0_i32 : i32, i32
  }
}

module attributes {stable_mosaic.version = 14 : i64} {
  func.func @body(%arg0: i32, %arg1: memref<2048x128xf32, #tpu.memory_space<vmem>>, %arg2: memref<2048x128xf32, #tpu.memory_space<vmem>>, %arg3: memref<2048x16xf32, #tpu.memory_space<vmem>>, %arg4: memref<2048x8xf32, #tpu.memory_space<vmem>>, %arg5: memref<16x64xf32, #tpu.memory_space<vmem>>, %arg6: memref<1x64xf32, #tpu.memory_space<vmem>>, %arg7: memref<1x64xf32, #tpu.memory_space<vmem>>, %arg8: memref<1x64xf32, #tpu.memory_space<vmem>>, %arg9: memref<64x32xf32, #tpu.memory_space<vmem>>, %arg10: memref<1x32xf32, #tpu.memory_space<vmem>>, %arg11: memref<2048x128xf32, #tpu.memory_space<vmem>>) attributes {dimension_semantics = [#tpu.dimension_semantics<arbitrary>], iteration_bounds = array<i64: 160>, scalar_prefetch = 0 : i64, scratch_operands = 0 : i64, tpu.core_type = #tpu.core_type<tc>, window_params = [{transform_indices = @transform_0, window_bounds = array<i64: 2048, 128>}, {transform_indices = @transform_1, window_bounds = array<i64: 2048, 128>}, {transform_indices = @transform_2, window_bounds = array<i64: 2048, 16>}, {transform_indices = @transform_3, window_bounds = array<i64: 2048, 8>}, {pipeline_mode = #tpu.pipeline_mode<synchronous>, transform_indices = @transform_4, window_bounds = array<i64: 16, 64>}, {pipeline_mode = #tpu.pipeline_mode<synchronous>, transform_indices = @transform_5, window_bounds = array<i64: 1, 64>}, {pipeline_mode = #tpu.pipeline_mode<synchronous>, transform_indices = @transform_6, window_bounds = array<i64: 1, 64>}, {pipeline_mode = #tpu.pipeline_mode<synchronous>, transform_indices = @transform_7, window_bounds = array<i64: 1, 64>}, {pipeline_mode = #tpu.pipeline_mode<synchronous>, transform_indices = @transform_8, window_bounds = array<i64: 64, 32>}, {pipeline_mode = #tpu.pipeline_mode<synchronous>, transform_indices = @transform_9, window_bounds = array<i64: 1, 32>}, {transform_indices = @transform_10, window_bounds = array<i64: 2048, 128>}]} {
    %get3A = arith.constant 0 : index
    %get3A_0 = arith.constant 0 : index
    %get3A_1 = vector.load %arg4[%get3A, %get3A_0] : memref<2048x8xf32, #tpu.memory_space<vmem>>, vector<2048x1xf32>
    %get3A_2 = arith.constant 0 : index
    %get3A_3 = arith.constant 1 : index
    %get3A_4 = vector.load %arg4[%get3A_2, %get3A_3] : memref<2048x8xf32, #tpu.memory_space<vmem>>, vector<2048x1xf32>
    %mul3A = arith.constant 0.628318548 : f32
    %mul3A_5 = vector.broadcast %mul3A : f32 to vector<2048x1xf32>
    %mul3A_6 = arith.mulf %mul3A_5, %get3A_1 : vector<2048x1xf32>
    %cos3A = math.cos %mul3A_6 : vector<2048x1xf32>
    %add3A = arith.constant 1.000000e+00 : f32
    %add3A_7 = vector.broadcast %add3A : f32 to vector<2048x1xf32>
    %add3A_8 = arith.addf %cos3A, %add3A_7 : vector<2048x1xf32>
    %mul3A_9 = arith.constant 5.000000e-01 : f32
    %mul3A_10 = vector.broadcast %mul3A_9 : f32 to vector<2048x1xf32>
    %mul3A_11 = arith.mulf %mul3A_10, %add3A_8 : vector<2048x1xf32>
    %lt3A = arith.constant 5.000000e+00 : f32
    %lt3A_12 = vector.broadcast %lt3A : f32 to vector<2048x1xf32>
    %lt3A_13 = arith.cmpf olt, %get3A_1, %lt3A_12 : vector<2048x1xf32>
    %convert_element_type3A = arith.extui %lt3A_13 : vector<2048x1xi1> to vector<2048x1xi32>
    %convert_element_type3A_14 = arith.sitofp %convert_element_type3A : vector<2048x1xi32> to vector<2048x1xf32>
    %mul3A_15 = arith.mulf %mul3A_11, %convert_element_type3A_14 : vector<2048x1xf32>
    %get3A_16 = arith.constant 0 : index
    %get3A_17 = arith.constant 0 : index
    %get3A_18 = vector.load %arg1[%get3A_16, %get3A_17] : memref<2048x128xf32, #tpu.memory_space<vmem>>, vector<2048x64xf32>
    %get3A_19 = arith.constant 0 : index
    %get3A_20 = arith.constant 0 : index
    %get3A_21 = vector.load %arg2[%get3A_19, %get3A_20] : memref<2048x128xf32, #tpu.memory_space<vmem>>, vector<2048x64xf32>
    %add3A_22 = arith.addf %get3A_18, %get3A_21 : vector<2048x64xf32>
    %get3A_23 = arith.constant 0 : index
    %get3A_24 = arith.constant 0 : index
    %get3A_25 = vector.load %arg3[%get3A_23, %get3A_24] : memref<2048x16xf32, #tpu.memory_space<vmem>>, vector<2048x16xf32>
    %get3A_26 = arith.constant 0 : index
    %get3A_27 = arith.constant 0 : index
    %get3A_28 = vector.load %arg5[%get3A_26, %get3A_27] : memref<16x64xf32, #tpu.memory_space<vmem>>, vector<16x64xf32>
    %dot_general3A = arith.constant dense<0.000000e+00> : vector<2048x64xf32>
    %dot_general3A_29 = tpu.matmul %get3A_25, %get3A_28, %dot_general3A {dimension_numbers = #tpu.dot_dimension_numbers<[1], [0], [0], [1], [0, 0, 1, 1], [], []>, transpose_lhs_hint = false} : vector<2048x16xf32>, vector<16x64xf32>, vector<2048x64xf32> -> vector<2048x64xf32>
    %add3A_30 = arith.addf %add3A_22, %dot_general3A_29 : vector<2048x64xf32>
    %get3A_31 = arith.constant 0 : index
    %get3A_32 = arith.constant 0 : index
    %get3A_33 = vector.load %arg6[%get3A_31, %get3A_32] : memref<1x64xf32, #tpu.memory_space<vmem>>, vector<1x64xf32>
    %mul3A_34 = vector.broadcast %get3A_1 : vector<2048x1xf32> to vector<2048x64xf32>
    %mul3A_35 = vector.broadcast %get3A_33 : vector<1x64xf32> to vector<2048x64xf32>
    %mul3A_36 = arith.mulf %mul3A_34, %mul3A_35 : vector<2048x64xf32>
    %add3A_37 = arith.addf %add3A_30, %mul3A_36 : vector<2048x64xf32>
    %get3A_38 = arith.constant 0 : index
    %get3A_39 = arith.constant 0 : index
    %get3A_40 = vector.load %arg7[%get3A_38, %get3A_39] : memref<1x64xf32, #tpu.memory_space<vmem>>, vector<1x64xf32>
    %mul3A_41 = vector.broadcast %get3A_4 : vector<2048x1xf32> to vector<2048x64xf32>
    %mul3A_42 = vector.broadcast %get3A_40 : vector<1x64xf32> to vector<2048x64xf32>
    %mul3A_43 = arith.mulf %mul3A_41, %mul3A_42 : vector<2048x64xf32>
    %add3A_44 = arith.addf %add3A_37, %mul3A_43 : vector<2048x64xf32>
    %get3A_45 = arith.constant 0 : index
    %get3A_46 = arith.constant 0 : index
    %get3A_47 = vector.load %arg8[%get3A_45, %get3A_46] : memref<1x64xf32, #tpu.memory_space<vmem>>, vector<1x64xf32>
    %add3A_48 = vector.broadcast %get3A_47 : vector<1x64xf32> to vector<2048x64xf32>
    %add3A_49 = arith.addf %add3A_44, %add3A_48 : vector<2048x64xf32>
    %neg3A = arith.constant 0.000000e+00 : f32
    %neg3A_50 = vector.broadcast %neg3A : f32 to vector<2048x64xf32>
    %neg3A_51 = arith.subf %neg3A_50, %add3A_49 : vector<2048x64xf32>
    %exp3A = math.exp %neg3A_51 : vector<2048x64xf32>
    %add3A_52 = arith.constant 1.000000e+00 : f32
    %add3A_53 = vector.broadcast %add3A_52 : f32 to vector<2048x64xf32>
    %add3A_54 = arith.addf %add3A_53, %exp3A : vector<2048x64xf32>
    %div3A = arith.constant 1.000000e+00 : f32
    %div3A_55 = vector.broadcast %div3A : f32 to vector<2048x64xf32>
    %div3A_56 = arith.divf %div3A_55, %add3A_54 : vector<2048x64xf32>
    %mul3A_57 = arith.mulf %add3A_49, %div3A_56 : vector<2048x64xf32>
    %get3A_58 = arith.constant 0 : index
    %get3A_59 = arith.constant 0 : index
    %get3A_60 = vector.load %arg9[%get3A_58, %get3A_59] : memref<64x32xf32, #tpu.memory_space<vmem>>, vector<64x32xf32>
    %dot_general3A_61 = arith.constant dense<0.000000e+00> : vector<2048x32xf32>
    %dot_general3A_62 = tpu.matmul %mul3A_57, %get3A_60, %dot_general3A_61 {dimension_numbers = #tpu.dot_dimension_numbers<[1], [0], [0], [1], [0, 0, 1, 1], [], []>, transpose_lhs_hint = false} : vector<2048x64xf32>, vector<64x32xf32>, vector<2048x32xf32> -> vector<2048x32xf32>
    %get3A_63 = arith.constant 0 : index
    %get3A_64 = arith.constant 0 : index
    %get3A_65 = vector.load %arg10[%get3A_63, %get3A_64] : memref<1x32xf32, #tpu.memory_space<vmem>>, vector<1x32xf32>
    %add3A_66 = vector.broadcast %get3A_65 : vector<1x32xf32> to vector<2048x32xf32>
    %add3A_67 = arith.addf %dot_general3A_62, %add3A_66 : vector<2048x32xf32>
    %slice3A = vector.extract_strided_slice %add3A_67 {offsets = [0, 16], sizes = [2048, 16], strides = [1, 1]} : vector<2048x32xf32> to vector<2048x16xf32>
    %get3A_68 = arith.constant 0 : index
    %get3A_69 = arith.constant 2 : index
    %get3A_70 = vector.load %arg4[%get3A_68, %get3A_69] : memref<2048x8xf32, #tpu.memory_space<vmem>>, vector<2048x1xf32>
    %mul3A_71 = vector.broadcast %get3A_70 : vector<2048x1xf32> to vector<2048x16xf32>
    %mul3A_72 = arith.mulf %slice3A, %mul3A_71 : vector<2048x16xf32>
    %get3A_73 = arith.constant 0 : index
    %get3A_74 = arith.constant 3 : index
    %get3A_75 = vector.load %arg4[%get3A_73, %get3A_74] : memref<2048x8xf32, #tpu.memory_space<vmem>>, vector<2048x1xf32>
    %mul3A_76 = vector.broadcast %get3A_75 : vector<2048x1xf32> to vector<2048x16xf32>
    %mul3A_77 = arith.mulf %slice3A, %mul3A_76 : vector<2048x16xf32>
    %get3A_78 = arith.constant 0 : index
    %get3A_79 = arith.constant 4 : index
    %get3A_80 = vector.load %arg4[%get3A_78, %get3A_79] : memref<2048x8xf32, #tpu.memory_space<vmem>>, vector<2048x1xf32>
    %mul3A_81 = vector.broadcast %get3A_80 : vector<2048x1xf32> to vector<2048x16xf32>
    %mul3A_82 = arith.mulf %slice3A, %mul3A_81 : vector<2048x16xf32>
    %concatenate3A = tpu.concatenate %mul3A_72, %mul3A_77, %mul3A_82 in 1 : vector<2048x16xf32>, vector<2048x16xf32>, vector<2048x16xf32> -> vector<2048x48xf32>
    %mul3A_83 = vector.broadcast %mul3A_15 : vector<2048x1xf32> to vector<2048x48xf32>
    %mul3A_84 = arith.mulf %concatenate3A, %mul3A_83 : vector<2048x48xf32>
    %get3A_85 = arith.constant 0 : index
    %get3A_86 = arith.constant 5 : index
    %get3A_87 = vector.load %arg4[%get3A_85, %get3A_86] : memref<2048x8xf32, #tpu.memory_space<vmem>>, vector<2048x1xf32>
    %mul3A_88 = vector.broadcast %mul3A_15 : vector<2048x1xf32> to vector<2048x64xf32>
    %mul3A_89 = arith.mulf %mul3A_88, %mul3A_57 : vector<2048x64xf32>
    %mul3A_90 = arith.mulf %mul3A_15, %get3A_87 : vector<2048x1xf32>
    %broadcast_in_dim3A = arith.constant 0.000000e+00 : f32
    %broadcast_in_dim3A_91 = vector.broadcast %broadcast_in_dim3A : f32 to vector<2048x14xf32>
    %concatenate3A_92 = tpu.concatenate %mul3A_89, %mul3A_84, %mul3A_90, %get3A_87, %broadcast_in_dim3A_91 in 1 : vector<2048x64xf32>, vector<2048x48xf32>, vector<2048x1xf32>, vector<2048x1xf32>, vector<2048x14xf32> -> vector<2048x128xf32>
    %swap3A = arith.constant 0 : index
    %swap3A_93 = arith.constant 0 : index
    %swap3A_94 = vector.load %arg11[%swap3A, %swap3A_93] : memref<2048x128xf32, #tpu.memory_space<vmem>>, vector<2048x128xf32>
    tpu.vector_store %arg11[%swap3A, %swap3A_93], %concatenate3A_92 {strides = array<i32>} : memref<2048x128xf32, #tpu.memory_space<vmem>>, vector<2048x128xf32>,
    return
  }
  func.func @transform_0(%arg0: i32) -> (i32, i32) {
    %c0_i32 = arith.constant 0 : i32
    %c0_i32_0 = arith.constant 0 : i32
    return %arg0, %c0_i32 : i32, i32
  }
  func.func @transform_1(%arg0: i32) -> (i32, i32) {
    %c0_i32 = arith.constant 0 : i32
    %c0_i32_0 = arith.constant 0 : i32
    return %arg0, %c0_i32 : i32, i32
  }
  func.func @transform_2(%arg0: i32) -> (i32, i32) {
    %c0_i32 = arith.constant 0 : i32
    %c0_i32_0 = arith.constant 0 : i32
    return %arg0, %c0_i32 : i32, i32
  }
  func.func @transform_3(%arg0: i32) -> (i32, i32) {
    %c0_i32 = arith.constant 0 : i32
    %c0_i32_0 = arith.constant 0 : i32
    return %arg0, %c0_i32 : i32, i32
  }
  func.func @transform_4(%arg0: i32) -> (i32, i32) {
    %c0_i32 = arith.constant 0 : i32
    %c0_i32_0 = arith.constant 0 : i32
    %c0_i32_1 = arith.constant 0 : i32
    return %c0_i32, %c0_i32_0 : i32, i32
  }
  func.func @transform_5(%arg0: i32) -> (i32, i32) {
    %c0_i32 = arith.constant 0 : i32
    %c0_i32_0 = arith.constant 0 : i32
    %c0_i32_1 = arith.constant 0 : i32
    return %c0_i32, %c0_i32_0 : i32, i32
  }
  func.func @transform_6(%arg0: i32) -> (i32, i32) {
    %c0_i32 = arith.constant 0 : i32
    %c0_i32_0 = arith.constant 0 : i32
    %c0_i32_1 = arith.constant 0 : i32
    return %c0_i32, %c0_i32_0 : i32, i32
  }
  func.func @transform_7(%arg0: i32) -> (i32, i32) {
    %c0_i32 = arith.constant 0 : i32
    %c0_i32_0 = arith.constant 0 : i32
    %c0_i32_1 = arith.constant 0 : i32
    return %c0_i32, %c0_i32_0 : i32, i32
  }
  func.func @transform_8(%arg0: i32) -> (i32, i32) {
    %c0_i32 = arith.constant 0 : i32
    %c0_i32_0 = arith.constant 0 : i32
    %c0_i32_1 = arith.constant 0 : i32
    return %c0_i32, %c0_i32_0 : i32, i32
  }
  func.func @transform_9(%arg0: i32) -> (i32, i32) {
    %c0_i32 = arith.constant 0 : i32
    %c0_i32_0 = arith.constant 0 : i32
    %c0_i32_1 = arith.constant 0 : i32
    return %c0_i32, %c0_i32_0 : i32, i32
  }
  func.func @transform_10(%arg0: i32) -> (i32, i32) {
    %c0_i32 = arith.constant 0 : i32
    %c0_i32_0 = arith.constant 0 : i32
    return %arg0, %c0_i32 : i32, i32
  }
}

module attributes {stable_mosaic.version = 14 : i64} {
  func.func @body(%arg0: i32, %arg1: memref<2048x64xf32, #tpu.memory_space<vmem>>, %arg2: memref<2048x48xf32, #tpu.memory_space<vmem>>, %arg3: memref<32x2048xf32, #tpu.memory_space<vmem>>, %arg4: memref<2048x128xf32, #tpu.memory_space<vmem>>, %arg5: memref<2048x128xf32, #tpu.memory_space<vmem>>, %arg6: memref<64x64xf32, #tpu.memory_space<vmem>>, %arg7: memref<1x64xf32, #tpu.memory_space<vmem>>, %arg8: memref<48x48xf32, #tpu.memory_space<vmem>>, %arg9: memref<48x48xf32, #tpu.memory_space<vmem>>, %arg10: memref<80x64xf32, #tpu.memory_space<vmem>>, %arg11: memref<1x64xf32, #tpu.memory_space<vmem>>, %arg12: memref<64x80xf32, #tpu.memory_space<vmem>>, %arg13: memref<1x80xf32, #tpu.memory_space<vmem>>, %arg14: memref<2048x64xf32, #tpu.memory_space<vmem>>, %arg15: memref<2048x48xf32, #tpu.memory_space<vmem>>, %arg16: memref<32x8xf32, #tpu.memory_space<vmem>>, %arg17: memref<2048x8xf32, #tpu.memory_space<vmem>>) attributes {dimension_semantics = [#tpu.dimension_semantics<arbitrary>], iteration_bounds = array<i64: 5>, scalar_prefetch = 0 : i64, scratch_operands = 0 : i64, tpu.core_type = #tpu.core_type<tc>, window_params = [{transform_indices = @transform_0, window_bounds = array<i64: 2048, 64>}, {transform_indices = @transform_1, window_bounds = array<i64: 2048, 48>}, {transform_indices = @transform_2, window_bounds = array<i64: 32, 2048>}, {transform_indices = @transform_3, window_bounds = array<i64: 2048, 128>}, {transform_indices = @transform_4, window_bounds = array<i64: 2048, 128>}, {pipeline_mode = #tpu.pipeline_mode<synchronous>, transform_indices = @transform_5, window_bounds = array<i64: 64, 64>}, {pipeline_mode = #tpu.pipeline_mode<synchronous>, transform_indices = @transform_6, window_bounds = array<i64: 1, 64>}, {pipeline_mode = #tpu.pipeline_mode<synchronous>, transform_indices = @transform_7, window_bounds = array<i64: 48, 48>}, {pipeline_mode = #tpu.pipeline_mode<synchronous>, transform_indices = @transform_8, window_bounds = array<i64: 48, 48>}, {pipeline_mode = #tpu.pipeline_mode<synchronous>, transform_indices = @transform_9, window_bounds = array<i64: 80, 64>}, {pipeline_mode = #tpu.pipeline_mode<synchronous>, transform_indices = @transform_10, window_bounds = array<i64: 1, 64>}, {pipeline_mode = #tpu.pipeline_mode<synchronous>, transform_indices = @transform_11, window_bounds = array<i64: 64, 80>}, {pipeline_mode = #tpu.pipeline_mode<synchronous>, transform_indices = @transform_12, window_bounds = array<i64: 1, 80>}, {transform_indices = @transform_13, window_bounds = array<i64: 2048, 64>}, {transform_indices = @transform_14, window_bounds = array<i64: 2048, 48>}, {pipeline_mode = #tpu.pipeline_mode<synchronous>, transform_indices = @transform_15, window_bounds = array<i64: 32, 8>}, {transform_indices = @transform_16, window_bounds = array<i64: 2048, 8>}]} {
    %get3A = arith.constant 0 : index
    %get3A_0 = arith.constant 0 : index
    %get3A_1 = vector.load %arg1[%get3A, %get3A_0] : memref<2048x64xf32, #tpu.memory_space<vmem>>, vector<2048x64xf32>
    %get3A_2 = arith.constant 0 : index
    %get3A_3 = arith.constant 0 : index
    %get3A_4 = vector.load %arg2[%get3A_2, %get3A_3] : memref<2048x48xf32, #tpu.memory_space<vmem>>, vector<2048x48xf32>
    %get3A_5 = arith.constant 0 : index
    %get3A_6 = arith.constant 0 : index
    %get3A_7 = vector.load %arg4[%get3A_5, %get3A_6] : memref<2048x128xf32, #tpu.memory_space<vmem>>, vector<2048x128xf32>
    %get3A_8 = arith.constant 0 : index
    %get3A_9 = arith.constant 0 : index
    %get3A_10 = vector.load %arg5[%get3A_8, %get3A_9] : memref<2048x128xf32, #tpu.memory_space<vmem>>, vector<2048x128xf32>
    %add3A = arith.addf %get3A_7, %get3A_10 : vector<2048x128xf32>
    %slice3A = vector.extract_strided_slice %add3A {offsets = [0, 113], sizes = [2048, 1], strides = [1, 1]} : vector<2048x128xf32> to vector<2048x1xf32>
    %max3A = arith.constant 1.000000e+00 : f32
    %max3A_11 = vector.broadcast %max3A : f32 to vector<2048x1xf32>
    %max3A_12 = arith.maximumf %slice3A, %max3A_11 : vector<2048x1xf32>
    %slice3A_13 = vector.extract_strided_slice %add3A {offsets = [0, 112], sizes = [2048, 1], strides = [1, 1]} : vector<2048x128xf32> to vector<2048x1xf32>
    %broadcast_in_dim3A = arith.constant 0.000000e+00 : f32
    %broadcast_in_dim3A_14 = vector.broadcast %broadcast_in_dim3A : f32 to vector<2048x6xf32>
    %concatenate3A = tpu.concatenate %max3A_12, %slice3A_13, %broadcast_in_dim3A_14 in 1 : vector<2048x1xf32>, vector<2048x1xf32>, vector<2048x6xf32> -> vector<2048x8xf32>
    %slice3A_15 = vector.extract_strided_slice %add3A {offsets = [0, 0], sizes = [2048, 64], strides = [1, 1]} : vector<2048x128xf32> to vector<2048x64xf32>
    %get3A_16 = arith.constant 0 : index
    %get3A_17 = arith.constant 0 : index
    %get3A_18 = vector.load %arg6[%get3A_16, %get3A_17] : memref<64x64xf32, #tpu.memory_space<vmem>>, vector<64x64xf32>
    %dot_general3A = arith.constant dense<0.000000e+00> : vector<2048x64xf32>
    %dot_general3A_19 = tpu.matmul %slice3A_15, %get3A_18, %dot_general3A {dimension_numbers = #tpu.dot_dimension_numbers<[1], [0], [0], [1], [0, 0, 1, 1], [], []>, transpose_lhs_hint = false} : vector<2048x64xf32>, vector<64x64xf32>, vector<2048x64xf32> -> vector<2048x64xf32>
    %get3A_20 = arith.constant 0 : index
    %get3A_21 = arith.constant 0 : index
    %get3A_22 = vector.load %arg7[%get3A_20, %get3A_21] : memref<1x64xf32, #tpu.memory_space<vmem>>, vector<1x64xf32>
    %mul3A = vector.broadcast %slice3A_13 : vector<2048x1xf32> to vector<2048x64xf32>
    %mul3A_23 = vector.broadcast %get3A_22 : vector<1x64xf32> to vector<2048x64xf32>
    %mul3A_24 = arith.mulf %mul3A, %mul3A_23 : vector<2048x64xf32>
    %add3A_25 = arith.addf %dot_general3A_19, %mul3A_24 : vector<2048x64xf32>
    %slice3A_26 = vector.extract_strided_slice %add3A {offsets = [0, 64], sizes = [2048, 48], strides = [1, 1]} : vector<2048x128xf32> to vector<2048x48xf32>
    %div3A = vector.broadcast %max3A_12 : vector<2048x1xf32> to vector<2048x48xf32>
    %div3A_27 = arith.divf %slice3A_26, %div3A : vector<2048x48xf32>
    %get3A_28 = arith.constant 0 : index
    %get3A_29 = arith.constant 0 : index
    %get3A_30 = vector.load %arg8[%get3A_28, %get3A_29] : memref<48x48xf32, #tpu.memory_space<vmem>>, vector<48x48xf32>
    %dot_general3A_31 = arith.constant dense<0.000000e+00> : vector<2048x48xf32>
    %dot_general3A_32 = tpu.matmul %div3A_27, %get3A_30, %dot_general3A_31 {dimension_numbers = #tpu.dot_dimension_numbers<[1], [0], [0], [1], [0, 0, 1, 1], [], []>, transpose_lhs_hint = false} : vector<2048x48xf32>, vector<48x48xf32>, vector<2048x48xf32> -> vector<2048x48xf32>
    %get3A_33 = arith.constant 0 : index
    %get3A_34 = arith.constant 0 : index
    %get3A_35 = vector.load %arg9[%get3A_33, %get3A_34] : memref<48x48xf32, #tpu.memory_space<vmem>>, vector<48x48xf32>
    %dot_general3A_36 = arith.constant dense<0.000000e+00> : vector<2048x48xf32>
    %dot_general3A_37 = tpu.matmul %div3A_27, %get3A_35, %dot_general3A_36 {dimension_numbers = #tpu.dot_dimension_numbers<[1], [0], [0], [1], [0, 0, 1, 1], [], []>, transpose_lhs_hint = false} : vector<2048x48xf32>, vector<48x48xf32>, vector<2048x48xf32> -> vector<2048x48xf32>
    %mul3A_38 = arith.mulf %dot_general3A_37, %dot_general3A_37 : vector<2048x48xf32>
    %slice3A_39 = vector.extract_strided_slice %mul3A_38 {offsets = [0, 0], sizes = [2048, 16], strides = [1, 1]} : vector<2048x48xf32> to vector<2048x16xf32>
    %slice3A_40 = vector.extract_strided_slice %mul3A_38 {offsets = [0, 16], sizes = [2048, 16], strides = [1, 1]} : vector<2048x48xf32> to vector<2048x16xf32>
    %add3A_41 = arith.addf %slice3A_39, %slice3A_40 : vector<2048x16xf32>
    %slice3A_42 = vector.extract_strided_slice %mul3A_38 {offsets = [0, 32], sizes = [2048, 16], strides = [1, 1]} : vector<2048x48xf32> to vector<2048x16xf32>
    %add3A_43 = arith.addf %add3A_41, %slice3A_42 : vector<2048x16xf32>
    %add3A_44 = arith.constant 9.99999993E-9 : f32
    %add3A_45 = vector.broadcast %add3A_44 : f32 to vector<2048x16xf32>
    %add3A_46 = arith.addf %add3A_43, %add3A_45 : vector<2048x16xf32>
    %sqrt3A = math.sqrt %add3A_46 : vector<2048x16xf32>
    %concatenate3A_47 = tpu.concatenate %add3A_25, %sqrt3A in 1 : vector<2048x64xf32>, vector<2048x16xf32> -> vector<2048x80xf32>
    %get3A_48 = arith.constant 0 : index
    %get3A_49 = arith.constant 0 : index
    %get3A_50 = vector.load %arg10[%get3A_48, %get3A_49] : memref<80x64xf32, #tpu.memory_space<vmem>>, vector<80x64xf32>
    %dot_general3A_51 = arith.constant dense<0.000000e+00> : vector<2048x64xf32>
    %dot_general3A_52 = tpu.matmul %concatenate3A_47, %get3A_50, %dot_general3A_51 {dimension_numbers = #tpu.dot_dimension_numbers<[1], [0], [0], [1], [0, 0, 1, 1], [], []>, transpose_lhs_hint = false} : vector<2048x80xf32>, vector<80x64xf32>, vector<2048x64xf32> -> vector<2048x64xf32>
    %get3A_53 = arith.constant 0 : index
    %get3A_54 = arith.constant 0 : index
    %get3A_55 = vector.load %arg11[%get3A_53, %get3A_54] : memref<1x64xf32, #tpu.memory_space<vmem>>, vector<1x64xf32>
    %add3A_56 = vector.broadcast %get3A_55 : vector<1x64xf32> to vector<2048x64xf32>
    %add3A_57 = arith.addf %dot_general3A_52, %add3A_56 : vector<2048x64xf32>
    %neg3A = arith.constant 0.000000e+00 : f32
    %neg3A_58 = vector.broadcast %neg3A : f32 to vector<2048x64xf32>
    %neg3A_59 = arith.subf %neg3A_58, %add3A_57 : vector<2048x64xf32>
    %exp3A = math.exp %neg3A_59 : vector<2048x64xf32>
    %add3A_60 = arith.constant 1.000000e+00 : f32
    %add3A_61 = vector.broadcast %add3A_60 : f32 to vector<2048x64xf32>
    %add3A_62 = arith.addf %add3A_61, %exp3A : vector<2048x64xf32>
    %div3A_63 = arith.constant 1.000000e+00 : f32
    %div3A_64 = vector.broadcast %div3A_63 : f32 to vector<2048x64xf32>
    %div3A_65 = arith.divf %div3A_64, %add3A_62 : vector<2048x64xf32>
    %mul3A_66 = arith.mulf %add3A_57, %div3A_65 : vector<2048x64xf32>
    %get3A_67 = arith.constant 0 : index
    %get3A_68 = arith.constant 0 : index
    %get3A_69 = vector.load %arg12[%get3A_67, %get3A_68] : memref<64x80xf32, #tpu.memory_space<vmem>>, vector<64x80xf32>
    %dot_general3A_70 = arith.constant dense<0.000000e+00> : vector<2048x80xf32>
    %dot_general3A_71 = tpu.matmul %mul3A_66, %get3A_69, %dot_general3A_70 {dimension_numbers = #tpu.dot_dimension_numbers<[1], [0], [0], [1], [0, 0, 1, 1], [], []>, transpose_lhs_hint = false} : vector<2048x64xf32>, vector<64x80xf32>, vector<2048x80xf32> -> vector<2048x80xf32>
    %get3A_72 = arith.constant 0 : index
    %get3A_73 = arith.constant 0 : index
    %get3A_74 = vector.load %arg13[%get3A_72, %get3A_73] : memref<1x80xf32, #tpu.memory_space<vmem>>, vector<1x80xf32>
    %add3A_75 = vector.broadcast %get3A_74 : vector<1x80xf32> to vector<2048x80xf32>
    %add3A_76 = arith.addf %dot_general3A_71, %add3A_75 : vector<2048x80xf32>
    %slice3A_77 = vector.extract_strided_slice %add3A_76 {offsets = [0, 0], sizes = [2048, 64], strides = [1, 1]} : vector<2048x80xf32> to vector<2048x64xf32>
    %add3A_78 = arith.addf %get3A_1, %slice3A_77 : vector<2048x64xf32>
    %slice3A_79 = vector.extract_strided_slice %add3A_76 {offsets = [0, 64], sizes = [2048, 16], strides = [1, 1]} : vector<2048x80xf32> to vector<2048x16xf32>
    %concatenate3A_80 = tpu.concatenate %slice3A_79, %slice3A_79, %slice3A_79 in 1 : vector<2048x16xf32>, vector<2048x16xf32>, vector<2048x16xf32> -> vector<2048x48xf32>
    %mul3A_81 = arith.mulf %concatenate3A_80, %dot_general3A_32 : vector<2048x48xf32>
    %add3A_82 = arith.addf %get3A_4, %mul3A_81 : vector<2048x48xf32>
    %swap3A = arith.constant 0 : index
    %swap3A_83 = arith.constant 0 : index
    %swap3A_84 = vector.load %arg14[%swap3A, %swap3A_83] : memref<2048x64xf32, #tpu.memory_space<vmem>>, vector<2048x64xf32>
    tpu.vector_store %arg14[%swap3A, %swap3A_83], %add3A_78 {strides = array<i32>} : memref<2048x64xf32, #tpu.memory_space<vmem>>, vector<2048x64xf32>,
    %swap3A_85 = arith.constant 0 : index
    %swap3A_86 = arith.constant 0 : index
    %swap3A_87 = vector.load %arg15[%swap3A_85, %swap3A_86] : memref<2048x48xf32, #tpu.memory_space<vmem>>, vector<2048x48xf32>
    tpu.vector_store %arg15[%swap3A_85, %swap3A_86], %add3A_82 {strides = array<i32>} : memref<2048x48xf32, #tpu.memory_space<vmem>>, vector<2048x48xf32>,
    %reduce_sum3A = arith.constant dense<0.000000e+00> : vector<2048xf32>
    %reduce_sum3A_88 = vector.multi_reduction <add>, %add3A_78, %reduce_sum3A [1] : vector<2048x64xf32> to vector<2048xf32>
    %broadcast_in_dim3A_89 = vector.shape_cast %reduce_sum3A_88 : vector<2048xf32> to vector<2048x1xf32>
    %mul3A_90 = arith.mulf %add3A_78, %add3A_78 : vector<2048x64xf32>
    %reduce_sum3A_91 = arith.constant dense<0.000000e+00> : vector<2048xf32>
    %reduce_sum3A_92 = vector.multi_reduction <add>, %mul3A_90, %reduce_sum3A_91 [1] : vector<2048x64xf32> to vector<2048xf32>
    %broadcast_in_dim3A_93 = vector.shape_cast %reduce_sum3A_92 : vector<2048xf32> to vector<2048x1xf32>
    %mul3A_94 = arith.mulf %add3A_82, %add3A_82 : vector<2048x48xf32>
    %reduce_sum3A_95 = arith.constant dense<0.000000e+00> : vector<2048xf32>
    %reduce_sum3A_96 = vector.multi_reduction <add>, %mul3A_94, %reduce_sum3A_95 [1] : vector<2048x48xf32> to vector<2048xf32>
    %broadcast_in_dim3A_97 = vector.shape_cast %reduce_sum3A_96 : vector<2048xf32> to vector<2048x1xf32>
    %broadcast_in_dim3A_98 = arith.constant 1.000000e+00 : f32
    %broadcast_in_dim3A_99 = vector.broadcast %broadcast_in_dim3A_98 : f32 to vector<2048x1xf32>
    %broadcast_in_dim3A_100 = arith.constant 0.000000e+00 : f32
    %broadcast_in_dim3A_101 = vector.broadcast %broadcast_in_dim3A_100 : f32 to vector<2048x4xf32>
    %concatenate3A_102 = tpu.concatenate %broadcast_in_dim3A_89, %broadcast_in_dim3A_93, %broadcast_in_dim3A_97, %broadcast_in_dim3A_99, %broadcast_in_dim3A_101 in 1 : vector<2048x1xf32>, vector<2048x1xf32>, vector<2048x1xf32>, vector<2048x1xf32>, vector<2048x4xf32> -> vector<2048x8xf32>
    %get3A_103 = arith.constant 0 : index
    %get3A_104 = arith.constant 0 : index
    %get3A_105 = vector.load %arg3[%get3A_103, %get3A_104] : memref<32x2048xf32, #tpu.memory_space<vmem>>, vector<32x2048xf32>
    %dot_general3A_106 = arith.constant dense<0.000000e+00> : vector<32x8xf32>
    %dot_general3A_107 = tpu.matmul %get3A_105, %concatenate3A_102, %dot_general3A_106 {dimension_numbers = #tpu.dot_dimension_numbers<[1], [0], [0], [1], [0, 0, 1, 1], [], []>, transpose_lhs_hint = false} : vector<32x2048xf32>, vector<2048x8xf32>, vector<32x8xf32> -> vector<32x8xf32>
    %eq3A = arith.constant 0 : i32
    %eq3A_108 = arith.cmpi eq, %arg0, %eq3A : i32
    %convert_element_type3A = arith.extui %eq3A_108 : i1 to i32
    %cond3A = arith.constant 0 : i32
    %cond3A_109 = arith.cmpi ne, %convert_element_type3A, %cond3A : i32
    scf.if %cond3A_109 {
      %broadcast_in_dim3A_120 = arith.constant 0.000000e+00 : f32
      %broadcast_in_dim3A_121 = vector.broadcast %broadcast_in_dim3A_120 : f32 to vector<32x8xf32>
      %swap3A_122 = arith.constant 0 : index
      %swap3A_123 = arith.constant 0 : index
      %swap3A_124 = vector.load %arg16[%swap3A_122, %swap3A_123] : memref<32x8xf32, #tpu.memory_space<vmem>>, vector<32x8xf32>
      tpu.vector_store %arg16[%swap3A_122, %swap3A_123], %broadcast_in_dim3A_121 {strides = array<i32>} : memref<32x8xf32, #tpu.memory_space<vmem>>, vector<32x8xf32>,
    } else {
    }
    %get3A_110 = arith.constant 0 : index
    %get3A_111 = arith.constant 0 : index
    %get3A_112 = vector.load %arg16[%get3A_110, %get3A_111] : memref<32x8xf32, #tpu.memory_space<vmem>>, vector<32x8xf32>
    %add3A_113 = arith.addf %get3A_112, %dot_general3A_107 : vector<32x8xf32>
    %swap3A_114 = arith.constant 0 : index
    %swap3A_115 = arith.constant 0 : index
    %swap3A_116 = vector.load %arg16[%swap3A_114, %swap3A_115] : memref<32x8xf32, #tpu.memory_space<vmem>>, vector<32x8xf32>
    tpu.vector_store %arg16[%swap3A_114, %swap3A_115], %add3A_113 {strides = array<i32>} : memref<32x8xf32, #tpu.memory_space<vmem>>, vector<32x8xf32>,
    %swap3A_117 = arith.constant 0 : index
    %swap3A_118 = arith.constant 0 : index
    %swap3A_119 = vector.load %arg17[%swap3A_117, %swap3A_118] : memref<2048x8xf32, #tpu.memory_space<vmem>>, vector<2048x8xf32>
    tpu.vector_store %arg17[%swap3A_117, %swap3A_118], %concatenate3A {strides = array<i32>} : memref<2048x8xf32, #tpu.memory_space<vmem>>, vector<2048x8xf32>,
    return
  }
  func.func @transform_0(%arg0: i32) -> (i32, i32) {
    %c0_i32 = arith.constant 0 : i32
    %c0_i32_0 = arith.constant 0 : i32
    return %arg0, %c0_i32 : i32, i32
  }
  func.func @transform_1(%arg0: i32) -> (i32, i32) {
    %c0_i32 = arith.constant 0 : i32
    %c0_i32_0 = arith.constant 0 : i32
    return %arg0, %c0_i32 : i32, i32
  }
  func.func @transform_2(%arg0: i32) -> (i32, i32) {
    %c0_i32 = arith.constant 0 : i32
    %c0_i32_0 = arith.constant 0 : i32
    return %c0_i32, %arg0 : i32, i32
  }
  func.func @transform_3(%arg0: i32) -> (i32, i32) {
    %c0_i32 = arith.constant 0 : i32
    %c0_i32_0 = arith.constant 0 : i32
    return %arg0, %c0_i32 : i32, i32
  }
  func.func @transform_4(%arg0: i32) -> (i32, i32) {
    %add3A = arith.constant 5 : i32
    %add3A_0 = arith.addi %arg0, %add3A : i32
    %c0_i32 = arith.constant 0 : i32
    %c0_i32_1 = arith.constant 0 : i32
    return %add3A_0, %c0_i32 : i32, i32
  }
  func.func @transform_5(%arg0: i32) -> (i32, i32) {
    %c0_i32 = arith.constant 0 : i32
    %c0_i32_0 = arith.constant 0 : i32
    %c0_i32_1 = arith.constant 0 : i32
    return %c0_i32, %c0_i32_0 : i32, i32
  }
  func.func @transform_6(%arg0: i32) -> (i32, i32) {
    %c0_i32 = arith.constant 0 : i32
    %c0_i32_0 = arith.constant 0 : i32
    %c0_i32_1 = arith.constant 0 : i32
    return %c0_i32, %c0_i32_0 : i32, i32
  }
  func.func @transform_7(%arg0: i32) -> (i32, i32) {
    %c0_i32 = arith.constant 0 : i32
    %c0_i32_0 = arith.constant 0 : i32
    %c0_i32_1 = arith.constant 0 : i32
    return %c0_i32, %c0_i32_0 : i32, i32
  }
  func.func @transform_8(%arg0: i32) -> (i32, i32) {
    %c0_i32 = arith.constant 0 : i32
    %c0_i32_0 = arith.constant 0 : i32
    %c0_i32_1 = arith.constant 0 : i32
    return %c0_i32, %c0_i32_0 : i32, i32
  }
  func.func @transform_9(%arg0: i32) -> (i32, i32) {
    %c0_i32 = arith.constant 0 : i32
    %c0_i32_0 = arith.constant 0 : i32
    %c0_i32_1 = arith.constant 0 : i32
    return %c0_i32, %c0_i32_0 : i32, i32
  }
  func.func @transform_10(%arg0: i32) -> (i32, i32) {
    %c0_i32 = arith.constant 0 : i32
    %c0_i32_0 = arith.constant 0 : i32
    %c0_i32_1 = arith.constant 0 : i32
    return %c0_i32, %c0_i32_0 : i32, i32
  }
  func.func @transform_11(%arg0: i32) -> (i32, i32) {
    %c0_i32 = arith.constant 0 : i32
    %c0_i32_0 = arith.constant 0 : i32
    %c0_i32_1 = arith.constant 0 : i32
    return %c0_i32, %c0_i32_0 : i32, i32
  }
  func.func @transform_12(%arg0: i32) -> (i32, i32) {
    %c0_i32 = arith.constant 0 : i32
    %c0_i32_0 = arith.constant 0 : i32
    %c0_i32_1 = arith.constant 0 : i32
    return %c0_i32, %c0_i32_0 : i32, i32
  }
  func.func @transform_13(%arg0: i32) -> (i32, i32) {
    %c0_i32 = arith.constant 0 : i32
    %c0_i32_0 = arith.constant 0 : i32
    return %arg0, %c0_i32 : i32, i32
  }
  func.func @transform_14(%arg0: i32) -> (i32, i32) {
    %c0_i32 = arith.constant 0 : i32
    %c0_i32_0 = arith.constant 0 : i32
    return %arg0, %c0_i32 : i32, i32
  }
  func.func @transform_15(%arg0: i32) -> (i32, i32) {
    %c0_i32 = arith.constant 0 : i32
    %c0_i32_0 = arith.constant 0 : i32
    %c0_i32_1 = arith.constant 0 : i32
    return %c0_i32, %c0_i32_0 : i32, i32
  }
  func.func @transform_16(%arg0: i32) -> (i32, i32) {
    %c0_i32 = arith.constant 0 : i32
    %c0_i32_0 = arith.constant 0 : i32
    return %arg0, %c0_i32 : i32, i32
  }
}

module attributes {stable_mosaic.version = 14 : i64} {
  func.func @body(%arg0: i32, %arg1: memref<2048x64xf32, #tpu.memory_space<vmem>>, %arg2: memref<2048x48xf32, #tpu.memory_space<vmem>>, %arg3: memref<2048x32xf32, #tpu.memory_space<vmem>>, %arg4: memref<32x8xf32, #tpu.memory_space<vmem>>, %arg5: memref<1x64xf32, #tpu.memory_space<vmem>>, %arg6: memref<1x64xf32, #tpu.memory_space<vmem>>, %arg7: memref<64x64xf32, #tpu.memory_space<vmem>>, %arg8: memref<64x64xf32, #tpu.memory_space<vmem>>, %arg9: memref<48x48xf32, #tpu.memory_space<vmem>>, %arg10: memref<2048x64xf32, #tpu.memory_space<vmem>>, %arg11: memref<2048x48xf32, #tpu.memory_space<vmem>>, %arg12: memref<2048x128xf32, #tpu.memory_space<vmem>>, %arg13: memref<2048x128xf32, #tpu.memory_space<vmem>>) attributes {dimension_semantics = [#tpu.dimension_semantics<arbitrary>], iteration_bounds = array<i64: 5>, scalar_prefetch = 0 : i64, scratch_operands = 0 : i64, tpu.core_type = #tpu.core_type<tc>, window_params = [{transform_indices = @transform_0, window_bounds = array<i64: 2048, 64>}, {transform_indices = @transform_1, window_bounds = array<i64: 2048, 48>}, {transform_indices = @transform_2, window_bounds = array<i64: 2048, 32>}, {pipeline_mode = #tpu.pipeline_mode<synchronous>, transform_indices = @transform_3, window_bounds = array<i64: 32, 8>}, {pipeline_mode = #tpu.pipeline_mode<synchronous>, transform_indices = @transform_4, window_bounds = array<i64: 1, 64>}, {pipeline_mode = #tpu.pipeline_mode<synchronous>, transform_indices = @transform_5, window_bounds = array<i64: 1, 64>}, {pipeline_mode = #tpu.pipeline_mode<synchronous>, transform_indices = @transform_6, window_bounds = array<i64: 64, 64>}, {pipeline_mode = #tpu.pipeline_mode<synchronous>, transform_indices = @transform_7, window_bounds = array<i64: 64, 64>}, {pipeline_mode = #tpu.pipeline_mode<synchronous>, transform_indices = @transform_8, window_bounds = array<i64: 48, 48>}, {transform_indices = @transform_9, window_bounds = array<i64: 2048, 64>}, {transform_indices = @transform_10, window_bounds = array<i64: 2048, 48>}, {transform_indices = @transform_11, window_bounds = array<i64: 2048, 128>}, {transform_indices = @transform_12, window_bounds = array<i64: 2048, 128>}]} {
    %get3A = arith.constant 0 : index
    %get3A_0 = arith.constant 0 : index
    %get3A_1 = vector.load %arg4[%get3A, %get3A_0] : memref<32x8xf32, #tpu.memory_space<vmem>>, vector<32x8xf32>
    %slice3A = vector.extract_strided_slice %get3A_1 {offsets = [0, 3], sizes = [32, 1], strides = [1, 1]} : vector<32x8xf32> to vector<32x1xf32>
    %max3A = arith.constant 1.000000e+00 : f32
    %max3A_2 = vector.broadcast %max3A : f32 to vector<32x1xf32>
    %max3A_3 = arith.maximumf %slice3A, %max3A_2 : vector<32x1xf32>
    %slice3A_4 = vector.extract_strided_slice %get3A_1 {offsets = [0, 0], sizes = [32, 1], strides = [1, 1]} : vector<32x8xf32> to vector<32x1xf32>
    %mul3A = arith.constant 6.400000e+01 : f32
    %mul3A_5 = vector.broadcast %mul3A : f32 to vector<32x1xf32>
    %mul3A_6 = arith.mulf %mul3A_5, %max3A_3 : vector<32x1xf32>
    %div3A = arith.divf %slice3A_4, %mul3A_6 : vector<32x1xf32>
    %slice3A_7 = vector.extract_strided_slice %get3A_1 {offsets = [0, 1], sizes = [32, 1], strides = [1, 1]} : vector<32x8xf32> to vector<32x1xf32>
    %mul3A_8 = arith.constant 6.400000e+01 : f32
    %mul3A_9 = vector.broadcast %mul3A_8 : f32 to vector<32x1xf32>
    %mul3A_10 = arith.mulf %mul3A_9, %max3A_3 : vector<32x1xf32>
    %div3A_11 = arith.divf %slice3A_7, %mul3A_10 : vector<32x1xf32>
    %mul3A_12 = arith.mulf %div3A, %div3A : vector<32x1xf32>
    %sub3A = arith.subf %div3A_11, %mul3A_12 : vector<32x1xf32>
    %add3A = arith.constant 9.99999997E-7 : f32
    %add3A_13 = vector.broadcast %add3A : f32 to vector<32x1xf32>
    %add3A_14 = arith.addf %sub3A, %add3A_13 : vector<32x1xf32>
    %rsqrt3A = math.rsqrt %add3A_14 : vector<32x1xf32>
    %slice3A_15 = vector.extract_strided_slice %get3A_1 {offsets = [0, 2], sizes = [32, 1], strides = [1, 1]} : vector<32x8xf32> to vector<32x1xf32>
    %mul3A_16 = arith.constant 1.600000e+01 : f32
    %mul3A_17 = vector.broadcast %mul3A_16 : f32 to vector<32x1xf32>
    %mul3A_18 = arith.mulf %mul3A_17, %max3A_3 : vector<32x1xf32>
    %div3A_19 = arith.divf %slice3A_15, %mul3A_18 : vector<32x1xf32>
    %add3A_20 = arith.constant 9.99999997E-7 : f32
    %add3A_21 = vector.broadcast %add3A_20 : f32 to vector<32x1xf32>
    %add3A_22 = arith.addf %div3A_19, %add3A_21 : vector<32x1xf32>
    %rsqrt3A_23 = math.rsqrt %add3A_22 : vector<32x1xf32>
    %broadcast_in_dim3A = arith.constant 0.000000e+00 : f32
    %broadcast_in_dim3A_24 = vector.broadcast %broadcast_in_dim3A : f32 to vector<32x5xf32>
    %concatenate3A = tpu.concatenate %div3A, %rsqrt3A, %rsqrt3A_23, %broadcast_in_dim3A_24 in 1 : vector<32x1xf32>, vector<32x1xf32>, vector<32x1xf32>, vector<32x5xf32> -> vector<32x8xf32>
    %get3A_25 = arith.constant 0 : index
    %get3A_26 = arith.constant 0 : index
    %get3A_27 = vector.load %arg3[%get3A_25, %get3A_26] : memref<2048x32xf32, #tpu.memory_space<vmem>>, vector<2048x32xf32>
    %dot_general3A = arith.constant dense<0.000000e+00> : vector<2048x8xf32>
    %dot_general3A_28 = tpu.matmul %get3A_27, %concatenate3A, %dot_general3A {dimension_numbers = #tpu.dot_dimension_numbers<[1], [0], [0], [1], [0, 0, 1, 1], [], []>, transpose_lhs_hint = false} : vector<2048x32xf32>, vector<32x8xf32>, vector<2048x8xf32> -> vector<2048x8xf32>
    %get3A_29 = arith.constant 0 : index
    %get3A_30 = arith.constant 0 : index
    %get3A_31 = vector.load %arg1[%get3A_29, %get3A_30] : memref<2048x64xf32, #tpu.memory_space<vmem>>, vector<2048x64xf32>
    %slice3A_32 = vector.extract_strided_slice %dot_general3A_28 {offsets = [0, 0], sizes = [2048, 1], strides = [1, 1]} : vector<2048x8xf32> to vector<2048x1xf32>
    %sub3A_33 = vector.broadcast %slice3A_32 : vector<2048x1xf32> to vector<2048x64xf32>
    %sub3A_34 = arith.subf %get3A_31, %sub3A_33 : vector<2048x64xf32>
    %slice3A_35 = vector.extract_strided_slice %dot_general3A_28 {offsets = [0, 1], sizes = [2048, 1], strides = [1, 1]} : vector<2048x8xf32> to vector<2048x1xf32>
    %mul3A_36 = vector.broadcast %slice3A_35 : vector<2048x1xf32> to vector<2048x64xf32>
    %mul3A_37 = arith.mulf %sub3A_34, %mul3A_36 : vector<2048x64xf32>
    %get3A_38 = arith.constant 0 : index
    %get3A_39 = arith.constant 0 : index
    %get3A_40 = vector.load %arg5[%get3A_38, %get3A_39] : memref<1x64xf32, #tpu.memory_space<vmem>>, vector<1x64xf32>
    %mul3A_41 = vector.broadcast %get3A_40 : vector<1x64xf32> to vector<2048x64xf32>
    %mul3A_42 = arith.mulf %mul3A_37, %mul3A_41 : vector<2048x64xf32>
    %get3A_43 = arith.constant 0 : index
    %get3A_44 = arith.constant 0 : index
    %get3A_45 = vector.load %arg6[%get3A_43, %get3A_44] : memref<1x64xf32, #tpu.memory_space<vmem>>, vector<1x64xf32>
    %add3A_46 = vector.broadcast %get3A_45 : vector<1x64xf32> to vector<2048x64xf32>
    %add3A_47 = arith.addf %mul3A_42, %add3A_46 : vector<2048x64xf32>
    %get3A_48 = arith.constant 0 : index
    %get3A_49 = arith.constant 0 : index
    %get3A_50 = vector.load %arg2[%get3A_48, %get3A_49] : memref<2048x48xf32, #tpu.memory_space<vmem>>, vector<2048x48xf32>
    %slice3A_51 = vector.extract_strided_slice %dot_general3A_28 {offsets = [0, 2], sizes = [2048, 1], strides = [1, 1]} : vector<2048x8xf32> to vector<2048x1xf32>
    %mul3A_52 = vector.broadcast %slice3A_51 : vector<2048x1xf32> to vector<2048x48xf32>
    %mul3A_53 = arith.mulf %get3A_50, %mul3A_52 : vector<2048x48xf32>
    %swap3A = arith.constant 0 : index
    %swap3A_54 = arith.constant 0 : index
    %swap3A_55 = vector.load %arg10[%swap3A, %swap3A_54] : memref<2048x64xf32, #tpu.memory_space<vmem>>, vector<2048x64xf32>
    tpu.vector_store %arg10[%swap3A, %swap3A_54], %add3A_47 {strides = array<i32>} : memref<2048x64xf32, #tpu.memory_space<vmem>>, vector<2048x64xf32>,
    %swap3A_56 = arith.constant 0 : index
    %swap3A_57 = arith.constant 0 : index
    %swap3A_58 = vector.load %arg11[%swap3A_56, %swap3A_57] : memref<2048x48xf32, #tpu.memory_space<vmem>>, vector<2048x48xf32>
    tpu.vector_store %arg11[%swap3A_56, %swap3A_57], %mul3A_53 {strides = array<i32>} : memref<2048x48xf32, #tpu.memory_space<vmem>>, vector<2048x48xf32>,
    %broadcast_in_dim3A_59 = arith.constant 0.000000e+00 : f32
    %broadcast_in_dim3A_60 = vector.broadcast %broadcast_in_dim3A_59 : f32 to vector<2048x64xf32>
    %get3A_61 = arith.constant 0 : index
    %get3A_62 = arith.constant 0 : index
    %get3A_63 = vector.load %arg7[%get3A_61, %get3A_62] : memref<64x64xf32, #tpu.memory_space<vmem>>, vector<64x64xf32>
    %dot_general3A_64 = arith.constant dense<0.000000e+00> : vector<2048x64xf32>
    %dot_general3A_65 = tpu.matmul %add3A_47, %get3A_63, %dot_general3A_64 {dimension_numbers = #tpu.dot_dimension_numbers<[1], [0], [0], [1], [0, 0, 1, 1], [], []>, transpose_lhs_hint = false} : vector<2048x64xf32>, vector<64x64xf32>, vector<2048x64xf32> -> vector<2048x64xf32>
    %concatenate3A_66 = tpu.concatenate %dot_general3A_65, %broadcast_in_dim3A_60 in 1 : vector<2048x64xf32>, vector<2048x64xf32> -> vector<2048x128xf32>
    %swap3A_67 = arith.constant 0 : index
    %swap3A_68 = arith.constant 0 : index
    %swap3A_69 = vector.load %arg12[%swap3A_67, %swap3A_68] : memref<2048x128xf32, #tpu.memory_space<vmem>>, vector<2048x128xf32>
    tpu.vector_store %arg12[%swap3A_67, %swap3A_68], %concatenate3A_66 {strides = array<i32>} : memref<2048x128xf32, #tpu.memory_space<vmem>>, vector<2048x128xf32>,
    %get3A_70 = arith.constant 0 : index
    %get3A_71 = arith.constant 0 : index
    %get3A_72 = vector.load %arg8[%get3A_70, %get3A_71] : memref<64x64xf32, #tpu.memory_space<vmem>>, vector<64x64xf32>
    %dot_general3A_73 = arith.constant dense<0.000000e+00> : vector<2048x64xf32>
    %dot_general3A_74 = tpu.matmul %add3A_47, %get3A_72, %dot_general3A_73 {dimension_numbers = #tpu.dot_dimension_numbers<[1], [0], [0], [1], [0, 0, 1, 1], [], []>, transpose_lhs_hint = false} : vector<2048x64xf32>, vector<64x64xf32>, vector<2048x64xf32> -> vector<2048x64xf32>
    %get3A_75 = arith.constant 0 : index
    %get3A_76 = arith.constant 0 : index
    %get3A_77 = vector.load %arg9[%get3A_75, %get3A_76] : memref<48x48xf32, #tpu.memory_space<vmem>>, vector<48x48xf32>
    %dot_general3A_78 = arith.constant dense<0.000000e+00> : vector<2048x48xf32>
    %dot_general3A_79 = tpu.matmul %mul3A_53, %get3A_77, %dot_general3A_78 {dimension_numbers = #tpu.dot_dimension_numbers<[1], [0], [0], [1], [0, 0, 1, 1], [], []>, transpose_lhs_hint = false} : vector<2048x48xf32>, vector<48x48xf32>, vector<2048x48xf32> -> vector<2048x48xf32>
    %slice3A_80 = vector.extract_strided_slice %broadcast_in_dim3A_60 {offsets = [0, 0], sizes = [2048, 16], strides = [1, 1]} : vector<2048x64xf32> to vector<2048x16xf32>
    %concatenate3A_81 = tpu.concatenate %dot_general3A_74, %dot_general3A_79, %slice3A_80 in 1 : vector<2048x64xf32>, vector<2048x48xf32>, vector<2048x16xf32> -> vector<2048x128xf32>
    %swap3A_82 = arith.constant 0 : index
    %swap3A_83 = arith.constant 0 : index
    %swap3A_84 = vector.load %arg13[%swap3A_82, %swap3A_83] : memref<2048x128xf32, #tpu.memory_space<vmem>>, vector<2048x128xf32>
    tpu.vector_store %arg13[%swap3A_82, %swap3A_83], %concatenate3A_81 {strides = array<i32>} : memref<2048x128xf32, #tpu.memory_space<vmem>>, vector<2048x128xf32>,
    return
  }
  func.func @transform_0(%arg0: i32) -> (i32, i32) {
    %c0_i32 = arith.constant 0 : i32
    %c0_i32_0 = arith.constant 0 : i32
    return %arg0, %c0_i32 : i32, i32
  }
  func.func @transform_1(%arg0: i32) -> (i32, i32) {
    %c0_i32 = arith.constant 0 : i32
    %c0_i32_0 = arith.constant 0 : i32
    return %arg0, %c0_i32 : i32, i32
  }
  func.func @transform_2(%arg0: i32) -> (i32, i32) {
    %c0_i32 = arith.constant 0 : i32
    %c0_i32_0 = arith.constant 0 : i32
    return %arg0, %c0_i32 : i32, i32
  }
  func.func @transform_3(%arg0: i32) -> (i32, i32) {
    %c0_i32 = arith.constant 0 : i32
    %c0_i32_0 = arith.constant 0 : i32
    %c0_i32_1 = arith.constant 0 : i32
    return %c0_i32, %c0_i32_0 : i32, i32
  }
  func.func @transform_4(%arg0: i32) -> (i32, i32) {
    %c0_i32 = arith.constant 0 : i32
    %c0_i32_0 = arith.constant 0 : i32
    %c0_i32_1 = arith.constant 0 : i32
    return %c0_i32, %c0_i32_0 : i32, i32
  }
  func.func @transform_5(%arg0: i32) -> (i32, i32) {
    %c0_i32 = arith.constant 0 : i32
    %c0_i32_0 = arith.constant 0 : i32
    %c0_i32_1 = arith.constant 0 : i32
    return %c0_i32, %c0_i32_0 : i32, i32
  }
  func.func @transform_6(%arg0: i32) -> (i32, i32) {
    %c0_i32 = arith.constant 0 : i32
    %c0_i32_0 = arith.constant 0 : i32
    %c0_i32_1 = arith.constant 0 : i32
    return %c0_i32, %c0_i32_0 : i32, i32
  }
  func.func @transform_7(%arg0: i32) -> (i32, i32) {
    %c0_i32 = arith.constant 0 : i32
    %c0_i32_0 = arith.constant 0 : i32
    %c0_i32_1 = arith.constant 0 : i32
    return %c0_i32, %c0_i32_0 : i32, i32
  }
  func.func @transform_8(%arg0: i32) -> (i32, i32) {
    %c0_i32 = arith.constant 0 : i32
    %c0_i32_0 = arith.constant 0 : i32
    %c0_i32_1 = arith.constant 0 : i32
    return %c0_i32, %c0_i32_0 : i32, i32
  }
  func.func @transform_9(%arg0: i32) -> (i32, i32) {
    %c0_i32 = arith.constant 0 : i32
    %c0_i32_0 = arith.constant 0 : i32
    return %arg0, %c0_i32 : i32, i32
  }
  func.func @transform_10(%arg0: i32) -> (i32, i32) {
    %c0_i32 = arith.constant 0 : i32
    %c0_i32_0 = arith.constant 0 : i32
    return %arg0, %c0_i32 : i32, i32
  }
  func.func @transform_11(%arg0: i32) -> (i32, i32) {
    %c0_i32 = arith.constant 0 : i32
    %c0_i32_0 = arith.constant 0 : i32
    return %arg0, %c0_i32 : i32, i32
  }
  func.func @transform_12(%arg0: i32) -> (i32, i32) {
    %c0_i32 = arith.constant 0 : i32
    %c0_i32_0 = arith.constant 0 : i32
    return %arg0, %c0_i32 : i32, i32
  }
}

module attributes {stable_mosaic.version = 14 : i64} {
  func.func @body(%arg0: i32, %arg1: memref<2048x128xf32, #tpu.memory_space<vmem>>, %arg2: memref<2048x128xf32, #tpu.memory_space<vmem>>, %arg3: memref<2048x16xf32, #tpu.memory_space<vmem>>, %arg4: memref<2048x8xf32, #tpu.memory_space<vmem>>, %arg5: memref<16x64xf32, #tpu.memory_space<vmem>>, %arg6: memref<1x64xf32, #tpu.memory_space<vmem>>, %arg7: memref<1x64xf32, #tpu.memory_space<vmem>>, %arg8: memref<1x64xf32, #tpu.memory_space<vmem>>, %arg9: memref<64x32xf32, #tpu.memory_space<vmem>>, %arg10: memref<1x32xf32, #tpu.memory_space<vmem>>, %arg11: memref<2048x128xf32, #tpu.memory_space<vmem>>) attributes {dimension_semantics = [#tpu.dimension_semantics<arbitrary>], iteration_bounds = array<i64: 160>, scalar_prefetch = 0 : i64, scratch_operands = 0 : i64, tpu.core_type = #tpu.core_type<tc>, window_params = [{transform_indices = @transform_0, window_bounds = array<i64: 2048, 128>}, {transform_indices = @transform_1, window_bounds = array<i64: 2048, 128>}, {transform_indices = @transform_2, window_bounds = array<i64: 2048, 16>}, {transform_indices = @transform_3, window_bounds = array<i64: 2048, 8>}, {pipeline_mode = #tpu.pipeline_mode<synchronous>, transform_indices = @transform_4, window_bounds = array<i64: 16, 64>}, {pipeline_mode = #tpu.pipeline_mode<synchronous>, transform_indices = @transform_5, window_bounds = array<i64: 1, 64>}, {pipeline_mode = #tpu.pipeline_mode<synchronous>, transform_indices = @transform_6, window_bounds = array<i64: 1, 64>}, {pipeline_mode = #tpu.pipeline_mode<synchronous>, transform_indices = @transform_7, window_bounds = array<i64: 1, 64>}, {pipeline_mode = #tpu.pipeline_mode<synchronous>, transform_indices = @transform_8, window_bounds = array<i64: 64, 32>}, {pipeline_mode = #tpu.pipeline_mode<synchronous>, transform_indices = @transform_9, window_bounds = array<i64: 1, 32>}, {transform_indices = @transform_10, window_bounds = array<i64: 2048, 128>}]} {
    %get3A = arith.constant 0 : index
    %get3A_0 = arith.constant 0 : index
    %get3A_1 = vector.load %arg4[%get3A, %get3A_0] : memref<2048x8xf32, #tpu.memory_space<vmem>>, vector<2048x1xf32>
    %get3A_2 = arith.constant 0 : index
    %get3A_3 = arith.constant 1 : index
    %get3A_4 = vector.load %arg4[%get3A_2, %get3A_3] : memref<2048x8xf32, #tpu.memory_space<vmem>>, vector<2048x1xf32>
    %mul3A = arith.constant 0.628318548 : f32
    %mul3A_5 = vector.broadcast %mul3A : f32 to vector<2048x1xf32>
    %mul3A_6 = arith.mulf %mul3A_5, %get3A_1 : vector<2048x1xf32>
    %cos3A = math.cos %mul3A_6 : vector<2048x1xf32>
    %add3A = arith.constant 1.000000e+00 : f32
    %add3A_7 = vector.broadcast %add3A : f32 to vector<2048x1xf32>
    %add3A_8 = arith.addf %cos3A, %add3A_7 : vector<2048x1xf32>
    %mul3A_9 = arith.constant 5.000000e-01 : f32
    %mul3A_10 = vector.broadcast %mul3A_9 : f32 to vector<2048x1xf32>
    %mul3A_11 = arith.mulf %mul3A_10, %add3A_8 : vector<2048x1xf32>
    %lt3A = arith.constant 5.000000e+00 : f32
    %lt3A_12 = vector.broadcast %lt3A : f32 to vector<2048x1xf32>
    %lt3A_13 = arith.cmpf olt, %get3A_1, %lt3A_12 : vector<2048x1xf32>
    %convert_element_type3A = arith.extui %lt3A_13 : vector<2048x1xi1> to vector<2048x1xi32>
    %convert_element_type3A_14 = arith.sitofp %convert_element_type3A : vector<2048x1xi32> to vector<2048x1xf32>
    %mul3A_15 = arith.mulf %mul3A_11, %convert_element_type3A_14 : vector<2048x1xf32>
    %get3A_16 = arith.constant 0 : index
    %get3A_17 = arith.constant 0 : index
    %get3A_18 = vector.load %arg1[%get3A_16, %get3A_17] : memref<2048x128xf32, #tpu.memory_space<vmem>>, vector<2048x64xf32>
    %get3A_19 = arith.constant 0 : index
    %get3A_20 = arith.constant 0 : index
    %get3A_21 = vector.load %arg2[%get3A_19, %get3A_20] : memref<2048x128xf32, #tpu.memory_space<vmem>>, vector<2048x64xf32>
    %add3A_22 = arith.addf %get3A_18, %get3A_21 : vector<2048x64xf32>
    %get3A_23 = arith.constant 0 : index
    %get3A_24 = arith.constant 0 : index
    %get3A_25 = vector.load %arg3[%get3A_23, %get3A_24] : memref<2048x16xf32, #tpu.memory_space<vmem>>, vector<2048x16xf32>
    %get3A_26 = arith.constant 0 : index
    %get3A_27 = arith.constant 0 : index
    %get3A_28 = vector.load %arg5[%get3A_26, %get3A_27] : memref<16x64xf32, #tpu.memory_space<vmem>>, vector<16x64xf32>
    %dot_general3A = arith.constant dense<0.000000e+00> : vector<2048x64xf32>
    %dot_general3A_29 = tpu.matmul %get3A_25, %get3A_28, %dot_general3A {dimension_numbers = #tpu.dot_dimension_numbers<[1], [0], [0], [1], [0, 0, 1, 1], [], []>, transpose_lhs_hint = false} : vector<2048x16xf32>, vector<16x64xf32>, vector<2048x64xf32> -> vector<2048x64xf32>
    %add3A_30 = arith.addf %add3A_22, %dot_general3A_29 : vector<2048x64xf32>
    %get3A_31 = arith.constant 0 : index
    %get3A_32 = arith.constant 0 : index
    %get3A_33 = vector.load %arg6[%get3A_31, %get3A_32] : memref<1x64xf32, #tpu.memory_space<vmem>>, vector<1x64xf32>
    %mul3A_34 = vector.broadcast %get3A_1 : vector<2048x1xf32> to vector<2048x64xf32>
    %mul3A_35 = vector.broadcast %get3A_33 : vector<1x64xf32> to vector<2048x64xf32>
    %mul3A_36 = arith.mulf %mul3A_34, %mul3A_35 : vector<2048x64xf32>
    %add3A_37 = arith.addf %add3A_30, %mul3A_36 : vector<2048x64xf32>
    %get3A_38 = arith.constant 0 : index
    %get3A_39 = arith.constant 0 : index
    %get3A_40 = vector.load %arg7[%get3A_38, %get3A_39] : memref<1x64xf32, #tpu.memory_space<vmem>>, vector<1x64xf32>
    %mul3A_41 = vector.broadcast %get3A_4 : vector<2048x1xf32> to vector<2048x64xf32>
    %mul3A_42 = vector.broadcast %get3A_40 : vector<1x64xf32> to vector<2048x64xf32>
    %mul3A_43 = arith.mulf %mul3A_41, %mul3A_42 : vector<2048x64xf32>
    %add3A_44 = arith.addf %add3A_37, %mul3A_43 : vector<2048x64xf32>
    %get3A_45 = arith.constant 0 : index
    %get3A_46 = arith.constant 0 : index
    %get3A_47 = vector.load %arg8[%get3A_45, %get3A_46] : memref<1x64xf32, #tpu.memory_space<vmem>>, vector<1x64xf32>
    %add3A_48 = vector.broadcast %get3A_47 : vector<1x64xf32> to vector<2048x64xf32>
    %add3A_49 = arith.addf %add3A_44, %add3A_48 : vector<2048x64xf32>
    %neg3A = arith.constant 0.000000e+00 : f32
    %neg3A_50 = vector.broadcast %neg3A : f32 to vector<2048x64xf32>
    %neg3A_51 = arith.subf %neg3A_50, %add3A_49 : vector<2048x64xf32>
    %exp3A = math.exp %neg3A_51 : vector<2048x64xf32>
    %add3A_52 = arith.constant 1.000000e+00 : f32
    %add3A_53 = vector.broadcast %add3A_52 : f32 to vector<2048x64xf32>
    %add3A_54 = arith.addf %add3A_53, %exp3A : vector<2048x64xf32>
    %div3A = arith.constant 1.000000e+00 : f32
    %div3A_55 = vector.broadcast %div3A : f32 to vector<2048x64xf32>
    %div3A_56 = arith.divf %div3A_55, %add3A_54 : vector<2048x64xf32>
    %mul3A_57 = arith.mulf %add3A_49, %div3A_56 : vector<2048x64xf32>
    %get3A_58 = arith.constant 0 : index
    %get3A_59 = arith.constant 0 : index
    %get3A_60 = vector.load %arg9[%get3A_58, %get3A_59] : memref<64x32xf32, #tpu.memory_space<vmem>>, vector<64x32xf32>
    %dot_general3A_61 = arith.constant dense<0.000000e+00> : vector<2048x32xf32>
    %dot_general3A_62 = tpu.matmul %mul3A_57, %get3A_60, %dot_general3A_61 {dimension_numbers = #tpu.dot_dimension_numbers<[1], [0], [0], [1], [0, 0, 1, 1], [], []>, transpose_lhs_hint = false} : vector<2048x64xf32>, vector<64x32xf32>, vector<2048x32xf32> -> vector<2048x32xf32>
    %get3A_63 = arith.constant 0 : index
    %get3A_64 = arith.constant 0 : index
    %get3A_65 = vector.load %arg10[%get3A_63, %get3A_64] : memref<1x32xf32, #tpu.memory_space<vmem>>, vector<1x32xf32>
    %add3A_66 = vector.broadcast %get3A_65 : vector<1x32xf32> to vector<2048x32xf32>
    %add3A_67 = arith.addf %dot_general3A_62, %add3A_66 : vector<2048x32xf32>
    %slice3A = vector.extract_strided_slice %add3A_67 {offsets = [0, 0], sizes = [2048, 16], strides = [1, 1]} : vector<2048x32xf32> to vector<2048x16xf32>
    %slice3A_68 = vector.extract_strided_slice %add3A_67 {offsets = [0, 16], sizes = [2048, 16], strides = [1, 1]} : vector<2048x32xf32> to vector<2048x16xf32>
    %get3A_69 = arith.constant 0 : index
    %get3A_70 = arith.constant 2 : index
    %get3A_71 = vector.load %arg4[%get3A_69, %get3A_70] : memref<2048x8xf32, #tpu.memory_space<vmem>>, vector<2048x1xf32>
    %mul3A_72 = vector.broadcast %get3A_71 : vector<2048x1xf32> to vector<2048x16xf32>
    %mul3A_73 = arith.mulf %slice3A_68, %mul3A_72 : vector<2048x16xf32>
    %get3A_74 = arith.constant 0 : index
    %get3A_75 = arith.constant 3 : index
    %get3A_76 = vector.load %arg4[%get3A_74, %get3A_75] : memref<2048x8xf32, #tpu.memory_space<vmem>>, vector<2048x1xf32>
    %mul3A_77 = vector.broadcast %get3A_76 : vector<2048x1xf32> to vector<2048x16xf32>
    %mul3A_78 = arith.mulf %slice3A_68, %mul3A_77 : vector<2048x16xf32>
    %get3A_79 = arith.constant 0 : index
    %get3A_80 = arith.constant 4 : index
    %get3A_81 = vector.load %arg4[%get3A_79, %get3A_80] : memref<2048x8xf32, #tpu.memory_space<vmem>>, vector<2048x1xf32>
    %mul3A_82 = vector.broadcast %get3A_81 : vector<2048x1xf32> to vector<2048x16xf32>
    %mul3A_83 = arith.mulf %slice3A_68, %mul3A_82 : vector<2048x16xf32>
    %concatenate3A = tpu.concatenate %mul3A_73, %mul3A_78, %mul3A_83 in 1 : vector<2048x16xf32>, vector<2048x16xf32>, vector<2048x16xf32> -> vector<2048x48xf32>
    %get3A_84 = arith.constant 0 : index
    %get3A_85 = arith.constant 64 : index
    %get3A_86 = vector.load %arg2[%get3A_84, %get3A_85] : memref<2048x128xf32, #tpu.memory_space<vmem>>, vector<2048x48xf32>
    %concatenate3A_87 = tpu.concatenate %slice3A, %slice3A, %slice3A in 1 : vector<2048x16xf32>, vector<2048x16xf32>, vector<2048x16xf32> -> vector<2048x48xf32>
    %mul3A_88 = arith.mulf %concatenate3A_87, %get3A_86 : vector<2048x48xf32>
    %add3A_89 = arith.addf %mul3A_88, %concatenate3A : vector<2048x48xf32>
    %mul3A_90 = vector.broadcast %mul3A_15 : vector<2048x1xf32> to vector<2048x48xf32>
    %mul3A_91 = arith.mulf %add3A_89, %mul3A_90 : vector<2048x48xf32>
    %mul3A_92 = vector.broadcast %mul3A_15 : vector<2048x1xf32> to vector<2048x64xf32>
    %mul3A_93 = arith.mulf %mul3A_92, %mul3A_57 : vector<2048x64xf32>
    %broadcast_in_dim3A = arith.constant 0.000000e+00 : f32
    %broadcast_in_dim3A_94 = vector.broadcast %broadcast_in_dim3A : f32 to vector<2048x16xf32>
    %concatenate3A_95 = tpu.concatenate %mul3A_93, %mul3A_91, %broadcast_in_dim3A_94 in 1 : vector<2048x64xf32>, vector<2048x48xf32>, vector<2048x16xf32> -> vector<2048x128xf32>
    %swap3A = arith.constant 0 : index
    %swap3A_96 = arith.constant 0 : index
    %swap3A_97 = vector.load %arg11[%swap3A, %swap3A_96] : memref<2048x128xf32, #tpu.memory_space<vmem>>, vector<2048x128xf32>
    tpu.vector_store %arg11[%swap3A, %swap3A_96], %concatenate3A_95 {strides = array<i32>} : memref<2048x128xf32, #tpu.memory_space<vmem>>, vector<2048x128xf32>,
    return
  }
  func.func @transform_0(%arg0: i32) -> (i32, i32) {
    %c0_i32 = arith.constant 0 : i32
    %c0_i32_0 = arith.constant 0 : i32
    return %arg0, %c0_i32 : i32, i32
  }
  func.func @transform_1(%arg0: i32) -> (i32, i32) {
    %c0_i32 = arith.constant 0 : i32
    %c0_i32_0 = arith.constant 0 : i32
    return %arg0, %c0_i32 : i32, i32
  }
  func.func @transform_2(%arg0: i32) -> (i32, i32) {
    %c0_i32 = arith.constant 0 : i32
    %c0_i32_0 = arith.constant 0 : i32
    return %arg0, %c0_i32 : i32, i32
  }
  func.func @transform_3(%arg0: i32) -> (i32, i32) {
    %c0_i32 = arith.constant 0 : i32
    %c0_i32_0 = arith.constant 0 : i32
    return %arg0, %c0_i32 : i32, i32
  }
  func.func @transform_4(%arg0: i32) -> (i32, i32) {
    %c0_i32 = arith.constant 0 : i32
    %c0_i32_0 = arith.constant 0 : i32
    %c0_i32_1 = arith.constant 0 : i32
    return %c0_i32, %c0_i32_0 : i32, i32
  }
  func.func @transform_5(%arg0: i32) -> (i32, i32) {
    %c0_i32 = arith.constant 0 : i32
    %c0_i32_0 = arith.constant 0 : i32
    %c0_i32_1 = arith.constant 0 : i32
    return %c0_i32, %c0_i32_0 : i32, i32
  }
  func.func @transform_6(%arg0: i32) -> (i32, i32) {
    %c0_i32 = arith.constant 0 : i32
    %c0_i32_0 = arith.constant 0 : i32
    %c0_i32_1 = arith.constant 0 : i32
    return %c0_i32, %c0_i32_0 : i32, i32
  }
  func.func @transform_7(%arg0: i32) -> (i32, i32) {
    %c0_i32 = arith.constant 0 : i32
    %c0_i32_0 = arith.constant 0 : i32
    %c0_i32_1 = arith.constant 0 : i32
    return %c0_i32, %c0_i32_0 : i32, i32
  }
  func.func @transform_8(%arg0: i32) -> (i32, i32) {
    %c0_i32 = arith.constant 0 : i32
    %c0_i32_0 = arith.constant 0 : i32
    %c0_i32_1 = arith.constant 0 : i32
    return %c0_i32, %c0_i32_0 : i32, i32
  }
  func.func @transform_9(%arg0: i32) -> (i32, i32) {
    %c0_i32 = arith.constant 0 : i32
    %c0_i32_0 = arith.constant 0 : i32
    %c0_i32_1 = arith.constant 0 : i32
    return %c0_i32, %c0_i32_0 : i32, i32
  }
  func.func @transform_10(%arg0: i32) -> (i32, i32) {
    %c0_i32 = arith.constant 0 : i32
    %c0_i32_0 = arith.constant 0 : i32
    return %arg0, %c0_i32 : i32, i32
  }
}

module attributes {stable_mosaic.version = 14 : i64} {
  func.func @body(%arg0: i32, %arg1: memref<2048x64xf32, #tpu.memory_space<vmem>>, %arg2: memref<2048x48xf32, #tpu.memory_space<vmem>>, %arg3: memref<32x2048xf32, #tpu.memory_space<vmem>>, %arg4: memref<2048x128xf32, #tpu.memory_space<vmem>>, %arg5: memref<2048x128xf32, #tpu.memory_space<vmem>>, %arg6: memref<64x64xf32, #tpu.memory_space<vmem>>, %arg7: memref<1x64xf32, #tpu.memory_space<vmem>>, %arg8: memref<2048x8xf32, #tpu.memory_space<vmem>>, %arg9: memref<48x48xf32, #tpu.memory_space<vmem>>, %arg10: memref<48x48xf32, #tpu.memory_space<vmem>>, %arg11: memref<80x64xf32, #tpu.memory_space<vmem>>, %arg12: memref<1x64xf32, #tpu.memory_space<vmem>>, %arg13: memref<64x80xf32, #tpu.memory_space<vmem>>, %arg14: memref<1x80xf32, #tpu.memory_space<vmem>>, %arg15: memref<2048x64xf32, #tpu.memory_space<vmem>>, %arg16: memref<2048x48xf32, #tpu.memory_space<vmem>>, %arg17: memref<32x8xf32, #tpu.memory_space<vmem>>) attributes {dimension_semantics = [#tpu.dimension_semantics<arbitrary>], iteration_bounds = array<i64: 5>, scalar_prefetch = 0 : i64, scratch_operands = 0 : i64, tpu.core_type = #tpu.core_type<tc>, window_params = [{transform_indices = @transform_0, window_bounds = array<i64: 2048, 64>}, {transform_indices = @transform_1, window_bounds = array<i64: 2048, 48>}, {transform_indices = @transform_2, window_bounds = array<i64: 32, 2048>}, {transform_indices = @transform_3, window_bounds = array<i64: 2048, 128>}, {transform_indices = @transform_4, window_bounds = array<i64: 2048, 128>}, {pipeline_mode = #tpu.pipeline_mode<synchronous>, transform_indices = @transform_5, window_bounds = array<i64: 64, 64>}, {pipeline_mode = #tpu.pipeline_mode<synchronous>, transform_indices = @transform_6, window_bounds = array<i64: 1, 64>}, {transform_indices = @transform_7, window_bounds = array<i64: 2048, 8>}, {pipeline_mode = #tpu.pipeline_mode<synchronous>, transform_indices = @transform_8, window_bounds = array<i64: 48, 48>}, {pipeline_mode = #tpu.pipeline_mode<synchronous>, transform_indices = @transform_9, window_bounds = array<i64: 48, 48>}, {pipeline_mode = #tpu.pipeline_mode<synchronous>, transform_indices = @transform_10, window_bounds = array<i64: 80, 64>}, {pipeline_mode = #tpu.pipeline_mode<synchronous>, transform_indices = @transform_11, window_bounds = array<i64: 1, 64>}, {pipeline_mode = #tpu.pipeline_mode<synchronous>, transform_indices = @transform_12, window_bounds = array<i64: 64, 80>}, {pipeline_mode = #tpu.pipeline_mode<synchronous>, transform_indices = @transform_13, window_bounds = array<i64: 1, 80>}, {transform_indices = @transform_14, window_bounds = array<i64: 2048, 64>}, {transform_indices = @transform_15, window_bounds = array<i64: 2048, 48>}, {pipeline_mode = #tpu.pipeline_mode<synchronous>, transform_indices = @transform_16, window_bounds = array<i64: 32, 8>}]} {
    %get3A = arith.constant 0 : index
    %get3A_0 = arith.constant 0 : index
    %get3A_1 = vector.load %arg1[%get3A, %get3A_0] : memref<2048x64xf32, #tpu.memory_space<vmem>>, vector<2048x64xf32>
    %get3A_2 = arith.constant 0 : index
    %get3A_3 = arith.constant 0 : index
    %get3A_4 = vector.load %arg2[%get3A_2, %get3A_3] : memref<2048x48xf32, #tpu.memory_space<vmem>>, vector<2048x48xf32>
    %get3A_5 = arith.constant 0 : index
    %get3A_6 = arith.constant 0 : index
    %get3A_7 = vector.load %arg4[%get3A_5, %get3A_6] : memref<2048x128xf32, #tpu.memory_space<vmem>>, vector<2048x128xf32>
    %get3A_8 = arith.constant 0 : index
    %get3A_9 = arith.constant 0 : index
    %get3A_10 = vector.load %arg5[%get3A_8, %get3A_9] : memref<2048x128xf32, #tpu.memory_space<vmem>>, vector<2048x128xf32>
    %add3A = arith.addf %get3A_7, %get3A_10 : vector<2048x128xf32>
    %get3A_11 = arith.constant 0 : index
    %get3A_12 = arith.constant 0 : index
    %get3A_13 = vector.load %arg8[%get3A_11, %get3A_12] : memref<2048x8xf32, #tpu.memory_space<vmem>>, vector<2048x1xf32>
    %get3A_14 = arith.constant 0 : index
    %get3A_15 = arith.constant 1 : index
    %get3A_16 = vector.load %arg8[%get3A_14, %get3A_15] : memref<2048x8xf32, #tpu.memory_space<vmem>>, vector<2048x1xf32>
    %slice3A = vector.extract_strided_slice %add3A {offsets = [0, 0], sizes = [2048, 64], strides = [1, 1]} : vector<2048x128xf32> to vector<2048x64xf32>
    %get3A_17 = arith.constant 0 : index
    %get3A_18 = arith.constant 0 : index
    %get3A_19 = vector.load %arg6[%get3A_17, %get3A_18] : memref<64x64xf32, #tpu.memory_space<vmem>>, vector<64x64xf32>
    %dot_general3A = arith.constant dense<0.000000e+00> : vector<2048x64xf32>
    %dot_general3A_20 = tpu.matmul %slice3A, %get3A_19, %dot_general3A {dimension_numbers = #tpu.dot_dimension_numbers<[1], [0], [0], [1], [0, 0, 1, 1], [], []>, transpose_lhs_hint = false} : vector<2048x64xf32>, vector<64x64xf32>, vector<2048x64xf32> -> vector<2048x64xf32>
    %get3A_21 = arith.constant 0 : index
    %get3A_22 = arith.constant 0 : index
    %get3A_23 = vector.load %arg7[%get3A_21, %get3A_22] : memref<1x64xf32, #tpu.memory_space<vmem>>, vector<1x64xf32>
    %mul3A = vector.broadcast %get3A_16 : vector<2048x1xf32> to vector<2048x64xf32>
    %mul3A_24 = vector.broadcast %get3A_23 : vector<1x64xf32> to vector<2048x64xf32>
    %mul3A_25 = arith.mulf %mul3A, %mul3A_24 : vector<2048x64xf32>
    %add3A_26 = arith.addf %dot_general3A_20, %mul3A_25 : vector<2048x64xf32>
    %slice3A_27 = vector.extract_strided_slice %add3A {offsets = [0, 64], sizes = [2048, 48], strides = [1, 1]} : vector<2048x128xf32> to vector<2048x48xf32>
    %div3A = vector.broadcast %get3A_13 : vector<2048x1xf32> to vector<2048x48xf32>
    %div3A_28 = arith.divf %slice3A_27, %div3A : vector<2048x48xf32>
    %get3A_29 = arith.constant 0 : index
    %get3A_30 = arith.constant 0 : index
    %get3A_31 = vector.load %arg9[%get3A_29, %get3A_30] : memref<48x48xf32, #tpu.memory_space<vmem>>, vector<48x48xf32>
    %dot_general3A_32 = arith.constant dense<0.000000e+00> : vector<2048x48xf32>
    %dot_general3A_33 = tpu.matmul %div3A_28, %get3A_31, %dot_general3A_32 {dimension_numbers = #tpu.dot_dimension_numbers<[1], [0], [0], [1], [0, 0, 1, 1], [], []>, transpose_lhs_hint = false} : vector<2048x48xf32>, vector<48x48xf32>, vector<2048x48xf32> -> vector<2048x48xf32>
    %get3A_34 = arith.constant 0 : index
    %get3A_35 = arith.constant 0 : index
    %get3A_36 = vector.load %arg10[%get3A_34, %get3A_35] : memref<48x48xf32, #tpu.memory_space<vmem>>, vector<48x48xf32>
    %dot_general3A_37 = arith.constant dense<0.000000e+00> : vector<2048x48xf32>
    %dot_general3A_38 = tpu.matmul %div3A_28, %get3A_36, %dot_general3A_37 {dimension_numbers = #tpu.dot_dimension_numbers<[1], [0], [0], [1], [0, 0, 1, 1], [], []>, transpose_lhs_hint = false} : vector<2048x48xf32>, vector<48x48xf32>, vector<2048x48xf32> -> vector<2048x48xf32>
    %mul3A_39 = arith.mulf %dot_general3A_38, %dot_general3A_38 : vector<2048x48xf32>
    %slice3A_40 = vector.extract_strided_slice %mul3A_39 {offsets = [0, 0], sizes = [2048, 16], strides = [1, 1]} : vector<2048x48xf32> to vector<2048x16xf32>
    %slice3A_41 = vector.extract_strided_slice %mul3A_39 {offsets = [0, 16], sizes = [2048, 16], strides = [1, 1]} : vector<2048x48xf32> to vector<2048x16xf32>
    %add3A_42 = arith.addf %slice3A_40, %slice3A_41 : vector<2048x16xf32>
    %slice3A_43 = vector.extract_strided_slice %mul3A_39 {offsets = [0, 32], sizes = [2048, 16], strides = [1, 1]} : vector<2048x48xf32> to vector<2048x16xf32>
    %add3A_44 = arith.addf %add3A_42, %slice3A_43 : vector<2048x16xf32>
    %add3A_45 = arith.constant 9.99999993E-9 : f32
    %add3A_46 = vector.broadcast %add3A_45 : f32 to vector<2048x16xf32>
    %add3A_47 = arith.addf %add3A_44, %add3A_46 : vector<2048x16xf32>
    %sqrt3A = math.sqrt %add3A_47 : vector<2048x16xf32>
    %concatenate3A = tpu.concatenate %add3A_26, %sqrt3A in 1 : vector<2048x64xf32>, vector<2048x16xf32> -> vector<2048x80xf32>
    %get3A_48 = arith.constant 0 : index
    %get3A_49 = arith.constant 0 : index
    %get3A_50 = vector.load %arg11[%get3A_48, %get3A_49] : memref<80x64xf32, #tpu.memory_space<vmem>>, vector<80x64xf32>
    %dot_general3A_51 = arith.constant dense<0.000000e+00> : vector<2048x64xf32>
    %dot_general3A_52 = tpu.matmul %concatenate3A, %get3A_50, %dot_general3A_51 {dimension_numbers = #tpu.dot_dimension_numbers<[1], [0], [0], [1], [0, 0, 1, 1], [], []>, transpose_lhs_hint = false} : vector<2048x80xf32>, vector<80x64xf32>, vector<2048x64xf32> -> vector<2048x64xf32>
    %get3A_53 = arith.constant 0 : index
    %get3A_54 = arith.constant 0 : index
    %get3A_55 = vector.load %arg12[%get3A_53, %get3A_54] : memref<1x64xf32, #tpu.memory_space<vmem>>, vector<1x64xf32>
    %add3A_56 = vector.broadcast %get3A_55 : vector<1x64xf32> to vector<2048x64xf32>
    %add3A_57 = arith.addf %dot_general3A_52, %add3A_56 : vector<2048x64xf32>
    %neg3A = arith.constant 0.000000e+00 : f32
    %neg3A_58 = vector.broadcast %neg3A : f32 to vector<2048x64xf32>
    %neg3A_59 = arith.subf %neg3A_58, %add3A_57 : vector<2048x64xf32>
    %exp3A = math.exp %neg3A_59 : vector<2048x64xf32>
    %add3A_60 = arith.constant 1.000000e+00 : f32
    %add3A_61 = vector.broadcast %add3A_60 : f32 to vector<2048x64xf32>
    %add3A_62 = arith.addf %add3A_61, %exp3A : vector<2048x64xf32>
    %div3A_63 = arith.constant 1.000000e+00 : f32
    %div3A_64 = vector.broadcast %div3A_63 : f32 to vector<2048x64xf32>
    %div3A_65 = arith.divf %div3A_64, %add3A_62 : vector<2048x64xf32>
    %mul3A_66 = arith.mulf %add3A_57, %div3A_65 : vector<2048x64xf32>
    %get3A_67 = arith.constant 0 : index
    %get3A_68 = arith.constant 0 : index
    %get3A_69 = vector.load %arg13[%get3A_67, %get3A_68] : memref<64x80xf32, #tpu.memory_space<vmem>>, vector<64x80xf32>
    %dot_general3A_70 = arith.constant dense<0.000000e+00> : vector<2048x80xf32>
    %dot_general3A_71 = tpu.matmul %mul3A_66, %get3A_69, %dot_general3A_70 {dimension_numbers = #tpu.dot_dimension_numbers<[1], [0], [0], [1], [0, 0, 1, 1], [], []>, transpose_lhs_hint = false} : vector<2048x64xf32>, vector<64x80xf32>, vector<2048x80xf32> -> vector<2048x80xf32>
    %get3A_72 = arith.constant 0 : index
    %get3A_73 = arith.constant 0 : index
    %get3A_74 = vector.load %arg14[%get3A_72, %get3A_73] : memref<1x80xf32, #tpu.memory_space<vmem>>, vector<1x80xf32>
    %add3A_75 = vector.broadcast %get3A_74 : vector<1x80xf32> to vector<2048x80xf32>
    %add3A_76 = arith.addf %dot_general3A_71, %add3A_75 : vector<2048x80xf32>
    %slice3A_77 = vector.extract_strided_slice %add3A_76 {offsets = [0, 0], sizes = [2048, 64], strides = [1, 1]} : vector<2048x80xf32> to vector<2048x64xf32>
    %add3A_78 = arith.addf %get3A_1, %slice3A_77 : vector<2048x64xf32>
    %slice3A_79 = vector.extract_strided_slice %add3A_76 {offsets = [0, 64], sizes = [2048, 16], strides = [1, 1]} : vector<2048x80xf32> to vector<2048x16xf32>
    %concatenate3A_80 = tpu.concatenate %slice3A_79, %slice3A_79, %slice3A_79 in 1 : vector<2048x16xf32>, vector<2048x16xf32>, vector<2048x16xf32> -> vector<2048x48xf32>
    %mul3A_81 = arith.mulf %concatenate3A_80, %dot_general3A_33 : vector<2048x48xf32>
    %add3A_82 = arith.addf %get3A_4, %mul3A_81 : vector<2048x48xf32>
    %swap3A = arith.constant 0 : index
    %swap3A_83 = arith.constant 0 : index
    %swap3A_84 = vector.load %arg15[%swap3A, %swap3A_83] : memref<2048x64xf32, #tpu.memory_space<vmem>>, vector<2048x64xf32>
    tpu.vector_store %arg15[%swap3A, %swap3A_83], %add3A_78 {strides = array<i32>} : memref<2048x64xf32, #tpu.memory_space<vmem>>, vector<2048x64xf32>,
    %swap3A_85 = arith.constant 0 : index
    %swap3A_86 = arith.constant 0 : index
    %swap3A_87 = vector.load %arg16[%swap3A_85, %swap3A_86] : memref<2048x48xf32, #tpu.memory_space<vmem>>, vector<2048x48xf32>
    tpu.vector_store %arg16[%swap3A_85, %swap3A_86], %add3A_82 {strides = array<i32>} : memref<2048x48xf32, #tpu.memory_space<vmem>>, vector<2048x48xf32>,
    %reduce_sum3A = arith.constant dense<0.000000e+00> : vector<2048xf32>
    %reduce_sum3A_88 = vector.multi_reduction <add>, %add3A_78, %reduce_sum3A [1] : vector<2048x64xf32> to vector<2048xf32>
    %broadcast_in_dim3A = vector.shape_cast %reduce_sum3A_88 : vector<2048xf32> to vector<2048x1xf32>
    %mul3A_89 = arith.mulf %add3A_78, %add3A_78 : vector<2048x64xf32>
    %reduce_sum3A_90 = arith.constant dense<0.000000e+00> : vector<2048xf32>
    %reduce_sum3A_91 = vector.multi_reduction <add>, %mul3A_89, %reduce_sum3A_90 [1] : vector<2048x64xf32> to vector<2048xf32>
    %broadcast_in_dim3A_92 = vector.shape_cast %reduce_sum3A_91 : vector<2048xf32> to vector<2048x1xf32>
    %mul3A_93 = arith.mulf %add3A_82, %add3A_82 : vector<2048x48xf32>
    %reduce_sum3A_94 = arith.constant dense<0.000000e+00> : vector<2048xf32>
    %reduce_sum3A_95 = vector.multi_reduction <add>, %mul3A_93, %reduce_sum3A_94 [1] : vector<2048x48xf32> to vector<2048xf32>
    %broadcast_in_dim3A_96 = vector.shape_cast %reduce_sum3A_95 : vector<2048xf32> to vector<2048x1xf32>
    %broadcast_in_dim3A_97 = arith.constant 1.000000e+00 : f32
    %broadcast_in_dim3A_98 = vector.broadcast %broadcast_in_dim3A_97 : f32 to vector<2048x1xf32>
    %broadcast_in_dim3A_99 = arith.constant 0.000000e+00 : f32
    %broadcast_in_dim3A_100 = vector.broadcast %broadcast_in_dim3A_99 : f32 to vector<2048x4xf32>
    %concatenate3A_101 = tpu.concatenate %broadcast_in_dim3A, %broadcast_in_dim3A_92, %broadcast_in_dim3A_96, %broadcast_in_dim3A_98, %broadcast_in_dim3A_100 in 1 : vector<2048x1xf32>, vector<2048x1xf32>, vector<2048x1xf32>, vector<2048x1xf32>, vector<2048x4xf32> -> vector<2048x8xf32>
    %get3A_102 = arith.constant 0 : index
    %get3A_103 = arith.constant 0 : index
    %get3A_104 = vector.load %arg3[%get3A_102, %get3A_103] : memref<32x2048xf32, #tpu.memory_space<vmem>>, vector<32x2048xf32>
    %dot_general3A_105 = arith.constant dense<0.000000e+00> : vector<32x8xf32>
    %dot_general3A_106 = tpu.matmul %get3A_104, %concatenate3A_101, %dot_general3A_105 {dimension_numbers = #tpu.dot_dimension_numbers<[1], [0], [0], [1], [0, 0, 1, 1], [], []>, transpose_lhs_hint = false} : vector<32x2048xf32>, vector<2048x8xf32>, vector<32x8xf32> -> vector<32x8xf32>
    %eq3A = arith.constant 0 : i32
    %eq3A_107 = arith.cmpi eq, %arg0, %eq3A : i32
    %convert_element_type3A = arith.extui %eq3A_107 : i1 to i32
    %cond3A = arith.constant 0 : i32
    %cond3A_108 = arith.cmpi ne, %convert_element_type3A, %cond3A : i32
    scf.if %cond3A_108 {
      %broadcast_in_dim3A_116 = arith.constant 0.000000e+00 : f32
      %broadcast_in_dim3A_117 = vector.broadcast %broadcast_in_dim3A_116 : f32 to vector<32x8xf32>
      %swap3A_118 = arith.constant 0 : index
      %swap3A_119 = arith.constant 0 : index
      %swap3A_120 = vector.load %arg17[%swap3A_118, %swap3A_119] : memref<32x8xf32, #tpu.memory_space<vmem>>, vector<32x8xf32>
      tpu.vector_store %arg17[%swap3A_118, %swap3A_119], %broadcast_in_dim3A_117 {strides = array<i32>} : memref<32x8xf32, #tpu.memory_space<vmem>>, vector<32x8xf32>,
    } else {
    }
    %get3A_109 = arith.constant 0 : index
    %get3A_110 = arith.constant 0 : index
    %get3A_111 = vector.load %arg17[%get3A_109, %get3A_110] : memref<32x8xf32, #tpu.memory_space<vmem>>, vector<32x8xf32>
    %add3A_112 = arith.addf %get3A_111, %dot_general3A_106 : vector<32x8xf32>
    %swap3A_113 = arith.constant 0 : index
    %swap3A_114 = arith.constant 0 : index
    %swap3A_115 = vector.load %arg17[%swap3A_113, %swap3A_114] : memref<32x8xf32, #tpu.memory_space<vmem>>, vector<32x8xf32>
    tpu.vector_store %arg17[%swap3A_113, %swap3A_114], %add3A_112 {strides = array<i32>} : memref<32x8xf32, #tpu.memory_space<vmem>>, vector<32x8xf32>,
    return
  }
  func.func @transform_0(%arg0: i32) -> (i32, i32) {
    %c0_i32 = arith.constant 0 : i32
    %c0_i32_0 = arith.constant 0 : i32
    return %arg0, %c0_i32 : i32, i32
  }
  func.func @transform_1(%arg0: i32) -> (i32, i32) {
    %c0_i32 = arith.constant 0 : i32
    %c0_i32_0 = arith.constant 0 : i32
    return %arg0, %c0_i32 : i32, i32
  }
  func.func @transform_2(%arg0: i32) -> (i32, i32) {
    %c0_i32 = arith.constant 0 : i32
    %c0_i32_0 = arith.constant 0 : i32
    return %c0_i32, %arg0 : i32, i32
  }
  func.func @transform_3(%arg0: i32) -> (i32, i32) {
    %c0_i32 = arith.constant 0 : i32
    %c0_i32_0 = arith.constant 0 : i32
    return %arg0, %c0_i32 : i32, i32
  }
  func.func @transform_4(%arg0: i32) -> (i32, i32) {
    %add3A = arith.constant 5 : i32
    %add3A_0 = arith.addi %arg0, %add3A : i32
    %c0_i32 = arith.constant 0 : i32
    %c0_i32_1 = arith.constant 0 : i32
    return %add3A_0, %c0_i32 : i32, i32
  }
  func.func @transform_5(%arg0: i32) -> (i32, i32) {
    %c0_i32 = arith.constant 0 : i32
    %c0_i32_0 = arith.constant 0 : i32
    %c0_i32_1 = arith.constant 0 : i32
    return %c0_i32, %c0_i32_0 : i32, i32
  }
  func.func @transform_6(%arg0: i32) -> (i32, i32) {
    %c0_i32 = arith.constant 0 : i32
    %c0_i32_0 = arith.constant 0 : i32
    %c0_i32_1 = arith.constant 0 : i32
    return %c0_i32, %c0_i32_0 : i32, i32
  }
  func.func @transform_7(%arg0: i32) -> (i32, i32) {
    %c0_i32 = arith.constant 0 : i32
    %c0_i32_0 = arith.constant 0 : i32
    return %arg0, %c0_i32 : i32, i32
  }
  func.func @transform_8(%arg0: i32) -> (i32, i32) {
    %c0_i32 = arith.constant 0 : i32
    %c0_i32_0 = arith.constant 0 : i32
    %c0_i32_1 = arith.constant 0 : i32
    return %c0_i32, %c0_i32_0 : i32, i32
  }
  func.func @transform_9(%arg0: i32) -> (i32, i32) {
    %c0_i32 = arith.constant 0 : i32
    %c0_i32_0 = arith.constant 0 : i32
    %c0_i32_1 = arith.constant 0 : i32
    return %c0_i32, %c0_i32_0 : i32, i32
  }
  func.func @transform_10(%arg0: i32) -> (i32, i32) {
    %c0_i32 = arith.constant 0 : i32
    %c0_i32_0 = arith.constant 0 : i32
    %c0_i32_1 = arith.constant 0 : i32
    return %c0_i32, %c0_i32_0 : i32, i32
  }
  func.func @transform_11(%arg0: i32) -> (i32, i32) {
    %c0_i32 = arith.constant 0 : i32
    %c0_i32_0 = arith.constant 0 : i32
    %c0_i32_1 = arith.constant 0 : i32
    return %c0_i32, %c0_i32_0 : i32, i32
  }
  func.func @transform_12(%arg0: i32) -> (i32, i32) {
    %c0_i32 = arith.constant 0 : i32
    %c0_i32_0 = arith.constant 0 : i32
    %c0_i32_1 = arith.constant 0 : i32
    return %c0_i32, %c0_i32_0 : i32, i32
  }
  func.func @transform_13(%arg0: i32) -> (i32, i32) {
    %c0_i32 = arith.constant 0 : i32
    %c0_i32_0 = arith.constant 0 : i32
    %c0_i32_1 = arith.constant 0 : i32
    return %c0_i32, %c0_i32_0 : i32, i32
  }
  func.func @transform_14(%arg0: i32) -> (i32, i32) {
    %c0_i32 = arith.constant 0 : i32
    %c0_i32_0 = arith.constant 0 : i32
    return %arg0, %c0_i32 : i32, i32
  }
  func.func @transform_15(%arg0: i32) -> (i32, i32) {
    %c0_i32 = arith.constant 0 : i32
    %c0_i32_0 = arith.constant 0 : i32
    return %arg0, %c0_i32 : i32, i32
  }
  func.func @transform_16(%arg0: i32) -> (i32, i32) {
    %c0_i32 = arith.constant 0 : i32
    %c0_i32_0 = arith.constant 0 : i32
    %c0_i32_1 = arith.constant 0 : i32
    return %c0_i32, %c0_i32_0 : i32, i32
  }
}

module attributes {stable_mosaic.version = 14 : i64} {
  func.func @body(%arg0: i32, %arg1: memref<2048x64xf32, #tpu.memory_space<vmem>>, %arg2: memref<2048x48xf32, #tpu.memory_space<vmem>>, %arg3: memref<32x2048xf32, #tpu.memory_space<vmem>>, %arg4: memref<2048x128xf32, #tpu.memory_space<vmem>>, %arg5: memref<2048x128xf32, #tpu.memory_space<vmem>>, %arg6: memref<64x64xf32, #tpu.memory_space<vmem>>, %arg7: memref<1x64xf32, #tpu.memory_space<vmem>>, %arg8: memref<2048x8xf32, #tpu.memory_space<vmem>>, %arg9: memref<64x64xf32, #tpu.memory_space<vmem>>, %arg10: memref<1x64xf32, #tpu.memory_space<vmem>>, %arg11: memref<2048x64xf32, #tpu.memory_space<vmem>>, %arg12: memref<2048x48xf32, #tpu.memory_space<vmem>>, %arg13: memref<32x8xf32, #tpu.memory_space<vmem>>) attributes {dimension_semantics = [#tpu.dimension_semantics<arbitrary>], iteration_bounds = array<i64: 5>, scalar_prefetch = 0 : i64, scratch_operands = 0 : i64, tpu.core_type = #tpu.core_type<tc>, window_params = [{transform_indices = @transform_0, window_bounds = array<i64: 2048, 64>}, {transform_indices = @transform_1, window_bounds = array<i64: 2048, 48>}, {transform_indices = @transform_2, window_bounds = array<i64: 32, 2048>}, {transform_indices = @transform_3, window_bounds = array<i64: 2048, 128>}, {transform_indices = @transform_4, window_bounds = array<i64: 2048, 128>}, {pipeline_mode = #tpu.pipeline_mode<synchronous>, transform_indices = @transform_5, window_bounds = array<i64: 64, 64>}, {pipeline_mode = #tpu.pipeline_mode<synchronous>, transform_indices = @transform_6, window_bounds = array<i64: 1, 64>}, {transform_indices = @transform_7, window_bounds = array<i64: 2048, 8>}, {pipeline_mode = #tpu.pipeline_mode<synchronous>, transform_indices = @transform_8, window_bounds = array<i64: 64, 64>}, {pipeline_mode = #tpu.pipeline_mode<synchronous>, transform_indices = @transform_9, window_bounds = array<i64: 1, 64>}, {transform_indices = @transform_10, window_bounds = array<i64: 2048, 64>}, {transform_indices = @transform_11, window_bounds = array<i64: 2048, 48>}, {pipeline_mode = #tpu.pipeline_mode<synchronous>, transform_indices = @transform_12, window_bounds = array<i64: 32, 8>}]} {
    %get3A = arith.constant 0 : index
    %get3A_0 = arith.constant 0 : index
    %get3A_1 = vector.load %arg1[%get3A, %get3A_0] : memref<2048x64xf32, #tpu.memory_space<vmem>>, vector<2048x64xf32>
    %get3A_2 = arith.constant 0 : index
    %get3A_3 = arith.constant 0 : index
    %get3A_4 = vector.load %arg2[%get3A_2, %get3A_3] : memref<2048x48xf32, #tpu.memory_space<vmem>>, vector<2048x48xf32>
    %get3A_5 = arith.constant 0 : index
    %get3A_6 = arith.constant 0 : index
    %get3A_7 = vector.load %arg4[%get3A_5, %get3A_6] : memref<2048x128xf32, #tpu.memory_space<vmem>>, vector<2048x128xf32>
    %get3A_8 = arith.constant 0 : index
    %get3A_9 = arith.constant 0 : index
    %get3A_10 = vector.load %arg5[%get3A_8, %get3A_9] : memref<2048x128xf32, #tpu.memory_space<vmem>>, vector<2048x128xf32>
    %add3A = arith.addf %get3A_7, %get3A_10 : vector<2048x128xf32>
    %get3A_11 = arith.constant 0 : index
    %get3A_12 = arith.constant 0 : index
    %get3A_13 = vector.load %arg8[%get3A_11, %get3A_12] : memref<2048x8xf32, #tpu.memory_space<vmem>>, vector<2048x1xf32>
    %get3A_14 = arith.constant 0 : index
    %get3A_15 = arith.constant 1 : index
    %get3A_16 = vector.load %arg8[%get3A_14, %get3A_15] : memref<2048x8xf32, #tpu.memory_space<vmem>>, vector<2048x1xf32>
    %slice3A = vector.extract_strided_slice %add3A {offsets = [0, 0], sizes = [2048, 64], strides = [1, 1]} : vector<2048x128xf32> to vector<2048x64xf32>
    %get3A_17 = arith.constant 0 : index
    %get3A_18 = arith.constant 0 : index
    %get3A_19 = vector.load %arg6[%get3A_17, %get3A_18] : memref<64x64xf32, #tpu.memory_space<vmem>>, vector<64x64xf32>
    %dot_general3A = arith.constant dense<0.000000e+00> : vector<2048x64xf32>
    %dot_general3A_20 = tpu.matmul %slice3A, %get3A_19, %dot_general3A {dimension_numbers = #tpu.dot_dimension_numbers<[1], [0], [0], [1], [0, 0, 1, 1], [], []>, transpose_lhs_hint = false} : vector<2048x64xf32>, vector<64x64xf32>, vector<2048x64xf32> -> vector<2048x64xf32>
    %get3A_21 = arith.constant 0 : index
    %get3A_22 = arith.constant 0 : index
    %get3A_23 = vector.load %arg7[%get3A_21, %get3A_22] : memref<1x64xf32, #tpu.memory_space<vmem>>, vector<1x64xf32>
    %mul3A = vector.broadcast %get3A_16 : vector<2048x1xf32> to vector<2048x64xf32>
    %mul3A_24 = vector.broadcast %get3A_23 : vector<1x64xf32> to vector<2048x64xf32>
    %mul3A_25 = arith.mulf %mul3A, %mul3A_24 : vector<2048x64xf32>
    %add3A_26 = arith.addf %dot_general3A_20, %mul3A_25 : vector<2048x64xf32>
    %slice3A_27 = vector.extract_strided_slice %add3A {offsets = [0, 64], sizes = [2048, 48], strides = [1, 1]} : vector<2048x128xf32> to vector<2048x48xf32>
    %div3A = vector.broadcast %get3A_13 : vector<2048x1xf32> to vector<2048x48xf32>
    %div3A_28 = arith.divf %slice3A_27, %div3A : vector<2048x48xf32>
    %get3A_29 = arith.constant 0 : index
    %get3A_30 = arith.constant 0 : index
    %get3A_31 = vector.load %arg9[%get3A_29, %get3A_30] : memref<64x64xf32, #tpu.memory_space<vmem>>, vector<64x64xf32>
    %dot_general3A_32 = arith.constant dense<0.000000e+00> : vector<2048x64xf32>
    %dot_general3A_33 = tpu.matmul %add3A_26, %get3A_31, %dot_general3A_32 {dimension_numbers = #tpu.dot_dimension_numbers<[1], [0], [0], [1], [0, 0, 1, 1], [], []>, transpose_lhs_hint = false} : vector<2048x64xf32>, vector<64x64xf32>, vector<2048x64xf32> -> vector<2048x64xf32>
    %add3A_34 = arith.addf %get3A_1, %dot_general3A_33 : vector<2048x64xf32>
    %get3A_35 = arith.constant 0 : index
    %get3A_36 = arith.constant 0 : index
    %get3A_37 = vector.load %arg10[%get3A_35, %get3A_36] : memref<1x64xf32, #tpu.memory_space<vmem>>, vector<1x64xf32>
    %add3A_38 = vector.broadcast %get3A_37 : vector<1x64xf32> to vector<2048x64xf32>
    %add3A_39 = arith.addf %add3A_34, %add3A_38 : vector<2048x64xf32>
    %add3A_40 = arith.addf %get3A_4, %div3A_28 : vector<2048x48xf32>
    %swap3A = arith.constant 0 : index
    %swap3A_41 = arith.constant 0 : index
    %swap3A_42 = vector.load %arg11[%swap3A, %swap3A_41] : memref<2048x64xf32, #tpu.memory_space<vmem>>, vector<2048x64xf32>
    tpu.vector_store %arg11[%swap3A, %swap3A_41], %add3A_39 {strides = array<i32>} : memref<2048x64xf32, #tpu.memory_space<vmem>>, vector<2048x64xf32>,
    %swap3A_43 = arith.constant 0 : index
    %swap3A_44 = arith.constant 0 : index
    %swap3A_45 = vector.load %arg12[%swap3A_43, %swap3A_44] : memref<2048x48xf32, #tpu.memory_space<vmem>>, vector<2048x48xf32>
    tpu.vector_store %arg12[%swap3A_43, %swap3A_44], %add3A_40 {strides = array<i32>} : memref<2048x48xf32, #tpu.memory_space<vmem>>, vector<2048x48xf32>,
    %reduce_sum3A = arith.constant dense<0.000000e+00> : vector<2048xf32>
    %reduce_sum3A_46 = vector.multi_reduction <add>, %add3A_39, %reduce_sum3A [1] : vector<2048x64xf32> to vector<2048xf32>
    %broadcast_in_dim3A = vector.shape_cast %reduce_sum3A_46 : vector<2048xf32> to vector<2048x1xf32>
    %mul3A_47 = arith.mulf %add3A_39, %add3A_39 : vector<2048x64xf32>
    %reduce_sum3A_48 = arith.constant dense<0.000000e+00> : vector<2048xf32>
    %reduce_sum3A_49 = vector.multi_reduction <add>, %mul3A_47, %reduce_sum3A_48 [1] : vector<2048x64xf32> to vector<2048xf32>
    %broadcast_in_dim3A_50 = vector.shape_cast %reduce_sum3A_49 : vector<2048xf32> to vector<2048x1xf32>
    %mul3A_51 = arith.mulf %add3A_40, %add3A_40 : vector<2048x48xf32>
    %reduce_sum3A_52 = arith.constant dense<0.000000e+00> : vector<2048xf32>
    %reduce_sum3A_53 = vector.multi_reduction <add>, %mul3A_51, %reduce_sum3A_52 [1] : vector<2048x48xf32> to vector<2048xf32>
    %broadcast_in_dim3A_54 = vector.shape_cast %reduce_sum3A_53 : vector<2048xf32> to vector<2048x1xf32>
    %broadcast_in_dim3A_55 = arith.constant 1.000000e+00 : f32
    %broadcast_in_dim3A_56 = vector.broadcast %broadcast_in_dim3A_55 : f32 to vector<2048x1xf32>
    %broadcast_in_dim3A_57 = arith.constant 0.000000e+00 : f32
    %broadcast_in_dim3A_58 = vector.broadcast %broadcast_in_dim3A_57 : f32 to vector<2048x4xf32>
    %concatenate3A = tpu.concatenate %broadcast_in_dim3A, %broadcast_in_dim3A_50, %broadcast_in_dim3A_54, %broadcast_in_dim3A_56, %broadcast_in_dim3A_58 in 1 : vector<2048x1xf32>, vector<2048x1xf32>, vector<2048x1xf32>, vector<2048x1xf32>, vector<2048x4xf32> -> vector<2048x8xf32>
    %get3A_59 = arith.constant 0 : index
    %get3A_60 = arith.constant 0 : index
    %get3A_61 = vector.load %arg3[%get3A_59, %get3A_60] : memref<32x2048xf32, #tpu.memory_space<vmem>>, vector<32x2048xf32>
    %dot_general3A_62 = arith.constant dense<0.000000e+00> : vector<32x8xf32>
    %dot_general3A_63 = tpu.matmul %get3A_61, %concatenate3A, %dot_general3A_62 {dimension_numbers = #tpu.dot_dimension_numbers<[1], [0], [0], [1], [0, 0, 1, 1], [], []>, transpose_lhs_hint = false} : vector<32x2048xf32>, vector<2048x8xf32>, vector<32x8xf32> -> vector<32x8xf32>
    %eq3A = arith.constant 0 : i32
    %eq3A_64 = arith.cmpi eq, %arg0, %eq3A : i32
    %convert_element_type3A = arith.extui %eq3A_64 : i1 to i32
    %cond3A = arith.constant 0 : i32
    %cond3A_65 = arith.cmpi ne, %convert_element_type3A, %cond3A : i32
    scf.if %cond3A_65 {
      %broadcast_in_dim3A_73 = arith.constant 0.000000e+00 : f32
      %broadcast_in_dim3A_74 = vector.broadcast %broadcast_in_dim3A_73 : f32 to vector<32x8xf32>
      %swap3A_75 = arith.constant 0 : index
      %swap3A_76 = arith.constant 0 : index
      %swap3A_77 = vector.load %arg13[%swap3A_75, %swap3A_76] : memref<32x8xf32, #tpu.memory_space<vmem>>, vector<32x8xf32>
      tpu.vector_store %arg13[%swap3A_75, %swap3A_76], %broadcast_in_dim3A_74 {strides = array<i32>} : memref<32x8xf32, #tpu.memory_space<vmem>>, vector<32x8xf32>,
    } else {
    }
    %get3A_66 = arith.constant 0 : index
    %get3A_67 = arith.constant 0 : index
    %get3A_68 = vector.load %arg13[%get3A_66, %get3A_67] : memref<32x8xf32, #tpu.memory_space<vmem>>, vector<32x8xf32>
    %add3A_69 = arith.addf %get3A_68, %dot_general3A_63 : vector<32x8xf32>
    %swap3A_70 = arith.constant 0 : index
    %swap3A_71 = arith.constant 0 : index
    %swap3A_72 = vector.load %arg13[%swap3A_70, %swap3A_71] : memref<32x8xf32, #tpu.memory_space<vmem>>, vector<32x8xf32>
    tpu.vector_store %arg13[%swap3A_70, %swap3A_71], %add3A_69 {strides = array<i32>} : memref<32x8xf32, #tpu.memory_space<vmem>>, vector<32x8xf32>,
    return
  }
  func.func @transform_0(%arg0: i32) -> (i32, i32) {
    %c0_i32 = arith.constant 0 : i32
    %c0_i32_0 = arith.constant 0 : i32
    return %arg0, %c0_i32 : i32, i32
  }
  func.func @transform_1(%arg0: i32) -> (i32, i32) {
    %c0_i32 = arith.constant 0 : i32
    %c0_i32_0 = arith.constant 0 : i32
    return %arg0, %c0_i32 : i32, i32
  }
  func.func @transform_2(%arg0: i32) -> (i32, i32) {
    %c0_i32 = arith.constant 0 : i32
    %c0_i32_0 = arith.constant 0 : i32
    return %c0_i32, %arg0 : i32, i32
  }
  func.func @transform_3(%arg0: i32) -> (i32, i32) {
    %c0_i32 = arith.constant 0 : i32
    %c0_i32_0 = arith.constant 0 : i32
    return %arg0, %c0_i32 : i32, i32
  }
  func.func @transform_4(%arg0: i32) -> (i32, i32) {
    %add3A = arith.constant 5 : i32
    %add3A_0 = arith.addi %arg0, %add3A : i32
    %c0_i32 = arith.constant 0 : i32
    %c0_i32_1 = arith.constant 0 : i32
    return %add3A_0, %c0_i32 : i32, i32
  }
  func.func @transform_5(%arg0: i32) -> (i32, i32) {
    %c0_i32 = arith.constant 0 : i32
    %c0_i32_0 = arith.constant 0 : i32
    %c0_i32_1 = arith.constant 0 : i32
    return %c0_i32, %c0_i32_0 : i32, i32
  }
  func.func @transform_6(%arg0: i32) -> (i32, i32) {
    %c0_i32 = arith.constant 0 : i32
    %c0_i32_0 = arith.constant 0 : i32
    %c0_i32_1 = arith.constant 0 : i32
    return %c0_i32, %c0_i32_0 : i32, i32
  }
  func.func @transform_7(%arg0: i32) -> (i32, i32) {
    %c0_i32 = arith.constant 0 : i32
    %c0_i32_0 = arith.constant 0 : i32
    return %arg0, %c0_i32 : i32, i32
  }
  func.func @transform_8(%arg0: i32) -> (i32, i32) {
    %c0_i32 = arith.constant 0 : i32
    %c0_i32_0 = arith.constant 0 : i32
    %c0_i32_1 = arith.constant 0 : i32
    return %c0_i32, %c0_i32_0 : i32, i32
  }
  func.func @transform_9(%arg0: i32) -> (i32, i32) {
    %c0_i32 = arith.constant 0 : i32
    %c0_i32_0 = arith.constant 0 : i32
    %c0_i32_1 = arith.constant 0 : i32
    return %c0_i32, %c0_i32_0 : i32, i32
  }
  func.func @transform_10(%arg0: i32) -> (i32, i32) {
    %c0_i32 = arith.constant 0 : i32
    %c0_i32_0 = arith.constant 0 : i32
    return %arg0, %c0_i32 : i32, i32
  }
  func.func @transform_11(%arg0: i32) -> (i32, i32) {
    %c0_i32 = arith.constant 0 : i32
    %c0_i32_0 = arith.constant 0 : i32
    return %arg0, %c0_i32 : i32, i32
  }
  func.func @transform_12(%arg0: i32) -> (i32, i32) {
    %c0_i32 = arith.constant 0 : i32
    %c0_i32_0 = arith.constant 0 : i32
    %c0_i32_1 = arith.constant 0 : i32
    return %c0_i32, %c0_i32_0 : i32, i32
  }
}

module attributes {stable_mosaic.version = 14 : i64} {
  func.func @body(%arg0: i32, %arg1: memref<2048x64xf32, #tpu.memory_space<vmem>>, %arg2: memref<2048x48xf32, #tpu.memory_space<vmem>>, %arg3: memref<2048x32xf32, #tpu.memory_space<vmem>>, %arg4: memref<32x8xf32, #tpu.memory_space<vmem>>, %arg5: memref<1x64xf32, #tpu.memory_space<vmem>>, %arg6: memref<1x64xf32, #tpu.memory_space<vmem>>, %arg7: memref<2048x64xf32, #tpu.memory_space<vmem>>, %arg8: memref<2048x48xf32, #tpu.memory_space<vmem>>) attributes {dimension_semantics = [#tpu.dimension_semantics<arbitrary>], iteration_bounds = array<i64: 5>, scalar_prefetch = 0 : i64, scratch_operands = 0 : i64, tpu.core_type = #tpu.core_type<tc>, window_params = [{transform_indices = @transform_0, window_bounds = array<i64: 2048, 64>}, {transform_indices = @transform_1, window_bounds = array<i64: 2048, 48>}, {transform_indices = @transform_2, window_bounds = array<i64: 2048, 32>}, {pipeline_mode = #tpu.pipeline_mode<synchronous>, transform_indices = @transform_3, window_bounds = array<i64: 32, 8>}, {pipeline_mode = #tpu.pipeline_mode<synchronous>, transform_indices = @transform_4, window_bounds = array<i64: 1, 64>}, {pipeline_mode = #tpu.pipeline_mode<synchronous>, transform_indices = @transform_5, window_bounds = array<i64: 1, 64>}, {transform_indices = @transform_6, window_bounds = array<i64: 2048, 64>}, {transform_indices = @transform_7, window_bounds = array<i64: 2048, 48>}]} {
    %get3A = arith.constant 0 : index
    %get3A_0 = arith.constant 0 : index
    %get3A_1 = vector.load %arg4[%get3A, %get3A_0] : memref<32x8xf32, #tpu.memory_space<vmem>>, vector<32x8xf32>
    %slice3A = vector.extract_strided_slice %get3A_1 {offsets = [0, 3], sizes = [32, 1], strides = [1, 1]} : vector<32x8xf32> to vector<32x1xf32>
    %max3A = arith.constant 1.000000e+00 : f32
    %max3A_2 = vector.broadcast %max3A : f32 to vector<32x1xf32>
    %max3A_3 = arith.maximumf %slice3A, %max3A_2 : vector<32x1xf32>
    %slice3A_4 = vector.extract_strided_slice %get3A_1 {offsets = [0, 0], sizes = [32, 1], strides = [1, 1]} : vector<32x8xf32> to vector<32x1xf32>
    %mul3A = arith.constant 6.400000e+01 : f32
    %mul3A_5 = vector.broadcast %mul3A : f32 to vector<32x1xf32>
    %mul3A_6 = arith.mulf %mul3A_5, %max3A_3 : vector<32x1xf32>
    %div3A = arith.divf %slice3A_4, %mul3A_6 : vector<32x1xf32>
    %slice3A_7 = vector.extract_strided_slice %get3A_1 {offsets = [0, 1], sizes = [32, 1], strides = [1, 1]} : vector<32x8xf32> to vector<32x1xf32>
    %mul3A_8 = arith.constant 6.400000e+01 : f32
    %mul3A_9 = vector.broadcast %mul3A_8 : f32 to vector<32x1xf32>
    %mul3A_10 = arith.mulf %mul3A_9, %max3A_3 : vector<32x1xf32>
    %div3A_11 = arith.divf %slice3A_7, %mul3A_10 : vector<32x1xf32>
    %mul3A_12 = arith.mulf %div3A, %div3A : vector<32x1xf32>
    %sub3A = arith.subf %div3A_11, %mul3A_12 : vector<32x1xf32>
    %add3A = arith.constant 9.99999997E-7 : f32
    %add3A_13 = vector.broadcast %add3A : f32 to vector<32x1xf32>
    %add3A_14 = arith.addf %sub3A, %add3A_13 : vector<32x1xf32>
    %rsqrt3A = math.rsqrt %add3A_14 : vector<32x1xf32>
    %slice3A_15 = vector.extract_strided_slice %get3A_1 {offsets = [0, 2], sizes = [32, 1], strides = [1, 1]} : vector<32x8xf32> to vector<32x1xf32>
    %mul3A_16 = arith.constant 1.600000e+01 : f32
    %mul3A_17 = vector.broadcast %mul3A_16 : f32 to vector<32x1xf32>
    %mul3A_18 = arith.mulf %mul3A_17, %max3A_3 : vector<32x1xf32>
    %div3A_19 = arith.divf %slice3A_15, %mul3A_18 : vector<32x1xf32>
    %add3A_20 = arith.constant 9.99999997E-7 : f32
    %add3A_21 = vector.broadcast %add3A_20 : f32 to vector<32x1xf32>
    %add3A_22 = arith.addf %div3A_19, %add3A_21 : vector<32x1xf32>
    %rsqrt3A_23 = math.rsqrt %add3A_22 : vector<32x1xf32>
    %broadcast_in_dim3A = arith.constant 0.000000e+00 : f32
    %broadcast_in_dim3A_24 = vector.broadcast %broadcast_in_dim3A : f32 to vector<32x5xf32>
    %concatenate3A = tpu.concatenate %div3A, %rsqrt3A, %rsqrt3A_23, %broadcast_in_dim3A_24 in 1 : vector<32x1xf32>, vector<32x1xf32>, vector<32x1xf32>, vector<32x5xf32> -> vector<32x8xf32>
    %get3A_25 = arith.constant 0 : index
    %get3A_26 = arith.constant 0 : index
    %get3A_27 = vector.load %arg3[%get3A_25, %get3A_26] : memref<2048x32xf32, #tpu.memory_space<vmem>>, vector<2048x32xf32>
    %dot_general3A = arith.constant dense<0.000000e+00> : vector<2048x8xf32>
    %dot_general3A_28 = tpu.matmul %get3A_27, %concatenate3A, %dot_general3A {dimension_numbers = #tpu.dot_dimension_numbers<[1], [0], [0], [1], [0, 0, 1, 1], [], []>, transpose_lhs_hint = false} : vector<2048x32xf32>, vector<32x8xf32>, vector<2048x8xf32> -> vector<2048x8xf32>
    %get3A_29 = arith.constant 0 : index
    %get3A_30 = arith.constant 0 : index
    %get3A_31 = vector.load %arg1[%get3A_29, %get3A_30] : memref<2048x64xf32, #tpu.memory_space<vmem>>, vector<2048x64xf32>
    %slice3A_32 = vector.extract_strided_slice %dot_general3A_28 {offsets = [0, 0], sizes = [2048, 1], strides = [1, 1]} : vector<2048x8xf32> to vector<2048x1xf32>
    %sub3A_33 = vector.broadcast %slice3A_32 : vector<2048x1xf32> to vector<2048x64xf32>
    %sub3A_34 = arith.subf %get3A_31, %sub3A_33 : vector<2048x64xf32>
    %slice3A_35 = vector.extract_strided_slice %dot_general3A_28 {offsets = [0, 1], sizes = [2048, 1], strides = [1, 1]} : vector<2048x8xf32> to vector<2048x1xf32>
    %mul3A_36 = vector.broadcast %slice3A_35 : vector<2048x1xf32> to vector<2048x64xf32>
    %mul3A_37 = arith.mulf %sub3A_34, %mul3A_36 : vector<2048x64xf32>
    %get3A_38 = arith.constant 0 : index
    %get3A_39 = arith.constant 0 : index
    %get3A_40 = vector.load %arg5[%get3A_38, %get3A_39] : memref<1x64xf32, #tpu.memory_space<vmem>>, vector<1x64xf32>
    %mul3A_41 = vector.broadcast %get3A_40 : vector<1x64xf32> to vector<2048x64xf32>
    %mul3A_42 = arith.mulf %mul3A_37, %mul3A_41 : vector<2048x64xf32>
    %get3A_43 = arith.constant 0 : index
    %get3A_44 = arith.constant 0 : index
    %get3A_45 = vector.load %arg6[%get3A_43, %get3A_44] : memref<1x64xf32, #tpu.memory_space<vmem>>, vector<1x64xf32>
    %add3A_46 = vector.broadcast %get3A_45 : vector<1x64xf32> to vector<2048x64xf32>
    %add3A_47 = arith.addf %mul3A_42, %add3A_46 : vector<2048x64xf32>
    %get3A_48 = arith.constant 0 : index
    %get3A_49 = arith.constant 0 : index
    %get3A_50 = vector.load %arg2[%get3A_48, %get3A_49] : memref<2048x48xf32, #tpu.memory_space<vmem>>, vector<2048x48xf32>
    %slice3A_51 = vector.extract_strided_slice %dot_general3A_28 {offsets = [0, 2], sizes = [2048, 1], strides = [1, 1]} : vector<2048x8xf32> to vector<2048x1xf32>
    %mul3A_52 = vector.broadcast %slice3A_51 : vector<2048x1xf32> to vector<2048x48xf32>
    %mul3A_53 = arith.mulf %get3A_50, %mul3A_52 : vector<2048x48xf32>
    %swap3A = arith.constant 0 : index
    %swap3A_54 = arith.constant 0 : index
    %swap3A_55 = vector.load %arg7[%swap3A, %swap3A_54] : memref<2048x64xf32, #tpu.memory_space<vmem>>, vector<2048x64xf32>
    tpu.vector_store %arg7[%swap3A, %swap3A_54], %add3A_47 {strides = array<i32>} : memref<2048x64xf32, #tpu.memory_space<vmem>>, vector<2048x64xf32>,
    %swap3A_56 = arith.constant 0 : index
    %swap3A_57 = arith.constant 0 : index
    %swap3A_58 = vector.load %arg8[%swap3A_56, %swap3A_57] : memref<2048x48xf32, #tpu.memory_space<vmem>>, vector<2048x48xf32>
    tpu.vector_store %arg8[%swap3A_56, %swap3A_57], %mul3A_53 {strides = array<i32>} : memref<2048x48xf32, #tpu.memory_space<vmem>>, vector<2048x48xf32>,
    return
  }
  func.func @transform_0(%arg0: i32) -> (i32, i32) {
    %c0_i32 = arith.constant 0 : i32
    %c0_i32_0 = arith.constant 0 : i32
    return %arg0, %c0_i32 : i32, i32
  }
  func.func @transform_1(%arg0: i32) -> (i32, i32) {
    %c0_i32 = arith.constant 0 : i32
    %c0_i32_0 = arith.constant 0 : i32
    return %arg0, %c0_i32 : i32, i32
  }
  func.func @transform_2(%arg0: i32) -> (i32, i32) {
    %c0_i32 = arith.constant 0 : i32
    %c0_i32_0 = arith.constant 0 : i32
    return %arg0, %c0_i32 : i32, i32
  }
  func.func @transform_3(%arg0: i32) -> (i32, i32) {
    %c0_i32 = arith.constant 0 : i32
    %c0_i32_0 = arith.constant 0 : i32
    %c0_i32_1 = arith.constant 0 : i32
    return %c0_i32, %c0_i32_0 : i32, i32
  }
  func.func @transform_4(%arg0: i32) -> (i32, i32) {
    %c0_i32 = arith.constant 0 : i32
    %c0_i32_0 = arith.constant 0 : i32
    %c0_i32_1 = arith.constant 0 : i32
    return %c0_i32, %c0_i32_0 : i32, i32
  }
  func.func @transform_5(%arg0: i32) -> (i32, i32) {
    %c0_i32 = arith.constant 0 : i32
    %c0_i32_0 = arith.constant 0 : i32
    %c0_i32_1 = arith.constant 0 : i32
    return %c0_i32, %c0_i32_0 : i32, i32
  }
  func.func @transform_6(%arg0: i32) -> (i32, i32) {
    %c0_i32 = arith.constant 0 : i32
    %c0_i32_0 = arith.constant 0 : i32
    return %arg0, %c0_i32 : i32, i32
  }
  func.func @transform_7(%arg0: i32) -> (i32, i32) {
    %c0_i32 = arith.constant 0 : i32
    %c0_i32_0 = arith.constant 0 : i32
    return %arg0, %c0_i32 : i32, i32
  }
}

</mosaic_0001>

<sc_bundles>
// kernel: kernel.19.cloned.1.call-start
scs
__scs_entry_jumppad:
0x0: {  	(pc) =	sbr.rel $0x88, $3  }
0x1: {  	(tag) =	ssettag $0x0;
	lr =	simm.s32 $0x1  }
0x2: {  	[smem:$0x3F75] =	sst lr;
	_ =	strace $0xD0000000  }
0x3: {  	_ = 	snop  }
0x4: {  	_ = 	snop  }
0x5: {  	_ = 	snop  }
0x6: {  	_ = 	snop  }
0x7: {  	_ = 	snop  }
__scs_overlays_trampoline_lowered:
0x8: {  	[smem:$0x3F84] =	sst s0  }
0x9: {  	[smem:$0x3F85] =	sst s1  }
0xa: {  	[smem:$0x3F86] =	sst s2  }
0xb: {  	[smem:$0x3F87] =	sst s3  }
0xc: {  	[smem:$0x3F88] =	sst s4  }
0xd: {  	[smem:$0x3F89] =	sst s5  }
0xe: {  	[smem:$0x3F8A] =	sst s6  }
0xf: {  	[smem:$0x3F8B] =	sst s7  }
0x10: {  	[smem:$0x3F8C] =	sst s8  }
0x11: {  	[smem:$0x3F8D] =	sst s9;
	s0 =	simm.s32 @!p0 $0x0  }
0x12: {  	s1 =	sld [smem:$0x3F73];
	s0 =	simm.s32 @p0 $0x1  }
0x13: {  	[smem:$0x3F8E] =	sst s0;
	s0 =	simm.s32 @!p1 $0x0  }
0x14: {  	s2 =	sld [smem:$0x3F72];
	s0 =	simm.s32 @p1 $0x1  }
0x15: {  	[smem:$0x3F8F] =	sst s0;
	s0 =	simm.s32 @!p2 $0x0  }
0x16: {  	s3 =	sld [smem:$0x3FDB];
	s0 =	simm.s32 @p2 $0x1  }
0x17: {  	s4 =	simm.s32 $0x1BF5;
	[smem:$0x3F91] =	sst s0  }
0x18: {  	s0 =	sld [smem:$0x3F74];
	_ =	swait.ge [sflag:s4], $0x0  }
0x19: {  	s7 =	sld [smem:$0x3F75]  }
0x1a: {  	s8 =	sadd.s32 $0xFFFFE003, lr  }
0x1b: {  	s9 =	sadd.s32 $0xFFFFFEF7, lr;
	s5 =	simm.s32 $0xFFFFFFFF;
	p2 =	slt.u32 s8, $0xFFFFF086  }
0x1c: {  	p1 =	slt.u32 s9, $0xF7A;
	s5 =	simm.s32 @!p2 $0x0  }
0x1d: {  	s5 =	simm.s32 @p1 $0x1;
	p0 =	seq.s32 s7, s2  }
0x1e: {  	s7 =	smul.u32 @!p0 $0xF7A, s2;
	p2 =	seq.s32 @!p0 s5, $0x0  }
0x1f: {  	s9 =	smul.u32 $0xF7A, s1;
	s8 =	simm.s32 @!p0 $0x1BF5;
	p2 =	por !p2, p0  }
0x20: {  	[sflag:s8] =	ssyncset.s32 @!p0 $0xFFFFF086;
	s6 =	sadd.s32 @!p0 s3, s7;
	s7 =	simm.s32 @!p0 $0x108  }
0x21: {  	s3 =	sadd.s32 s3, s9;
	s6 =	sadd.s32 @!p0 $0x88, s6;
	s7 =	simm.s32 @p2 $0x1082  }
0x22: {  	[simem:s7], [sflag:s8] =	dma.local @!p0 [hbm:s6], $0xF7A  }
0x23: {  	s9 =	sor.u32 $0xD0000000, s2;
	s6 =	simm.s32 $0x108;
	_ =	swait.ge @!p0 [sflag:s8], $0x0  }
0x24: {  	s3 =	sadd.s32 $0x88, s3;
	s6 =	simm.s32 @!p1 $0x1082;
	[sflag:s4] =	ssyncset.s32 $0xFFFFF086  }
0x25: {  	[simem:s6], [sflag:s4] =	dma.local [hbm:s3], $0xF7A  }
0x26: {  	[smem:$0x3F75] =	sst s1;
	(tag) =	ssettag s2;
	_ =	strace s9  }
0x27: {  	s1 =	sld [smem:$0x3F85]  }
0x28: {  	s2 =	sld [smem:$0x3F86]  }
0x29: {  	s4 =	sld [smem:$0x3F88]  }
0x2a: {  	p0 =	seq.s32 s5, $0x0;
	s5 =	sld [smem:$0x3F89]  }
0x2b: {  	s6 =	sld [smem:$0x3F8A]  }
0x2c: {  	s7 =	sld [smem:$0x3F8B]  }
0x2d: {  	s3 =	simm.s32 $0x108;
	s8 =	sld [smem:$0x3F8C]  }
0x2e: {  	s3 =	simm.s32 @!p0 $0x1082;
	s9 =	sld [smem:$0x3F8D]  }
0x2f: {  	lr =	sadd.s32 s0, s3;
	s0 =	sld [smem:$0x3F84]  }
0x30: {  	s3 =	sld [smem:$0x3F87]  }
0x31: {  	[smem:$0x3F90] =	sst s10  }
0x32: {  	s10 =	sld [smem:$0x3F8E];
	_ =	sdelay $0x3  }
0x33: {  	p0 =	seq.s32 s10, $0x1;
	s10 =	sld [smem:$0x3F90];
	_ =	sdelay $0x3  }
0x34: {  	[smem:$0x3F90] =	sst s10  }
0x35: {  	s10 =	sld [smem:$0x3F8F];
	_ =	sdelay $0x3  }
0x36: {  	p1 =	seq.s32 s10, $0x1;
	s10 =	sld [smem:$0x3F90];
	_ =	sdelay $0x3  }
0x37: {  	[smem:$0x3F90] =	sst s10  }
0x38: {  	s10 =	sld [smem:$0x3F91]  }
0x39: {  	_ = 	snop;
	(pc) =	sbr.ind lr, $3  }
0x3a: {  	_ = 	snop  }
0x3b: {  	_ = 	snop  }
0x3c: {  	p2 =	seq.s32 s10, $0x1;
	s10 =	sld [smem:$0x3F90]  }
0x3d: {  	_ =	shalt  }
0x3e: {  	_ =	shalt  }
0x3f: {  	_ =	shalt  }
0x40: {  	_ =	shalt  }
0x41: {  	_ =	shalt  }
0x42: {  	_ =	shalt  }
0x43: {  	_ =	shalt  }
0x44: {  	_ =	shalt  }
0x45: {  	_ =	shalt  }
0x46: {  	_ =	shalt  }
0x47: {  	_ =	shalt  }
0x48: {  	_ =	shalt  }
0x49: {  	_ =	shalt  }
0x4a: {  	_ =	shalt  }
0x4b: {  	_ =	shalt  }
0x4c: {  	_ =	shalt  }
0x4d: {  	_ =	shalt  }
0x4e: {  	_ =	shalt  }
0x4f: {  	_ =	shalt  }
0x50: {  	_ =	shalt  }
0x51: {  	_ =	shalt  }
0x52: {  	_ =	shalt  }
0x53: {  	_ =	shalt  }
0x54: {  	_ =	shalt  }
0x55: {  	_ =	shalt  }
0x56: {  	_ =	shalt  }
0x57: {  	_ =	shalt  }
0x58: {  	_ =	shalt  }
0x59: {  	_ =	shalt  }
0x5a: {  	_ =	shalt  }
0x5b: {  	_ =	shalt  }
0x5c: {  	_ =	shalt  }
0x5d: {  	_ =	shalt  }
0x5e: {  	_ =	shalt  }
0x5f: {  	_ =	shalt  }
0x60: {  	_ =	shalt  }
0x61: {  	_ =	shalt  }
0x62: {  	_ =	shalt  }
0x63: {  	_ =	shalt  }
0x64: {  	_ =	shalt  }
0x65: {  	_ =	shalt  }
0x66: {  	_ =	shalt  }
0x67: {  	_ =	shalt  }
0x68: {  	_ =	shalt  }
0x69: {  	_ =	shalt  }
0x6a: {  	_ =	shalt  }
0x6b: {  	_ =	shalt  }
0x6c: {  	_ =	shalt  }
0x6d: {  	_ =	shalt  }
0x6e: {  	_ =	shalt  }
0x6f: {  	_ =	shalt  }
0x70: {  	_ =	shalt  }
0x71: {  	_ =	shalt  }
0x72: {  	_ =	shalt  }
0x73: {  	_ =	shalt  }
0x74: {  	_ =	shalt  }
0x75: {  	_ =	shalt  }
0x76: {  	_ =	shalt  }
0x77: {  	_ =	shalt  }
0x78: {  	_ =	shalt  }
0x79: {  	_ =	shalt  }
0x7a: {  	_ =	shalt  }
0x7b: {  	_ =	shalt  }
0x7c: {  	_ =	shalt  }
0x7d: {  	_ =	shalt  }
0x7e: {  	_ =	shalt  }
0x7f: {  	_ =	shalt  }
0x80: {  	_ =	shalt  }
0x81: {  	_ =	shalt  }
0x82: {  	_ =	shalt  }
0x83: {  	_ =	shalt  }
0x84: {  	_ =	shalt  }
0x85: {  	_ =	shalt  }
0x86: {  	_ =	shalt  }
0x87: {  	_ =	shalt  }
.Lfunc_end0:
.L_simem_size_0:
called_computation_lowered:
.L_overlay_start_0:
0x88: {  	s2 =	sld [smem:$0x3FD9]  }
0x89: {  	s3 =	sld [smem:$0x3FFE];
	_ =	sdelay $0x1  }
0x8a: {  	s1 =	srdreg.scid  }
0x8b: {  	s0 =	sand.u32 $0x1, s1  }
0x8c: {  	s14 =	sshll.u32 s0, $0xA;
	s2 =	sadd.s32 s3, s2  }
0x8d: {  	s2 =	sadd.s32 s2, s14  }
0x8e: {  	[smem:$0x3F9C] =	sst s2  }
0x8f: {  	_ = 	snop  }
0x90: {  	s2 =	sld [smem:$0x3FD0];
	_ =	sdelay $0x2  }
0x91: {  	s15 =	simm.s32 $0xA;
	s4 =	simm.s32 $0x10  }
0x92: {  	[smem:s4], [sflag:s15] =	dma.local [hbm:s2], $0x1  }
0x93: {  	_ =	swait.eq [sflag:s15], $0x1  }
0x94: {  	[sflag:s15] =	ssyncset.done $0x0  }
0x95: {  	[sflag:s15] =	ssyncadd.s32 $0xFFFFFFFF  }
0x96: {  	s16 =	sld [smem:$0x10];
	(tm) =	ssettm $0x1  }
0x97: {  	s17 =	sld [smem:$0x3FFB];
	_ =	sdelay $0x3  }
0x98: {  	_ =	strace s17  }
0x99: {  	s3 =	sld [smem:$0x3FFC];
	_ =	sdelay $0x3  }
0x9a: {  	_ =	strace s3  }
0x9b: {  	s3 =	sld [smem:$0x3FFD];
	_ =	sdelay $0x3  }
0x9c: {  	_ =	strace s3  }
0x9d: {  	_ =	strace $0x8FFFFFFF  }
0x9e: {  	s18 =	sld [smem:$0x3FDB];
	_ =	sdelay $0x1  }
0x9f: {  	s19 =	simm.s32 $_scs_section_size  }
0xa0: {  	s5 =	simm.s32 $_size__tile_overlayer_lowered;
	s6 =	simm.s32 $_tile_overlayer_lowered  }
0xa1: {  	s22 =	simm.s32 $0x1BFF;
	s21 =	sshll.u32 s6, $0x1;
	s3 =	sadd.s32 s19, s18  }
0xa2: {  	s7 =	simm.s32 $0x0;
	s20 =	sshll.u32 s5, $0x1;
	s5 =	sadd.s32 s21, s3  }
0xa3: {  	[timem:s7], [sflag:s22] =	dma.local [hbm:s5], s20  }
0xa4: {  	_ =	swait.ge [sflag:s22], s20  }
0xa5: {  	s4 =	ssub.s32 $0x0, s20;
	[sflag:s22] =	ssyncset.done $0x0  }
0xa6: {  	[sflag:s22] =	ssyncadd.s32 s4;
	_ =	sdelay $0x1  }
0xa7: {  	s23 =	simm.s32 $0x1B8B  }
0xa8: {  	_ =	swait.ge [sflag:s23], $0x1  }
0xa9: {  	[sflag:s23] =	ssyncset.done $0x0  }
0xaa: {  	s25 =	simm.s32 $0x1B8E;
	s24 =	sld [smem:$0x3FFE];
	[sflag:s23] =	ssyncadd.s32 $0xFFFFFFFF  }
0xab: {  	s26 =	simm.s32 $execute0_lowered;
	[smem:$0x3FD2] =	sst s25  }
0xac: {  	s5 =	sshll.u32 s26, $0x1;
	_ =	strace $0x80000046;
	[dreg:$0x1] =	wrdreg $0xFFFFFFFF  }
0xad: {  	s28 =	simm.s32 $_size_execute0_lowered;
	s3 =	sadd.s32 s3, s5;
	[dreg:$0x0] =	wrdreg $0x0  }
0xae: {  	s5 =	sshll.u32 s28, $0x1;
	[dreg:$0x2] =	wrdreg s3  }
0xaf: {  	[dreg:$0x3] =	wrdreg s5  }
0xb0: {  	[dreg:$0x4] =	wrdreg $0xC0  }
0xb1: {  	_ =	task [dreg:s7], $0x5FFFF  }
0xb2: {  	[dreg:$0x1] =	wrdreg $0xFFFFFFFF  }
0xb3: {  	[dreg:$0x0] =	wrdreg $0x60  }
0xb4: {  	[dreg:$0x2] =	wrdreg s24  }
0xb5: {  	[dreg:$0x3] =	wrdreg s16  }
0xb6: {  	[dreg:$0x4] =	wrdreg $0x9  }
0xb7: {  	_ =	task.clear_ibuf [dreg:s7], $0x5FFFF;
	_ =	strace $0x90000046  }
0xb8: {  	s29 =	simm.s32 $0x9;
	_ =	strace $0x80000048  }
0xb9: {  	_ =	swait.ge [sflag:s29], $0x1  }
0xba: {  	[sflag:s29] =	ssyncadd.s32 $0xFFFFFFFF  }
0xbb: {  	_ =	strace $0x90000048  }
0xbc: {  	_ =	sfence  }
0xbd: {  	s30 =	sld [smem:$0x0];
	_ =	sdelay $0x2  }
0xbe: {  	s31 =	sshll.u32 s1, $0xD;
	s1 =	sshrl.u32 s1, $0x2  }
0xbf: {  	s3 =	sand.u32 $0x4000, s31;
	s1 =	sadd.s32 s1, s30  }
0xc0: {  	s0 =	sor.u32 s3, s0;
	s1 =	sshll.u32 s1, $0x11  }
0xc1: {  	s0 =	sor.u32 s1, s0  }
0xc2: {  	s0 =	sadd.s32 $0x8F2B, s0  }
0xc3: {  	[sflag:s0] =	ssyncadd.remote.s32 $0x1  }
0xc4: {  	_ =	sfence.sel $0xFFFF  }
0xc5: {  	[dreg:$0x0] =	wrdreg $0xFFFFFFFF;
	(pc) =	sbr.abs _section_cstart, $3  }
0xc6: {  	[dreg:$0x1] =	wrdreg $0xFFFFFFFF  }
0xc7: {  	_ =	task.clear_ibuf [dreg:s7], $0x2FFFF;
	_ =	strace $0x9FFFFFFF  }
0xc8: {  	(tm) =	ssettm $0x7FFFFFFF  }
0xc9: {  	_ =	shalt  }
tec
execute0_lowered:
.L_overlay_start_1:
0x0: {  	(tag) =	ssettag $0x1  }
0x1: {  	s0 =	srdreg.scid;
	s5 =	rddreg [dreg:$0x0]  }
0x2: {  	s7 =	rddreg [dreg:$0x1];
	s1 =	stileid.u32;
	s2 =	simm.s32 $0x0  }
0x3: {  	s13 =	simm.s32 $0x5000;
	s14 =	simm.s32 $0x9000;
	s15 =	simm.s32 $0xD000  }
0x4: {  	s16 =	simm.s32 $0x11000;
	s17 =	simm.s32 $0x1;
	s18 =	simm.s32 $0x2  }
0x5: {  	s19 =	simm.s32 $0x3;
	s20 =	simm.s32 $0x4;
	s21 =	simm.s32 $0x5  }
0x6: {  	s22 =	simm.s32 $0x0;
	s6 =	sand.u32 $0x1, s0;
	s0 =	rddreg [dreg:$0x2]  }
0x7: {  	[smem:$0x7FF] =	sst s2;
	s12 =	smul.u32 $0x28000, s1;
	s3 =	sshll.u32 s6, $0x4  }
0x8: {  	s4 =	sadd.s32 $0x6A000, s5;
	s9 =	smul.u32 $0x280000, s6;
	s3 =	sor.u32 s1, s3  }
0x9: {  	_ =	strace $0x80000047;
	s6 =	ssub.s32 $0x2, s6;
	s8 =	smul.u32 $0x2800, s3  }
0xa: {  	s11 =	sshrl.u32 s6, $0x1;
	s3 =	sadd.s32 $0x42000, s5;
	s9 =	sadd.s32 s9, s5  }
0xb: {  	s11 =	ssub.s32 s6, s11;
	s9 =	sadd.s32 s12, s9;
	s8 =	sshrl.u32 s8, $0x3  }
0xc: {  	s12 =	simm.s32 $0x80;
	s10 =	sadd.s32 s8, s5;
	s5 =	sadd.s32 s7, s8  }
0xd: {  	s7 =	smax.u32 s11, $0x1;
	s8 =	sadd.s32 $0xE2800, s9;
	s9 =	sadd.s32 $0x5E2800, s9  }
0xe: {  	s11 =	simm.s32 $0x2800;
	s6 =	sadd.s32 $0x38000, s10;
	s10 =	simm.s32 $0x6  }
.LBB2_1:
0xf: {  	[tilespmem:s2], [sflag:$0x6] =	stream.linear.gather [hbm4b:s5+s2], $0x2800, $0x38;
	[tilespmem:$0x15000] =	vst v63  }
0x10: {  	_ =	swait.ge [sflag:s10], $0x2800  }
0x11: {  	[sflag:s10] =	ssyncset.done $0x0  }
0x12: {  	[sflag:s10] =	ssyncadd.s32 $0xFFFFD800  }
0x13: {  	[tilespmem:s11], [sflag:$0x6] =	stream.linear.gather [hbm4b:s6+s2], $0x2800, $0x38;
	[tilespmem:$0x15000] =	vst v63  }
0x14: {  	_ =	swait.ge [sflag:s10], $0x2800  }
0x15: {  	[sflag:s10] =	ssyncset.done $0x0  }
0x16: {  	s23 =	simm.s32 $0x0;
	[sflag:s10] =	ssyncadd.s32 $0xFFFFD800  }
0x17: {  	[tilespmem:s13], [sflag:$0x1] =	stream.indirect.gather [hbm4b:s3+s12], $0x80, s23, s12, $0xb8;
	[tilespmem:$0x15000] =	vst v63  }
0x18: {  	s25 =	simm.s32 $0x80  }
0x19: {  	[tilespmem:s14], [sflag:$0x2] =	stream.indirect.gather [hbm4b:s3+s12], $0x80, s25, s12, $0xb8;
	[tilespmem:$0x15000] =	vst v63  }
0x1a: {  	s26 =	simm.s32 $0x2800  }
0x1b: {  	[tilespmem:s15], [sflag:$0x3] =	stream.indirect.gather [hbm4b:s4+s12], $0x80, s26, s12, $0xb8;
	[tilespmem:$0x15000] =	vst v63  }
0x1c: {  	s29 =	simm.s32 $0x2880  }
0x1d: {  	[tilespmem:s16], [sflag:$0x4] =	stream.indirect.gather [hbm4b:s4+s12], $0x80, s29, s12, $0xb8;
	[tilespmem:$0x15000] =	vst v63  }
0x1e: {  	_ =	swait.ge [sflag:s17], $0x4000  }
0x1f: {  	[sflag:s17] =	ssyncset.done $0x0  }
0x20: {  	[sflag:s17] =	ssyncadd.s32 $0xFFFFC000  }
0x21: {  	_ =	swait.ge [sflag:s18], $0x4000  }
0x22: {  	[sflag:s18] =	ssyncset.done $0x0  }
0x23: {  	[sflag:s18] =	ssyncadd.s32 $0xFFFFC000  }
0x24: {  	_ =	swait.ge [sflag:s19], $0x4000  }
0x25: {  	[sflag:s19] =	ssyncset.done $0x0  }
0x26: {  	[sflag:s19] =	ssyncadd.s32 $0xFFFFC000  }
0x27: {  	_ =	swait.ge [sflag:s20], $0x4000  }
0x28: {  	[sflag:s20] =	ssyncset.done $0x0  }
0x29: {  	s30 =	sadd.s32 $0xFFFFF800, s8;
	[sflag:s20] =	ssyncadd.s32 $0xFFFFC000  }
0x2a: {  	[hbm4b:s30+s2] =	stream.linear.scatter [tilespmem:s13], [sflag:$0x5], $0x4000, $0x38;
	[tilespmem:$0x15000] =	vst v63  }
0x2b: {  	_ = 	snop  }
0x2c: {  	[hbm4b:s8+s2] =	stream.linear.scatter [tilespmem:s14], [sflag:$0x5], $0x4000, $0x38;
	[tilespmem:$0x15000] =	vst v63  }
0x2d: {  	s31 =	sadd.s32 $0xFFFFF800, s9  }
0x2e: {  	[hbm4b:s31+s2] =	stream.linear.scatter [tilespmem:s15], [sflag:$0x5], $0x4000, $0x38;
	[tilespmem:$0x15000] =	vst v63  }
0x2f: {  	_ = 	snop  }
0x30: {  	[hbm4b:s9+s2] =	stream.linear.scatter [tilespmem:s16], [sflag:$0x5], $0x4000, $0x38;
	[tilespmem:$0x15000] =	vst v63  }
0x31: {  	_ =	swait.ge [sflag:s21], $0x4000  }
0x32: {  	[sflag:s21] =	ssyncset.done $0x0  }
0x33: {  	[sflag:s21] =	ssyncadd.s32 $0xFFFFC000  }
0x34: {  	_ =	swait.ge [sflag:s21], $0x4000  }
0x35: {  	[sflag:s21] =	ssyncset.done $0x0  }
0x36: {  	[sflag:s21] =	ssyncadd.s32 $0xFFFFC000  }
0x37: {  	_ =	swait.ge [sflag:s21], $0x4000  }
0x38: {  	[sflag:s21] =	ssyncset.done $0x0  }
0x39: {  	[sflag:s21] =	ssyncadd.s32 $0xFFFFC000  }
0x3a: {  	s28 =	simm.s32 $0x800;
	s24 =	sadd.s32 $0x1000, s8;
	_ =	swait.ge [sflag:s21], $0x4000  }
0x3b: {  	s23 =	sadd.s32 $0x1000, s9;
	s25 =	simm.s32 $0x400;
	[sflag:s21] =	ssyncset.done $0x0  }
.LBB2_2:
0x3c: {  	s29 =	sshra.s32 s25, $0x2  }
0x3d: {  	[sflag:s21] =	ssyncadd.s32 $0xFFFFC000;
	s25 =	smov.u32 s28;
	s26 =	sadd.s32 $0x400, s28  }
0x3e: {  	[tilespmem:s13], [sflag:$0x1] =	stream.indirect.gather [hbm4b:s3+s12], $0x80, s29, s12, $0xb8;
	[tilespmem:$0x15000] =	vst v63  }
0x3f: {  	p0 =	sne.s32 s28, $0x9C00;
	s28 =	sadd.s32 $0x80, s29  }
0x40: {  	[tilespmem:s14], [sflag:$0x2] =	stream.indirect.gather [hbm4b:s3+s12], $0x80, s28, s12, $0xb8;
	[tilespmem:$0x15000] =	vst v63  }
0x41: {  	s28 =	sadd.s32 $0x2800, s29  }
0x42: {  	[tilespmem:s15], [sflag:$0x3] =	stream.indirect.gather [hbm4b:s4+s12], $0x80, s28, s12, $0xb8;
	[tilespmem:$0x15000] =	vst v63  }
0x43: {  	s28 =	sadd.s32 $0x2880, s29  }
0x44: {  	[tilespmem:s16], [sflag:$0x4] =	stream.indirect.gather [hbm4b:s4+s12], $0x80, s28, s12, $0xb8;
	[tilespmem:$0x15000] =	vst v63  }
0x45: {  	_ =	swait.ge [sflag:s17], $0x4000  }
0x46: {  	[sflag:s17] =	ssyncset.done $0x0  }
0x47: {  	[sflag:s17] =	ssyncadd.s32 $0xFFFFC000  }
0x48: {  	_ =	swait.ge [sflag:s18], $0x4000  }
0x49: {  	[sflag:s18] =	ssyncset.done $0x0  }
0x4a: {  	[sflag:s18] =	ssyncadd.s32 $0xFFFFC000  }
0x4b: {  	_ =	swait.ge [sflag:s19], $0x4000  }
0x4c: {  	[sflag:s19] =	ssyncset.done $0x0  }
0x4d: {  	[sflag:s19] =	ssyncadd.s32 $0xFFFFC000  }
0x4e: {  	_ =	swait.ge [sflag:s20], $0x4000  }
0x4f: {  	[sflag:s20] =	ssyncset.done $0x0  }
0x50: {  	s28 =	sadd.s32 $0xFFFFF800, s24;
	[sflag:s20] =	ssyncadd.s32 $0xFFFFC000  }
0x51: {  	[hbm4b:s28+s2] =	stream.linear.scatter [tilespmem:s13], [sflag:$0x5], $0x4000, $0x38;
	[tilespmem:$0x15000] =	vst v63  }
0x52: {  	_ = 	snop  }
0x53: {  	[hbm4b:s24+s2] =	stream.linear.scatter [tilespmem:s14], [sflag:$0x5], $0x4000, $0x38;
	[tilespmem:$0x15000] =	vst v63  }
0x54: {  	s28 =	sadd.s32 $0xFFFFF800, s23  }
0x55: {  	[hbm4b:s28+s2] =	stream.linear.scatter [tilespmem:s15], [sflag:$0x5], $0x4000, $0x38;
	[tilespmem:$0x15000] =	vst v63  }
0x56: {  	_ = 	snop  }
0x57: {  	[hbm4b:s23+s2] =	stream.linear.scatter [tilespmem:s16], [sflag:$0x5], $0x4000, $0x38;
	[tilespmem:$0x15000] =	vst v63  }
0x58: {  	_ =	swait.ge [sflag:s21], $0x4000  }
0x59: {  	[sflag:s21] =	ssyncset.done $0x0  }
0x5a: {  	[sflag:s21] =	ssyncadd.s32 $0xFFFFC000  }
0x5b: {  	_ =	swait.ge [sflag:s21], $0x4000  }
0x5c: {  	[sflag:s21] =	ssyncset.done $0x0  }
0x5d: {  	[sflag:s21] =	ssyncadd.s32 $0xFFFFC000  }
.Ltmp0:
0x5e: {  	_ =	swait.ge [sflag:s21], $0x4000;
	(pc) =	sbr.rel @p0 .LBB2_2-.Ltmp0, $4  }
0x5f: {  	[sflag:s21] =	ssyncset.done $0x0  }
0x60: {  	[sflag:s21] =	ssyncadd.s32 $0xFFFFC000  }
0x61: {  	s24 =	sadd.s32 $0x1000, s24;
	_ =	swait.ge [sflag:s21], $0x4000  }
0x62: {  	s28 =	smov.u32 s26;
	s23 =	sadd.s32 $0x1000, s23;
	[sflag:s21] =	ssyncset.done $0x0  }
0x63: {  	s25 =	sshra.s32 s25, $0x2;
	[sflag:s21] =	ssyncadd.s32 $0xFFFFC000  }
0x64: {  	[tilespmem:s13], [sflag:$0x1] =	stream.indirect.gather [hbm4b:s3+s12], $0x80, s25, s12, $0xb8;
	[tilespmem:$0x15000] =	vst v63  }
0x65: {  	s26 =	sadd.s32 $0x80, s25  }
0x66: {  	[tilespmem:s14], [sflag:$0x2] =	stream.indirect.gather [hbm4b:s3+s12], $0x80, s26, s12, $0xb8;
	[tilespmem:$0x15000] =	vst v63  }
0x67: {  	s29 =	sadd.s32 $0x2800, s25  }
0x68: {  	[tilespmem:s15], [sflag:$0x3] =	stream.indirect.gather [hbm4b:s4+s12], $0x80, s29, s12, $0xb8;
	[tilespmem:$0x15000] =	vst v63  }
0x69: {  	s25 =	sadd.s32 $0x2880, s25  }
0x6a: {  	[tilespmem:s16], [sflag:$0x4] =	stream.indirect.gather [hbm4b:s4+s12], $0x80, s25, s12, $0xb8;
	[tilespmem:$0x15000] =	vst v63  }
0x6b: {  	_ =	swait.ge [sflag:s17], $0x4000  }
0x6c: {  	[sflag:s17] =	ssyncset.done $0x0  }
0x6d: {  	[sflag:s17] =	ssyncadd.s32 $0xFFFFC000  }
0x6e: {  	_ =	swait.ge [sflag:s18], $0x4000  }
0x6f: {  	[sflag:s18] =	ssyncset.done $0x0  }
0x70: {  	[sflag:s18] =	ssyncadd.s32 $0xFFFFC000  }
0x71: {  	_ =	swait.ge [sflag:s19], $0x4000  }
0x72: {  	[sflag:s19] =	ssyncset.done $0x0  }
0x73: {  	[sflag:s19] =	ssyncadd.s32 $0xFFFFC000  }
0x74: {  	_ =	swait.ge [sflag:s20], $0x4000  }
0x75: {  	[sflag:s20] =	ssyncset.done $0x0  }
0x76: {  	s30 =	sadd.s32 $0xFFFFF800, s24;
	[sflag:s20] =	ssyncadd.s32 $0xFFFFC000  }
0x77: {  	[hbm4b:s30+s2] =	stream.linear.scatter [tilespmem:s13], [sflag:$0x5], $0x4000, $0x38;
	[tilespmem:$0x15000] =	vst v63  }
0x78: {  	_ = 	snop  }
0x79: {  	[hbm4b:s24+s2] =	stream.linear.scatter [tilespmem:s14], [sflag:$0x5], $0x4000, $0x38;
	[tilespmem:$0x15000] =	vst v63  }
0x7a: {  	s31 =	sadd.s32 $0xFFFFF800, s23  }
0x7b: {  	[hbm4b:s31+s2] =	stream.linear.scatter [tilespmem:s15], [sflag:$0x5], $0x4000, $0x38;
	[tilespmem:$0x15000] =	vst v63  }
0x7c: {  	_ = 	snop  }
0x7d: {  	[hbm4b:s23+s2] =	stream.linear.scatter [tilespmem:s16], [sflag:$0x5], $0x4000, $0x38;
	[tilespmem:$0x15000] =	vst v63  }
0x7e: {  	_ =	swait.ge [sflag:s21], $0x4000  }
0x7f: {  	[sflag:s21] =	ssyncset.done $0x0  }
0x80: {  	[sflag:s21] =	ssyncadd.s32 $0xFFFFC000  }
0x81: {  	_ =	swait.ge [sflag:s21], $0x4000  }
0x82: {  	[sflag:s21] =	ssyncset.done $0x0  }
0x83: {  	s22 =	sadd.s32 $0x1, s22;
	[sflag:s21] =	ssyncadd.s32 $0xFFFFC000  }
0x84: {  	p0 =	sne.s32 s22, s7;
	_ =	swait.ge [sflag:s21], $0x4000  }
.Ltmp1:
0x85: {  	[sflag:s21] =	ssyncset.done $0x0;
	(pc) =	sbr.rel @p0 .LBB2_1-.Ltmp1, $4  }
0x86: {  	[sflag:s21] =	ssyncadd.s32 $0xFFFFC000  }
0x87: {  	_ =	swait.ge [sflag:s21], $0x4000  }
0x88: {  	[sflag:s21] =	ssyncset.done $0x0  }
0x89: {  	[sflag:s21] =	ssyncadd.s32 $0xFFFFC000  }
0x8a: {  	_ =	sfence.sel $0x180000  }
0x8b: {  	[bflag:$0x0] =	sbarrier.arrive $0xFFFF  }
0x8c: {  	p0 =	sne.s32 s1, $0x0;
	_ =	strace $0x90000047  }
0x8d: {  	s0 =	sadd.s32 @!p0 $0x100000, s0;
	[bflag:$0x2] =	sbarrier.arrive $0xFFFF  }
0x8e: {  	[sflag:s0] =	ssyncadd.tile.s32 @!p0 $0x1;
	_ =	shalt  }
.Lfunc_end2:
_tile_overlayer_lowered:
.L_overlay_start_2:
0x8f: {  	(tag) =	ssettag $0x2  }
0x90: {  	s0 =	rddreg [dreg:$0x0];
	s2 =	stileid.u32  }
0x91: {  	s1 =	rddreg [dreg:$0x1];
	p0 =	sne.s32 s2, $0x0  }
0x92: {  	s3 =	rddreg [dreg:$0x2];
	[bflag:$0x3] =	sbarrier.arrive $0xFFFF;
	s2 =	simm.s32 @!p0 $0x1C06  }
0x93: {  	[timem:s3], [sflag:s2] =	dma.local @!p0 [hbm:s0], s1  }
0x94: {  	s0 =	simm.s32 @!p0 $0x6  }
0x95: {  	_ =	swait.ge @!p0 [sflag:s0], s1  }
0x96: {  	s1 =	ssub.s32 @!p0 $0x0, s1;
	[sflag:s0] =	ssyncset.done @!p0 $0x0  }
0x97: {  	[sflag:s0] =	ssyncadd.s32 @!p0 s1  }
0x98: {  	[bflag:$0x3] =	sbarrier.arrive $0xFFFF  }
0x99: {  	_ =	shalt  }

// kernel: kernel.22.cloned.1.call-start
scs
__scs_entry_jumppad:
0x0: {  	(pc) =	sbr.rel $0x88, $3  }
0x1: {  	(tag) =	ssettag $0x0;
	lr =	simm.s32 $0x1  }
0x2: {  	[smem:$0x3F75] =	sst lr;
	_ =	strace $0xD0000000  }
0x3: {  	_ = 	snop  }
0x4: {  	_ = 	snop  }
0x5: {  	_ = 	snop  }
0x6: {  	_ = 	snop  }
0x7: {  	_ = 	snop  }
__scs_overlays_trampoline_lowered:
0x8: {  	[smem:$0x3F84] =	sst s0  }
0x9: {  	[smem:$0x3F85] =	sst s1  }
0xa: {  	[smem:$0x3F86] =	sst s2  }
0xb: {  	[smem:$0x3F87] =	sst s3  }
0xc: {  	[smem:$0x3F88] =	sst s4  }
0xd: {  	[smem:$0x3F89] =	sst s5  }
0xe: {  	[smem:$0x3F8A] =	sst s6  }
0xf: {  	[smem:$0x3F8B] =	sst s7  }
0x10: {  	[smem:$0x3F8C] =	sst s8  }
0x11: {  	[smem:$0x3F8D] =	sst s9;
	s0 =	simm.s32 @!p0 $0x0  }
0x12: {  	s1 =	sld [smem:$0x3F73];
	s0 =	simm.s32 @p0 $0x1  }
0x13: {  	[smem:$0x3F8E] =	sst s0;
	s0 =	simm.s32 @!p1 $0x0  }
0x14: {  	s2 =	sld [smem:$0x3F72];
	s0 =	simm.s32 @p1 $0x1  }
0x15: {  	[smem:$0x3F8F] =	sst s0;
	s0 =	simm.s32 @!p2 $0x0  }
0x16: {  	s3 =	sld [smem:$0x3FDB];
	s0 =	simm.s32 @p2 $0x1  }
0x17: {  	s4 =	simm.s32 $0x1BF5;
	[smem:$0x3F91] =	sst s0  }
0x18: {  	s0 =	sld [smem:$0x3F74];
	_ =	swait.ge [sflag:s4], $0x0  }
0x19: {  	s7 =	sld [smem:$0x3F75]  }
0x1a: {  	s8 =	sadd.s32 $0xFFFFE003, lr  }
0x1b: {  	s9 =	sadd.s32 $0xFFFFFEF7, lr;
	s5 =	simm.s32 $0xFFFFFFFF;
	p2 =	slt.u32 s8, $0xFFFFF086  }
0x1c: {  	p1 =	slt.u32 s9, $0xF7A;
	s5 =	simm.s32 @!p2 $0x0  }
0x1d: {  	s5 =	simm.s32 @p1 $0x1;
	p0 =	seq.s32 s7, s2  }
0x1e: {  	s7 =	smul.u32 @!p0 $0xF7A, s2;
	p2 =	seq.s32 @!p0 s5, $0x0  }
0x1f: {  	s9 =	smul.u32 $0xF7A, s1;
	s8 =	simm.s32 @!p0 $0x1BF5;
	p2 =	por !p2, p0  }
0x20: {  	[sflag:s8] =	ssyncset.s32 @!p0 $0xFFFFF086;
	s6 =	sadd.s32 @!p0 s3, s7;
	s7 =	simm.s32 @!p0 $0x108  }
0x21: {  	s3 =	sadd.s32 s3, s9;
	s6 =	sadd.s32 @!p0 $0x88, s6;
	s7 =	simm.s32 @p2 $0x1082  }
0x22: {  	[simem:s7], [sflag:s8] =	dma.local @!p0 [hbm:s6], $0xF7A  }
0x23: {  	s9 =	sor.u32 $0xD0000000, s2;
	s6 =	simm.s32 $0x108;
	_ =	swait.ge @!p0 [sflag:s8], $0x0  }
0x24: {  	s3 =	sadd.s32 $0x88, s3;
	s6 =	simm.s32 @!p1 $0x1082;
	[sflag:s4] =	ssyncset.s32 $0xFFFFF086  }
0x25: {  	[simem:s6], [sflag:s4] =	dma.local [hbm:s3], $0xF7A  }
0x26: {  	[smem:$0x3F75] =	sst s1;
	(tag) =	ssettag s2;
	_ =	strace s9  }
0x27: {  	s1 =	sld [smem:$0x3F85]  }
0x28: {  	s2 =	sld [smem:$0x3F86]  }
0x29: {  	s4 =	sld [smem:$0x3F88]  }
0x2a: {  	p0 =	seq.s32 s5, $0x0;
	s5 =	sld [smem:$0x3F89]  }
0x2b: {  	s6 =	sld [smem:$0x3F8A]  }
0x2c: {  	s7 =	sld [smem:$0x3F8B]  }
0x2d: {  	s3 =	simm.s32 $0x108;
	s8 =	sld [smem:$0x3F8C]  }
0x2e: {  	s3 =	simm.s32 @!p0 $0x1082;
	s9 =	sld [smem:$0x3F8D]  }
0x2f: {  	lr =	sadd.s32 s0, s3;
	s0 =	sld [smem:$0x3F84]  }
0x30: {  	s3 =	sld [smem:$0x3F87]  }
0x31: {  	[smem:$0x3F90] =	sst s10  }
0x32: {  	s10 =	sld [smem:$0x3F8E];
	_ =	sdelay $0x3  }
0x33: {  	p0 =	seq.s32 s10, $0x1;
	s10 =	sld [smem:$0x3F90];
	_ =	sdelay $0x3  }
0x34: {  	[smem:$0x3F90] =	sst s10  }
0x35: {  	s10 =	sld [smem:$0x3F8F];
	_ =	sdelay $0x3  }
0x36: {  	p1 =	seq.s32 s10, $0x1;
	s10 =	sld [smem:$0x3F90];
	_ =	sdelay $0x3  }
0x37: {  	[smem:$0x3F90] =	sst s10  }
0x38: {  	s10 =	sld [smem:$0x3F91]  }
0x39: {  	_ = 	snop;
	(pc) =	sbr.ind lr, $3  }
0x3a: {  	_ = 	snop  }
0x3b: {  	_ = 	snop  }
0x3c: {  	p2 =	seq.s32 s10, $0x1;
	s10 =	sld [smem:$0x3F90]  }
0x3d: {  	_ =	shalt  }
0x3e: {  	_ =	shalt  }
0x3f: {  	_ =	shalt  }
0x40: {  	_ =	shalt  }
0x41: {  	_ =	shalt  }
0x42: {  	_ =	shalt  }
0x43: {  	_ =	shalt  }
0x44: {  	_ =	shalt  }
0x45: {  	_ =	shalt  }
0x46: {  	_ =	shalt  }
0x47: {  	_ =	shalt  }
0x48: {  	_ =	shalt  }
0x49: {  	_ =	shalt  }
0x4a: {  	_ =	shalt  }
0x4b: {  	_ =	shalt  }
0x4c: {  	_ =	shalt  }
0x4d: {  	_ =	shalt  }
0x4e: {  	_ =	shalt  }
0x4f: {  	_ =	shalt  }
0x50: {  	_ =	shalt  }
0x51: {  	_ =	shalt  }
0x52: {  	_ =	shalt  }
0x53: {  	_ =	shalt  }
0x54: {  	_ =	shalt  }
0x55: {  	_ =	shalt  }
0x56: {  	_ =	shalt  }
0x57: {  	_ =	shalt  }
0x58: {  	_ =	shalt  }
0x59: {  	_ =	shalt  }
0x5a: {  	_ =	shalt  }
0x5b: {  	_ =	shalt  }
0x5c: {  	_ =	shalt  }
0x5d: {  	_ =	shalt  }
0x5e: {  	_ =	shalt  }
0x5f: {  	_ =	shalt  }
0x60: {  	_ =	shalt  }
0x61: {  	_ =	shalt  }
0x62: {  	_ =	shalt  }
0x63: {  	_ =	shalt  }
0x64: {  	_ =	shalt  }
0x65: {  	_ =	shalt  }
0x66: {  	_ =	shalt  }
0x67: {  	_ =	shalt  }
0x68: {  	_ =	shalt  }
0x69: {  	_ =	shalt  }
0x6a: {  	_ =	shalt  }
0x6b: {  	_ =	shalt  }
0x6c: {  	_ =	shalt  }
0x6d: {  	_ =	shalt  }
0x6e: {  	_ =	shalt  }
0x6f: {  	_ =	shalt  }
0x70: {  	_ =	shalt  }
0x71: {  	_ =	shalt  }
0x72: {  	_ =	shalt  }
0x73: {  	_ =	shalt  }
0x74: {  	_ =	shalt  }
0x75: {  	_ =	shalt  }
0x76: {  	_ =	shalt  }
0x77: {  	_ =	shalt  }
0x78: {  	_ =	shalt  }
0x79: {  	_ =	shalt  }
0x7a: {  	_ =	shalt  }
0x7b: {  	_ =	shalt  }
0x7c: {  	_ =	shalt  }
0x7d: {  	_ =	shalt  }
0x7e: {  	_ =	shalt  }
0x7f: {  	_ =	shalt  }
0x80: {  	_ =	shalt  }
0x81: {  	_ =	shalt  }
0x82: {  	_ =	shalt  }
0x83: {  	_ =	shalt  }
0x84: {  	_ =	shalt  }
0x85: {  	_ =	shalt  }
0x86: {  	_ =	shalt  }
0x87: {  	_ =	shalt  }
.Lfunc_end0:
.L_simem_size_0:
called_computation.1_lowered:
.L_overlay_start_0:
0x88: {  	s2 =	sld [smem:$0x3FD9]  }
0x89: {  	s3 =	sld [smem:$0x3FFE];
	_ =	sdelay $0x1  }
0x8a: {  	s1 =	srdreg.scid  }
0x8b: {  	s0 =	sand.u32 $0x1, s1  }
0x8c: {  	s14 =	sshll.u32 s0, $0xA;
	s2 =	sadd.s32 s3, s2  }
0x8d: {  	s2 =	sadd.s32 s2, s14  }
0x8e: {  	[smem:$0x3F9C] =	sst s2  }
0x8f: {  	_ = 	snop  }
0x90: {  	s2 =	sld [smem:$0x3FD0];
	_ =	sdelay $0x2  }
0x91: {  	s15 =	simm.s32 $0xA;
	s4 =	simm.s32 $0x10  }
0x92: {  	[smem:s4], [sflag:s15] =	dma.local [hbm:s2], $0x1  }
0x93: {  	_ =	swait.eq [sflag:s15], $0x1  }
0x94: {  	[sflag:s15] =	ssyncset.done $0x0  }
0x95: {  	[sflag:s15] =	ssyncadd.s32 $0xFFFFFFFF  }
0x96: {  	s16 =	sld [smem:$0x10];
	(tm) =	ssettm $0x1  }
0x97: {  	s17 =	sld [smem:$0x3FFB];
	_ =	sdelay $0x3  }
0x98: {  	_ =	strace s17  }
0x99: {  	s3 =	sld [smem:$0x3FFC];
	_ =	sdelay $0x3  }
0x9a: {  	_ =	strace s3  }
0x9b: {  	s3 =	sld [smem:$0x3FFD];
	_ =	sdelay $0x3  }
0x9c: {  	_ =	strace s3  }
0x9d: {  	_ =	strace $0x8FFFFFFF  }
0x9e: {  	s18 =	sld [smem:$0x3FDB];
	_ =	sdelay $0x1  }
0x9f: {  	s19 =	simm.s32 $_scs_section_size  }
0xa0: {  	s5 =	simm.s32 $_size__tile_overlayer_lowered;
	s6 =	simm.s32 $_tile_overlayer_lowered  }
0xa1: {  	s22 =	simm.s32 $0x1BFF;
	s21 =	sshll.u32 s6, $0x1;
	s3 =	sadd.s32 s19, s18  }
0xa2: {  	s7 =	simm.s32 $0x0;
	s20 =	sshll.u32 s5, $0x1;
	s5 =	sadd.s32 s21, s3  }
0xa3: {  	[timem:s7], [sflag:s22] =	dma.local [hbm:s5], s20  }
0xa4: {  	_ =	swait.ge [sflag:s22], s20  }
0xa5: {  	s4 =	ssub.s32 $0x0, s20;
	[sflag:s22] =	ssyncset.done $0x0  }
0xa6: {  	[sflag:s22] =	ssyncadd.s32 s4;
	_ =	sdelay $0x1  }
0xa7: {  	s23 =	simm.s32 $0x1B8B  }
0xa8: {  	_ =	swait.ge [sflag:s23], $0x1  }
0xa9: {  	[sflag:s23] =	ssyncset.done $0x0  }
0xaa: {  	s25 =	simm.s32 $0x1B8E;
	s24 =	sld [smem:$0x3FFE];
	[sflag:s23] =	ssyncadd.s32 $0xFFFFFFFF  }
0xab: {  	s26 =	simm.s32 $execute0_lowered;
	[smem:$0x3FD2] =	sst s25  }
0xac: {  	s5 =	sshll.u32 s26, $0x1;
	_ =	strace $0x80000049;
	[dreg:$0x1] =	wrdreg $0xFFFFFFFF  }
0xad: {  	s28 =	simm.s32 $_size_execute0_lowered;
	s3 =	sadd.s32 s3, s5;
	[dreg:$0x0] =	wrdreg $0x0  }
0xae: {  	s5 =	sshll.u32 s28, $0x1;
	[dreg:$0x2] =	wrdreg s3  }
0xaf: {  	[dreg:$0x3] =	wrdreg s5  }
0xb0: {  	[dreg:$0x4] =	wrdreg $0xC0  }
0xb1: {  	_ =	task [dreg:s7], $0x5FFFF  }
0xb2: {  	[dreg:$0x1] =	wrdreg $0xFFFFFFFF  }
0xb3: {  	[dreg:$0x0] =	wrdreg $0x60  }
0xb4: {  	[dreg:$0x2] =	wrdreg s24  }
0xb5: {  	[dreg:$0x3] =	wrdreg s16  }
0xb6: {  	[dreg:$0x4] =	wrdreg $0x40800  }
0xb7: {  	[dreg:$0x5] =	wrdreg $0x9  }
0xb8: {  	_ =	task.clear_ibuf [dreg:s7], $0x6FFFF;
	_ =	strace $0x90000049  }
0xb9: {  	s29 =	simm.s32 $0x9;
	_ =	strace $0x8000004B  }
0xba: {  	_ =	swait.ge [sflag:s29], $0x1  }
0xbb: {  	[sflag:s29] =	ssyncadd.s32 $0xFFFFFFFF  }
0xbc: {  	_ =	strace $0x9000004B  }
0xbd: {  	_ =	sfence  }
0xbe: {  	s30 =	sld [smem:$0x0];
	_ =	sdelay $0x2  }
0xbf: {  	s31 =	sshll.u32 s1, $0xD;
	s1 =	sshrl.u32 s1, $0x2  }
0xc0: {  	s3 =	sand.u32 $0x4000, s31;
	s1 =	sadd.s32 s1, s30  }
0xc1: {  	s0 =	sor.u32 s3, s0;
	s1 =	sshll.u32 s1, $0x11  }
0xc2: {  	s0 =	sor.u32 s1, s0  }
0xc3: {  	s0 =	sadd.s32 $0x8F2B, s0  }
0xc4: {  	[sflag:s0] =	ssyncadd.remote.s32 $0x1  }
0xc5: {  	_ =	sfence.sel $0xFFFF  }
0xc6: {  	[dreg:$0x0] =	wrdreg $0xFFFFFFFF;
	(pc) =	sbr.abs _section_cstart, $3  }
0xc7: {  	[dreg:$0x1] =	wrdreg $0xFFFFFFFF  }
0xc8: {  	_ =	task.clear_ibuf [dreg:s7], $0x2FFFF;
	_ =	strace $0x9FFFFFFF  }
0xc9: {  	(tm) =	ssettm $0x7FFFFFFF  }
tec
execute0_lowered:
.L_overlay_start_1:
0x0: {  	(tag) =	ssettag $0x1  }
0x1: {  	s4 =	rddreg [dreg:$0x0]  }
0x2: {  	s9 =	rddreg [dreg:$0x1];
	s2 =	srdreg.scid  }
0x3: {  	s1 =	rddreg [dreg:$0x2];
	s5 =	sand.u32 $0x1, s2  }
0x4: {  	s3 =	simm.s32 $0x0;
	s2 =	stileid.u32;
	s6 =	smul.u32 $0x280000, s5  }
0x5: {  	[smem:$0x7FF] =	sst s3;
	s7 =	smul.u32 $0x2800, s2  }
0x6: {  	s0 =	rddreg [dreg:$0x3];
	_ =	strace $0x8000004A;
	s8 =	smul.u32 $0x28000, s5  }
0x7: {  	s5 =	ssub.s32 $0x2, s5;
	s26 =	smul.u32 $0x50000, s2;
	s30 =	sshll.u32 s2, $0x6  }
0x8: {  	s14 =	smul.u32 $0x28000, s2;
	s28 =	sshrl.u32 s5, $0x1;
	s10 =	sadd.s32 s6, s4  }
0x9: {  	s11 =	sadd.s32 s7, s4;
	s8 =	sadd.s32 s7, s8;
	s7 =	ssub.s32 s5, s28  }
0xa: {  	s29 =	sshrl.u32 s26, $0x2;
	s5 =	sor.u32 $0x1C01, s30;
	s12 =	sadd.s32 s8, s4  }
0xb: {  	s13 =	sadd.s32 s29, s1;
	s4 =	sadd.s32 $0x42000, s11;
	s7 =	smax.u32 s7, $0x1  }
0xc: {  	s10 =	sadd.s32 s14, s10;
	s31 =	sshrl.u32 s8, $0x3;
	s11 =	simm.s32 $0x1  }
0xd: {  	s6 =	sadd.s32 $0xFE2A00, s12;
	s8 =	sadd.s32 $0x19C4A00, s10;
	s9 =	sadd.s32 s31, s9  }
0xe: {  	s10 =	sshrl.u32 s13, $0x3;
	s12 =	simm.s32 $0x80;
	s13 =	simm.s32 $0x0  }
.LBB2_1:
0xf: {  	[spmem:s10], [sflag:s5] =	dma.local [hbm:s4], $0x2800  }
0x10: {  	_ =	swait.ge [sflag:s11], $0x2800  }
0x11: {  	[sflag:s11] =	ssyncset.done $0x0  }
0x12: {  	[sflag:s11] =	ssyncadd.s32 $0xFFFFD800  }
0x13: {  	s14 =	sadd.s32 $0x0, s9;
	[bflag:$0x0] =	sbarrier.arrive $0xFFFF  }
0x14: {  	[tilespmem:s3], [sflag:$0x1] =	stream.linear.gather [hbm4b:s14+s3], $0x80, $0x38;
	[tilespmem:$0x18080] =	vst v63  }
0x15: {  	_ =	swait.ge [sflag:s11], $0x80  }
0x16: {  	[sflag:s11] =	ssyncset.done $0x0  }
0x17: {  	[sflag:s11] =	ssyncadd.s32 $0xFFFFFF80  }
0x18: {  	[tilespmem:s12], [sflag:$0x1] =	stream.linear.gather [hbm4b:s8+s3], $0x4000, $0x38;
	[tilespmem:$0x18080] =	vst v63  }
0x19: {  	_ =	swait.ge [sflag:s11], $0x4000  }
0x1a: {  	[sflag:s11] =	ssyncset.done $0x0  }
0x1b: {  	[sflag:s11] =	ssyncadd.s32 $0xFFFFC000  }
0x1c: {  	[spmem:s1] =	stream.indirect.scatter.add.f32 [tilespmem:s12], [sflag:$0x1], $0x80, s3, s12, $0xb8;
	[tilespmem:$0x18080] =	vst v63  }
0x1d: {  	s15 =	simm.s32 $0x10;
	_ =	swait.ge [sflag:s11], $0x4000  }
0x1e: {  	s16 =	simm.s32 $0x20;
	s14 =	sadd.s32 $0x800, s8;
	[sflag:s11] =	ssyncset.done $0x0  }
.LBB2_2:
0x1f: {  	s17 =	sadd.s32 s15, s9  }
0x20: {  	[sflag:s11] =	ssyncadd.s32 $0xFFFFC000;
	s15 =	smov.u32 s16;
	s18 =	sadd.s32 $0x10, s16  }
0x21: {  	[tilespmem:s3], [sflag:$0x1] =	stream.linear.gather [hbm4b:s17+s3], $0x80, $0x38;
	[tilespmem:$0x18080] =	vst v63  }
0x22: {  	p0 =	sne.s32 s16, $0x4F0;
	_ =	swait.ge [sflag:s11], $0x80  }
0x23: {  	[sflag:s11] =	ssyncset.done $0x0  }
0x24: {  	[sflag:s11] =	ssyncadd.s32 $0xFFFFFF80  }
0x25: {  	[tilespmem:s12], [sflag:$0x1] =	stream.linear.gather [hbm4b:s14+s3], $0x4000, $0x38;
	[tilespmem:$0x18080] =	vst v63  }
0x26: {  	_ =	swait.ge [sflag:s11], $0x4000  }
.Ltmp0:
0x27: {  	[sflag:s11] =	ssyncset.done $0x0;
	(pc) =	sbr.rel @p0 .LBB2_2-.Ltmp0, $4  }
0x28: {  	[sflag:s11] =	ssyncadd.s32 $0xFFFFC000  }
0x29: {  	[spmem:s1] =	stream.indirect.scatter.add.f32 [tilespmem:s12], [sflag:$0x1], $0x80, s3, s12, $0xb8;
	[tilespmem:$0x18080] =	vst v63  }
0x2a: {  	_ =	swait.ge [sflag:s11], $0x4000  }
0x2b: {  	s16 =	smov.u32 s18;
	s14 =	sadd.s32 $0x800, s14;
	[sflag:s11] =	ssyncset.done $0x0  }
0x2c: {  	s15 =	sadd.s32 s15, s9;
	[sflag:s11] =	ssyncadd.s32 $0xFFFFC000  }
0x2d: {  	[tilespmem:s3], [sflag:$0x1] =	stream.linear.gather [hbm4b:s15+s3], $0x80, $0x38;
	[tilespmem:$0x18080] =	vst v63  }
0x2e: {  	_ =	swait.ge [sflag:s11], $0x80  }
0x2f: {  	[sflag:s11] =	ssyncset.done $0x0  }
0x30: {  	[sflag:s11] =	ssyncadd.s32 $0xFFFFFF80  }
0x31: {  	[tilespmem:s12], [sflag:$0x1] =	stream.linear.gather [hbm4b:s14+s3], $0x4000, $0x38;
	[tilespmem:$0x18080] =	vst v63  }
0x32: {  	_ =	swait.ge [sflag:s11], $0x4000  }
0x33: {  	[sflag:s11] =	ssyncset.done $0x0  }
0x34: {  	[sflag:s11] =	ssyncadd.s32 $0xFFFFC000  }
0x35: {  	[spmem:s1] =	stream.indirect.scatter.add.f32 [tilespmem:s12], [sflag:$0x1], $0x80, s3, s12, $0xb8;
	[tilespmem:$0x18080] =	vst v63  }
0x36: {  	_ =	swait.ge [sflag:s11], $0x4000  }
0x37: {  	s13 =	sadd.s32 $0x1, s13;
	[sflag:s11] =	ssyncset.done $0x0  }
0x38: {  	p0 =	sne.s32 s13, s7;
	[sflag:s11] =	ssyncadd.s32 $0xFFFFC000  }
.Ltmp1:
0x39: {  	[bflag:$0x0] =	sbarrier.arrive $0xFFFF;
	(pc) =	sbr.rel @p0 .LBB2_1-.Ltmp1, $4  }
0x3a: {  	[hbm:s6], [sflag:s5] =	dma.local [spmem:s10], $0x2800  }
0x3b: {  	_ =	swait.ge [sflag:s11], $0x2800  }
0x3c: {  	[sflag:s11] =	ssyncset.done $0x0  }
0x3d: {  	[sflag:s11] =	ssyncadd.s32 $0xFFFFD800  }
0x3e: {  	_ =	sfence.sel $0x180000  }
0x3f: {  	[bflag:$0x0] =	sbarrier.arrive $0xFFFF  }
0x40: {  	p0 =	sne.s32 s2, $0x0;
	_ =	strace $0x9000004A  }
0x41: {  	s0 =	sadd.s32 @!p0 $0x100000, s0;
	[bflag:$0x2] =	sbarrier.arrive $0xFFFF  }
0x42: {  	[sflag:s0] =	ssyncadd.tile.s32 @!p0 $0x1;
	_ =	shalt  }
.Lfunc_end2:
_tile_overlayer_lowered:
.L_overlay_start_2:
0x43: {  	(tag) =	ssettag $0x2  }
0x44: {  	s0 =	rddreg [dreg:$0x0];
	s2 =	stileid.u32  }
0x45: {  	s1 =	rddreg [dreg:$0x1];
	p0 =	sne.s32 s2, $0x0  }
0x46: {  	s3 =	rddreg [dreg:$0x2];
	[bflag:$0x3] =	sbarrier.arrive $0xFFFF;
	s2 =	simm.s32 @!p0 $0x1C01  }
0x47: {  	[timem:s3], [sflag:s2] =	dma.local @!p0 [hbm:s0], s1  }
0x48: {  	s0 =	simm.s32 @!p0 $0x1  }
0x49: {  	_ =	swait.ge @!p0 [sflag:s0], s1  }
0x4a: {  	s1 =	ssub.s32 @!p0 $0x0, s1;
	[sflag:s0] =	ssyncset.done @!p0 $0x0  }
0x4b: {  	[sflag:s0] =	ssyncadd.s32 @!p0 s1  }
0x4c: {  	[bflag:$0x3] =	sbarrier.arrive $0xFFFF  }
0x4d: {  	_ =	shalt  }

// kernel: kernel.25.cloned.1.call-start
scs
__scs_entry_jumppad:
0x0: {  	(pc) =	sbr.rel $0x88, $3  }
0x1: {  	(tag) =	ssettag $0x0;
	lr =	simm.s32 $0x1  }
0x2: {  	[smem:$0x3F75] =	sst lr;
	_ =	strace $0xD0000000  }
0x3: {  	_ = 	snop  }
0x4: {  	_ = 	snop  }
0x5: {  	_ = 	snop  }
0x6: {  	_ = 	snop  }
0x7: {  	_ = 	snop  }
__scs_overlays_trampoline_lowered:
0x8: {  	[smem:$0x3F84] =	sst s0  }
0x9: {  	[smem:$0x3F85] =	sst s1  }
0xa: {  	[smem:$0x3F86] =	sst s2  }
0xb: {  	[smem:$0x3F87] =	sst s3  }
0xc: {  	[smem:$0x3F88] =	sst s4  }
0xd: {  	[smem:$0x3F89] =	sst s5  }
0xe: {  	[smem:$0x3F8A] =	sst s6  }
0xf: {  	[smem:$0x3F8B] =	sst s7  }
0x10: {  	[smem:$0x3F8C] =	sst s8  }
0x11: {  	[smem:$0x3F8D] =	sst s9;
	s0 =	simm.s32 @!p0 $0x0  }
0x12: {  	s1 =	sld [smem:$0x3F73];
	s0 =	simm.s32 @p0 $0x1  }
0x13: {  	[smem:$0x3F8E] =	sst s0;
	s0 =	simm.s32 @!p1 $0x0  }
0x14: {  	s2 =	sld [smem:$0x3F72];
	s0 =	simm.s32 @p1 $0x1  }
0x15: {  	[smem:$0x3F8F] =	sst s0;
	s0 =	simm.s32 @!p2 $0x0  }
0x16: {  	s3 =	sld [smem:$0x3FDB];
	s0 =	simm.s32 @p2 $0x1  }
0x17: {  	s4 =	simm.s32 $0x1BF5;
	[smem:$0x3F91] =	sst s0  }
0x18: {  	s0 =	sld [smem:$0x3F74];
	_ =	swait.ge [sflag:s4], $0x0  }
0x19: {  	s7 =	sld [smem:$0x3F75]  }
0x1a: {  	s8 =	sadd.s32 $0xFFFFE003, lr  }
0x1b: {  	s9 =	sadd.s32 $0xFFFFFEF7, lr;
	s5 =	simm.s32 $0xFFFFFFFF;
	p2 =	slt.u32 s8, $0xFFFFF086  }
0x1c: {  	p1 =	slt.u32 s9, $0xF7A;
	s5 =	simm.s32 @!p2 $0x0  }
0x1d: {  	s5 =	simm.s32 @p1 $0x1;
	p0 =	seq.s32 s7, s2  }
0x1e: {  	s7 =	smul.u32 @!p0 $0xF7A, s2;
	p2 =	seq.s32 @!p0 s5, $0x0  }
0x1f: {  	s9 =	smul.u32 $0xF7A, s1;
	s8 =	simm.s32 @!p0 $0x1BF5;
	p2 =	por !p2, p0  }
0x20: {  	[sflag:s8] =	ssyncset.s32 @!p0 $0xFFFFF086;
	s6 =	sadd.s32 @!p0 s3, s7;
	s7 =	simm.s32 @!p0 $0x108  }
0x21: {  	s3 =	sadd.s32 s3, s9;
	s6 =	sadd.s32 @!p0 $0x88, s6;
	s7 =	simm.s32 @p2 $0x1082  }
0x22: {  	[simem:s7], [sflag:s8] =	dma.local @!p0 [hbm:s6], $0xF7A  }
0x23: {  	s9 =	sor.u32 $0xD0000000, s2;
	s6 =	simm.s32 $0x108;
	_ =	swait.ge @!p0 [sflag:s8], $0x0  }
0x24: {  	s3 =	sadd.s32 $0x88, s3;
	s6 =	simm.s32 @!p1 $0x1082;
	[sflag:s4] =	ssyncset.s32 $0xFFFFF086  }
0x25: {  	[simem:s6], [sflag:s4] =	dma.local [hbm:s3], $0xF7A  }
0x26: {  	[smem:$0x3F75] =	sst s1;
	(tag) =	ssettag s2;
	_ =	strace s9  }
0x27: {  	s1 =	sld [smem:$0x3F85]  }
0x28: {  	s2 =	sld [smem:$0x3F86]  }
0x29: {  	s4 =	sld [smem:$0x3F88]  }
0x2a: {  	p0 =	seq.s32 s5, $0x0;
	s5 =	sld [smem:$0x3F89]  }
0x2b: {  	s6 =	sld [smem:$0x3F8A]  }
0x2c: {  	s7 =	sld [smem:$0x3F8B]  }
0x2d: {  	s3 =	simm.s32 $0x108;
	s8 =	sld [smem:$0x3F8C]  }
0x2e: {  	s3 =	simm.s32 @!p0 $0x1082;
	s9 =	sld [smem:$0x3F8D]  }
0x2f: {  	lr =	sadd.s32 s0, s3;
	s0 =	sld [smem:$0x3F84]  }
0x30: {  	s3 =	sld [smem:$0x3F87]  }
0x31: {  	[smem:$0x3F90] =	sst s10  }
0x32: {  	s10 =	sld [smem:$0x3F8E];
	_ =	sdelay $0x3  }
0x33: {  	p0 =	seq.s32 s10, $0x1;
	s10 =	sld [smem:$0x3F90];
	_ =	sdelay $0x3  }
0x34: {  	[smem:$0x3F90] =	sst s10  }
0x35: {  	s10 =	sld [smem:$0x3F8F];
	_ =	sdelay $0x3  }
0x36: {  	p1 =	seq.s32 s10, $0x1;
	s10 =	sld [smem:$0x3F90];
	_ =	sdelay $0x3  }
0x37: {  	[smem:$0x3F90] =	sst s10  }
0x38: {  	s10 =	sld [smem:$0x3F91]  }
0x39: {  	_ = 	snop;
	(pc) =	sbr.ind lr, $3  }
0x3a: {  	_ = 	snop  }
0x3b: {  	_ = 	snop  }
0x3c: {  	p2 =	seq.s32 s10, $0x1;
	s10 =	sld [smem:$0x3F90]  }
0x3d: {  	_ =	shalt  }
0x3e: {  	_ =	shalt  }
0x3f: {  	_ =	shalt  }
0x40: {  	_ =	shalt  }
0x41: {  	_ =	shalt  }
0x42: {  	_ =	shalt  }
0x43: {  	_ =	shalt  }
0x44: {  	_ =	shalt  }
0x45: {  	_ =	shalt  }
0x46: {  	_ =	shalt  }
0x47: {  	_ =	shalt  }
0x48: {  	_ =	shalt  }
0x49: {  	_ =	shalt  }
0x4a: {  	_ =	shalt  }
0x4b: {  	_ =	shalt  }
0x4c: {  	_ =	shalt  }
0x4d: {  	_ =	shalt  }
0x4e: {  	_ =	shalt  }
0x4f: {  	_ =	shalt  }
0x50: {  	_ =	shalt  }
0x51: {  	_ =	shalt  }
0x52: {  	_ =	shalt  }
0x53: {  	_ =	shalt  }
0x54: {  	_ =	shalt  }
0x55: {  	_ =	shalt  }
0x56: {  	_ =	shalt  }
0x57: {  	_ =	shalt  }
0x58: {  	_ =	shalt  }
0x59: {  	_ =	shalt  }
0x5a: {  	_ =	shalt  }
0x5b: {  	_ =	shalt  }
0x5c: {  	_ =	shalt  }
0x5d: {  	_ =	shalt  }
0x5e: {  	_ =	shalt  }
0x5f: {  	_ =	shalt  }
0x60: {  	_ =	shalt  }
0x61: {  	_ =	shalt  }
0x62: {  	_ =	shalt  }
0x63: {  	_ =	shalt  }
0x64: {  	_ =	shalt  }
0x65: {  	_ =	shalt  }
0x66: {  	_ =	shalt  }
0x67: {  	_ =	shalt  }
0x68: {  	_ =	shalt  }
0x69: {  	_ =	shalt  }
0x6a: {  	_ =	shalt  }
0x6b: {  	_ =	shalt  }
0x6c: {  	_ =	shalt  }
0x6d: {  	_ =	shalt  }
0x6e: {  	_ =	shalt  }
0x6f: {  	_ =	shalt  }
0x70: {  	_ =	shalt  }
0x71: {  	_ =	shalt  }
0x72: {  	_ =	shalt  }
0x73: {  	_ =	shalt  }
0x74: {  	_ =	shalt  }
0x75: {  	_ =	shalt  }
0x76: {  	_ =	shalt  }
0x77: {  	_ =	shalt  }
0x78: {  	_ =	shalt  }
0x79: {  	_ =	shalt  }
0x7a: {  	_ =	shalt  }
0x7b: {  	_ =	shalt  }
0x7c: {  	_ =	shalt  }
0x7d: {  	_ =	shalt  }
0x7e: {  	_ =	shalt  }
0x7f: {  	_ =	shalt  }
0x80: {  	_ =	shalt  }
0x81: {  	_ =	shalt  }
0x82: {  	_ =	shalt  }
0x83: {  	_ =	shalt  }
0x84: {  	_ =	shalt  }
0x85: {  	_ =	shalt  }
0x86: {  	_ =	shalt  }
0x87: {  	_ =	shalt  }
.Lfunc_end0:
.L_simem_size_0:
called_computation.2_lowered:
.L_overlay_start_0:
0x88: {  	s2 =	sld [smem:$0x3FD9]  }
0x89: {  	s3 =	sld [smem:$0x3FFE];
	_ =	sdelay $0x1  }
0x8a: {  	s1 =	srdreg.scid  }
0x8b: {  	s0 =	sand.u32 $0x1, s1  }
0x8c: {  	s14 =	sshll.u32 s0, $0xA;
	s2 =	sadd.s32 s3, s2  }
0x8d: {  	s2 =	sadd.s32 s2, s14  }
0x8e: {  	[smem:$0x3F9C] =	sst s2  }
0x8f: {  	_ = 	snop  }
0x90: {  	s2 =	sld [smem:$0x3FD0];
	_ =	sdelay $0x2  }
0x91: {  	s15 =	simm.s32 $0xA;
	s4 =	simm.s32 $0x10  }
0x92: {  	[smem:s4], [sflag:s15] =	dma.local [hbm:s2], $0x1  }
0x93: {  	_ =	swait.eq [sflag:s15], $0x1  }
0x94: {  	[sflag:s15] =	ssyncset.done $0x0  }
0x95: {  	[sflag:s15] =	ssyncadd.s32 $0xFFFFFFFF  }
0x96: {  	s16 =	sld [smem:$0x10];
	(tm) =	ssettm $0x1  }
0x97: {  	s17 =	sld [smem:$0x3FFB];
	_ =	sdelay $0x3  }
0x98: {  	_ =	strace s17  }
0x99: {  	s3 =	sld [smem:$0x3FFC];
	_ =	sdelay $0x3  }
0x9a: {  	_ =	strace s3  }
0x9b: {  	s3 =	sld [smem:$0x3FFD];
	_ =	sdelay $0x3  }
0x9c: {  	_ =	strace s3  }
0x9d: {  	_ =	strace $0x8FFFFFFF  }
0x9e: {  	s18 =	sld [smem:$0x3FDB];
	_ =	sdelay $0x1  }
0x9f: {  	s19 =	simm.s32 $_scs_section_size  }
0xa0: {  	s5 =	simm.s32 $_size__tile_overlayer_lowered;
	s6 =	simm.s32 $_tile_overlayer_lowered  }
0xa1: {  	s22 =	simm.s32 $0x1BFF;
	s21 =	sshll.u32 s6, $0x1;
	s3 =	sadd.s32 s19, s18  }
0xa2: {  	s7 =	simm.s32 $0x0;
	s20 =	sshll.u32 s5, $0x1;
	s5 =	sadd.s32 s21, s3  }
0xa3: {  	[timem:s7], [sflag:s22] =	dma.local [hbm:s5], s20  }
0xa4: {  	_ =	swait.ge [sflag:s22], s20  }
0xa5: {  	s4 =	ssub.s32 $0x0, s20;
	[sflag:s22] =	ssyncset.done $0x0  }
0xa6: {  	[sflag:s22] =	ssyncadd.s32 s4;
	_ =	sdelay $0x1  }
0xa7: {  	s23 =	simm.s32 $0x1B8B  }
0xa8: {  	_ =	swait.ge [sflag:s23], $0x1  }
0xa9: {  	[sflag:s23] =	ssyncset.done $0x0  }
0xaa: {  	s25 =	simm.s32 $0x1B8E;
	s24 =	sld [smem:$0x3FFE];
	[sflag:s23] =	ssyncadd.s32 $0xFFFFFFFF  }
0xab: {  	s26 =	simm.s32 $execute0_lowered;
	[smem:$0x3FD2] =	sst s25  }
0xac: {  	s5 =	sshll.u32 s26, $0x1;
	_ =	strace $0x8000004C;
	[dreg:$0x1] =	wrdreg $0xFFFFFFFF  }
0xad: {  	s28 =	simm.s32 $_size_execute0_lowered;
	s3 =	sadd.s32 s3, s5;
	[dreg:$0x0] =	wrdreg $0x0  }
0xae: {  	s5 =	sshll.u32 s28, $0x1;
	[dreg:$0x2] =	wrdreg s3  }
0xaf: {  	[dreg:$0x3] =	wrdreg s5  }
0xb0: {  	[dreg:$0x4] =	wrdreg $0xC0  }
0xb1: {  	_ =	task [dreg:s7], $0x5FFFF  }
0xb2: {  	[dreg:$0x1] =	wrdreg $0xFFFFFFFF  }
0xb3: {  	[dreg:$0x0] =	wrdreg $0x60  }
0xb4: {  	[dreg:$0x2] =	wrdreg s24  }
0xb5: {  	[dreg:$0x3] =	wrdreg s16  }
0xb6: {  	[dreg:$0x4] =	wrdreg $0x9  }
0xb7: {  	_ =	task.clear_ibuf [dreg:s7], $0x5FFFF;
	_ =	strace $0x9000004C  }
0xb8: {  	s29 =	simm.s32 $0x9;
	_ =	strace $0x8000004E  }
0xb9: {  	_ =	swait.ge [sflag:s29], $0x1  }
0xba: {  	[sflag:s29] =	ssyncadd.s32 $0xFFFFFFFF  }
0xbb: {  	_ =	strace $0x9000004E  }
0xbc: {  	_ =	sfence  }
0xbd: {  	s30 =	sld [smem:$0x0];
	_ =	sdelay $0x2  }
0xbe: {  	s31 =	sshll.u32 s1, $0xD;
	s1 =	sshrl.u32 s1, $0x2  }
0xbf: {  	s3 =	sand.u32 $0x4000, s31;
	s1 =	sadd.s32 s1, s30  }
0xc0: {  	s0 =	sor.u32 s3, s0;
	s1 =	sshll.u32 s1, $0x11  }
0xc1: {  	s0 =	sor.u32 s1, s0  }
0xc2: {  	s0 =	sadd.s32 $0x8F2B, s0  }
0xc3: {  	[sflag:s0] =	ssyncadd.remote.s32 $0x1  }
0xc4: {  	_ =	sfence.sel $0xFFFF  }
0xc5: {  	[dreg:$0x0] =	wrdreg $0xFFFFFFFF;
	(pc) =	sbr.abs _section_cstart, $3  }
0xc6: {  	[dreg:$0x1] =	wrdreg $0xFFFFFFFF  }
0xc7: {  	_ =	task.clear_ibuf [dreg:s7], $0x2FFFF;
	_ =	strace $0x9FFFFFFF  }
0xc8: {  	(tm) =	ssettm $0x7FFFFFFF  }
0xc9: {  	_ =	shalt  }
tec
execute0_lowered:
.L_overlay_start_1:
0x0: {  	(tag) =	ssettag $0x1  }
0x1: {  	s5 =	rddreg [dreg:$0x0]  }
0x2: {  	s6 =	rddreg [dreg:$0x1]  }
0x3: {  	s1 =	srdreg.scid;
	s0 =	rddreg [dreg:$0x2];
	s2 =	simm.s32 $0x0  }
0x4: {  	s13 =	simm.s32 $0x5000;
	s14 =	simm.s32 $0x9000;
	s15 =	simm.s32 $0xD000  }
0x5: {  	s16 =	simm.s32 $0x11000;
	s17 =	simm.s32 $0x1;
	s18 =	simm.s32 $0x2  }
0x6: {  	s19 =	simm.s32 $0x3;
	s20 =	simm.s32 $0x4;
	s21 =	simm.s32 $0x5  }
0x7: {  	s22 =	simm.s32 $0x0;
	s7 =	sand.u32 $0x1, s1;
	s1 =	stileid.u32  }
0x8: {  	[smem:$0x7FF] =	sst s2;
	s4 =	sadd.s32 $0x1032A00, s5;
	s3 =	sshll.u32 s7, $0x4  }
0x9: {  	_ =	strace $0x8000004D;
	s9 =	smul.u32 $0x280000, s7;
	s7 =	ssub.s32 $0x2, s7  }
0xa: {  	s12 =	smul.u32 $0x28000, s1;
	s3 =	sor.u32 s1, s3;
	s11 =	sshrl.u32 s7, $0x1  }
0xb: {  	s8 =	smul.u32 $0x2800, s3;
	s3 =	sadd.s32 $0x100AA00, s5;
	s7 =	ssub.s32 s7, s11  }
0xc: {  	s9 =	sadd.s32 s9, s5;
	s11 =	simm.s32 $0x2800;
	s7 =	smax.u32 s7, $0x1  }
0xd: {  	s9 =	sadd.s32 s12, s9;
	s12 =	simm.s32 $0x80;
	s8 =	sshrl.u32 s8, $0x3  }
0xe: {  	s10 =	sadd.s32 s8, s5;
	s5 =	sadd.s32 s6, s8;
	s8 =	sadd.s32 $0x6CC00, s9  }
0xf: {  	s9 =	sadd.s32 $0x56CC00, s9;
	s6 =	sadd.s32 $0x38000, s10;
	s10 =	simm.s32 $0x6  }
.LBB2_1:
0x10: {  	[tilespmem:s2], [sflag:$0x6] =	stream.linear.gather [hbm4b:s5+s2], $0x2800, $0x38;
	[tilespmem:$0x15000] =	vst v63  }
0x11: {  	_ =	swait.ge [sflag:s10], $0x2800  }
0x12: {  	[sflag:s10] =	ssyncset.done $0x0  }
0x13: {  	[sflag:s10] =	ssyncadd.s32 $0xFFFFD800  }
0x14: {  	[tilespmem:s11], [sflag:$0x6] =	stream.linear.gather [hbm4b:s6+s2], $0x2800, $0x38;
	[tilespmem:$0x15000] =	vst v63  }
0x15: {  	_ =	swait.ge [sflag:s10], $0x2800  }
0x16: {  	[sflag:s10] =	ssyncset.done $0x0  }
0x17: {  	s23 =	simm.s32 $0x0;
	[sflag:s10] =	ssyncadd.s32 $0xFFFFD800  }
0x18: {  	[tilespmem:s13], [sflag:$0x1] =	stream.indirect.gather [hbm4b:s3+s12], $0x80, s23, s12, $0xb8;
	[tilespmem:$0x15000] =	vst v63  }
0x19: {  	s25 =	simm.s32 $0x80  }
0x1a: {  	[tilespmem:s14], [sflag:$0x2] =	stream.indirect.gather [hbm4b:s3+s12], $0x80, s25, s12, $0xb8;
	[tilespmem:$0x15000] =	vst v63  }
0x1b: {  	s26 =	simm.s32 $0x2800  }
0x1c: {  	[tilespmem:s15], [sflag:$0x3] =	stream.indirect.gather [hbm4b:s4+s12], $0x80, s26, s12, $0xb8;
	[tilespmem:$0x15000] =	vst v63  }
0x1d: {  	s29 =	simm.s32 $0x2880  }
0x1e: {  	[tilespmem:s16], [sflag:$0x4] =	stream.indirect.gather [hbm4b:s4+s12], $0x80, s29, s12, $0xb8;
	[tilespmem:$0x15000] =	vst v63  }
0x1f: {  	_ =	swait.ge [sflag:s17], $0x4000  }
0x20: {  	[sflag:s17] =	ssyncset.done $0x0  }
0x21: {  	[sflag:s17] =	ssyncadd.s32 $0xFFFFC000  }
0x22: {  	_ =	swait.ge [sflag:s18], $0x4000  }
0x23: {  	[sflag:s18] =	ssyncset.done $0x0  }
0x24: {  	[sflag:s18] =	ssyncadd.s32 $0xFFFFC000  }
0x25: {  	_ =	swait.ge [sflag:s19], $0x4000  }
0x26: {  	[sflag:s19] =	ssyncset.done $0x0  }
0x27: {  	[sflag:s19] =	ssyncadd.s32 $0xFFFFC000  }
0x28: {  	_ =	swait.ge [sflag:s20], $0x4000  }
0x29: {  	[sflag:s20] =	ssyncset.done $0x0  }
0x2a: {  	s30 =	sadd.s32 $0xFFFFF800, s8;
	[sflag:s20] =	ssyncadd.s32 $0xFFFFC000  }
0x2b: {  	[hbm4b:s30+s2] =	stream.linear.scatter [tilespmem:s13], [sflag:$0x5], $0x4000, $0x38;
	[tilespmem:$0x15000] =	vst v63  }
0x2c: {  	_ = 	snop  }
0x2d: {  	[hbm4b:s8+s2] =	stream.linear.scatter [tilespmem:s14], [sflag:$0x5], $0x4000, $0x38;
	[tilespmem:$0x15000] =	vst v63  }
0x2e: {  	s31 =	sadd.s32 $0xFFFFF800, s9  }
0x2f: {  	[hbm4b:s31+s2] =	stream.linear.scatter [tilespmem:s15], [sflag:$0x5], $0x4000, $0x38;
	[tilespmem:$0x15000] =	vst v63  }
0x30: {  	_ = 	snop  }
0x31: {  	[hbm4b:s9+s2] =	stream.linear.scatter [tilespmem:s16], [sflag:$0x5], $0x4000, $0x38;
	[tilespmem:$0x15000] =	vst v63  }
0x32: {  	_ =	swait.ge [sflag:s21], $0x4000  }
0x33: {  	[sflag:s21] =	ssyncset.done $0x0  }
0x34: {  	[sflag:s21] =	ssyncadd.s32 $0xFFFFC000  }
0x35: {  	_ =	swait.ge [sflag:s21], $0x4000  }
0x36: {  	[sflag:s21] =	ssyncset.done $0x0  }
0x37: {  	[sflag:s21] =	ssyncadd.s32 $0xFFFFC000  }
0x38: {  	_ =	swait.ge [sflag:s21], $0x4000  }
0x39: {  	[sflag:s21] =	ssyncset.done $0x0  }
0x3a: {  	[sflag:s21] =	ssyncadd.s32 $0xFFFFC000  }
0x3b: {  	s28 =	simm.s32 $0x800;
	s24 =	sadd.s32 $0x1000, s8;
	_ =	swait.ge [sflag:s21], $0x4000  }
0x3c: {  	s23 =	sadd.s32 $0x1000, s9;
	s25 =	simm.s32 $0x400;
	[sflag:s21] =	ssyncset.done $0x0  }
.LBB2_2:
0x3d: {  	s29 =	sshra.s32 s25, $0x2  }
0x3e: {  	[sflag:s21] =	ssyncadd.s32 $0xFFFFC000;
	s25 =	smov.u32 s28;
	s26 =	sadd.s32 $0x400, s28  }
0x3f: {  	[tilespmem:s13], [sflag:$0x1] =	stream.indirect.gather [hbm4b:s3+s12], $0x80, s29, s12, $0xb8;
	[tilespmem:$0x15000] =	vst v63  }
0x40: {  	p0 =	sne.s32 s28, $0x9C00;
	s28 =	sadd.s32 $0x80, s29  }
0x41: {  	[tilespmem:s14], [sflag:$0x2] =	stream.indirect.gather [hbm4b:s3+s12], $0x80, s28, s12, $0xb8;
	[tilespmem:$0x15000] =	vst v63  }
0x42: {  	s28 =	sadd.s32 $0x2800, s29  }
0x43: {  	[tilespmem:s15], [sflag:$0x3] =	stream.indirect.gather [hbm4b:s4+s12], $0x80, s28, s12, $0xb8;
	[tilespmem:$0x15000] =	vst v63  }
0x44: {  	s28 =	sadd.s32 $0x2880, s29  }
0x45: {  	[tilespmem:s16], [sflag:$0x4] =	stream.indirect.gather [hbm4b:s4+s12], $0x80, s28, s12, $0xb8;
	[tilespmem:$0x15000] =	vst v63  }
0x46: {  	_ =	swait.ge [sflag:s17], $0x4000  }
0x47: {  	[sflag:s17] =	ssyncset.done $0x0  }
0x48: {  	[sflag:s17] =	ssyncadd.s32 $0xFFFFC000  }
0x49: {  	_ =	swait.ge [sflag:s18], $0x4000  }
0x4a: {  	[sflag:s18] =	ssyncset.done $0x0  }
0x4b: {  	[sflag:s18] =	ssyncadd.s32 $0xFFFFC000  }
0x4c: {  	_ =	swait.ge [sflag:s19], $0x4000  }
0x4d: {  	[sflag:s19] =	ssyncset.done $0x0  }
0x4e: {  	[sflag:s19] =	ssyncadd.s32 $0xFFFFC000  }
0x4f: {  	_ =	swait.ge [sflag:s20], $0x4000  }
0x50: {  	[sflag:s20] =	ssyncset.done $0x0  }
0x51: {  	s28 =	sadd.s32 $0xFFFFF800, s24;
	[sflag:s20] =	ssyncadd.s32 $0xFFFFC000  }
0x52: {  	[hbm4b:s28+s2] =	stream.linear.scatter [tilespmem:s13], [sflag:$0x5], $0x4000, $0x38;
	[tilespmem:$0x15000] =	vst v63  }
0x53: {  	_ = 	snop  }
0x54: {  	[hbm4b:s24+s2] =	stream.linear.scatter [tilespmem:s14], [sflag:$0x5], $0x4000, $0x38;
	[tilespmem:$0x15000] =	vst v63  }
0x55: {  	s28 =	sadd.s32 $0xFFFFF800, s23  }
0x56: {  	[hbm4b:s28+s2] =	stream.linear.scatter [tilespmem:s15], [sflag:$0x5], $0x4000, $0x38;
	[tilespmem:$0x15000] =	vst v63  }
0x57: {  	_ = 	snop  }
0x58: {  	[hbm4b:s23+s2] =	stream.linear.scatter [tilespmem:s16], [sflag:$0x5], $0x4000, $0x38;
	[tilespmem:$0x15000] =	vst v63  }
0x59: {  	_ =	swait.ge [sflag:s21], $0x4000  }
0x5a: {  	[sflag:s21] =	ssyncset.done $0x0  }
0x5b: {  	[sflag:s21] =	ssyncadd.s32 $0xFFFFC000  }
0x5c: {  	_ =	swait.ge [sflag:s21], $0x4000  }
0x5d: {  	[sflag:s21] =	ssyncset.done $0x0  }
0x5e: {  	[sflag:s21] =	ssyncadd.s32 $0xFFFFC000  }
.Ltmp0:
0x5f: {  	_ =	swait.ge [sflag:s21], $0x4000;
	(pc) =	sbr.rel @p0 .LBB2_2-.Ltmp0, $4  }
0x60: {  	[sflag:s21] =	ssyncset.done $0x0  }
0x61: {  	[sflag:s21] =	ssyncadd.s32 $0xFFFFC000  }
0x62: {  	s24 =	sadd.s32 $0x1000, s24;
	_ =	swait.ge [sflag:s21], $0x4000  }
0x63: {  	s28 =	smov.u32 s26;
	s23 =	sadd.s32 $0x1000, s23;
	[sflag:s21] =	ssyncset.done $0x0  }
0x64: {  	s25 =	sshra.s32 s25, $0x2;
	[sflag:s21] =	ssyncadd.s32 $0xFFFFC000  }
0x65: {  	[tilespmem:s13], [sflag:$0x1] =	stream.indirect.gather [hbm4b:s3+s12], $0x80, s25, s12, $0xb8;
	[tilespmem:$0x15000] =	vst v63  }
0x66: {  	s26 =	sadd.s32 $0x80, s25  }
0x67: {  	[tilespmem:s14], [sflag:$0x2] =	stream.indirect.gather [hbm4b:s3+s12], $0x80, s26, s12, $0xb8;
	[tilespmem:$0x15000] =	vst v63  }
0x68: {  	s29 =	sadd.s32 $0x2800, s25  }
0x69: {  	[tilespmem:s15], [sflag:$0x3] =	stream.indirect.gather [hbm4b:s4+s12], $0x80, s29, s12, $0xb8;
	[tilespmem:$0x15000] =	vst v63  }
0x6a: {  	s25 =	sadd.s32 $0x2880, s25  }
0x6b: {  	[tilespmem:s16], [sflag:$0x4] =	stream.indirect.gather [hbm4b:s4+s12], $0x80, s25, s12, $0xb8;
	[tilespmem:$0x15000] =	vst v63  }
0x6c: {  	_ =	swait.ge [sflag:s17], $0x4000  }
0x6d: {  	[sflag:s17] =	ssyncset.done $0x0  }
0x6e: {  	[sflag:s17] =	ssyncadd.s32 $0xFFFFC000  }
0x6f: {  	_ =	swait.ge [sflag:s18], $0x4000  }
0x70: {  	[sflag:s18] =	ssyncset.done $0x0  }
0x71: {  	[sflag:s18] =	ssyncadd.s32 $0xFFFFC000  }
0x72: {  	_ =	swait.ge [sflag:s19], $0x4000  }
0x73: {  	[sflag:s19] =	ssyncset.done $0x0  }
0x74: {  	[sflag:s19] =	ssyncadd.s32 $0xFFFFC000  }
0x75: {  	_ =	swait.ge [sflag:s20], $0x4000  }
0x76: {  	[sflag:s20] =	ssyncset.done $0x0  }
0x77: {  	s30 =	sadd.s32 $0xFFFFF800, s24;
	[sflag:s20] =	ssyncadd.s32 $0xFFFFC000  }
0x78: {  	[hbm4b:s30+s2] =	stream.linear.scatter [tilespmem:s13], [sflag:$0x5], $0x4000, $0x38;
	[tilespmem:$0x15000] =	vst v63  }
0x79: {  	_ = 	snop  }
0x7a: {  	[hbm4b:s24+s2] =	stream.linear.scatter [tilespmem:s14], [sflag:$0x5], $0x4000, $0x38;
	[tilespmem:$0x15000] =	vst v63  }
0x7b: {  	s31 =	sadd.s32 $0xFFFFF800, s23  }
0x7c: {  	[hbm4b:s31+s2] =	stream.linear.scatter [tilespmem:s15], [sflag:$0x5], $0x4000, $0x38;
	[tilespmem:$0x15000] =	vst v63  }
0x7d: {  	_ = 	snop  }
0x7e: {  	[hbm4b:s23+s2] =	stream.linear.scatter [tilespmem:s16], [sflag:$0x5], $0x4000, $0x38;
	[tilespmem:$0x15000] =	vst v63  }
0x7f: {  	_ =	swait.ge [sflag:s21], $0x4000  }
0x80: {  	[sflag:s21] =	ssyncset.done $0x0  }
0x81: {  	[sflag:s21] =	ssyncadd.s32 $0xFFFFC000  }
0x82: {  	_ =	swait.ge [sflag:s21], $0x4000  }
0x83: {  	[sflag:s21] =	ssyncset.done $0x0  }
0x84: {  	s22 =	sadd.s32 $0x1, s22;
	[sflag:s21] =	ssyncadd.s32 $0xFFFFC000  }
0x85: {  	p0 =	sne.s32 s22, s7;
	_ =	swait.ge [sflag:s21], $0x4000  }
.Ltmp1:
0x86: {  	[sflag:s21] =	ssyncset.done $0x0;
	(pc) =	sbr.rel @p0 .LBB2_1-.Ltmp1, $4  }
0x87: {  	[sflag:s21] =	ssyncadd.s32 $0xFFFFC000  }
0x88: {  	_ =	swait.ge [sflag:s21], $0x4000  }
0x89: {  	[sflag:s21] =	ssyncset.done $0x0  }
0x8a: {  	[sflag:s21] =	ssyncadd.s32 $0xFFFFC000  }
0x8b: {  	_ =	sfence.sel $0x180000  }
0x8c: {  	[bflag:$0x0] =	sbarrier.arrive $0xFFFF  }
0x8d: {  	p0 =	sne.s32 s1, $0x0;
	_ =	strace $0x9000004D  }
0x8e: {  	s0 =	sadd.s32 @!p0 $0x100000, s0;
	[bflag:$0x2] =	sbarrier.arrive $0xFFFF  }
0x8f: {  	[sflag:s0] =	ssyncadd.tile.s32 @!p0 $0x1;
	_ =	shalt  }
.Lfunc_end2:
_tile_overlayer_lowered:
.L_overlay_start_2:
0x90: {  	(tag) =	ssettag $0x2  }
0x91: {  	s0 =	rddreg [dreg:$0x0];
	s2 =	stileid.u32  }
0x92: {  	s1 =	rddreg [dreg:$0x1];
	p0 =	sne.s32 s2, $0x0  }
0x93: {  	s3 =	rddreg [dreg:$0x2];
	[bflag:$0x3] =	sbarrier.arrive $0xFFFF;
	s2 =	simm.s32 @!p0 $0x1C06  }
0x94: {  	[timem:s3], [sflag:s2] =	dma.local @!p0 [hbm:s0], s1  }
0x95: {  	s0 =	simm.s32 @!p0 $0x6  }
0x96: {  	_ =	swait.ge @!p0 [sflag:s0], s1  }
0x97: {  	s1 =	ssub.s32 @!p0 $0x0, s1;
	[sflag:s0] =	ssyncset.done @!p0 $0x0  }
0x98: {  	[sflag:s0] =	ssyncadd.s32 @!p0 s1  }
0x99: {  	[bflag:$0x3] =	sbarrier.arrive $0xFFFF  }
0x9a: {  	_ =	shalt  }

// kernel: kernel.28.cloned.1.call-start
scs
__scs_entry_jumppad:
0x0: {  	(pc) =	sbr.rel $0x88, $3  }
0x1: {  	(tag) =	ssettag $0x0;
	lr =	simm.s32 $0x1  }
0x2: {  	[smem:$0x3F75] =	sst lr;
	_ =	strace $0xD0000000  }
0x3: {  	_ = 	snop  }
0x4: {  	_ = 	snop  }
0x5: {  	_ = 	snop  }
0x6: {  	_ = 	snop  }
0x7: {  	_ = 	snop  }
__scs_overlays_trampoline_lowered:
0x8: {  	[smem:$0x3F84] =	sst s0  }
0x9: {  	[smem:$0x3F85] =	sst s1  }
0xa: {  	[smem:$0x3F86] =	sst s2  }
0xb: {  	[smem:$0x3F87] =	sst s3  }
0xc: {  	[smem:$0x3F88] =	sst s4  }
0xd: {  	[smem:$0x3F89] =	sst s5  }
0xe: {  	[smem:$0x3F8A] =	sst s6  }
0xf: {  	[smem:$0x3F8B] =	sst s7  }
0x10: {  	[smem:$0x3F8C] =	sst s8  }
0x11: {  	[smem:$0x3F8D] =	sst s9;
	s0 =	simm.s32 @!p0 $0x0  }
0x12: {  	s1 =	sld [smem:$0x3F73];
	s0 =	simm.s32 @p0 $0x1  }
0x13: {  	[smem:$0x3F8E] =	sst s0;
	s0 =	simm.s32 @!p1 $0x0  }
0x14: {  	s2 =	sld [smem:$0x3F72];
	s0 =	simm.s32 @p1 $0x1  }
0x15: {  	[smem:$0x3F8F] =	sst s0;
	s0 =	simm.s32 @!p2 $0x0  }
0x16: {  	s3 =	sld [smem:$0x3FDB];
	s0 =	simm.s32 @p2 $0x1  }
0x17: {  	s4 =	simm.s32 $0x1BF5;
	[smem:$0x3F91] =	sst s0  }
0x18: {  	s0 =	sld [smem:$0x3F74];
	_ =	swait.ge [sflag:s4], $0x0  }
0x19: {  	s7 =	sld [smem:$0x3F75]  }
0x1a: {  	s8 =	sadd.s32 $0xFFFFE003, lr  }
0x1b: {  	s9 =	sadd.s32 $0xFFFFFEF7, lr;
	s5 =	simm.s32 $0xFFFFFFFF;
	p2 =	slt.u32 s8, $0xFFFFF086  }
0x1c: {  	p1 =	slt.u32 s9, $0xF7A;
	s5 =	simm.s32 @!p2 $0x0  }
0x1d: {  	s5 =	simm.s32 @p1 $0x1;
	p0 =	seq.s32 s7, s2  }
0x1e: {  	s7 =	smul.u32 @!p0 $0xF7A, s2;
	p2 =	seq.s32 @!p0 s5, $0x0  }
0x1f: {  	s9 =	smul.u32 $0xF7A, s1;
	s8 =	simm.s32 @!p0 $0x1BF5;
	p2 =	por !p2, p0  }
0x20: {  	[sflag:s8] =	ssyncset.s32 @!p0 $0xFFFFF086;
	s6 =	sadd.s32 @!p0 s3, s7;
	s7 =	simm.s32 @!p0 $0x108  }
0x21: {  	s3 =	sadd.s32 s3, s9;
	s6 =	sadd.s32 @!p0 $0x88, s6;
	s7 =	simm.s32 @p2 $0x1082  }
0x22: {  	[simem:s7], [sflag:s8] =	dma.local @!p0 [hbm:s6], $0xF7A  }
0x23: {  	s9 =	sor.u32 $0xD0000000, s2;
	s6 =	simm.s32 $0x108;
	_ =	swait.ge @!p0 [sflag:s8], $0x0  }
0x24: {  	s3 =	sadd.s32 $0x88, s3;
	s6 =	simm.s32 @!p1 $0x1082;
	[sflag:s4] =	ssyncset.s32 $0xFFFFF086  }
0x25: {  	[simem:s6], [sflag:s4] =	dma.local [hbm:s3], $0xF7A  }
0x26: {  	[smem:$0x3F75] =	sst s1;
	(tag) =	ssettag s2;
	_ =	strace s9  }
0x27: {  	s1 =	sld [smem:$0x3F85]  }
0x28: {  	s2 =	sld [smem:$0x3F86]  }
0x29: {  	s4 =	sld [smem:$0x3F88]  }
0x2a: {  	p0 =	seq.s32 s5, $0x0;
	s5 =	sld [smem:$0x3F89]  }
0x2b: {  	s6 =	sld [smem:$0x3F8A]  }
0x2c: {  	s7 =	sld [smem:$0x3F8B]  }
0x2d: {  	s3 =	simm.s32 $0x108;
	s8 =	sld [smem:$0x3F8C]  }
0x2e: {  	s3 =	simm.s32 @!p0 $0x1082;
	s9 =	sld [smem:$0x3F8D]  }
0x2f: {  	lr =	sadd.s32 s0, s3;
	s0 =	sld [smem:$0x3F84]  }
0x30: {  	s3 =	sld [smem:$0x3F87]  }
0x31: {  	[smem:$0x3F90] =	sst s10  }
0x32: {  	s10 =	sld [smem:$0x3F8E];
	_ =	sdelay $0x3  }
0x33: {  	p0 =	seq.s32 s10, $0x1;
	s10 =	sld [smem:$0x3F90];
	_ =	sdelay $0x3  }
0x34: {  	[smem:$0x3F90] =	sst s10  }
0x35: {  	s10 =	sld [smem:$0x3F8F];
	_ =	sdelay $0x3  }
0x36: {  	p1 =	seq.s32 s10, $0x1;
	s10 =	sld [smem:$0x3F90];
	_ =	sdelay $0x3  }
0x37: {  	[smem:$0x3F90] =	sst s10  }
0x38: {  	s10 =	sld [smem:$0x3F91]  }
0x39: {  	_ = 	snop;
	(pc) =	sbr.ind lr, $3  }
0x3a: {  	_ = 	snop  }
0x3b: {  	_ = 	snop  }
0x3c: {  	p2 =	seq.s32 s10, $0x1;
	s10 =	sld [smem:$0x3F90]  }
0x3d: {  	_ =	shalt  }
0x3e: {  	_ =	shalt  }
0x3f: {  	_ =	shalt  }
0x40: {  	_ =	shalt  }
0x41: {  	_ =	shalt  }
0x42: {  	_ =	shalt  }
0x43: {  	_ =	shalt  }
0x44: {  	_ =	shalt  }
0x45: {  	_ =	shalt  }
0x46: {  	_ =	shalt  }
0x47: {  	_ =	shalt  }
0x48: {  	_ =	shalt  }
0x49: {  	_ =	shalt  }
0x4a: {  	_ =	shalt  }
0x4b: {  	_ =	shalt  }
0x4c: {  	_ =	shalt  }
0x4d: {  	_ =	shalt  }
0x4e: {  	_ =	shalt  }
0x4f: {  	_ =	shalt  }
0x50: {  	_ =	shalt  }
0x51: {  	_ =	shalt  }
0x52: {  	_ =	shalt  }
0x53: {  	_ =	shalt  }
0x54: {  	_ =	shalt  }
0x55: {  	_ =	shalt  }
0x56: {  	_ =	shalt  }
0x57: {  	_ =	shalt  }
0x58: {  	_ =	shalt  }
0x59: {  	_ =	shalt  }
0x5a: {  	_ =	shalt  }
0x5b: {  	_ =	shalt  }
0x5c: {  	_ =	shalt  }
0x5d: {  	_ =	shalt  }
0x5e: {  	_ =	shalt  }
0x5f: {  	_ =	shalt  }
0x60: {  	_ =	shalt  }
0x61: {  	_ =	shalt  }
0x62: {  	_ =	shalt  }
0x63: {  	_ =	shalt  }
0x64: {  	_ =	shalt  }
0x65: {  	_ =	shalt  }
0x66: {  	_ =	shalt  }
0x67: {  	_ =	shalt  }
0x68: {  	_ =	shalt  }
0x69: {  	_ =	shalt  }
0x6a: {  	_ =	shalt  }
0x6b: {  	_ =	shalt  }
0x6c: {  	_ =	shalt  }
0x6d: {  	_ =	shalt  }
0x6e: {  	_ =	shalt  }
0x6f: {  	_ =	shalt  }
0x70: {  	_ =	shalt  }
0x71: {  	_ =	shalt  }
0x72: {  	_ =	shalt  }
0x73: {  	_ =	shalt  }
0x74: {  	_ =	shalt  }
0x75: {  	_ =	shalt  }
0x76: {  	_ =	shalt  }
0x77: {  	_ =	shalt  }
0x78: {  	_ =	shalt  }
0x79: {  	_ =	shalt  }
0x7a: {  	_ =	shalt  }
0x7b: {  	_ =	shalt  }
0x7c: {  	_ =	shalt  }
0x7d: {  	_ =	shalt  }
0x7e: {  	_ =	shalt  }
0x7f: {  	_ =	shalt  }
0x80: {  	_ =	shalt  }
0x81: {  	_ =	shalt  }
0x82: {  	_ =	shalt  }
0x83: {  	_ =	shalt  }
0x84: {  	_ =	shalt  }
0x85: {  	_ =	shalt  }
0x86: {  	_ =	shalt  }
0x87: {  	_ =	shalt  }
.Lfunc_end0:
.L_simem_size_0:
called_computation.3_lowered:
.L_overlay_start_0:
0x88: {  	s2 =	sld [smem:$0x3FD9]  }
0x89: {  	s3 =	sld [smem:$0x3FFE];
	_ =	sdelay $0x1  }
0x8a: {  	s1 =	srdreg.scid  }
0x8b: {  	s0 =	sand.u32 $0x1, s1  }
0x8c: {  	s14 =	sshll.u32 s0, $0xA;
	s2 =	sadd.s32 s3, s2  }
0x8d: {  	s2 =	sadd.s32 s2, s14  }
0x8e: {  	[smem:$0x3F9C] =	sst s2  }
0x8f: {  	_ = 	snop  }
0x90: {  	s2 =	sld [smem:$0x3FD0];
	_ =	sdelay $0x2  }
0x91: {  	s15 =	simm.s32 $0xA;
	s4 =	simm.s32 $0x10  }
0x92: {  	[smem:s4], [sflag:s15] =	dma.local [hbm:s2], $0x1  }
0x93: {  	_ =	swait.eq [sflag:s15], $0x1  }
0x94: {  	[sflag:s15] =	ssyncset.done $0x0  }
0x95: {  	[sflag:s15] =	ssyncadd.s32 $0xFFFFFFFF  }
0x96: {  	s16 =	sld [smem:$0x10];
	(tm) =	ssettm $0x1  }
0x97: {  	s17 =	sld [smem:$0x3FFB];
	_ =	sdelay $0x3  }
0x98: {  	_ =	strace s17  }
0x99: {  	s3 =	sld [smem:$0x3FFC];
	_ =	sdelay $0x3  }
0x9a: {  	_ =	strace s3  }
0x9b: {  	s3 =	sld [smem:$0x3FFD];
	_ =	sdelay $0x3  }
0x9c: {  	_ =	strace s3  }
0x9d: {  	_ =	strace $0x8FFFFFFF  }
0x9e: {  	s18 =	sld [smem:$0x3FDB];
	_ =	sdelay $0x1  }
0x9f: {  	s19 =	simm.s32 $_scs_section_size  }
0xa0: {  	s5 =	simm.s32 $_size__tile_overlayer_lowered;
	s6 =	simm.s32 $_tile_overlayer_lowered  }
0xa1: {  	s22 =	simm.s32 $0x1BFF;
	s21 =	sshll.u32 s6, $0x1;
	s3 =	sadd.s32 s19, s18  }
0xa2: {  	s7 =	simm.s32 $0x0;
	s20 =	sshll.u32 s5, $0x1;
	s5 =	sadd.s32 s21, s3  }
0xa3: {  	[timem:s7], [sflag:s22] =	dma.local [hbm:s5], s20  }
0xa4: {  	_ =	swait.ge [sflag:s22], s20  }
0xa5: {  	s4 =	ssub.s32 $0x0, s20;
	[sflag:s22] =	ssyncset.done $0x0  }
0xa6: {  	[sflag:s22] =	ssyncadd.s32 s4;
	_ =	sdelay $0x1  }
0xa7: {  	s23 =	simm.s32 $0x1B8B  }
0xa8: {  	_ =	swait.ge [sflag:s23], $0x1  }
0xa9: {  	[sflag:s23] =	ssyncset.done $0x0  }
0xaa: {  	s25 =	simm.s32 $0x1B8E;
	s24 =	sld [smem:$0x3FFE];
	[sflag:s23] =	ssyncadd.s32 $0xFFFFFFFF  }
0xab: {  	s26 =	simm.s32 $execute0_lowered;
	[smem:$0x3FD2] =	sst s25  }
0xac: {  	s5 =	sshll.u32 s26, $0x1;
	_ =	strace $0x8000004F;
	[dreg:$0x1] =	wrdreg $0xFFFFFFFF  }
0xad: {  	s28 =	simm.s32 $_size_execute0_lowered;
	s3 =	sadd.s32 s3, s5;
	[dreg:$0x0] =	wrdreg $0x0  }
0xae: {  	s5 =	sshll.u32 s28, $0x1;
	[dreg:$0x2] =	wrdreg s3  }
0xaf: {  	[dreg:$0x3] =	wrdreg s5  }
0xb0: {  	[dreg:$0x4] =	wrdreg $0xC0  }
0xb1: {  	_ =	task [dreg:s7], $0x5FFFF  }
0xb2: {  	[dreg:$0x1] =	wrdreg $0xFFFFFFFF  }
0xb3: {  	[dreg:$0x0] =	wrdreg $0x60  }
0xb4: {  	[dreg:$0x2] =	wrdreg s24  }
0xb5: {  	[dreg:$0x3] =	wrdreg s16  }
0xb6: {  	[dreg:$0x4] =	wrdreg $0x40800  }
0xb7: {  	[dreg:$0x5] =	wrdreg $0x9  }
0xb8: {  	_ =	task.clear_ibuf [dreg:s7], $0x6FFFF;
	_ =	strace $0x9000004F  }
0xb9: {  	s29 =	simm.s32 $0x9;
	_ =	strace $0x80000051  }
0xba: {  	_ =	swait.ge [sflag:s29], $0x1  }
0xbb: {  	[sflag:s29] =	ssyncadd.s32 $0xFFFFFFFF  }
0xbc: {  	_ =	strace $0x90000051  }
0xbd: {  	_ =	sfence  }
0xbe: {  	s30 =	sld [smem:$0x0];
	_ =	sdelay $0x2  }
0xbf: {  	s31 =	sshll.u32 s1, $0xD;
	s1 =	sshrl.u32 s1, $0x2  }
0xc0: {  	s3 =	sand.u32 $0x4000, s31;
	s1 =	sadd.s32 s1, s30  }
0xc1: {  	s0 =	sor.u32 s3, s0;
	s1 =	sshll.u32 s1, $0x11  }
0xc2: {  	s0 =	sor.u32 s1, s0  }
0xc3: {  	s0 =	sadd.s32 $0x8F2B, s0  }
0xc4: {  	[sflag:s0] =	ssyncadd.remote.s32 $0x1  }
0xc5: {  	_ =	sfence.sel $0xFFFF  }
0xc6: {  	[dreg:$0x0] =	wrdreg $0xFFFFFFFF;
	(pc) =	sbr.abs _section_cstart, $3  }
0xc7: {  	[dreg:$0x1] =	wrdreg $0xFFFFFFFF  }
0xc8: {  	_ =	task.clear_ibuf [dreg:s7], $0x2FFFF;
	_ =	strace $0x9FFFFFFF  }
0xc9: {  	(tm) =	ssettm $0x7FFFFFFF  }
tec
execute0_lowered:
.L_overlay_start_1:
0x0: {  	(tag) =	ssettag $0x1  }
0x1: {  	s4 =	rddreg [dreg:$0x0]  }
0x2: {  	s9 =	rddreg [dreg:$0x1];
	s2 =	srdreg.scid  }
0x3: {  	s1 =	rddreg [dreg:$0x2];
	s5 =	sand.u32 $0x1, s2  }
0x4: {  	s3 =	simm.s32 $0x0;
	s2 =	stileid.u32;
	s6 =	smul.u32 $0x280000, s5  }
0x5: {  	[smem:$0x7FF] =	sst s3;
	s7 =	smul.u32 $0x2800, s2  }
0x6: {  	s0 =	rddreg [dreg:$0x3];
	_ =	strace $0x80000050;
	s8 =	smul.u32 $0x28000, s5  }
0x7: {  	s5 =	ssub.s32 $0x2, s5;
	s26 =	smul.u32 $0x50000, s2;
	s30 =	sshll.u32 s2, $0x6  }
0x8: {  	s14 =	smul.u32 $0x28000, s2;
	s28 =	sshrl.u32 s5, $0x1;
	s10 =	sadd.s32 s6, s4  }
0x9: {  	s11 =	sadd.s32 s7, s4;
	s8 =	sadd.s32 s7, s8;
	s7 =	ssub.s32 s5, s28  }
0xa: {  	s29 =	sshrl.u32 s26, $0x2;
	s5 =	sor.u32 $0x1C01, s30;
	s12 =	sadd.s32 s8, s4  }
0xb: {  	s13 =	sadd.s32 s29, s1;
	s4 =	sadd.s32 $0x42000, s11;
	s7 =	smax.u32 s7, $0x1  }
0xc: {  	s10 =	sadd.s32 s14, s10;
	s31 =	sshrl.u32 s8, $0x3;
	s11 =	simm.s32 $0x1  }
0xd: {  	s6 =	sadd.s32 $0x100AA00, s12;
	s8 =	sadd.s32 $0x19C4A00, s10;
	s9 =	sadd.s32 s31, s9  }
0xe: {  	s10 =	sshrl.u32 s13, $0x3;
	s12 =	simm.s32 $0x80;
	s13 =	simm.s32 $0x0  }
.LBB2_1:
0xf: {  	[spmem:s10], [sflag:s5] =	dma.local [hbm:s4], $0x2800  }
0x10: {  	_ =	swait.ge [sflag:s11], $0x2800  }
0x11: {  	[sflag:s11] =	ssyncset.done $0x0  }
0x12: {  	[sflag:s11] =	ssyncadd.s32 $0xFFFFD800  }
0x13: {  	s14 =	sadd.s32 $0x0, s9;
	[bflag:$0x0] =	sbarrier.arrive $0xFFFF  }
0x14: {  	[tilespmem:s3], [sflag:$0x1] =	stream.linear.gather [hbm4b:s14+s3], $0x80, $0x38;
	[tilespmem:$0x18080] =	vst v63  }
0x15: {  	_ =	swait.ge [sflag:s11], $0x80  }
0x16: {  	[sflag:s11] =	ssyncset.done $0x0  }
0x17: {  	[sflag:s11] =	ssyncadd.s32 $0xFFFFFF80  }
0x18: {  	[tilespmem:s12], [sflag:$0x1] =	stream.linear.gather [hbm4b:s8+s3], $0x4000, $0x38;
	[tilespmem:$0x18080] =	vst v63  }
0x19: {  	_ =	swait.ge [sflag:s11], $0x4000  }
0x1a: {  	[sflag:s11] =	ssyncset.done $0x0  }
0x1b: {  	[sflag:s11] =	ssyncadd.s32 $0xFFFFC000  }
0x1c: {  	[spmem:s1] =	stream.indirect.scatter.add.f32 [tilespmem:s12], [sflag:$0x1], $0x80, s3, s12, $0xb8;
	[tilespmem:$0x18080] =	vst v63  }
0x1d: {  	s15 =	simm.s32 $0x10;
	_ =	swait.ge [sflag:s11], $0x4000  }
0x1e: {  	s16 =	simm.s32 $0x20;
	s14 =	sadd.s32 $0x800, s8;
	[sflag:s11] =	ssyncset.done $0x0  }
.LBB2_2:
0x1f: {  	s17 =	sadd.s32 s15, s9  }
0x20: {  	[sflag:s11] =	ssyncadd.s32 $0xFFFFC000;
	s15 =	smov.u32 s16;
	s18 =	sadd.s32 $0x10, s16  }
0x21: {  	[tilespmem:s3], [sflag:$0x1] =	stream.linear.gather [hbm4b:s17+s3], $0x80, $0x38;
	[tilespmem:$0x18080] =	vst v63  }
0x22: {  	p0 =	sne.s32 s16, $0x4F0;
	_ =	swait.ge [sflag:s11], $0x80  }
0x23: {  	[sflag:s11] =	ssyncset.done $0x0  }
0x24: {  	[sflag:s11] =	ssyncadd.s32 $0xFFFFFF80  }
0x25: {  	[tilespmem:s12], [sflag:$0x1] =	stream.linear.gather [hbm4b:s14+s3], $0x4000, $0x38;
	[tilespmem:$0x18080] =	vst v63  }
0x26: {  	_ =	swait.ge [sflag:s11], $0x4000  }
.Ltmp0:
0x27: {  	[sflag:s11] =	ssyncset.done $0x0;
	(pc) =	sbr.rel @p0 .LBB2_2-.Ltmp0, $4  }
0x28: {  	[sflag:s11] =	ssyncadd.s32 $0xFFFFC000  }
0x29: {  	[spmem:s1] =	stream.indirect.scatter.add.f32 [tilespmem:s12], [sflag:$0x1], $0x80, s3, s12, $0xb8;
	[tilespmem:$0x18080] =	vst v63  }
0x2a: {  	_ =	swait.ge [sflag:s11], $0x4000  }
0x2b: {  	s16 =	smov.u32 s18;
	s14 =	sadd.s32 $0x800, s14;
	[sflag:s11] =	ssyncset.done $0x0  }
0x2c: {  	s15 =	sadd.s32 s15, s9;
	[sflag:s11] =	ssyncadd.s32 $0xFFFFC000  }
0x2d: {  	[tilespmem:s3], [sflag:$0x1] =	stream.linear.gather [hbm4b:s15+s3], $0x80, $0x38;
	[tilespmem:$0x18080] =	vst v63  }
0x2e: {  	_ =	swait.ge [sflag:s11], $0x80  }
0x2f: {  	[sflag:s11] =	ssyncset.done $0x0  }
0x30: {  	[sflag:s11] =	ssyncadd.s32 $0xFFFFFF80  }
0x31: {  	[tilespmem:s12], [sflag:$0x1] =	stream.linear.gather [hbm4b:s14+s3], $0x4000, $0x38;
	[tilespmem:$0x18080] =	vst v63  }
0x32: {  	_ =	swait.ge [sflag:s11], $0x4000  }
0x33: {  	[sflag:s11] =	ssyncset.done $0x0  }
0x34: {  	[sflag:s11] =	ssyncadd.s32 $0xFFFFC000  }
0x35: {  	[spmem:s1] =	stream.indirect.scatter.add.f32 [tilespmem:s12], [sflag:$0x1], $0x80, s3, s12, $0xb8;
	[tilespmem:$0x18080] =	vst v63  }
0x36: {  	_ =	swait.ge [sflag:s11], $0x4000  }
0x37: {  	s13 =	sadd.s32 $0x1, s13;
	[sflag:s11] =	ssyncset.done $0x0  }
0x38: {  	p0 =	sne.s32 s13, s7;
	[sflag:s11] =	ssyncadd.s32 $0xFFFFC000  }
.Ltmp1:
0x39: {  	[bflag:$0x0] =	sbarrier.arrive $0xFFFF;
	(pc) =	sbr.rel @p0 .LBB2_1-.Ltmp1, $4  }
0x3a: {  	[hbm:s6], [sflag:s5] =	dma.local [spmem:s10], $0x2800  }
0x3b: {  	_ =	swait.ge [sflag:s11], $0x2800  }
0x3c: {  	[sflag:s11] =	ssyncset.done $0x0  }
0x3d: {  	[sflag:s11] =	ssyncadd.s32 $0xFFFFD800  }
0x3e: {  	_ =	sfence.sel $0x180000  }
0x3f: {  	[bflag:$0x0] =	sbarrier.arrive $0xFFFF  }
0x40: {  	p0 =	sne.s32 s2, $0x0;
	_ =	strace $0x90000050  }
0x41: {  	s0 =	sadd.s32 @!p0 $0x100000, s0;
	[bflag:$0x2] =	sbarrier.arrive $0xFFFF  }
0x42: {  	[sflag:s0] =	ssyncadd.tile.s32 @!p0 $0x1;
	_ =	shalt  }
.Lfunc_end2:
_tile_overlayer_lowered:
.L_overlay_start_2:
0x43: {  	(tag) =	ssettag $0x2  }
0x44: {  	s0 =	rddreg [dreg:$0x0];
	s2 =	stileid.u32  }
0x45: {  	s1 =	rddreg [dreg:$0x1];
	p0 =	sne.s32 s2, $0x0  }
0x46: {  	s3 =	rddreg [dreg:$0x2];
	[bflag:$0x3] =	sbarrier.arrive $0xFFFF;
	s2 =	simm.s32 @!p0 $0x1C01  }
0x47: {  	[timem:s3], [sflag:s2] =	dma.local @!p0 [hbm:s0], s1  }
0x48: {  	s0 =	simm.s32 @!p0 $0x1  }
0x49: {  	_ =	swait.ge @!p0 [sflag:s0], s1  }
0x4a: {  	s1 =	ssub.s32 @!p0 $0x0, s1;
	[sflag:s0] =	ssyncset.done @!p0 $0x0  }
0x4b: {  	[sflag:s0] =	ssyncadd.s32 @!p0 s1  }
0x4c: {  	[bflag:$0x3] =	sbarrier.arrive $0xFFFF  }
0x4d: {  	_ =	shalt  }

// kernel: kernel.31.cloned.1.call-start
scs
__scs_entry_jumppad:
0x0: {  	(pc) =	sbr.rel $0x88, $3  }
0x1: {  	(tag) =	ssettag $0x0;
	lr =	simm.s32 $0x1  }
0x2: {  	[smem:$0x3F75] =	sst lr;
	_ =	strace $0xD0000000  }
0x3: {  	_ = 	snop  }
0x4: {  	_ = 	snop  }
0x5: {  	_ = 	snop  }
0x6: {  	_ = 	snop  }
0x7: {  	_ = 	snop  }
__scs_overlays_trampoline_lowered:
0x8: {  	[smem:$0x3F84] =	sst s0  }
0x9: {  	[smem:$0x3F85] =	sst s1  }
0xa: {  	[smem:$0x3F86] =	sst s2  }
0xb: {  	[smem:$0x3F87] =	sst s3  }
0xc: {  	[smem:$0x3F88] =	sst s4  }
0xd: {  	[smem:$0x3F89] =	sst s5  }
0xe: {  	[smem:$0x3F8A] =	sst s6  }
0xf: {  	[smem:$0x3F8B] =	sst s7  }
0x10: {  	[smem:$0x3F8C] =	sst s8  }
0x11: {  	[smem:$0x3F8D] =	sst s9;
	s0 =	simm.s32 @!p0 $0x0  }
0x12: {  	s1 =	sld [smem:$0x3F73];
	s0 =	simm.s32 @p0 $0x1  }
0x13: {  	[smem:$0x3F8E] =	sst s0;
	s0 =	simm.s32 @!p1 $0x0  }
0x14: {  	s2 =	sld [smem:$0x3F72];
	s0 =	simm.s32 @p1 $0x1  }
0x15: {  	[smem:$0x3F8F] =	sst s0;
	s0 =	simm.s32 @!p2 $0x0  }
0x16: {  	s3 =	sld [smem:$0x3FDB];
	s0 =	simm.s32 @p2 $0x1  }
0x17: {  	s4 =	simm.s32 $0x1BF5;
	[smem:$0x3F91] =	sst s0  }
0x18: {  	s0 =	sld [smem:$0x3F74];
	_ =	swait.ge [sflag:s4], $0x0  }
0x19: {  	s7 =	sld [smem:$0x3F75]  }
0x1a: {  	s8 =	sadd.s32 $0xFFFFE003, lr  }
0x1b: {  	s9 =	sadd.s32 $0xFFFFFEF7, lr;
	s5 =	simm.s32 $0xFFFFFFFF;
	p2 =	slt.u32 s8, $0xFFFFF086  }
0x1c: {  	p1 =	slt.u32 s9, $0xF7A;
	s5 =	simm.s32 @!p2 $0x0  }
0x1d: {  	s5 =	simm.s32 @p1 $0x1;
	p0 =	seq.s32 s7, s2  }
0x1e: {  	s7 =	smul.u32 @!p0 $0xF7A, s2;
	p2 =	seq.s32 @!p0 s5, $0x0  }
0x1f: {  	s9 =	smul.u32 $0xF7A, s1;
	s8 =	simm.s32 @!p0 $0x1BF5;
	p2 =	por !p2, p0  }
0x20: {  	[sflag:s8] =	ssyncset.s32 @!p0 $0xFFFFF086;
	s6 =	sadd.s32 @!p0 s3, s7;
	s7 =	simm.s32 @!p0 $0x108  }
0x21: {  	s3 =	sadd.s32 s3, s9;
	s6 =	sadd.s32 @!p0 $0x88, s6;
	s7 =	simm.s32 @p2 $0x1082  }
0x22: {  	[simem:s7], [sflag:s8] =	dma.local @!p0 [hbm:s6], $0xF7A  }
0x23: {  	s9 =	sor.u32 $0xD0000000, s2;
	s6 =	simm.s32 $0x108;
	_ =	swait.ge @!p0 [sflag:s8], $0x0  }
0x24: {  	s3 =	sadd.s32 $0x88, s3;
	s6 =	simm.s32 @!p1 $0x1082;
	[sflag:s4] =	ssyncset.s32 $0xFFFFF086  }
0x25: {  	[simem:s6], [sflag:s4] =	dma.local [hbm:s3], $0xF7A  }
0x26: {  	[smem:$0x3F75] =	sst s1;
	(tag) =	ssettag s2;
	_ =	strace s9  }
0x27: {  	s1 =	sld [smem:$0x3F85]  }
0x28: {  	s2 =	sld [smem:$0x3F86]  }
0x29: {  	s4 =	sld [smem:$0x3F88]  }
0x2a: {  	p0 =	seq.s32 s5, $0x0;
	s5 =	sld [smem:$0x3F89]  }
0x2b: {  	s6 =	sld [smem:$0x3F8A]  }
0x2c: {  	s7 =	sld [smem:$0x3F8B]  }
0x2d: {  	s3 =	simm.s32 $0x108;
	s8 =	sld [smem:$0x3F8C]  }
0x2e: {  	s3 =	simm.s32 @!p0 $0x1082;
	s9 =	sld [smem:$0x3F8D]  }
0x2f: {  	lr =	sadd.s32 s0, s3;
	s0 =	sld [smem:$0x3F84]  }
0x30: {  	s3 =	sld [smem:$0x3F87]  }
0x31: {  	[smem:$0x3F90] =	sst s10  }
0x32: {  	s10 =	sld [smem:$0x3F8E];
	_ =	sdelay $0x3  }
0x33: {  	p0 =	seq.s32 s10, $0x1;
	s10 =	sld [smem:$0x3F90];
	_ =	sdelay $0x3  }
0x34: {  	[smem:$0x3F90] =	sst s10  }
0x35: {  	s10 =	sld [smem:$0x3F8F];
	_ =	sdelay $0x3  }
0x36: {  	p1 =	seq.s32 s10, $0x1;
	s10 =	sld [smem:$0x3F90];
	_ =	sdelay $0x3  }
0x37: {  	[smem:$0x3F90] =	sst s10  }
0x38: {  	s10 =	sld [smem:$0x3F91]  }
0x39: {  	_ = 	snop;
	(pc) =	sbr.ind lr, $3  }
0x3a: {  	_ = 	snop  }
0x3b: {  	_ = 	snop  }
0x3c: {  	p2 =	seq.s32 s10, $0x1;
	s10 =	sld [smem:$0x3F90]  }
0x3d: {  	_ =	shalt  }
0x3e: {  	_ =	shalt  }
0x3f: {  	_ =	shalt  }
0x40: {  	_ =	shalt  }
0x41: {  	_ =	shalt  }
0x42: {  	_ =	shalt  }
0x43: {  	_ =	shalt  }
0x44: {  	_ =	shalt  }
0x45: {  	_ =	shalt  }
0x46: {  	_ =	shalt  }
0x47: {  	_ =	shalt  }
0x48: {  	_ =	shalt  }
0x49: {  	_ =	shalt  }
0x4a: {  	_ =	shalt  }
0x4b: {  	_ =	shalt  }
0x4c: {  	_ =	shalt  }
0x4d: {  	_ =	shalt  }
0x4e: {  	_ =	shalt  }
0x4f: {  	_ =	shalt  }
0x50: {  	_ =	shalt  }
0x51: {  	_ =	shalt  }
0x52: {  	_ =	shalt  }
0x53: {  	_ =	shalt  }
0x54: {  	_ =	shalt  }
0x55: {  	_ =	shalt  }
0x56: {  	_ =	shalt  }
0x57: {  	_ =	shalt  }
0x58: {  	_ =	shalt  }
0x59: {  	_ =	shalt  }
0x5a: {  	_ =	shalt  }
0x5b: {  	_ =	shalt  }
0x5c: {  	_ =	shalt  }
0x5d: {  	_ =	shalt  }
0x5e: {  	_ =	shalt  }
0x5f: {  	_ =	shalt  }
0x60: {  	_ =	shalt  }
0x61: {  	_ =	shalt  }
0x62: {  	_ =	shalt  }
0x63: {  	_ =	shalt  }
0x64: {  	_ =	shalt  }
0x65: {  	_ =	shalt  }
0x66: {  	_ =	shalt  }
0x67: {  	_ =	shalt  }
0x68: {  	_ =	shalt  }
0x69: {  	_ =	shalt  }
0x6a: {  	_ =	shalt  }
0x6b: {  	_ =	shalt  }
0x6c: {  	_ =	shalt  }
0x6d: {  	_ =	shalt  }
0x6e: {  	_ =	shalt  }
0x6f: {  	_ =	shalt  }
0x70: {  	_ =	shalt  }
0x71: {  	_ =	shalt  }
0x72: {  	_ =	shalt  }
0x73: {  	_ =	shalt  }
0x74: {  	_ =	shalt  }
0x75: {  	_ =	shalt  }
0x76: {  	_ =	shalt  }
0x77: {  	_ =	shalt  }
0x78: {  	_ =	shalt  }
0x79: {  	_ =	shalt  }
0x7a: {  	_ =	shalt  }
0x7b: {  	_ =	shalt  }
0x7c: {  	_ =	shalt  }
0x7d: {  	_ =	shalt  }
0x7e: {  	_ =	shalt  }
0x7f: {  	_ =	shalt  }
0x80: {  	_ =	shalt  }
0x81: {  	_ =	shalt  }
0x82: {  	_ =	shalt  }
0x83: {  	_ =	shalt  }
0x84: {  	_ =	shalt  }
0x85: {  	_ =	shalt  }
0x86: {  	_ =	shalt  }
0x87: {  	_ =	shalt  }
.Lfunc_end0:
.L_simem_size_0:
called_computation.4_lowered:
.L_overlay_start_0:
0x88: {  	s2 =	sld [smem:$0x3FD9]  }
0x89: {  	s3 =	sld [smem:$0x3FFE];
	_ =	sdelay $0x1  }
0x8a: {  	s1 =	srdreg.scid  }
0x8b: {  	s0 =	sand.u32 $0x1, s1  }
0x8c: {  	s14 =	sshll.u32 s0, $0xA;
	s2 =	sadd.s32 s3, s2  }
0x8d: {  	s2 =	sadd.s32 s2, s14  }
0x8e: {  	[smem:$0x3F9C] =	sst s2  }
0x8f: {  	_ = 	snop  }
0x90: {  	s2 =	sld [smem:$0x3FD0];
	_ =	sdelay $0x2  }
0x91: {  	s15 =	simm.s32 $0xA;
	s4 =	simm.s32 $0x10  }
0x92: {  	[smem:s4], [sflag:s15] =	dma.local [hbm:s2], $0x1  }
0x93: {  	_ =	swait.eq [sflag:s15], $0x1  }
0x94: {  	[sflag:s15] =	ssyncset.done $0x0  }
0x95: {  	[sflag:s15] =	ssyncadd.s32 $0xFFFFFFFF  }
0x96: {  	s16 =	sld [smem:$0x10];
	(tm) =	ssettm $0x1  }
0x97: {  	s17 =	sld [smem:$0x3FFB];
	_ =	sdelay $0x3  }
0x98: {  	_ =	strace s17  }
0x99: {  	s3 =	sld [smem:$0x3FFC];
	_ =	sdelay $0x3  }
0x9a: {  	_ =	strace s3  }
0x9b: {  	s3 =	sld [smem:$0x3FFD];
	_ =	sdelay $0x3  }
0x9c: {  	_ =	strace s3  }
0x9d: {  	_ =	strace $0x8FFFFFFF  }
0x9e: {  	s18 =	sld [smem:$0x3FDB];
	_ =	sdelay $0x1  }
0x9f: {  	s19 =	simm.s32 $_scs_section_size  }
0xa0: {  	s5 =	simm.s32 $_size__tile_overlayer_lowered;
	s6 =	simm.s32 $_tile_overlayer_lowered  }
0xa1: {  	s22 =	simm.s32 $0x1BFF;
	s21 =	sshll.u32 s6, $0x1;
	s3 =	sadd.s32 s19, s18  }
0xa2: {  	s7 =	simm.s32 $0x0;
	s20 =	sshll.u32 s5, $0x1;
	s5 =	sadd.s32 s21, s3  }
0xa3: {  	[timem:s7], [sflag:s22] =	dma.local [hbm:s5], s20  }
0xa4: {  	_ =	swait.ge [sflag:s22], s20  }
0xa5: {  	s4 =	ssub.s32 $0x0, s20;
	[sflag:s22] =	ssyncset.done $0x0  }
0xa6: {  	[sflag:s22] =	ssyncadd.s32 s4;
	_ =	sdelay $0x1  }
0xa7: {  	s23 =	simm.s32 $0x1B8B  }
0xa8: {  	_ =	swait.ge [sflag:s23], $0x1  }
0xa9: {  	[sflag:s23] =	ssyncset.done $0x0  }
0xaa: {  	s25 =	simm.s32 $0x1B8E;
	s24 =	sld [smem:$0x3FFE];
	[sflag:s23] =	ssyncadd.s32 $0xFFFFFFFF  }
0xab: {  	s26 =	simm.s32 $execute0_lowered;
	[smem:$0x3FD2] =	sst s25  }
0xac: {  	s5 =	sshll.u32 s26, $0x1;
	_ =	strace $0x80000052;
	[dreg:$0x1] =	wrdreg $0xFFFFFFFF  }
0xad: {  	s28 =	simm.s32 $_size_execute0_lowered;
	s3 =	sadd.s32 s3, s5;
	[dreg:$0x0] =	wrdreg $0x0  }
0xae: {  	s5 =	sshll.u32 s28, $0x1;
	[dreg:$0x2] =	wrdreg s3  }
0xaf: {  	[dreg:$0x3] =	wrdreg s5  }
0xb0: {  	[dreg:$0x4] =	wrdreg $0xC0  }
0xb1: {  	_ =	task [dreg:s7], $0x5FFFF  }
0xb2: {  	[dreg:$0x1] =	wrdreg $0xFFFFFFFF  }
0xb3: {  	[dreg:$0x0] =	wrdreg $0x60  }
0xb4: {  	[dreg:$0x2] =	wrdreg s24  }
0xb5: {  	[dreg:$0x3] =	wrdreg s16  }
0xb6: {  	[dreg:$0x4] =	wrdreg $0x9  }
0xb7: {  	_ =	task.clear_ibuf [dreg:s7], $0x5FFFF;
	_ =	strace $0x90000052  }
0xb8: {  	s29 =	simm.s32 $0x9;
	_ =	strace $0x80000054  }
0xb9: {  	_ =	swait.ge [sflag:s29], $0x1  }
0xba: {  	[sflag:s29] =	ssyncadd.s32 $0xFFFFFFFF  }
0xbb: {  	_ =	strace $0x90000054  }
0xbc: {  	_ =	sfence  }
0xbd: {  	s30 =	sld [smem:$0x0];
	_ =	sdelay $0x2  }
0xbe: {  	s31 =	sshll.u32 s1, $0xD;
	s1 =	sshrl.u32 s1, $0x2  }
0xbf: {  	s3 =	sand.u32 $0x4000, s31;
	s1 =	sadd.s32 s1, s30  }
0xc0: {  	s0 =	sor.u32 s3, s0;
	s1 =	sshll.u32 s1, $0x11  }
0xc1: {  	s0 =	sor.u32 s1, s0  }
0xc2: {  	s0 =	sadd.s32 $0x8F2B, s0  }
0xc3: {  	[sflag:s0] =	ssyncadd.remote.s32 $0x1  }
0xc4: {  	_ =	sfence.sel $0xFFFF  }
0xc5: {  	[dreg:$0x0] =	wrdreg $0xFFFFFFFF;
	(pc) =	sbr.abs _section_cstart, $3  }
0xc6: {  	[dreg:$0x1] =	wrdreg $0xFFFFFFFF  }
0xc7: {  	_ =	task.clear_ibuf [dreg:s7], $0x2FFFF;
	_ =	strace $0x9FFFFFFF  }
0xc8: {  	(tm) =	ssettm $0x7FFFFFFF  }
0xc9: {  	_ =	shalt  }
tec
execute0_lowered:
.L_overlay_start_1:
0x0: {  	(tag) =	ssettag $0x1  }
0x1: {  	s5 =	rddreg [dreg:$0x0]  }
0x2: {  	s6 =	rddreg [dreg:$0x1]  }
0x3: {  	s1 =	srdreg.scid;
	s0 =	rddreg [dreg:$0x2];
	s2 =	simm.s32 $0x0  }
0x4: {  	s13 =	simm.s32 $0x5000;
	s14 =	simm.s32 $0x9000;
	s15 =	simm.s32 $0xD000  }
0x5: {  	s16 =	simm.s32 $0x11000;
	s17 =	simm.s32 $0x1;
	s18 =	simm.s32 $0x2  }
0x6: {  	s19 =	simm.s32 $0x3;
	s20 =	simm.s32 $0x4;
	s21 =	simm.s32 $0x5  }
0x7: {  	s22 =	simm.s32 $0x0;
	s7 =	sand.u32 $0x1, s1;
	s1 =	stileid.u32  }
0x8: {  	[smem:$0x7FF] =	sst s2;
	s4 =	sadd.s32 $0x1032A00, s5;
	s3 =	sshll.u32 s7, $0x4  }
0x9: {  	_ =	strace $0x80000053;
	s9 =	smul.u32 $0x280000, s7;
	s7 =	ssub.s32 $0x2, s7  }
0xa: {  	s12 =	smul.u32 $0x28000, s1;
	s3 =	sor.u32 s1, s3;
	s11 =	sshrl.u32 s7, $0x1  }
0xb: {  	s8 =	smul.u32 $0x2800, s3;
	s3 =	sadd.s32 $0x100AA00, s5;
	s7 =	ssub.s32 s7, s11  }
0xc: {  	s9 =	sadd.s32 s9, s5;
	s11 =	simm.s32 $0x2800;
	s7 =	smax.u32 s7, $0x1  }
0xd: {  	s9 =	sadd.s32 s12, s9;
	s12 =	simm.s32 $0x80;
	s8 =	sshrl.u32 s8, $0x3  }
0xe: {  	s10 =	sadd.s32 s8, s5;
	s5 =	sadd.s32 s6, s8;
	s8 =	sadd.s32 $0x6A800, s9  }
0xf: {  	s9 =	sadd.s32 $0x56A800, s9;
	s6 =	sadd.s32 $0x38000, s10;
	s10 =	simm.s32 $0x6  }
.LBB2_1:
0x10: {  	[tilespmem:s2], [sflag:$0x6] =	stream.linear.gather [hbm4b:s5+s2], $0x2800, $0x38;
	[tilespmem:$0x15000] =	vst v63  }
0x11: {  	_ =	swait.ge [sflag:s10], $0x2800  }
0x12: {  	[sflag:s10] =	ssyncset.done $0x0  }
0x13: {  	[sflag:s10] =	ssyncadd.s32 $0xFFFFD800  }
0x14: {  	[tilespmem:s11], [sflag:$0x6] =	stream.linear.gather [hbm4b:s6+s2], $0x2800, $0x38;
	[tilespmem:$0x15000] =	vst v63  }
0x15: {  	_ =	swait.ge [sflag:s10], $0x2800  }
0x16: {  	[sflag:s10] =	ssyncset.done $0x0  }
0x17: {  	s23 =	simm.s32 $0x0;
	[sflag:s10] =	ssyncadd.s32 $0xFFFFD800  }
0x18: {  	[tilespmem:s13], [sflag:$0x1] =	stream.indirect.gather [hbm4b:s3+s12], $0x80, s23, s12, $0xb8;
	[tilespmem:$0x15000] =	vst v63  }
0x19: {  	s25 =	simm.s32 $0x80  }
0x1a: {  	[tilespmem:s14], [sflag:$0x2] =	stream.indirect.gather [hbm4b:s3+s12], $0x80, s25, s12, $0xb8;
	[tilespmem:$0x15000] =	vst v63  }
0x1b: {  	s26 =	simm.s32 $0x2800  }
0x1c: {  	[tilespmem:s15], [sflag:$0x3] =	stream.indirect.gather [hbm4b:s4+s12], $0x80, s26, s12, $0xb8;
	[tilespmem:$0x15000] =	vst v63  }
0x1d: {  	s29 =	simm.s32 $0x2880  }
0x1e: {  	[tilespmem:s16], [sflag:$0x4] =	stream.indirect.gather [hbm4b:s4+s12], $0x80, s29, s12, $0xb8;
	[tilespmem:$0x15000] =	vst v63  }
0x1f: {  	_ =	swait.ge [sflag:s17], $0x4000  }
0x20: {  	[sflag:s17] =	ssyncset.done $0x0  }
0x21: {  	[sflag:s17] =	ssyncadd.s32 $0xFFFFC000  }
0x22: {  	_ =	swait.ge [sflag:s18], $0x4000  }
0x23: {  	[sflag:s18] =	ssyncset.done $0x0  }
0x24: {  	[sflag:s18] =	ssyncadd.s32 $0xFFFFC000  }
0x25: {  	_ =	swait.ge [sflag:s19], $0x4000  }
0x26: {  	[sflag:s19] =	ssyncset.done $0x0  }
0x27: {  	[sflag:s19] =	ssyncadd.s32 $0xFFFFC000  }
0x28: {  	_ =	swait.ge [sflag:s20], $0x4000  }
0x29: {  	[sflag:s20] =	ssyncset.done $0x0  }
0x2a: {  	s30 =	sadd.s32 $0xFFFFF800, s8;
	[sflag:s20] =	ssyncadd.s32 $0xFFFFC000  }
0x2b: {  	[hbm4b:s30+s2] =	stream.linear.scatter [tilespmem:s13], [sflag:$0x5], $0x4000, $0x38;
	[tilespmem:$0x15000] =	vst v63  }
0x2c: {  	_ = 	snop  }
0x2d: {  	[hbm4b:s8+s2] =	stream.linear.scatter [tilespmem:s14], [sflag:$0x5], $0x4000, $0x38;
	[tilespmem:$0x15000] =	vst v63  }
0x2e: {  	s31 =	sadd.s32 $0xFFFFF800, s9  }
0x2f: {  	[hbm4b:s31+s2] =	stream.linear.scatter [tilespmem:s15], [sflag:$0x5], $0x4000, $0x38;
	[tilespmem:$0x15000] =	vst v63  }
0x30: {  	_ = 	snop  }
0x31: {  	[hbm4b:s9+s2] =	stream.linear.scatter [tilespmem:s16], [sflag:$0x5], $0x4000, $0x38;
	[tilespmem:$0x15000] =	vst v63  }
0x32: {  	_ =	swait.ge [sflag:s21], $0x4000  }
0x33: {  	[sflag:s21] =	ssyncset.done $0x0  }
0x34: {  	[sflag:s21] =	ssyncadd.s32 $0xFFFFC000  }
0x35: {  	_ =	swait.ge [sflag:s21], $0x4000  }
0x36: {  	[sflag:s21] =	ssyncset.done $0x0  }
0x37: {  	[sflag:s21] =	ssyncadd.s32 $0xFFFFC000  }
0x38: {  	_ =	swait.ge [sflag:s21], $0x4000  }
0x39: {  	[sflag:s21] =	ssyncset.done $0x0  }
0x3a: {  	[sflag:s21] =	ssyncadd.s32 $0xFFFFC000  }
0x3b: {  	s28 =	simm.s32 $0x800;
	s24 =	sadd.s32 $0x1000, s8;
	_ =	swait.ge [sflag:s21], $0x4000  }
0x3c: {  	s23 =	sadd.s32 $0x1000, s9;
	s25 =	simm.s32 $0x400;
	[sflag:s21] =	ssyncset.done $0x0  }
.LBB2_2:
0x3d: {  	s29 =	sshra.s32 s25, $0x2  }
0x3e: {  	[sflag:s21] =	ssyncadd.s32 $0xFFFFC000;
	s25 =	smov.u32 s28;
	s26 =	sadd.s32 $0x400, s28  }
0x3f: {  	[tilespmem:s13], [sflag:$0x1] =	stream.indirect.gather [hbm4b:s3+s12], $0x80, s29, s12, $0xb8;
	[tilespmem:$0x15000] =	vst v63  }
0x40: {  	p0 =	sne.s32 s28, $0x9C00;
	s28 =	sadd.s32 $0x80, s29  }
0x41: {  	[tilespmem:s14], [sflag:$0x2] =	stream.indirect.gather [hbm4b:s3+s12], $0x80, s28, s12, $0xb8;
	[tilespmem:$0x15000] =	vst v63  }
0x42: {  	s28 =	sadd.s32 $0x2800, s29  }
0x43: {  	[tilespmem:s15], [sflag:$0x3] =	stream.indirect.gather [hbm4b:s4+s12], $0x80, s28, s12, $0xb8;
	[tilespmem:$0x15000] =	vst v63  }
0x44: {  	s28 =	sadd.s32 $0x2880, s29  }
0x45: {  	[tilespmem:s16], [sflag:$0x4] =	stream.indirect.gather [hbm4b:s4+s12], $0x80, s28, s12, $0xb8;
	[tilespmem:$0x15000] =	vst v63  }
0x46: {  	_ =	swait.ge [sflag:s17], $0x4000  }
0x47: {  	[sflag:s17] =	ssyncset.done $0x0  }
0x48: {  	[sflag:s17] =	ssyncadd.s32 $0xFFFFC000  }
0x49: {  	_ =	swait.ge [sflag:s18], $0x4000  }
0x4a: {  	[sflag:s18] =	ssyncset.done $0x0  }
0x4b: {  	[sflag:s18] =	ssyncadd.s32 $0xFFFFC000  }
0x4c: {  	_ =	swait.ge [sflag:s19], $0x4000  }
0x4d: {  	[sflag:s19] =	ssyncset.done $0x0  }
0x4e: {  	[sflag:s19] =	ssyncadd.s32 $0xFFFFC000  }
0x4f: {  	_ =	swait.ge [sflag:s20], $0x4000  }
0x50: {  	[sflag:s20] =	ssyncset.done $0x0  }
0x51: {  	s28 =	sadd.s32 $0xFFFFF800, s24;
	[sflag:s20] =	ssyncadd.s32 $0xFFFFC000  }
0x52: {  	[hbm4b:s28+s2] =	stream.linear.scatter [tilespmem:s13], [sflag:$0x5], $0x4000, $0x38;
	[tilespmem:$0x15000] =	vst v63  }
0x53: {  	_ = 	snop  }
0x54: {  	[hbm4b:s24+s2] =	stream.linear.scatter [tilespmem:s14], [sflag:$0x5], $0x4000, $0x38;
	[tilespmem:$0x15000] =	vst v63  }
0x55: {  	s28 =	sadd.s32 $0xFFFFF800, s23  }
0x56: {  	[hbm4b:s28+s2] =	stream.linear.scatter [tilespmem:s15], [sflag:$0x5], $0x4000, $0x38;
	[tilespmem:$0x15000] =	vst v63  }
0x57: {  	_ = 	snop  }
0x58: {  	[hbm4b:s23+s2] =	stream.linear.scatter [tilespmem:s16], [sflag:$0x5], $0x4000, $0x38;
	[tilespmem:$0x15000] =	vst v63  }
0x59: {  	_ =	swait.ge [sflag:s21], $0x4000  }
0x5a: {  	[sflag:s21] =	ssyncset.done $0x0  }
0x5b: {  	[sflag:s21] =	ssyncadd.s32 $0xFFFFC000  }
0x5c: {  	_ =	swait.ge [sflag:s21], $0x4000  }
0x5d: {  	[sflag:s21] =	ssyncset.done $0x0  }
0x5e: {  	[sflag:s21] =	ssyncadd.s32 $0xFFFFC000  }
.Ltmp0:
0x5f: {  	_ =	swait.ge [sflag:s21], $0x4000;
	(pc) =	sbr.rel @p0 .LBB2_2-.Ltmp0, $4  }
0x60: {  	[sflag:s21] =	ssyncset.done $0x0  }
0x61: {  	[sflag:s21] =	ssyncadd.s32 $0xFFFFC000  }
0x62: {  	s24 =	sadd.s32 $0x1000, s24;
	_ =	swait.ge [sflag:s21], $0x4000  }
0x63: {  	s28 =	smov.u32 s26;
	s23 =	sadd.s32 $0x1000, s23;
	[sflag:s21] =	ssyncset.done $0x0  }
0x64: {  	s25 =	sshra.s32 s25, $0x2;
	[sflag:s21] =	ssyncadd.s32 $0xFFFFC000  }
0x65: {  	[tilespmem:s13], [sflag:$0x1] =	stream.indirect.gather [hbm4b:s3+s12], $0x80, s25, s12, $0xb8;
	[tilespmem:$0x15000] =	vst v63  }
0x66: {  	s26 =	sadd.s32 $0x80, s25  }
0x67: {  	[tilespmem:s14], [sflag:$0x2] =	stream.indirect.gather [hbm4b:s3+s12], $0x80, s26, s12, $0xb8;
	[tilespmem:$0x15000] =	vst v63  }
0x68: {  	s29 =	sadd.s32 $0x2800, s25  }
0x69: {  	[tilespmem:s15], [sflag:$0x3] =	stream.indirect.gather [hbm4b:s4+s12], $0x80, s29, s12, $0xb8;
	[tilespmem:$0x15000] =	vst v63  }
0x6a: {  	s25 =	sadd.s32 $0x2880, s25  }
0x6b: {  	[tilespmem:s16], [sflag:$0x4] =	stream.indirect.gather [hbm4b:s4+s12], $0x80, s25, s12, $0xb8;
	[tilespmem:$0x15000] =	vst v63  }
0x6c: {  	_ =	swait.ge [sflag:s17], $0x4000  }
0x6d: {  	[sflag:s17] =	ssyncset.done $0x0  }
0x6e: {  	[sflag:s17] =	ssyncadd.s32 $0xFFFFC000  }
0x6f: {  	_ =	swait.ge [sflag:s18], $0x4000  }
0x70: {  	[sflag:s18] =	ssyncset.done $0x0  }
0x71: {  	[sflag:s18] =	ssyncadd.s32 $0xFFFFC000  }
0x72: {  	_ =	swait.ge [sflag:s19], $0x4000  }
0x73: {  	[sflag:s19] =	ssyncset.done $0x0  }
0x74: {  	[sflag:s19] =	ssyncadd.s32 $0xFFFFC000  }
0x75: {  	_ =	swait.ge [sflag:s20], $0x4000  }
0x76: {  	[sflag:s20] =	ssyncset.done $0x0  }
0x77: {  	s30 =	sadd.s32 $0xFFFFF800, s24;
	[sflag:s20] =	ssyncadd.s32 $0xFFFFC000  }
0x78: {  	[hbm4b:s30+s2] =	stream.linear.scatter [tilespmem:s13], [sflag:$0x5], $0x4000, $0x38;
	[tilespmem:$0x15000] =	vst v63  }
0x79: {  	_ = 	snop  }
0x7a: {  	[hbm4b:s24+s2] =	stream.linear.scatter [tilespmem:s14], [sflag:$0x5], $0x4000, $0x38;
	[tilespmem:$0x15000] =	vst v63  }
0x7b: {  	s31 =	sadd.s32 $0xFFFFF800, s23  }
0x7c: {  	[hbm4b:s31+s2] =	stream.linear.scatter [tilespmem:s15], [sflag:$0x5], $0x4000, $0x38;
	[tilespmem:$0x15000] =	vst v63  }
0x7d: {  	_ = 	snop  }
0x7e: {  	[hbm4b:s23+s2] =	stream.linear.scatter [tilespmem:s16], [sflag:$0x5], $0x4000, $0x38;
	[tilespmem:$0x15000] =	vst v63  }
0x7f: {  	_ =	swait.ge [sflag:s21], $0x4000  }
0x80: {  	[sflag:s21] =	ssyncset.done $0x0  }
0x81: {  	[sflag:s21] =	ssyncadd.s32 $0xFFFFC000  }
0x82: {  	_ =	swait.ge [sflag:s21], $0x4000  }
0x83: {  	[sflag:s21] =	ssyncset.done $0x0  }
0x84: {  	s22 =	sadd.s32 $0x1, s22;
	[sflag:s21] =	ssyncadd.s32 $0xFFFFC000  }
0x85: {  	p0 =	sne.s32 s22, s7;
	_ =	swait.ge [sflag:s21], $0x4000  }
.Ltmp1:
0x86: {  	[sflag:s21] =	ssyncset.done $0x0;
	(pc) =	sbr.rel @p0 .LBB2_1-.Ltmp1, $4  }
0x87: {  	[sflag:s21] =	ssyncadd.s32 $0xFFFFC000  }
0x88: {  	_ =	swait.ge [sflag:s21], $0x4000  }
0x89: {  	[sflag:s21] =	ssyncset.done $0x0  }
0x8a: {  	[sflag:s21] =	ssyncadd.s32 $0xFFFFC000  }
0x8b: {  	_ =	sfence.sel $0x180000  }
0x8c: {  	[bflag:$0x0] =	sbarrier.arrive $0xFFFF  }
0x8d: {  	p0 =	sne.s32 s1, $0x0;
	_ =	strace $0x90000053  }
0x8e: {  	s0 =	sadd.s32 @!p0 $0x100000, s0;
	[bflag:$0x2] =	sbarrier.arrive $0xFFFF  }
0x8f: {  	[sflag:s0] =	ssyncadd.tile.s32 @!p0 $0x1;
	_ =	shalt  }
.Lfunc_end2:
_tile_overlayer_lowered:
.L_overlay_start_2:
0x90: {  	(tag) =	ssettag $0x2  }
0x91: {  	s0 =	rddreg [dreg:$0x0];
	s2 =	stileid.u32  }
0x92: {  	s1 =	rddreg [dreg:$0x1];
	p0 =	sne.s32 s2, $0x0  }
0x93: {  	s3 =	rddreg [dreg:$0x2];
	[bflag:$0x3] =	sbarrier.arrive $0xFFFF;
	s2 =	simm.s32 @!p0 $0x1C06  }
0x94: {  	[timem:s3], [sflag:s2] =	dma.local @!p0 [hbm:s0], s1  }
0x95: {  	s0 =	simm.s32 @!p0 $0x6  }
0x96: {  	_ =	swait.ge @!p0 [sflag:s0], s1  }
0x97: {  	s1 =	ssub.s32 @!p0 $0x0, s1;
	[sflag:s0] =	ssyncset.done @!p0 $0x0  }
0x98: {  	[sflag:s0] =	ssyncadd.s32 @!p0 s1  }
0x99: {  	[bflag:$0x3] =	sbarrier.arrive $0xFFFF  }
0x9a: {  	_ =	shalt  }

// kernel: kernel.34.cloned.1.call-start
scs
__scs_entry_jumppad:
0x0: {  	(pc) =	sbr.rel $0x88, $3  }
0x1: {  	(tag) =	ssettag $0x0;
	lr =	simm.s32 $0x1  }
0x2: {  	[smem:$0x3F75] =	sst lr;
	_ =	strace $0xD0000000  }
0x3: {  	_ = 	snop  }
0x4: {  	_ = 	snop  }
0x5: {  	_ = 	snop  }
0x6: {  	_ = 	snop  }
0x7: {  	_ = 	snop  }
__scs_overlays_trampoline_lowered:
0x8: {  	[smem:$0x3F84] =	sst s0  }
0x9: {  	[smem:$0x3F85] =	sst s1  }
0xa: {  	[smem:$0x3F86] =	sst s2  }
0xb: {  	[smem:$0x3F87] =	sst s3  }
0xc: {  	[smem:$0x3F88] =	sst s4  }
0xd: {  	[smem:$0x3F89] =	sst s5  }
0xe: {  	[smem:$0x3F8A] =	sst s6  }
0xf: {  	[smem:$0x3F8B] =	sst s7  }
0x10: {  	[smem:$0x3F8C] =	sst s8  }
0x11: {  	[smem:$0x3F8D] =	sst s9;
	s0 =	simm.s32 @!p0 $0x0  }
0x12: {  	s1 =	sld [smem:$0x3F73];
	s0 =	simm.s32 @p0 $0x1  }
0x13: {  	[smem:$0x3F8E] =	sst s0;
	s0 =	simm.s32 @!p1 $0x0  }
0x14: {  	s2 =	sld [smem:$0x3F72];
	s0 =	simm.s32 @p1 $0x1  }
0x15: {  	[smem:$0x3F8F] =	sst s0;
	s0 =	simm.s32 @!p2 $0x0  }
0x16: {  	s3 =	sld [smem:$0x3FDB];
	s0 =	simm.s32 @p2 $0x1  }
0x17: {  	s4 =	simm.s32 $0x1BF5;
	[smem:$0x3F91] =	sst s0  }
0x18: {  	s0 =	sld [smem:$0x3F74];
	_ =	swait.ge [sflag:s4], $0x0  }
0x19: {  	s7 =	sld [smem:$0x3F75]  }
0x1a: {  	s8 =	sadd.s32 $0xFFFFE003, lr  }
0x1b: {  	s9 =	sadd.s32 $0xFFFFFEF7, lr;
	s5 =	simm.s32 $0xFFFFFFFF;
	p2 =	slt.u32 s8, $0xFFFFF086  }
0x1c: {  	p1 =	slt.u32 s9, $0xF7A;
	s5 =	simm.s32 @!p2 $0x0  }
0x1d: {  	s5 =	simm.s32 @p1 $0x1;
	p0 =	seq.s32 s7, s2  }
0x1e: {  	s7 =	smul.u32 @!p0 $0xF7A, s2;
	p2 =	seq.s32 @!p0 s5, $0x0  }
0x1f: {  	s9 =	smul.u32 $0xF7A, s1;
	s8 =	simm.s32 @!p0 $0x1BF5;
	p2 =	por !p2, p0  }
0x20: {  	[sflag:s8] =	ssyncset.s32 @!p0 $0xFFFFF086;
	s6 =	sadd.s32 @!p0 s3, s7;
	s7 =	simm.s32 @!p0 $0x108  }
0x21: {  	s3 =	sadd.s32 s3, s9;
	s6 =	sadd.s32 @!p0 $0x88, s6;
	s7 =	simm.s32 @p2 $0x1082  }
0x22: {  	[simem:s7], [sflag:s8] =	dma.local @!p0 [hbm:s6], $0xF7A  }
0x23: {  	s9 =	sor.u32 $0xD0000000, s2;
	s6 =	simm.s32 $0x108;
	_ =	swait.ge @!p0 [sflag:s8], $0x0  }
0x24: {  	s3 =	sadd.s32 $0x88, s3;
	s6 =	simm.s32 @!p1 $0x1082;
	[sflag:s4] =	ssyncset.s32 $0xFFFFF086  }
0x25: {  	[simem:s6], [sflag:s4] =	dma.local [hbm:s3], $0xF7A  }
0x26: {  	[smem:$0x3F75] =	sst s1;
	(tag) =	ssettag s2;
	_ =	strace s9  }
0x27: {  	s1 =	sld [smem:$0x3F85]  }
0x28: {  	s2 =	sld [smem:$0x3F86]  }
0x29: {  	s4 =	sld [smem:$0x3F88]  }
0x2a: {  	p0 =	seq.s32 s5, $0x0;
	s5 =	sld [smem:$0x3F89]  }
0x2b: {  	s6 =	sld [smem:$0x3F8A]  }
0x2c: {  	s7 =	sld [smem:$0x3F8B]  }
0x2d: {  	s3 =	simm.s32 $0x108;
	s8 =	sld [smem:$0x3F8C]  }
0x2e: {  	s3 =	simm.s32 @!p0 $0x1082;
	s9 =	sld [smem:$0x3F8D]  }
0x2f: {  	lr =	sadd.s32 s0, s3;
	s0 =	sld [smem:$0x3F84]  }
0x30: {  	s3 =	sld [smem:$0x3F87]  }
0x31: {  	[smem:$0x3F90] =	sst s10  }
0x32: {  	s10 =	sld [smem:$0x3F8E];
	_ =	sdelay $0x3  }
0x33: {  	p0 =	seq.s32 s10, $0x1;
	s10 =	sld [smem:$0x3F90];
	_ =	sdelay $0x3  }
0x34: {  	[smem:$0x3F90] =	sst s10  }
0x35: {  	s10 =	sld [smem:$0x3F8F];
	_ =	sdelay $0x3  }
0x36: {  	p1 =	seq.s32 s10, $0x1;
	s10 =	sld [smem:$0x3F90];
	_ =	sdelay $0x3  }
0x37: {  	[smem:$0x3F90] =	sst s10  }
0x38: {  	s10 =	sld [smem:$0x3F91]  }
0x39: {  	_ = 	snop;
	(pc) =	sbr.ind lr, $3  }
0x3a: {  	_ = 	snop  }
0x3b: {  	_ = 	snop  }
0x3c: {  	p2 =	seq.s32 s10, $0x1;
	s10 =	sld [smem:$0x3F90]  }
0x3d: {  	_ =	shalt  }
0x3e: {  	_ =	shalt  }
0x3f: {  	_ =	shalt  }
0x40: {  	_ =	shalt  }
0x41: {  	_ =	shalt  }
0x42: {  	_ =	shalt  }
0x43: {  	_ =	shalt  }
0x44: {  	_ =	shalt  }
0x45: {  	_ =	shalt  }
0x46: {  	_ =	shalt  }
0x47: {  	_ =	shalt  }
0x48: {  	_ =	shalt  }
0x49: {  	_ =	shalt  }
0x4a: {  	_ =	shalt  }
0x4b: {  	_ =	shalt  }
0x4c: {  	_ =	shalt  }
0x4d: {  	_ =	shalt  }
0x4e: {  	_ =	shalt  }
0x4f: {  	_ =	shalt  }
0x50: {  	_ =	shalt  }
0x51: {  	_ =	shalt  }
0x52: {  	_ =	shalt  }
0x53: {  	_ =	shalt  }
0x54: {  	_ =	shalt  }
0x55: {  	_ =	shalt  }
0x56: {  	_ =	shalt  }
0x57: {  	_ =	shalt  }
0x58: {  	_ =	shalt  }
0x59: {  	_ =	shalt  }
0x5a: {  	_ =	shalt  }
0x5b: {  	_ =	shalt  }
0x5c: {  	_ =	shalt  }
0x5d: {  	_ =	shalt  }
0x5e: {  	_ =	shalt  }
0x5f: {  	_ =	shalt  }
0x60: {  	_ =	shalt  }
0x61: {  	_ =	shalt  }
0x62: {  	_ =	shalt  }
0x63: {  	_ =	shalt  }
0x64: {  	_ =	shalt  }
0x65: {  	_ =	shalt  }
0x66: {  	_ =	shalt  }
0x67: {  	_ =	shalt  }
0x68: {  	_ =	shalt  }
0x69: {  	_ =	shalt  }
0x6a: {  	_ =	shalt  }
0x6b: {  	_ =	shalt  }
0x6c: {  	_ =	shalt  }
0x6d: {  	_ =	shalt  }
0x6e: {  	_ =	shalt  }
0x6f: {  	_ =	shalt  }
0x70: {  	_ =	shalt  }
0x71: {  	_ =	shalt  }
0x72: {  	_ =	shalt  }
0x73: {  	_ =	shalt  }
0x74: {  	_ =	shalt  }
0x75: {  	_ =	shalt  }
0x76: {  	_ =	shalt  }
0x77: {  	_ =	shalt  }
0x78: {  	_ =	shalt  }
0x79: {  	_ =	shalt  }
0x7a: {  	_ =	shalt  }
0x7b: {  	_ =	shalt  }
0x7c: {  	_ =	shalt  }
0x7d: {  	_ =	shalt  }
0x7e: {  	_ =	shalt  }
0x7f: {  	_ =	shalt  }
0x80: {  	_ =	shalt  }
0x81: {  	_ =	shalt  }
0x82: {  	_ =	shalt  }
0x83: {  	_ =	shalt  }
0x84: {  	_ =	shalt  }
0x85: {  	_ =	shalt  }
0x86: {  	_ =	shalt  }
0x87: {  	_ =	shalt  }
.Lfunc_end0:
.L_simem_size_0:
called_computation.5_lowered:
.L_overlay_start_0:
0x88: {  	s2 =	sld [smem:$0x3FD9]  }
0x89: {  	s3 =	sld [smem:$0x3FFE];
	_ =	sdelay $0x1  }
0x8a: {  	s1 =	srdreg.scid  }
0x8b: {  	s0 =	sand.u32 $0x1, s1  }
0x8c: {  	s14 =	sshll.u32 s0, $0xA;
	s2 =	sadd.s32 s3, s2  }
0x8d: {  	s2 =	sadd.s32 s2, s14  }
0x8e: {  	[smem:$0x3F9C] =	sst s2  }
0x8f: {  	_ = 	snop  }
0x90: {  	s2 =	sld [smem:$0x3FD0];
	_ =	sdelay $0x2  }
0x91: {  	s15 =	simm.s32 $0xA;
	s4 =	simm.s32 $0x10  }
0x92: {  	[smem:s4], [sflag:s15] =	dma.local [hbm:s2], $0x1  }
0x93: {  	_ =	swait.eq [sflag:s15], $0x1  }
0x94: {  	[sflag:s15] =	ssyncset.done $0x0  }
0x95: {  	[sflag:s15] =	ssyncadd.s32 $0xFFFFFFFF  }
0x96: {  	s16 =	sld [smem:$0x10];
	(tm) =	ssettm $0x1  }
0x97: {  	s17 =	sld [smem:$0x3FFB];
	_ =	sdelay $0x3  }
0x98: {  	_ =	strace s17  }
0x99: {  	s3 =	sld [smem:$0x3FFC];
	_ =	sdelay $0x3  }
0x9a: {  	_ =	strace s3  }
0x9b: {  	s3 =	sld [smem:$0x3FFD];
	_ =	sdelay $0x3  }
0x9c: {  	_ =	strace s3  }
0x9d: {  	_ =	strace $0x8FFFFFFF  }
0x9e: {  	s18 =	sld [smem:$0x3FDB];
	_ =	sdelay $0x1  }
0x9f: {  	s19 =	simm.s32 $_scs_section_size  }
0xa0: {  	s5 =	simm.s32 $_size__tile_overlayer_lowered;
	s6 =	simm.s32 $_tile_overlayer_lowered  }
0xa1: {  	s22 =	simm.s32 $0x1BFF;
	s21 =	sshll.u32 s6, $0x1;
	s3 =	sadd.s32 s19, s18  }
0xa2: {  	s7 =	simm.s32 $0x0;
	s20 =	sshll.u32 s5, $0x1;
	s5 =	sadd.s32 s21, s3  }
0xa3: {  	[timem:s7], [sflag:s22] =	dma.local [hbm:s5], s20  }
0xa4: {  	_ =	swait.ge [sflag:s22], s20  }
0xa5: {  	s4 =	ssub.s32 $0x0, s20;
	[sflag:s22] =	ssyncset.done $0x0  }
0xa6: {  	[sflag:s22] =	ssyncadd.s32 s4;
	_ =	sdelay $0x1  }
0xa7: {  	s23 =	simm.s32 $0x1B8B  }
0xa8: {  	_ =	swait.ge [sflag:s23], $0x1  }
0xa9: {  	[sflag:s23] =	ssyncset.done $0x0  }
0xaa: {  	s25 =	simm.s32 $0x1B8E;
	s24 =	sld [smem:$0x3FFE];
	[sflag:s23] =	ssyncadd.s32 $0xFFFFFFFF  }
0xab: {  	s26 =	simm.s32 $execute0_lowered;
	[smem:$0x3FD2] =	sst s25  }
0xac: {  	s5 =	sshll.u32 s26, $0x1;
	_ =	strace $0x80000055;
	[dreg:$0x1] =	wrdreg $0xFFFFFFFF  }
0xad: {  	s28 =	simm.s32 $_size_execute0_lowered;
	s3 =	sadd.s32 s3, s5;
	[dreg:$0x0] =	wrdreg $0x0  }
0xae: {  	s5 =	sshll.u32 s28, $0x1;
	[dreg:$0x2] =	wrdreg s3  }
0xaf: {  	[dreg:$0x3] =	wrdreg s5  }
0xb0: {  	[dreg:$0x4] =	wrdreg $0xC0  }
0xb1: {  	_ =	task [dreg:s7], $0x5FFFF  }
0xb2: {  	[dreg:$0x1] =	wrdreg $0xFFFFFFFF  }
0xb3: {  	[dreg:$0x0] =	wrdreg $0x60  }
0xb4: {  	[dreg:$0x2] =	wrdreg s24  }
0xb5: {  	[dreg:$0x3] =	wrdreg s16  }
0xb6: {  	[dreg:$0x4] =	wrdreg $0x40800  }
0xb7: {  	[dreg:$0x5] =	wrdreg $0x9  }
0xb8: {  	_ =	task.clear_ibuf [dreg:s7], $0x6FFFF;
	_ =	strace $0x90000055  }
0xb9: {  	s29 =	simm.s32 $0x9;
	_ =	strace $0x80000057  }
0xba: {  	_ =	swait.ge [sflag:s29], $0x1  }
0xbb: {  	[sflag:s29] =	ssyncadd.s32 $0xFFFFFFFF  }
0xbc: {  	_ =	strace $0x90000057  }
0xbd: {  	_ =	sfence  }
0xbe: {  	s30 =	sld [smem:$0x0];
	_ =	sdelay $0x2  }
0xbf: {  	s31 =	sshll.u32 s1, $0xD;
	s1 =	sshrl.u32 s1, $0x2  }
0xc0: {  	s3 =	sand.u32 $0x4000, s31;
	s1 =	sadd.s32 s1, s30  }
0xc1: {  	s0 =	sor.u32 s3, s0;
	s1 =	sshll.u32 s1, $0x11  }
0xc2: {  	s0 =	sor.u32 s1, s0  }
0xc3: {  	s0 =	sadd.s32 $0x8F2B, s0  }
0xc4: {  	[sflag:s0] =	ssyncadd.remote.s32 $0x1  }
0xc5: {  	_ =	sfence.sel $0xFFFF  }
0xc6: {  	[dreg:$0x0] =	wrdreg $0xFFFFFFFF;
	(pc) =	sbr.abs _section_cstart, $3  }
0xc7: {  	[dreg:$0x1] =	wrdreg $0xFFFFFFFF  }
0xc8: {  	_ =	task.clear_ibuf [dreg:s7], $0x2FFFF;
	_ =	strace $0x9FFFFFFF  }
0xc9: {  	(tm) =	ssettm $0x7FFFFFFF  }
tec
execute0_lowered:
.L_overlay_start_1:
0x0: {  	(tag) =	ssettag $0x1  }
0x1: {  	s4 =	rddreg [dreg:$0x0]  }
0x2: {  	s9 =	rddreg [dreg:$0x1];
	s2 =	srdreg.scid  }
0x3: {  	s1 =	rddreg [dreg:$0x2];
	s5 =	sand.u32 $0x1, s2  }
0x4: {  	s3 =	simm.s32 $0x0;
	s2 =	stileid.u32;
	s6 =	smul.u32 $0x280000, s5  }
0x5: {  	[smem:$0x7FF] =	sst s3;
	s7 =	smul.u32 $0x2800, s2  }
0x6: {  	s0 =	rddreg [dreg:$0x3];
	_ =	strace $0x80000056;
	s8 =	smul.u32 $0x28000, s5  }
0x7: {  	s5 =	ssub.s32 $0x2, s5;
	s26 =	smul.u32 $0x50000, s2;
	s30 =	sshll.u32 s2, $0x6  }
0x8: {  	s14 =	smul.u32 $0x28000, s2;
	s28 =	sshrl.u32 s5, $0x1;
	s10 =	sadd.s32 s6, s4  }
0x9: {  	s11 =	sadd.s32 s7, s4;
	s8 =	sadd.s32 s7, s8;
	s7 =	ssub.s32 s5, s28  }
0xa: {  	s29 =	sshrl.u32 s26, $0x2;
	s5 =	sor.u32 $0x1C01, s30;
	s12 =	sadd.s32 s8, s4  }
0xb: {  	s13 =	sadd.s32 s29, s1;
	s4 =	sadd.s32 $0x42000, s11;
	s7 =	smax.u32 s7, $0x1  }
0xc: {  	s10 =	sadd.s32 s14, s10;
	s31 =	sshrl.u32 s8, $0x3;
	s11 =	simm.s32 $0x1  }
0xd: {  	s6 =	sadd.s32 $0x100AA00, s12;
	s8 =	sadd.s32 $0x19C4A00, s10;
	s9 =	sadd.s32 s31, s9  }
0xe: {  	s10 =	sshrl.u32 s13, $0x3;
	s12 =	simm.s32 $0x80;
	s13 =	simm.s32 $0x0  }
.LBB2_1:
0xf: {  	[spmem:s10], [sflag:s5] =	dma.local [hbm:s4], $0x2800  }
0x10: {  	_ =	swait.ge [sflag:s11], $0x2800  }
0x11: {  	[sflag:s11] =	ssyncset.done $0x0  }
0x12: {  	[sflag:s11] =	ssyncadd.s32 $0xFFFFD800  }
0x13: {  	s14 =	sadd.s32 $0x0, s9;
	[bflag:$0x0] =	sbarrier.arrive $0xFFFF  }
0x14: {  	[tilespmem:s3], [sflag:$0x1] =	stream.linear.gather [hbm4b:s14+s3], $0x80, $0x38;
	[tilespmem:$0x18080] =	vst v63  }
0x15: {  	_ =	swait.ge [sflag:s11], $0x80  }
0x16: {  	[sflag:s11] =	ssyncset.done $0x0  }
0x17: {  	[sflag:s11] =	ssyncadd.s32 $0xFFFFFF80  }
0x18: {  	[tilespmem:s12], [sflag:$0x1] =	stream.linear.gather [hbm4b:s8+s3], $0x4000, $0x38;
	[tilespmem:$0x18080] =	vst v63  }
0x19: {  	_ =	swait.ge [sflag:s11], $0x4000  }
0x1a: {  	[sflag:s11] =	ssyncset.done $0x0  }
0x1b: {  	[sflag:s11] =	ssyncadd.s32 $0xFFFFC000  }
0x1c: {  	[spmem:s1] =	stream.indirect.scatter.add.f32 [tilespmem:s12], [sflag:$0x1], $0x80, s3, s12, $0xb8;
	[tilespmem:$0x18080] =	vst v63  }
0x1d: {  	s15 =	simm.s32 $0x10;
	_ =	swait.ge [sflag:s11], $0x4000  }
0x1e: {  	s16 =	simm.s32 $0x20;
	s14 =	sadd.s32 $0x800, s8;
	[sflag:s11] =	ssyncset.done $0x0  }
.LBB2_2:
0x1f: {  	s17 =	sadd.s32 s15, s9  }
0x20: {  	[sflag:s11] =	ssyncadd.s32 $0xFFFFC000;
	s15 =	smov.u32 s16;
	s18 =	sadd.s32 $0x10, s16  }
0x21: {  	[tilespmem:s3], [sflag:$0x1] =	stream.linear.gather [hbm4b:s17+s3], $0x80, $0x38;
	[tilespmem:$0x18080] =	vst v63  }
0x22: {  	p0 =	sne.s32 s16, $0x4F0;
	_ =	swait.ge [sflag:s11], $0x80  }
0x23: {  	[sflag:s11] =	ssyncset.done $0x0  }
0x24: {  	[sflag:s11] =	ssyncadd.s32 $0xFFFFFF80  }
0x25: {  	[tilespmem:s12], [sflag:$0x1] =	stream.linear.gather [hbm4b:s14+s3], $0x4000, $0x38;
	[tilespmem:$0x18080] =	vst v63  }
0x26: {  	_ =	swait.ge [sflag:s11], $0x4000  }
.Ltmp0:
0x27: {  	[sflag:s11] =	ssyncset.done $0x0;
	(pc) =	sbr.rel @p0 .LBB2_2-.Ltmp0, $4  }
0x28: {  	[sflag:s11] =	ssyncadd.s32 $0xFFFFC000  }
0x29: {  	[spmem:s1] =	stream.indirect.scatter.add.f32 [tilespmem:s12], [sflag:$0x1], $0x80, s3, s12, $0xb8;
	[tilespmem:$0x18080] =	vst v63  }
0x2a: {  	_ =	swait.ge [sflag:s11], $0x4000  }
0x2b: {  	s16 =	smov.u32 s18;
	s14 =	sadd.s32 $0x800, s14;
	[sflag:s11] =	ssyncset.done $0x0  }
0x2c: {  	s15 =	sadd.s32 s15, s9;
	[sflag:s11] =	ssyncadd.s32 $0xFFFFC000  }
0x2d: {  	[tilespmem:s3], [sflag:$0x1] =	stream.linear.gather [hbm4b:s15+s3], $0x80, $0x38;
	[tilespmem:$0x18080] =	vst v63  }
0x2e: {  	_ =	swait.ge [sflag:s11], $0x80  }
0x2f: {  	[sflag:s11] =	ssyncset.done $0x0  }
0x30: {  	[sflag:s11] =	ssyncadd.s32 $0xFFFFFF80  }
0x31: {  	[tilespmem:s12], [sflag:$0x1] =	stream.linear.gather [hbm4b:s14+s3], $0x4000, $0x38;
	[tilespmem:$0x18080] =	vst v63  }
0x32: {  	_ =	swait.ge [sflag:s11], $0x4000  }
0x33: {  	[sflag:s11] =	ssyncset.done $0x0  }
0x34: {  	[sflag:s11] =	ssyncadd.s32 $0xFFFFC000  }
0x35: {  	[spmem:s1] =	stream.indirect.scatter.add.f32 [tilespmem:s12], [sflag:$0x1], $0x80, s3, s12, $0xb8;
	[tilespmem:$0x18080] =	vst v63  }
0x36: {  	_ =	swait.ge [sflag:s11], $0x4000  }
0x37: {  	s13 =	sadd.s32 $0x1, s13;
	[sflag:s11] =	ssyncset.done $0x0  }
0x38: {  	p0 =	sne.s32 s13, s7;
	[sflag:s11] =	ssyncadd.s32 $0xFFFFC000  }
.Ltmp1:
0x39: {  	[bflag:$0x0] =	sbarrier.arrive $0xFFFF;
	(pc) =	sbr.rel @p0 .LBB2_1-.Ltmp1, $4  }
0x3a: {  	[hbm:s6], [sflag:s5] =	dma.local [spmem:s10], $0x2800  }
0x3b: {  	_ =	swait.ge [sflag:s11], $0x2800  }
0x3c: {  	[sflag:s11] =	ssyncset.done $0x0  }
0x3d: {  	[sflag:s11] =	ssyncadd.s32 $0xFFFFD800  }
0x3e: {  	_ =	sfence.sel $0x180000  }
0x3f: {  	[bflag:$0x0] =	sbarrier.arrive $0xFFFF  }
0x40: {  	p0 =	sne.s32 s2, $0x0;
	_ =	strace $0x90000056  }
0x41: {  	s0 =	sadd.s32 @!p0 $0x100000, s0;
	[bflag:$0x2] =	sbarrier.arrive $0xFFFF  }
0x42: {  	[sflag:s0] =	ssyncadd.tile.s32 @!p0 $0x1;
	_ =	shalt  }
.Lfunc_end2:
_tile_overlayer_lowered:
.L_overlay_start_2:
0x43: {  	(tag) =	ssettag $0x2  }
0x44: {  	s0 =	rddreg [dreg:$0x0];
	s2 =	stileid.u32  }
0x45: {  	s1 =	rddreg [dreg:$0x1];
	p0 =	sne.s32 s2, $0x0  }
0x46: {  	s3 =	rddreg [dreg:$0x2];
	[bflag:$0x3] =	sbarrier.arrive $0xFFFF;
	s2 =	simm.s32 @!p0 $0x1C01  }
0x47: {  	[timem:s3], [sflag:s2] =	dma.local @!p0 [hbm:s0], s1  }
0x48: {  	s0 =	simm.s32 @!p0 $0x1  }
0x49: {  	_ =	swait.ge @!p0 [sflag:s0], s1  }
0x4a: {  	s1 =	ssub.s32 @!p0 $0x0, s1;
	[sflag:s0] =	ssyncset.done @!p0 $0x0  }
0x4b: {  	[sflag:s0] =	ssyncadd.s32 @!p0 s1  }
0x4c: {  	[bflag:$0x3] =	sbarrier.arrive $0xFFFF  }
0x4d: {  	_ =	shalt  }

</sc_bundles>
